<compile_context>
chip_gen: v7x
topology: tpu7x:2x2x1
jax: 0.10.2.dev20260603
libtpu: 0.0.44.dev20260713+nightly
codegen_flags: <defaults>
</compile_context>

<pallas_src>
import functools

import jax
import jax.numpy as jnp
from jax import lax
from jax.experimental import pallas as pl
from jax.experimental.pallas import tpu as pltpu
from jax.experimental.pallas import tpu_sc as plsc

NUM_EMBEDDINGS = 1000000
EMBEDDING_DIM = 32
BATCH = 16384
HIST = 50

_INFO = plsc.get_sparse_core_info()
_NC = _INFO.num_cores
_NS = _INFO.num_subcores
_NW = _NC * _NS
_TOTAL = BATCH * HIST
_PER_W = _TOTAL // _NW
_C = 512
_BT = _C // 128
_DT = EMBEDDING_DIM // 8
_UNITS = _PER_W // _C


def _gather_body(table_hbm, idx_hbm, out_hbm,
                 idx_v, rows0, rows1, rowsp, txp0, txp1,
                 isem, gsem0, gsem1, osem0, osem1):
    wid = lax.axis_index("s") * _NC + lax.axis_index("c")
    base = wid * _PER_W
    pltpu.async_copy(idx_hbm.at[pl.ds(base, _PER_W)], idx_v, isem).wait()

    iota16 = lax.iota(jnp.int32, 16)
    ridxs = tuple(
        tuple(iota16 + (btl * 128 + brg * 16) for brg in range(8))
        for btl in range(_BT))
    bufs = ((rows0, txp0, gsem0, osem0),
            (rows1, txp1, gsem1, osem1))

    def start_gather(u, rows, gsem):
        pltpu.async_copy(table_hbm.at[idx_v.at[pl.ds(u * _C, _C)]], rows, gsem)

    def gather_wait(u, rows, gsem):
        pltpu.make_async_copy(
            table_hbm.at[idx_v.at[pl.ds(u * _C, _C)]], rows, gsem).wait()

    def out_slice(u):
        g = base + u * _C
        h = g // BATCH
        bc = (g % BATCH) // _C
        return out_hbm.at[h, :, pl.ds(bc * _BT, _BT)]

    def transpose(rowsp, txp):
        def col(k):
            dt = k >> 3
            dr = k & 7
            colv = jnp.zeros((16,), jnp.int32) + (dt * 8 + dr)
            for btl in range(_BT):
                for brg in range(8):
                    txp[dt, btl, dr, pl.ds(brg * 16, 16)] = (
                        plsc.load_gather(rowsp, [ridxs[btl][brg], colv]))
        plsc.parallel_loop(0, _DT * 8, 1, unroll=4)(col)

    def repitch(rows, rowsp):
        def rp(r):
            rowsp[r, pl.ds(0, 16)] = rows[r, pl.ds(0, 16)]
            rowsp[r, pl.ds(16, 16)] = rows[r, pl.ds(16, 16)]
        plsc.parallel_loop(0, _C, 1, unroll=8)(rp)

    start_gather(0, rows0, gsem0)
    start_gather(1, rows1, gsem1)

    def pair(p, carry):
        for b, (rows, txp, gsem, osem) in enumerate(bufs):
            u = 2 * p + b
            gather_wait(u, rows, gsem)
            repitch(rows, rowsp)

            @pl.when(u + 2 < _UNITS)
            def _():
                start_gather(u + 2, rows, gsem)

            @pl.when(p > 0)
            def _():
                pltpu.make_async_copy(txp, out_slice(u - 2), osem).wait()

            transpose(rowsp, txp)
            pltpu.async_copy(txp, out_slice(u), osem)
        return carry

    lax.fori_loop(0, _UNITS // 2, pair, 0)

    pltpu.make_async_copy(txp0, out_slice(_UNITS - 2), osem0).wait()
    pltpu.make_async_copy(txp1, out_slice(_UNITS - 1), osem1).wait()


@jax.jit
def _lookup(x_flat, weight):
    mesh = plsc.VectorSubcoreMesh(core_axis_name="c", subcore_axis_name="s")
    f = functools.partial(
        pl.kernel,
        out_type=jax.ShapeDtypeStruct(
            (HIST, _DT, BATCH // 128, 8, 128), jnp.float32),
        mesh=mesh,
        scratch_types=[
            pltpu.VMEM((_PER_W,), jnp.int32),
            pltpu.VMEM((_C, EMBEDDING_DIM), jnp.float32),
            pltpu.VMEM((_C, EMBEDDING_DIM), jnp.float32),
            pltpu.VMEM((_C, EMBEDDING_DIM + 1), jnp.float32),
            pltpu.VMEM((_DT, _BT, 8, 128), jnp.float32),
            pltpu.VMEM((_DT, _BT, 8, 128), jnp.float32),
            pltpu.SemaphoreType.DMA,
            pltpu.SemaphoreType.DMA,
            pltpu.SemaphoreType.DMA,
            pltpu.SemaphoreType.DMA,
            pltpu.SemaphoreType.DMA,
        ],
        compiler_params=pltpu.CompilerParams(
            use_tc_tiling_on_sc=False, needs_layout_passes=False),
    )(_gather_body)
    return f(weight, x_flat)


def kernel(x, weight):
    x_flat = jnp.swapaxes(x, 0, 1).reshape(-1).astype(jnp.int32)
    out5 = _lookup(x_flat, weight)
    return out5.transpose(2, 4, 0, 1, 3).reshape(BATCH, HIST, EMBEDDING_DIM)

# --- scband reference (transcript-rebuilt; emitter-appended) ---
"""Pipeline reference for scband-endmodel-24558622998802 (READ-ONLY COPY).

The authoritative reference and input builder live on the scoring server;
editing this copy changes nothing except your own understanding.
"""

import jax, jax.numpy as jnp
import numpy as np

NUM_EMBEDDINGS = 1000000
EMBEDDING_DIM = 32
BATCH = 16384
HIST = 50

def setup_inputs(seed: int = 0) -> dict:
    key = jax.random.key(seed)
    k1, k2 = jax.random.split(key)
    x = jax.random.randint(k1, (BATCH, HIST), 0, NUM_EMBEDDINGS, dtype=jnp.int64 if jax.config.jax_enable_x64 else jnp.int32)
    weight = jax.random.normal(k2, (NUM_EMBEDDINGS, EMBEDDING_DIM), dtype=jnp.float32) / np.sqrt(NUM_EMBEDDINGS)
    return {"x": x, "weight": weight}

def reference(x, weight):
    # Faithful translation of Embedding.forward: self.weight[x]
    # (padding_idx is None, so no zeroing step)
    return jnp.take(weight, x, axis=0)

if __name__ == "__main__":
    import jax
    _d = setup_inputs()
    print(jax.jit(kernel)(*tuple(_d.values())))

</pallas_src>

<mosaic_0001>
#map = affine_map<(d0, d1) -> (0, 0)>
#map1 = affine_map<(d0, d1) -> (0)>
#map2 = affine_map<(d0, d1) -> (0, 0, 0, 0, 0)>
module attributes {stable_mosaic.version = 14 : i64} {
  func.func @_gather_body(%arg0: i32, %arg1: i32, %arg2: memref<1000000x32xf32, #tpu.memory_space<hbm>>, %arg3: memref<819200xi32, #tpu.memory_space<hbm>>, %arg4: memref<50x4x128x8x128xf32, #tpu.memory_space<hbm>>, %arg5: memref<25600xi32, #tpu.memory_space<vmem>>, %arg6: memref<512x32xf32, #tpu.memory_space<vmem>>, %arg7: memref<512x32xf32, #tpu.memory_space<vmem>>, %arg8: memref<512x33xf32, #tpu.memory_space<vmem>>, %arg9: memref<4x4x8x128xf32, #tpu.memory_space<vmem>>, %arg10: memref<4x4x8x128xf32, #tpu.memory_space<vmem>>, %arg11: memref<!tpu.dma_semaphore, #tpu.memory_space<semaphore_mem>>, %arg12: memref<!tpu.dma_semaphore, #tpu.memory_space<semaphore_mem>>, %arg13: memref<!tpu.dma_semaphore, #tpu.memory_space<semaphore_mem>>, %arg14: memref<!tpu.dma_semaphore, #tpu.memory_space<semaphore_mem>>, %arg15: memref<!tpu.dma_semaphore, #tpu.memory_space<semaphore_mem>>) attributes {dimension_semantics = [#tpu.dimension_semantics<core_parallel>, #tpu.dimension_semantics<subcore_parallel>], iteration_bounds = array<i64: 2, 16>, scalar_prefetch = 0 : i64, scratch_operands = 11 : i64, tpu.core_type = #tpu.core_type<sc_vector_subcore>, window_params = [{transform_indices = #map}, {transform_indices = #map1}, {transform_indices = #map2}]} {
    %mul3A = arith.constant 2 : i32
    %mul3A_0 = arith.muli %arg1, %mul3A : i32
    %add3A = arith.addi %mul3A_0, %arg0 : i32
    %mul3A_1 = arith.constant 25600 : i32
    %mul3A_2 = arith.muli %add3A, %mul3A_1 : i32
    %dma_start3A = tpu.memref_slice %arg3[%mul3A_2] : memref<819200xi32, #tpu.memory_space<hbm>> -> memref<25600xi32, #tpu.memory_space<hbm>>
    %dma_start3A_3 = tpu.memref_slice %arg3[%mul3A_2] : memref<819200xi32, #tpu.memory_space<hbm>> -> memref<25600xi32, #tpu.memory_space<hbm>>
    tpu.enqueue_dma source(%dma_start3A_3 : memref<25600xi32, #tpu.memory_space<hbm>>) target(%arg5 : memref<25600xi32, #tpu.memory_space<vmem>>) target_semaphore(%arg11 : memref<!tpu.dma_semaphore, #tpu.memory_space<semaphore_mem>>)
    %dma_wait3A = tpu.memref_slice %arg3[%mul3A_2] : memref<819200xi32, #tpu.memory_space<hbm>> -> memref<25600xi32, #tpu.memory_space<hbm>>
    %dma_wait3A_4 = tpu.memref_slice %arg3[%mul3A_2] : memref<819200xi32, #tpu.memory_space<hbm>> -> memref<25600xi32, #tpu.memory_space<hbm>>
    tpu.wait_dma2 semaphore(%arg11 : memref<!tpu.dma_semaphore, #tpu.memory_space<semaphore_mem>>) src(%dma_wait3A_4 : memref<25600xi32, #tpu.memory_space<hbm>>) dst(%arg5 : memref<25600xi32, #tpu.memory_space<vmem>>)
    %iota3A = tpu.iota {dimensions = array<i32: 0>} : vector<16xi32>
    %add3A_5 = arith.constant 0 : i32
    %add3A_6 = vector.broadcast %add3A_5 : i32 to vector<16xi32>
    %add3A_7 = arith.addi %iota3A, %add3A_6 : vector<16xi32>
    %add3A_8 = arith.constant 16 : i32
    %add3A_9 = vector.broadcast %add3A_8 : i32 to vector<16xi32>
    %add3A_10 = arith.addi %iota3A, %add3A_9 : vector<16xi32>
    %add3A_11 = arith.constant 32 : i32
    %add3A_12 = vector.broadcast %add3A_11 : i32 to vector<16xi32>
    %add3A_13 = arith.addi %iota3A, %add3A_12 : vector<16xi32>
    %add3A_14 = arith.constant 48 : i32
    %add3A_15 = vector.broadcast %add3A_14 : i32 to vector<16xi32>
    %add3A_16 = arith.addi %iota3A, %add3A_15 : vector<16xi32>
    %add3A_17 = arith.constant 64 : i32
    %add3A_18 = vector.broadcast %add3A_17 : i32 to vector<16xi32>
    %add3A_19 = arith.addi %iota3A, %add3A_18 : vector<16xi32>
    %add3A_20 = arith.constant 80 : i32
    %add3A_21 = vector.broadcast %add3A_20 : i32 to vector<16xi32>
    %add3A_22 = arith.addi %iota3A, %add3A_21 : vector<16xi32>
    %add3A_23 = arith.constant 96 : i32
    %add3A_24 = vector.broadcast %add3A_23 : i32 to vector<16xi32>
    %add3A_25 = arith.addi %iota3A, %add3A_24 : vector<16xi32>
    %add3A_26 = arith.constant 112 : i32
    %add3A_27 = vector.broadcast %add3A_26 : i32 to vector<16xi32>
    %add3A_28 = arith.addi %iota3A, %add3A_27 : vector<16xi32>
    %add3A_29 = arith.constant 128 : i32
    %add3A_30 = vector.broadcast %add3A_29 : i32 to vector<16xi32>
    %add3A_31 = arith.addi %iota3A, %add3A_30 : vector<16xi32>
    %add3A_32 = arith.constant 144 : i32
    %add3A_33 = vector.broadcast %add3A_32 : i32 to vector<16xi32>
    %add3A_34 = arith.addi %iota3A, %add3A_33 : vector<16xi32>
    %add3A_35 = arith.constant 160 : i32
    %add3A_36 = vector.broadcast %add3A_35 : i32 to vector<16xi32>
    %add3A_37 = arith.addi %iota3A, %add3A_36 : vector<16xi32>
    %add3A_38 = arith.constant 176 : i32
    %add3A_39 = vector.broadcast %add3A_38 : i32 to vector<16xi32>
    %add3A_40 = arith.addi %iota3A, %add3A_39 : vector<16xi32>
    %add3A_41 = arith.constant 192 : i32
    %add3A_42 = vector.broadcast %add3A_41 : i32 to vector<16xi32>
    %add3A_43 = arith.addi %iota3A, %add3A_42 : vector<16xi32>
    %add3A_44 = arith.constant 208 : i32
    %add3A_45 = vector.broadcast %add3A_44 : i32 to vector<16xi32>
    %add3A_46 = arith.addi %iota3A, %add3A_45 : vector<16xi32>
    %add3A_47 = arith.constant 224 : i32
    %add3A_48 = vector.broadcast %add3A_47 : i32 to vector<16xi32>
    %add3A_49 = arith.addi %iota3A, %add3A_48 : vector<16xi32>
    %add3A_50 = arith.constant 240 : i32
    %add3A_51 = vector.broadcast %add3A_50 : i32 to vector<16xi32>
    %add3A_52 = arith.addi %iota3A, %add3A_51 : vector<16xi32>
    %add3A_53 = arith.constant 256 : i32
    %add3A_54 = vector.broadcast %add3A_53 : i32 to vector<16xi32>
    %add3A_55 = arith.addi %iota3A, %add3A_54 : vector<16xi32>
    %add3A_56 = arith.constant 272 : i32
    %add3A_57 = vector.broadcast %add3A_56 : i32 to vector<16xi32>
    %add3A_58 = arith.addi %iota3A, %add3A_57 : vector<16xi32>
    %add3A_59 = arith.constant 288 : i32
    %add3A_60 = vector.broadcast %add3A_59 : i32 to vector<16xi32>
    %add3A_61 = arith.addi %iota3A, %add3A_60 : vector<16xi32>
    %add3A_62 = arith.constant 304 : i32
    %add3A_63 = vector.broadcast %add3A_62 : i32 to vector<16xi32>
    %add3A_64 = arith.addi %iota3A, %add3A_63 : vector<16xi32>
    %add3A_65 = arith.constant 320 : i32
    %add3A_66 = vector.broadcast %add3A_65 : i32 to vector<16xi32>
    %add3A_67 = arith.addi %iota3A, %add3A_66 : vector<16xi32>
    %add3A_68 = arith.constant 336 : i32
    %add3A_69 = vector.broadcast %add3A_68 : i32 to vector<16xi32>
    %add3A_70 = arith.addi %iota3A, %add3A_69 : vector<16xi32>
    %add3A_71 = arith.constant 352 : i32
    %add3A_72 = vector.broadcast %add3A_71 : i32 to vector<16xi32>
    %add3A_73 = arith.addi %iota3A, %add3A_72 : vector<16xi32>
    %add3A_74 = arith.constant 368 : i32
    %add3A_75 = vector.broadcast %add3A_74 : i32 to vector<16xi32>
    %add3A_76 = arith.addi %iota3A, %add3A_75 : vector<16xi32>
    %add3A_77 = arith.constant 384 : i32
    %add3A_78 = vector.broadcast %add3A_77 : i32 to vector<16xi32>
    %add3A_79 = arith.addi %iota3A, %add3A_78 : vector<16xi32>
    %add3A_80 = arith.constant 400 : i32
    %add3A_81 = vector.broadcast %add3A_80 : i32 to vector<16xi32>
    %add3A_82 = arith.addi %iota3A, %add3A_81 : vector<16xi32>
    %add3A_83 = arith.constant 416 : i32
    %add3A_84 = vector.broadcast %add3A_83 : i32 to vector<16xi32>
    %add3A_85 = arith.addi %iota3A, %add3A_84 : vector<16xi32>
    %add3A_86 = arith.constant 432 : i32
    %add3A_87 = vector.broadcast %add3A_86 : i32 to vector<16xi32>
    %add3A_88 = arith.addi %iota3A, %add3A_87 : vector<16xi32>
    %add3A_89 = arith.constant 448 : i32
    %add3A_90 = vector.broadcast %add3A_89 : i32 to vector<16xi32>
    %add3A_91 = arith.addi %iota3A, %add3A_90 : vector<16xi32>
    %add3A_92 = arith.constant 464 : i32
    %add3A_93 = vector.broadcast %add3A_92 : i32 to vector<16xi32>
    %add3A_94 = arith.addi %iota3A, %add3A_93 : vector<16xi32>
    %add3A_95 = arith.constant 480 : i32
    %add3A_96 = vector.broadcast %add3A_95 : i32 to vector<16xi32>
    %add3A_97 = arith.addi %iota3A, %add3A_96 : vector<16xi32>
    %add3A_98 = arith.constant 496 : i32
    %add3A_99 = vector.broadcast %add3A_98 : i32 to vector<16xi32>
    %add3A_100 = arith.addi %iota3A, %add3A_99 : vector<16xi32>
    %dma_start3A_101 = arith.constant 0 : i32
    %dma_start3A_102 = tpu.memref_slice %arg5[%dma_start3A_101] : memref<25600xi32, #tpu.memory_space<vmem>> -> memref<512xi32, #tpu.memory_space<vmem>>
    %dma_start3A_103 = arith.constant 0 : i32
    %dma_start3A_104 = arith.constant 0 : i32
    %dma_start3A_105 = tpu.memref_slice %arg2[%dma_start3A_103, %dma_start3A_104] : memref<1000000x32xf32, #tpu.memory_space<hbm>> -> memref<1000000x32xf32, #tpu.memory_space<hbm>>
    tpu.enqueue_indirect_dma source(%dma_start3A_105 : memref<1000000x32xf32, #tpu.memory_space<hbm>>) target(%arg6 : memref<512x32xf32, #tpu.memory_space<vmem>>) offsets(%dma_start3A_102 : memref<512xi32, #tpu.memory_space<vmem>>) semaphore(%arg12 : memref<!tpu.dma_semaphore, #tpu.memory_space<semaphore_mem>>)
    %dma_start3A_106 = arith.constant 512 : i32
    %dma_start3A_107 = tpu.memref_slice %arg5[%dma_start3A_106] : memref<25600xi32, #tpu.memory_space<vmem>> -> memref<512xi32, #tpu.memory_space<vmem>>
    %dma_start3A_108 = arith.constant 0 : i32
    %dma_start3A_109 = arith.constant 0 : i32
    %dma_start3A_110 = tpu.memref_slice %arg2[%dma_start3A_108, %dma_start3A_109] : memref<1000000x32xf32, #tpu.memory_space<hbm>> -> memref<1000000x32xf32, #tpu.memory_space<hbm>>
    tpu.enqueue_indirect_dma source(%dma_start3A_110 : memref<1000000x32xf32, #tpu.memory_space<hbm>>) target(%arg7 : memref<512x32xf32, #tpu.memory_space<vmem>>) offsets(%dma_start3A_107 : memref<512xi32, #tpu.memory_space<vmem>>) semaphore(%arg13 : memref<!tpu.dma_semaphore, #tpu.memory_space<semaphore_mem>>)
    %scan3A = arith.constant 0 : i32
    %scan3A_111 = arith.constant 0 : i32
    %scan3A_112 = arith.constant 25 : i32
    %scan3A_113 = arith.addi %scan3A_111, %scan3A_112 : i32
    %scan3A_114 = arith.constant 1 : i32
    scf.for %scan3A_262 = %scan3A_111 to %scan3A_113 step %scan3A_114  : i32 {
      %mul3A_263 = arith.constant 2 : i32
      %mul3A_264 = arith.muli %mul3A_263, %scan3A_262 : i32
      %add3A_265 = arith.constant 0 : i32
      %add3A_266 = arith.addi %mul3A_264, %add3A_265 : i32
      %mul3A_267 = arith.constant 512 : i32
      %mul3A_268 = arith.muli %add3A_266, %mul3A_267 : i32
      %dma_wait3A_269 = tpu.memref_slice %arg5[%mul3A_268] : memref<25600xi32, #tpu.memory_space<vmem>> -> memref<512xi32, #tpu.memory_space<vmem>>
      %dma_wait3A_270 = arith.constant 0 : i32
      %dma_wait3A_271 = arith.constant 0 : i32
      %dma_wait3A_272 = tpu.memref_slice %arg2[%dma_wait3A_270, %dma_wait3A_271] : memref<1000000x32xf32, #tpu.memory_space<hbm>> -> memref<1000000x32xf32, #tpu.memory_space<hbm>>
      tpu.wait_indirect_dma semaphore(%arg12 : memref<!tpu.dma_semaphore, #tpu.memory_space<semaphore_mem>>) src(%dma_wait3A_272 : memref<1000000x32xf32, #tpu.memory_space<hbm>>) dst(%arg6 : memref<512x32xf32, #tpu.memory_space<vmem>>)
      %parallel_loop3A = arith.constant 0 : i32
      %parallel_loop3A_273 = arith.constant 512 : i32
      %parallel_loop3A_274 = arith.constant 1 : i32
      scf.for %parallel_loop3A_473 = %parallel_loop3A to %parallel_loop3A_273 step %parallel_loop3A_274  : i32 {
        %parallel_loop3A_474 = arith.index_cast %parallel_loop3A_473 : i32 to index
        %parallel_loop3A_475 = arith.constant 0 : index
        %parallel_loop3A_476 = tpu.vector_load %arg6[%parallel_loop3A_474, %parallel_loop3A_475] {strides = array<i32>} : memref<512x32xf32, #tpu.memory_space<vmem>>, vector<16xf32>,
        %parallel_loop3A_477 = arith.index_cast %parallel_loop3A_473 : i32 to index
        %parallel_loop3A_478 = arith.constant 0 : index
        %parallel_loop3A_479 = tpu.vector_load %arg8[%parallel_loop3A_477, %parallel_loop3A_478] {strides = array<i32>} : memref<512x33xf32, #tpu.memory_space<vmem>>, vector<16xf32>,
        tpu.vector_store %arg8[%parallel_loop3A_477, %parallel_loop3A_478], %parallel_loop3A_476 {strides = array<i32>} : memref<512x33xf32, #tpu.memory_space<vmem>>, vector<16xf32>,
        %parallel_loop3A_480 = arith.index_cast %parallel_loop3A_473 : i32 to index
        %parallel_loop3A_481 = arith.constant 16 : index
        %parallel_loop3A_482 = tpu.vector_load %arg6[%parallel_loop3A_480, %parallel_loop3A_481] {strides = array<i32>} : memref<512x32xf32, #tpu.memory_space<vmem>>, vector<16xf32>,
        %parallel_loop3A_483 = arith.index_cast %parallel_loop3A_473 : i32 to index
        %parallel_loop3A_484 = arith.constant 16 : index
        %parallel_loop3A_485 = tpu.vector_load %arg8[%parallel_loop3A_483, %parallel_loop3A_484] {strides = array<i32>} : memref<512x33xf32, #tpu.memory_space<vmem>>, vector<16xf32>,
        tpu.vector_store %arg8[%parallel_loop3A_483, %parallel_loop3A_484], %parallel_loop3A_482 {strides = array<i32>} : memref<512x33xf32, #tpu.memory_space<vmem>>, vector<16xf32>,
      } {sc.loop_unroll_factor = 8 : i64, sc.parallel_access}
      %add3A_275 = arith.constant 2 : i32
      %add3A_276 = arith.addi %add3A_266, %add3A_275 : i32
      %lt3A_277 = arith.constant 50 : i32
      %lt3A_278 = arith.cmpi slt, %add3A_276, %lt3A_277 : i32
      %convert_element_type3A = arith.extui %lt3A_278 : i1 to i32
      %cond3A = arith.constant 0 : i32
      %cond3A_279 = arith.cmpi ne, %convert_element_type3A, %cond3A : i32
      scf.if %cond3A_279 {
        %add3A_473 = arith.constant 2 : i32
        %add3A_474 = arith.addi %add3A_266, %add3A_473 : i32
        %mul3A_475 = arith.constant 512 : i32
        %mul3A_476 = arith.muli %add3A_474, %mul3A_475 : i32
        %dma_start3A_477 = tpu.memref_slice %arg5[%mul3A_476] : memref<25600xi32, #tpu.memory_space<vmem>> -> memref<512xi32, #tpu.memory_space<vmem>>
        %dma_start3A_478 = arith.constant 0 : i32
        %dma_start3A_479 = arith.constant 0 : i32
        %dma_start3A_480 = tpu.memref_slice %arg2[%dma_start3A_478, %dma_start3A_479] : memref<1000000x32xf32, #tpu.memory_space<hbm>> -> memref<1000000x32xf32, #tpu.memory_space<hbm>>
        tpu.enqueue_indirect_dma source(%dma_start3A_480 : memref<1000000x32xf32, #tpu.memory_space<hbm>>) target(%arg6 : memref<512x32xf32, #tpu.memory_space<vmem>>) offsets(%dma_start3A_477 : memref<512xi32, #tpu.memory_space<vmem>>) semaphore(%arg12 : memref<!tpu.dma_semaphore, #tpu.memory_space<semaphore_mem>>)
      } else {
      }
      %gt3A = arith.constant 0 : i32
      %gt3A_280 = arith.cmpi sgt, %scan3A_262, %gt3A : i32
      %convert_element_type3A_281 = arith.extui %gt3A_280 : i1 to i32
      %cond3A_282 = arith.constant 0 : i32
      %cond3A_283 = arith.cmpi ne, %convert_element_type3A_281, %cond3A_282 : i32
      scf.if %cond3A_283 {
        %sub3A_473 = arith.constant 2 : i32
        %sub3A_474 = arith.subi %add3A_266, %sub3A_473 : i32
        %mul3A_475 = arith.constant 512 : i32
        %mul3A_476 = arith.muli %sub3A_474, %mul3A_475 : i32
        %add3A_477 = arith.addi %mul3A_2, %mul3A_476 : i32
        %jit3A_478 = arith.constant 16384 : i32
        %div3A_479 = arith.divsi %add3A_477, %jit3A_478 : i32
        %sign3A_480 = arith.constant 0 : i32
        %sign3A_481 = arith.cmpi sgt, %add3A_477, %sign3A_480 : i32
        %sign3A_482 = arith.extui %sign3A_481 : i1 to i32
        %sign3A_483 = arith.constant 0 : i32
        %sign3A_484 = arith.cmpi slt, %add3A_477, %sign3A_483 : i32
        %sign3A_485 = arith.extui %sign3A_484 : i1 to i32
        %sign3A_486 = arith.subi %sign3A_482, %sign3A_485 : i32
        %sign3A_487 = arith.constant 0 : i32
        %sign3A_488 = arith.cmpi sgt, %jit3A_478, %sign3A_487 : i32
        %sign3A_489 = arith.extui %sign3A_488 : i1 to i32
        %sign3A_490 = arith.constant 0 : i32
        %sign3A_491 = arith.cmpi slt, %jit3A_478, %sign3A_490 : i32
        %sign3A_492 = arith.extui %sign3A_491 : i1 to i32
        %sign3A_493 = arith.subi %sign3A_489, %sign3A_492 : i32
        %ne3A_494 = arith.cmpi ne, %sign3A_486, %sign3A_493 : i32
        %rem3A_495 = arith.remsi %add3A_477, %jit3A_478 : i32
        %ne3A_496 = arith.constant 0 : i32
        %ne3A_497 = arith.cmpi ne, %rem3A_495, %ne3A_496 : i32
        %and3A_498 = arith.andi %ne3A_494, %ne3A_497 : i1
        %sub3A_499 = arith.constant 1 : i32
        %sub3A_500 = arith.subi %div3A_479, %sub3A_499 : i32
        %select_n3A_501 = arith.select %and3A_498, %sub3A_500, %div3A_479 : i32
        %jit3A_502 = arith.constant 16384 : i32
        %eq3A_503 = arith.constant 0 : i32
        %eq3A_504 = arith.cmpi eq, %jit3A_502, %eq3A_503 : i32
        %jit3A_505 = arith.constant 1 : i32
        %select_n3A_506 = arith.select %eq3A_504, %jit3A_505, %jit3A_502 : i32
        %rem3A_507 = arith.remsi %add3A_477, %select_n3A_506 : i32
        %ne3A_508 = arith.constant 0 : i32
        %ne3A_509 = arith.cmpi ne, %rem3A_507, %ne3A_508 : i32
        %lt3A_510 = arith.constant 0 : i32
        %lt3A_511 = arith.cmpi slt, %rem3A_507, %lt3A_510 : i32
        %lt3A_512 = arith.constant 0 : i32
        %lt3A_513 = arith.cmpi slt, %select_n3A_506, %lt3A_512 : i32
        %ne3A_514 = arith.xori %lt3A_511, %lt3A_513 : i1
        %and3A_515 = arith.andi %ne3A_514, %ne3A_509 : i1
        %add3A_516 = arith.addi %rem3A_507, %select_n3A_506 : i32
        %select_n3A_517 = arith.select %and3A_515, %add3A_516, %rem3A_507 : i32
        %jit3A_518 = arith.constant 512 : i32
        %div3A_519 = arith.divsi %select_n3A_517, %jit3A_518 : i32
        %sign3A_520 = arith.constant 0 : i32
        %sign3A_521 = arith.cmpi sgt, %select_n3A_517, %sign3A_520 : i32
        %sign3A_522 = arith.extui %sign3A_521 : i1 to i32
        %sign3A_523 = arith.constant 0 : i32
        %sign3A_524 = arith.cmpi slt, %select_n3A_517, %sign3A_523 : i32
        %sign3A_525 = arith.extui %sign3A_524 : i1 to i32
        %sign3A_526 = arith.subi %sign3A_522, %sign3A_525 : i32
        %sign3A_527 = arith.constant 0 : i32
        %sign3A_528 = arith.cmpi sgt, %jit3A_518, %sign3A_527 : i32
        %sign3A_529 = arith.extui %sign3A_528 : i1 to i32
        %sign3A_530 = arith.constant 0 : i32
        %sign3A_531 = arith.cmpi slt, %jit3A_518, %sign3A_530 : i32
        %sign3A_532 = arith.extui %sign3A_531 : i1 to i32
        %sign3A_533 = arith.subi %sign3A_529, %sign3A_532 : i32
        %ne3A_534 = arith.cmpi ne, %sign3A_526, %sign3A_533 : i32
        %rem3A_535 = arith.remsi %select_n3A_517, %jit3A_518 : i32
        %ne3A_536 = arith.constant 0 : i32
        %ne3A_537 = arith.cmpi ne, %rem3A_535, %ne3A_536 : i32
        %and3A_538 = arith.andi %ne3A_534, %ne3A_537 : i1
        %sub3A_539 = arith.constant 1 : i32
        %sub3A_540 = arith.subi %div3A_519, %sub3A_539 : i32
        %select_n3A_541 = arith.select %and3A_538, %sub3A_540, %div3A_519 : i32
        %mul3A_542 = arith.constant 4 : i32
        %mul3A_543 = arith.muli %select_n3A_541, %mul3A_542 : i32
        %dma_wait3A_544 = arith.constant 0 : i32
        %dma_wait3A_545 = arith.constant 0 : i32
        %dma_wait3A_546 = arith.constant 0 : i32
        %dma_wait3A_547 = tpu.memref_slice %arg4[%select_n3A_501, %dma_wait3A_544, %mul3A_543, %dma_wait3A_545, %dma_wait3A_546] : memref<50x4x128x8x128xf32, #tpu.memory_space<hbm>> -> memref<1x4x4x8x128xf32, #tpu.memory_space<hbm>>
        %dma_wait3A_548 = tpu.memref_squeeze %dma_wait3A_547 : memref<1x4x4x8x128xf32, #tpu.memory_space<hbm>> -> memref<4x4x8x128xf32, #tpu.memory_space<hbm>>
        %dma_wait3A_549 = arith.constant 0 : i32
        %dma_wait3A_550 = arith.constant 0 : i32
        %dma_wait3A_551 = arith.constant 0 : i32
        %dma_wait3A_552 = tpu.memref_slice %arg4[%select_n3A_501, %dma_wait3A_549, %mul3A_543, %dma_wait3A_550, %dma_wait3A_551] : memref<50x4x128x8x128xf32, #tpu.memory_space<hbm>> -> memref<1x4x4x8x128xf32, #tpu.memory_space<hbm>>
        %dma_wait3A_553 = tpu.memref_squeeze %dma_wait3A_552 : memref<1x4x4x8x128xf32, #tpu.memory_space<hbm>> -> memref<4x4x8x128xf32, #tpu.memory_space<hbm>>
        tpu.wait_dma2 semaphore(%arg14 : memref<!tpu.dma_semaphore, #tpu.memory_space<semaphore_mem>>) src(%arg9 : memref<4x4x8x128xf32, #tpu.memory_space<vmem>>) dst(%dma_wait3A_553 : memref<4x4x8x128xf32, #tpu.memory_space<hbm>>)
      } else {
      }
      %parallel_loop3A_284 = arith.constant 0 : i32
      %parallel_loop3A_285 = arith.constant 32 : i32
      %parallel_loop3A_286 = arith.constant 1 : i32
      scf.for %parallel_loop3A_473 = %parallel_loop3A_284 to %parallel_loop3A_285 step %parallel_loop3A_286  : i32 {
        %parallel_loop3A_474 = arith.constant 3 : i32
        %parallel_loop3A_475 = arith.shrsi %parallel_loop3A_473, %parallel_loop3A_474 : i32
        %parallel_loop3A_476 = arith.constant 7 : i32
        %parallel_loop3A_477 = arith.andi %parallel_loop3A_473, %parallel_loop3A_476 : i32
        %parallel_loop3A_478 = arith.constant 0 : i32
        %parallel_loop3A_479 = vector.broadcast %parallel_loop3A_478 : i32 to vector<16xi32>
        %parallel_loop3A_480 = arith.constant 8 : i32
        %parallel_loop3A_481 = arith.muli %parallel_loop3A_475, %parallel_loop3A_480 : i32
        %parallel_loop3A_482 = arith.addi %parallel_loop3A_481, %parallel_loop3A_477 : i32
        %parallel_loop3A_483 = vector.broadcast %parallel_loop3A_482 : i32 to vector<16xi32>
        %parallel_loop3A_484 = arith.addi %parallel_loop3A_479, %parallel_loop3A_483 : vector<16xi32>
        %parallel_loop3A_485 = tpu.vector_load_idx %arg8[%add3A_7, %parallel_loop3A_484] : memref<512x33xf32, #tpu.memory_space<vmem>>[vector<16xi32>, vector<16xi32>], vector<16xf32>,
        %parallel_loop3A_486 = arith.constant 0 : i32
        %parallel_loop3A_487 = arith.index_cast %parallel_loop3A_475 : i32 to index
        %parallel_loop3A_488 = arith.index_cast %parallel_loop3A_486 : i32 to index
        %parallel_loop3A_489 = arith.index_cast %parallel_loop3A_477 : i32 to index
        %parallel_loop3A_490 = arith.constant 0 : index
        %parallel_loop3A_491 = tpu.vector_load %arg9[%parallel_loop3A_487, %parallel_loop3A_488, %parallel_loop3A_489, %parallel_loop3A_490] {strides = array<i32>} : memref<4x4x8x128xf32, #tpu.memory_space<vmem>>, vector<16xf32>,
        tpu.vector_store %arg9[%parallel_loop3A_487, %parallel_loop3A_488, %parallel_loop3A_489, %parallel_loop3A_490], %parallel_loop3A_485 {strides = array<i32>} : memref<4x4x8x128xf32, #tpu.memory_space<vmem>>, vector<16xf32>,
        %parallel_loop3A_492 = tpu.vector_load_idx %arg8[%add3A_10, %parallel_loop3A_484] : memref<512x33xf32, #tpu.memory_space<vmem>>[vector<16xi32>, vector<16xi32>], vector<16xf32>,
        %parallel_loop3A_493 = arith.constant 0 : i32
        %parallel_loop3A_494 = arith.index_cast %parallel_loop3A_475 : i32 to index
        %parallel_loop3A_495 = arith.index_cast %parallel_loop3A_493 : i32 to index
        %parallel_loop3A_496 = arith.index_cast %parallel_loop3A_477 : i32 to index
        %parallel_loop3A_497 = arith.constant 16 : index
        %parallel_loop3A_498 = tpu.vector_load %arg9[%parallel_loop3A_494, %parallel_loop3A_495, %parallel_loop3A_496, %parallel_loop3A_497] {strides = array<i32>} : memref<4x4x8x128xf32, #tpu.memory_space<vmem>>, vector<16xf32>,
        tpu.vector_store %arg9[%parallel_loop3A_494, %parallel_loop3A_495, %parallel_loop3A_496, %parallel_loop3A_497], %parallel_loop3A_492 {strides = array<i32>} : memref<4x4x8x128xf32, #tpu.memory_space<vmem>>, vector<16xf32>,
        %parallel_loop3A_499 = tpu.vector_load_idx %arg8[%add3A_13, %parallel_loop3A_484] : memref<512x33xf32, #tpu.memory_space<vmem>>[vector<16xi32>, vector<16xi32>], vector<16xf32>,
        %parallel_loop3A_500 = arith.constant 0 : i32
        %parallel_loop3A_501 = arith.index_cast %parallel_loop3A_475 : i32 to index
        %parallel_loop3A_502 = arith.index_cast %parallel_loop3A_500 : i32 to index
        %parallel_loop3A_503 = arith.index_cast %parallel_loop3A_477 : i32 to index
        %parallel_loop3A_504 = arith.constant 32 : index
        %parallel_loop3A_505 = tpu.vector_load %arg9[%parallel_loop3A_501, %parallel_loop3A_502, %parallel_loop3A_503, %parallel_loop3A_504] {strides = array<i32>} : memref<4x4x8x128xf32, #tpu.memory_space<vmem>>, vector<16xf32>,
        tpu.vector_store %arg9[%parallel_loop3A_501, %parallel_loop3A_502, %parallel_loop3A_503, %parallel_loop3A_504], %parallel_loop3A_499 {strides = array<i32>} : memref<4x4x8x128xf32, #tpu.memory_space<vmem>>, vector<16xf32>,
        %parallel_loop3A_506 = tpu.vector_load_idx %arg8[%add3A_16, %parallel_loop3A_484] : memref<512x33xf32, #tpu.memory_space<vmem>>[vector<16xi32>, vector<16xi32>], vector<16xf32>,
        %parallel_loop3A_507 = arith.constant 0 : i32
        %parallel_loop3A_508 = arith.index_cast %parallel_loop3A_475 : i32 to index
        %parallel_loop3A_509 = arith.index_cast %parallel_loop3A_507 : i32 to index
        %parallel_loop3A_510 = arith.index_cast %parallel_loop3A_477 : i32 to index
        %parallel_loop3A_511 = arith.constant 48 : index
        %parallel_loop3A_512 = tpu.vector_load %arg9[%parallel_loop3A_508, %parallel_loop3A_509, %parallel_loop3A_510, %parallel_loop3A_511] {strides = array<i32>} : memref<4x4x8x128xf32, #tpu.memory_space<vmem>>, vector<16xf32>,
        tpu.vector_store %arg9[%parallel_loop3A_508, %parallel_loop3A_509, %parallel_loop3A_510, %parallel_loop3A_511], %parallel_loop3A_506 {strides = array<i32>} : memref<4x4x8x128xf32, #tpu.memory_space<vmem>>, vector<16xf32>,
        %parallel_loop3A_513 = tpu.vector_load_idx %arg8[%add3A_19, %parallel_loop3A_484] : memref<512x33xf32, #tpu.memory_space<vmem>>[vector<16xi32>, vector<16xi32>], vector<16xf32>,
        %parallel_loop3A_514 = arith.constant 0 : i32
        %parallel_loop3A_515 = arith.index_cast %parallel_loop3A_475 : i32 to index
        %parallel_loop3A_516 = arith.index_cast %parallel_loop3A_514 : i32 to index
        %parallel_loop3A_517 = arith.index_cast %parallel_loop3A_477 : i32 to index
        %parallel_loop3A_518 = arith.constant 64 : index
        %parallel_loop3A_519 = tpu.vector_load %arg9[%parallel_loop3A_515, %parallel_loop3A_516, %parallel_loop3A_517, %parallel_loop3A_518] {strides = array<i32>} : memref<4x4x8x128xf32, #tpu.memory_space<vmem>>, vector<16xf32>,
        tpu.vector_store %arg9[%parallel_loop3A_515, %parallel_loop3A_516, %parallel_loop3A_517, %parallel_loop3A_518], %parallel_loop3A_513 {strides = array<i32>} : memref<4x4x8x128xf32, #tpu.memory_space<vmem>>, vector<16xf32>,
        %parallel_loop3A_520 = tpu.vector_load_idx %arg8[%add3A_22, %parallel_loop3A_484] : memref<512x33xf32, #tpu.memory_space<vmem>>[vector<16xi32>, vector<16xi32>], vector<16xf32>,
        %parallel_loop3A_521 = arith.constant 0 : i32
        %parallel_loop3A_522 = arith.index_cast %parallel_loop3A_475 : i32 to index
        %parallel_loop3A_523 = arith.index_cast %parallel_loop3A_521 : i32 to index
        %parallel_loop3A_524 = arith.index_cast %parallel_loop3A_477 : i32 to index
        %parallel_loop3A_525 = arith.constant 80 : index
        %parallel_loop3A_526 = tpu.vector_load %arg9[%parallel_loop3A_522, %parallel_loop3A_523, %parallel_loop3A_524, %parallel_loop3A_525] {strides = array<i32>} : memref<4x4x8x128xf32, #tpu.memory_space<vmem>>, vector<16xf32>,
        tpu.vector_store %arg9[%parallel_loop3A_522, %parallel_loop3A_523, %parallel_loop3A_524, %parallel_loop3A_525], %parallel_loop3A_520 {strides = array<i32>} : memref<4x4x8x128xf32, #tpu.memory_space<vmem>>, vector<16xf32>,
        %parallel_loop3A_527 = tpu.vector_load_idx %arg8[%add3A_25, %parallel_loop3A_484] : memref<512x33xf32, #tpu.memory_space<vmem>>[vector<16xi32>, vector<16xi32>], vector<16xf32>,
        %parallel_loop3A_528 = arith.constant 0 : i32
        %parallel_loop3A_529 = arith.index_cast %parallel_loop3A_475 : i32 to index
        %parallel_loop3A_530 = arith.index_cast %parallel_loop3A_528 : i32 to index
        %parallel_loop3A_531 = arith.index_cast %parallel_loop3A_477 : i32 to index
        %parallel_loop3A_532 = arith.constant 96 : index
        %parallel_loop3A_533 = tpu.vector_load %arg9[%parallel_loop3A_529, %parallel_loop3A_530, %parallel_loop3A_531, %parallel_loop3A_532] {strides = array<i32>} : memref<4x4x8x128xf32, #tpu.memory_space<vmem>>, vector<16xf32>,
        tpu.vector_store %arg9[%parallel_loop3A_529, %parallel_loop3A_530, %parallel_loop3A_531, %parallel_loop3A_532], %parallel_loop3A_527 {strides = array<i32>} : memref<4x4x8x128xf32, #tpu.memory_space<vmem>>, vector<16xf32>,
        %parallel_loop3A_534 = tpu.vector_load_idx %arg8[%add3A_28, %parallel_loop3A_484] : memref<512x33xf32, #tpu.memory_space<vmem>>[vector<16xi32>, vector<16xi32>], vector<16xf32>,
        %parallel_loop3A_535 = arith.constant 0 : i32
        %parallel_loop3A_536 = arith.index_cast %parallel_loop3A_475 : i32 to index
        %parallel_loop3A_537 = arith.index_cast %parallel_loop3A_535 : i32 to index
        %parallel_loop3A_538 = arith.index_cast %parallel_loop3A_477 : i32 to index
        %parallel_loop3A_539 = arith.constant 112 : index
        %parallel_loop3A_540 = tpu.vector_load %arg9[%parallel_loop3A_536, %parallel_loop3A_537, %parallel_loop3A_538, %parallel_loop3A_539] {strides = array<i32>} : memref<4x4x8x128xf32, #tpu.memory_space<vmem>>, vector<16xf32>,
        tpu.vector_store %arg9[%parallel_loop3A_536, %parallel_loop3A_537, %parallel_loop3A_538, %parallel_loop3A_539], %parallel_loop3A_534 {strides = array<i32>} : memref<4x4x8x128xf32, #tpu.memory_space<vmem>>, vector<16xf32>,
        %parallel_loop3A_541 = tpu.vector_load_idx %arg8[%add3A_31, %parallel_loop3A_484] : memref<512x33xf32, #tpu.memory_space<vmem>>[vector<16xi32>, vector<16xi32>], vector<16xf32>,
        %parallel_loop3A_542 = arith.constant 1 : i32
        %parallel_loop3A_543 = arith.index_cast %parallel_loop3A_475 : i32 to index
        %parallel_loop3A_544 = arith.index_cast %parallel_loop3A_542 : i32 to index
        %parallel_loop3A_545 = arith.index_cast %parallel_loop3A_477 : i32 to index
        %parallel_loop3A_546 = arith.constant 0 : index
        %parallel_loop3A_547 = tpu.vector_load %arg9[%parallel_loop3A_543, %parallel_loop3A_544, %parallel_loop3A_545, %parallel_loop3A_546] {strides = array<i32>} : memref<4x4x8x128xf32, #tpu.memory_space<vmem>>, vector<16xf32>,
        tpu.vector_store %arg9[%parallel_loop3A_543, %parallel_loop3A_544, %parallel_loop3A_545, %parallel_loop3A_546], %parallel_loop3A_541 {strides = array<i32>} : memref<4x4x8x128xf32, #tpu.memory_space<vmem>>, vector<16xf32>,
        %parallel_loop3A_548 = tpu.vector_load_idx %arg8[%add3A_34, %parallel_loop3A_484] : memref<512x33xf32, #tpu.memory_space<vmem>>[vector<16xi32>, vector<16xi32>], vector<16xf32>,
        %parallel_loop3A_549 = arith.constant 1 : i32
        %parallel_loop3A_550 = arith.index_cast %parallel_loop3A_475 : i32 to index
        %parallel_loop3A_551 = arith.index_cast %parallel_loop3A_549 : i32 to index
        %parallel_loop3A_552 = arith.index_cast %parallel_loop3A_477 : i32 to index
        %parallel_loop3A_553 = arith.constant 16 : index
        %parallel_loop3A_554 = tpu.vector_load %arg9[%parallel_loop3A_550, %parallel_loop3A_551, %parallel_loop3A_552, %parallel_loop3A_553] {strides = array<i32>} : memref<4x4x8x128xf32, #tpu.memory_space<vmem>>, vector<16xf32>,
        tpu.vector_store %arg9[%parallel_loop3A_550, %parallel_loop3A_551, %parallel_loop3A_552, %parallel_loop3A_553], %parallel_loop3A_548 {strides = array<i32>} : memref<4x4x8x128xf32, #tpu.memory_space<vmem>>, vector<16xf32>,
        %parallel_loop3A_555 = tpu.vector_load_idx %arg8[%add3A_37, %parallel_loop3A_484] : memref<512x33xf32, #tpu.memory_space<vmem>>[vector<16xi32>, vector<16xi32>], vector<16xf32>,
        %parallel_loop3A_556 = arith.constant 1 : i32
        %parallel_loop3A_557 = arith.index_cast %parallel_loop3A_475 : i32 to index
        %parallel_loop3A_558 = arith.index_cast %parallel_loop3A_556 : i32 to index
        %parallel_loop3A_559 = arith.index_cast %parallel_loop3A_477 : i32 to index
        %parallel_loop3A_560 = arith.constant 32 : index
        %parallel_loop3A_561 = tpu.vector_load %arg9[%parallel_loop3A_557, %parallel_loop3A_558, %parallel_loop3A_559, %parallel_loop3A_560] {strides = array<i32>} : memref<4x4x8x128xf32, #tpu.memory_space<vmem>>, vector<16xf32>,
        tpu.vector_store %arg9[%parallel_loop3A_557, %parallel_loop3A_558, %parallel_loop3A_559, %parallel_loop3A_560], %parallel_loop3A_555 {strides = array<i32>} : memref<4x4x8x128xf32, #tpu.memory_space<vmem>>, vector<16xf32>,
        %parallel_loop3A_562 = tpu.vector_load_idx %arg8[%add3A_40, %parallel_loop3A_484] : memref<512x33xf32, #tpu.memory_space<vmem>>[vector<16xi32>, vector<16xi32>], vector<16xf32>,
        %parallel_loop3A_563 = arith.constant 1 : i32
        %parallel_loop3A_564 = arith.index_cast %parallel_loop3A_475 : i32 to index
        %parallel_loop3A_565 = arith.index_cast %parallel_loop3A_563 : i32 to index
        %parallel_loop3A_566 = arith.index_cast %parallel_loop3A_477 : i32 to index
        %parallel_loop3A_567 = arith.constant 48 : index
        %parallel_loop3A_568 = tpu.vector_load %arg9[%parallel_loop3A_564, %parallel_loop3A_565, %parallel_loop3A_566, %parallel_loop3A_567] {strides = array<i32>} : memref<4x4x8x128xf32, #tpu.memory_space<vmem>>, vector<16xf32>,
        tpu.vector_store %arg9[%parallel_loop3A_564, %parallel_loop3A_565, %parallel_loop3A_566, %parallel_loop3A_567], %parallel_loop3A_562 {strides = array<i32>} : memref<4x4x8x128xf32, #tpu.memory_space<vmem>>, vector<16xf32>,
        %parallel_loop3A_569 = tpu.vector_load_idx %arg8[%add3A_43, %parallel_loop3A_484] : memref<512x33xf32, #tpu.memory_space<vmem>>[vector<16xi32>, vector<16xi32>], vector<16xf32>,
        %parallel_loop3A_570 = arith.constant 1 : i32
        %parallel_loop3A_571 = arith.index_cast %parallel_loop3A_475 : i32 to index
        %parallel_loop3A_572 = arith.index_cast %parallel_loop3A_570 : i32 to index
        %parallel_loop3A_573 = arith.index_cast %parallel_loop3A_477 : i32 to index
        %parallel_loop3A_574 = arith.constant 64 : index
        %parallel_loop3A_575 = tpu.vector_load %arg9[%parallel_loop3A_571, %parallel_loop3A_572, %parallel_loop3A_573, %parallel_loop3A_574] {strides = array<i32>} : memref<4x4x8x128xf32, #tpu.memory_space<vmem>>, vector<16xf32>,
        tpu.vector_store %arg9[%parallel_loop3A_571, %parallel_loop3A_572, %parallel_loop3A_573, %parallel_loop3A_574], %parallel_loop3A_569 {strides = array<i32>} : memref<4x4x8x128xf32, #tpu.memory_space<vmem>>, vector<16xf32>,
        %parallel_loop3A_576 = tpu.vector_load_idx %arg8[%add3A_46, %parallel_loop3A_484] : memref<512x33xf32, #tpu.memory_space<vmem>>[vector<16xi32>, vector<16xi32>], vector<16xf32>,
        %parallel_loop3A_577 = arith.constant 1 : i32
        %parallel_loop3A_578 = arith.index_cast %parallel_loop3A_475 : i32 to index
        %parallel_loop3A_579 = arith.index_cast %parallel_loop3A_577 : i32 to index
        %parallel_loop3A_580 = arith.index_cast %parallel_loop3A_477 : i32 to index
        %parallel_loop3A_581 = arith.constant 80 : index
        %parallel_loop3A_582 = tpu.vector_load %arg9[%parallel_loop3A_578, %parallel_loop3A_579, %parallel_loop3A_580, %parallel_loop3A_581] {strides = array<i32>} : memref<4x4x8x128xf32, #tpu.memory_space<vmem>>, vector<16xf32>,
        tpu.vector_store %arg9[%parallel_loop3A_578, %parallel_loop3A_579, %parallel_loop3A_580, %parallel_loop3A_581], %parallel_loop3A_576 {strides = array<i32>} : memref<4x4x8x128xf32, #tpu.memory_space<vmem>>, vector<16xf32>,
        %parallel_loop3A_583 = tpu.vector_load_idx %arg8[%add3A_49, %parallel_loop3A_484] : memref<512x33xf32, #tpu.memory_space<vmem>>[vector<16xi32>, vector<16xi32>], vector<16xf32>,
        %parallel_loop3A_584 = arith.constant 1 : i32
        %parallel_loop3A_585 = arith.index_cast %parallel_loop3A_475 : i32 to index
        %parallel_loop3A_586 = arith.index_cast %parallel_loop3A_584 : i32 to index
        %parallel_loop3A_587 = arith.index_cast %parallel_loop3A_477 : i32 to index
        %parallel_loop3A_588 = arith.constant 96 : index
        %parallel_loop3A_589 = tpu.vector_load %arg9[%parallel_loop3A_585, %parallel_loop3A_586, %parallel_loop3A_587, %parallel_loop3A_588] {strides = array<i32>} : memref<4x4x8x128xf32, #tpu.memory_space<vmem>>, vector<16xf32>,
        tpu.vector_store %arg9[%parallel_loop3A_585, %parallel_loop3A_586, %parallel_loop3A_587, %parallel_loop3A_588], %parallel_loop3A_583 {strides = array<i32>} : memref<4x4x8x128xf32, #tpu.memory_space<vmem>>, vector<16xf32>,
        %parallel_loop3A_590 = tpu.vector_load_idx %arg8[%add3A_52, %parallel_loop3A_484] : memref<512x33xf32, #tpu.memory_space<vmem>>[vector<16xi32>, vector<16xi32>], vector<16xf32>,
        %parallel_loop3A_591 = arith.constant 1 : i32
        %parallel_loop3A_592 = arith.index_cast %parallel_loop3A_475 : i32 to index
        %parallel_loop3A_593 = arith.index_cast %parallel_loop3A_591 : i32 to index
        %parallel_loop3A_594 = arith.index_cast %parallel_loop3A_477 : i32 to index
        %parallel_loop3A_595 = arith.constant 112 : index
        %parallel_loop3A_596 = tpu.vector_load %arg9[%parallel_loop3A_592, %parallel_loop3A_593, %parallel_loop3A_594, %parallel_loop3A_595] {strides = array<i32>} : memref<4x4x8x128xf32, #tpu.memory_space<vmem>>, vector<16xf32>,
        tpu.vector_store %arg9[%parallel_loop3A_592, %parallel_loop3A_593, %parallel_loop3A_594, %parallel_loop3A_595], %parallel_loop3A_590 {strides = array<i32>} : memref<4x4x8x128xf32, #tpu.memory_space<vmem>>, vector<16xf32>,
        %parallel_loop3A_597 = tpu.vector_load_idx %arg8[%add3A_55, %parallel_loop3A_484] : memref<512x33xf32, #tpu.memory_space<vmem>>[vector<16xi32>, vector<16xi32>], vector<16xf32>,
        %parallel_loop3A_598 = arith.constant 2 : i32
        %parallel_loop3A_599 = arith.index_cast %parallel_loop3A_475 : i32 to index
        %parallel_loop3A_600 = arith.index_cast %parallel_loop3A_598 : i32 to index
        %parallel_loop3A_601 = arith.index_cast %parallel_loop3A_477 : i32 to index
        %parallel_loop3A_602 = arith.constant 0 : index
        %parallel_loop3A_603 = tpu.vector_load %arg9[%parallel_loop3A_599, %parallel_loop3A_600, %parallel_loop3A_601, %parallel_loop3A_602] {strides = array<i32>} : memref<4x4x8x128xf32, #tpu.memory_space<vmem>>, vector<16xf32>,
        tpu.vector_store %arg9[%parallel_loop3A_599, %parallel_loop3A_600, %parallel_loop3A_601, %parallel_loop3A_602], %parallel_loop3A_597 {strides = array<i32>} : memref<4x4x8x128xf32, #tpu.memory_space<vmem>>, vector<16xf32>,
        %parallel_loop3A_604 = tpu.vector_load_idx %arg8[%add3A_58, %parallel_loop3A_484] : memref<512x33xf32, #tpu.memory_space<vmem>>[vector<16xi32>, vector<16xi32>], vector<16xf32>,
        %parallel_loop3A_605 = arith.constant 2 : i32
        %parallel_loop3A_606 = arith.index_cast %parallel_loop3A_475 : i32 to index
        %parallel_loop3A_607 = arith.index_cast %parallel_loop3A_605 : i32 to index
        %parallel_loop3A_608 = arith.index_cast %parallel_loop3A_477 : i32 to index
        %parallel_loop3A_609 = arith.constant 16 : index
        %parallel_loop3A_610 = tpu.vector_load %arg9[%parallel_loop3A_606, %parallel_loop3A_607, %parallel_loop3A_608, %parallel_loop3A_609] {strides = array<i32>} : memref<4x4x8x128xf32, #tpu.memory_space<vmem>>, vector<16xf32>,
        tpu.vector_store %arg9[%parallel_loop3A_606, %parallel_loop3A_607, %parallel_loop3A_608, %parallel_loop3A_609], %parallel_loop3A_604 {strides = array<i32>} : memref<4x4x8x128xf32, #tpu.memory_space<vmem>>, vector<16xf32>,
        %parallel_loop3A_611 = tpu.vector_load_idx %arg8[%add3A_61, %parallel_loop3A_484] : memref<512x33xf32, #tpu.memory_space<vmem>>[vector<16xi32>, vector<16xi32>], vector<16xf32>,
        %parallel_loop3A_612 = arith.constant 2 : i32
        %parallel_loop3A_613 = arith.index_cast %parallel_loop3A_475 : i32 to index
        %parallel_loop3A_614 = arith.index_cast %parallel_loop3A_612 : i32 to index
        %parallel_loop3A_615 = arith.index_cast %parallel_loop3A_477 : i32 to index
        %parallel_loop3A_616 = arith.constant 32 : index
        %parallel_loop3A_617 = tpu.vector_load %arg9[%parallel_loop3A_613, %parallel_loop3A_614, %parallel_loop3A_615, %parallel_loop3A_616] {strides = array<i32>} : memref<4x4x8x128xf32, #tpu.memory_space<vmem>>, vector<16xf32>,
        tpu.vector_store %arg9[%parallel_loop3A_613, %parallel_loop3A_614, %parallel_loop3A_615, %parallel_loop3A_616], %parallel_loop3A_611 {strides = array<i32>} : memref<4x4x8x128xf32, #tpu.memory_space<vmem>>, vector<16xf32>,
        %parallel_loop3A_618 = tpu.vector_load_idx %arg8[%add3A_64, %parallel_loop3A_484] : memref<512x33xf32, #tpu.memory_space<vmem>>[vector<16xi32>, vector<16xi32>], vector<16xf32>,
        %parallel_loop3A_619 = arith.constant 2 : i32
        %parallel_loop3A_620 = arith.index_cast %parallel_loop3A_475 : i32 to index
        %parallel_loop3A_621 = arith.index_cast %parallel_loop3A_619 : i32 to index
        %parallel_loop3A_622 = arith.index_cast %parallel_loop3A_477 : i32 to index
        %parallel_loop3A_623 = arith.constant 48 : index
        %parallel_loop3A_624 = tpu.vector_load %arg9[%parallel_loop3A_620, %parallel_loop3A_621, %parallel_loop3A_622, %parallel_loop3A_623] {strides = array<i32>} : memref<4x4x8x128xf32, #tpu.memory_space<vmem>>, vector<16xf32>,
        tpu.vector_store %arg9[%parallel_loop3A_620, %parallel_loop3A_621, %parallel_loop3A_622, %parallel_loop3A_623], %parallel_loop3A_618 {strides = array<i32>} : memref<4x4x8x128xf32, #tpu.memory_space<vmem>>, vector<16xf32>,
        %parallel_loop3A_625 = tpu.vector_load_idx %arg8[%add3A_67, %parallel_loop3A_484] : memref<512x33xf32, #tpu.memory_space<vmem>>[vector<16xi32>, vector<16xi32>], vector<16xf32>,
        %parallel_loop3A_626 = arith.constant 2 : i32
        %parallel_loop3A_627 = arith.index_cast %parallel_loop3A_475 : i32 to index
        %parallel_loop3A_628 = arith.index_cast %parallel_loop3A_626 : i32 to index
        %parallel_loop3A_629 = arith.index_cast %parallel_loop3A_477 : i32 to index
        %parallel_loop3A_630 = arith.constant 64 : index
        %parallel_loop3A_631 = tpu.vector_load %arg9[%parallel_loop3A_627, %parallel_loop3A_628, %parallel_loop3A_629, %parallel_loop3A_630] {strides = array<i32>} : memref<4x4x8x128xf32, #tpu.memory_space<vmem>>, vector<16xf32>,
        tpu.vector_store %arg9[%parallel_loop3A_627, %parallel_loop3A_628, %parallel_loop3A_629, %parallel_loop3A_630], %parallel_loop3A_625 {strides = array<i32>} : memref<4x4x8x128xf32, #tpu.memory_space<vmem>>, vector<16xf32>,
        %parallel_loop3A_632 = tpu.vector_load_idx %arg8[%add3A_70, %parallel_loop3A_484] : memref<512x33xf32, #tpu.memory_space<vmem>>[vector<16xi32>, vector<16xi32>], vector<16xf32>,
        %parallel_loop3A_633 = arith.constant 2 : i32
        %parallel_loop3A_634 = arith.index_cast %parallel_loop3A_475 : i32 to index
        %parallel_loop3A_635 = arith.index_cast %parallel_loop3A_633 : i32 to index
        %parallel_loop3A_636 = arith.index_cast %parallel_loop3A_477 : i32 to index
        %parallel_loop3A_637 = arith.constant 80 : index
        %parallel_loop3A_638 = tpu.vector_load %arg9[%parallel_loop3A_634, %parallel_loop3A_635, %parallel_loop3A_636, %parallel_loop3A_637] {strides = array<i32>} : memref<4x4x8x128xf32, #tpu.memory_space<vmem>>, vector<16xf32>,
        tpu.vector_store %arg9[%parallel_loop3A_634, %parallel_loop3A_635, %parallel_loop3A_636, %parallel_loop3A_637], %parallel_loop3A_632 {strides = array<i32>} : memref<4x4x8x128xf32, #tpu.memory_space<vmem>>, vector<16xf32>,
        %parallel_loop3A_639 = tpu.vector_load_idx %arg8[%add3A_73, %parallel_loop3A_484] : memref<512x33xf32, #tpu.memory_space<vmem>>[vector<16xi32>, vector<16xi32>], vector<16xf32>,
        %parallel_loop3A_640 = arith.constant 2 : i32
        %parallel_loop3A_641 = arith.index_cast %parallel_loop3A_475 : i32 to index
        %parallel_loop3A_642 = arith.index_cast %parallel_loop3A_640 : i32 to index
        %parallel_loop3A_643 = arith.index_cast %parallel_loop3A_477 : i32 to index
        %parallel_loop3A_644 = arith.constant 96 : index
        %parallel_loop3A_645 = tpu.vector_load %arg9[%parallel_loop3A_641, %parallel_loop3A_642, %parallel_loop3A_643, %parallel_loop3A_644] {strides = array<i32>} : memref<4x4x8x128xf32, #tpu.memory_space<vmem>>, vector<16xf32>,
        tpu.vector_store %arg9[%parallel_loop3A_641, %parallel_loop3A_642, %parallel_loop3A_643, %parallel_loop3A_644], %parallel_loop3A_639 {strides = array<i32>} : memref<4x4x8x128xf32, #tpu.memory_space<vmem>>, vector<16xf32>,
        %parallel_loop3A_646 = tpu.vector_load_idx %arg8[%add3A_76, %parallel_loop3A_484] : memref<512x33xf32, #tpu.memory_space<vmem>>[vector<16xi32>, vector<16xi32>], vector<16xf32>,
        %parallel_loop3A_647 = arith.constant 2 : i32
        %parallel_loop3A_648 = arith.index_cast %parallel_loop3A_475 : i32 to index
        %parallel_loop3A_649 = arith.index_cast %parallel_loop3A_647 : i32 to index
        %parallel_loop3A_650 = arith.index_cast %parallel_loop3A_477 : i32 to index
        %parallel_loop3A_651 = arith.constant 112 : index
        %parallel_loop3A_652 = tpu.vector_load %arg9[%parallel_loop3A_648, %parallel_loop3A_649, %parallel_loop3A_650, %parallel_loop3A_651] {strides = array<i32>} : memref<4x4x8x128xf32, #tpu.memory_space<vmem>>, vector<16xf32>,
        tpu.vector_store %arg9[%parallel_loop3A_648, %parallel_loop3A_649, %parallel_loop3A_650, %parallel_loop3A_651], %parallel_loop3A_646 {strides = array<i32>} : memref<4x4x8x128xf32, #tpu.memory_space<vmem>>, vector<16xf32>,
        %parallel_loop3A_653 = tpu.vector_load_idx %arg8[%add3A_79, %parallel_loop3A_484] : memref<512x33xf32, #tpu.memory_space<vmem>>[vector<16xi32>, vector<16xi32>], vector<16xf32>,
        %parallel_loop3A_654 = arith.constant 3 : i32
        %parallel_loop3A_655 = arith.index_cast %parallel_loop3A_475 : i32 to index
        %parallel_loop3A_656 = arith.index_cast %parallel_loop3A_654 : i32 to index
        %parallel_loop3A_657 = arith.index_cast %parallel_loop3A_477 : i32 to index
        %parallel_loop3A_658 = arith.constant 0 : index
        %parallel_loop3A_659 = tpu.vector_load %arg9[%parallel_loop3A_655, %parallel_loop3A_656, %parallel_loop3A_657, %parallel_loop3A_658] {strides = array<i32>} : memref<4x4x8x128xf32, #tpu.memory_space<vmem>>, vector<16xf32>,
        tpu.vector_store %arg9[%parallel_loop3A_655, %parallel_loop3A_656, %parallel_loop3A_657, %parallel_loop3A_658], %parallel_loop3A_653 {strides = array<i32>} : memref<4x4x8x128xf32, #tpu.memory_space<vmem>>, vector<16xf32>,
        %parallel_loop3A_660 = tpu.vector_load_idx %arg8[%add3A_82, %parallel_loop3A_484] : memref<512x33xf32, #tpu.memory_space<vmem>>[vector<16xi32>, vector<16xi32>], vector<16xf32>,
        %parallel_loop3A_661 = arith.constant 3 : i32
        %parallel_loop3A_662 = arith.index_cast %parallel_loop3A_475 : i32 to index
        %parallel_loop3A_663 = arith.index_cast %parallel_loop3A_661 : i32 to index
        %parallel_loop3A_664 = arith.index_cast %parallel_loop3A_477 : i32 to index
        %parallel_loop3A_665 = arith.constant 16 : index
        %parallel_loop3A_666 = tpu.vector_load %arg9[%parallel_loop3A_662, %parallel_loop3A_663, %parallel_loop3A_664, %parallel_loop3A_665] {strides = array<i32>} : memref<4x4x8x128xf32, #tpu.memory_space<vmem>>, vector<16xf32>,
        tpu.vector_store %arg9[%parallel_loop3A_662, %parallel_loop3A_663, %parallel_loop3A_664, %parallel_loop3A_665], %parallel_loop3A_660 {strides = array<i32>} : memref<4x4x8x128xf32, #tpu.memory_space<vmem>>, vector<16xf32>,
        %parallel_loop3A_667 = tpu.vector_load_idx %arg8[%add3A_85, %parallel_loop3A_484] : memref<512x33xf32, #tpu.memory_space<vmem>>[vector<16xi32>, vector<16xi32>], vector<16xf32>,
        %parallel_loop3A_668 = arith.constant 3 : i32
        %parallel_loop3A_669 = arith.index_cast %parallel_loop3A_475 : i32 to index
        %parallel_loop3A_670 = arith.index_cast %parallel_loop3A_668 : i32 to index
        %parallel_loop3A_671 = arith.index_cast %parallel_loop3A_477 : i32 to index
        %parallel_loop3A_672 = arith.constant 32 : index
        %parallel_loop3A_673 = tpu.vector_load %arg9[%parallel_loop3A_669, %parallel_loop3A_670, %parallel_loop3A_671, %parallel_loop3A_672] {strides = array<i32>} : memref<4x4x8x128xf32, #tpu.memory_space<vmem>>, vector<16xf32>,
        tpu.vector_store %arg9[%parallel_loop3A_669, %parallel_loop3A_670, %parallel_loop3A_671, %parallel_loop3A_672], %parallel_loop3A_667 {strides = array<i32>} : memref<4x4x8x128xf32, #tpu.memory_space<vmem>>, vector<16xf32>,
        %parallel_loop3A_674 = tpu.vector_load_idx %arg8[%add3A_88, %parallel_loop3A_484] : memref<512x33xf32, #tpu.memory_space<vmem>>[vector<16xi32>, vector<16xi32>], vector<16xf32>,
        %parallel_loop3A_675 = arith.constant 3 : i32
        %parallel_loop3A_676 = arith.index_cast %parallel_loop3A_475 : i32 to index
        %parallel_loop3A_677 = arith.index_cast %parallel_loop3A_675 : i32 to index
        %parallel_loop3A_678 = arith.index_cast %parallel_loop3A_477 : i32 to index
        %parallel_loop3A_679 = arith.constant 48 : index
        %parallel_loop3A_680 = tpu.vector_load %arg9[%parallel_loop3A_676, %parallel_loop3A_677, %parallel_loop3A_678, %parallel_loop3A_679] {strides = array<i32>} : memref<4x4x8x128xf32, #tpu.memory_space<vmem>>, vector<16xf32>,
        tpu.vector_store %arg9[%parallel_loop3A_676, %parallel_loop3A_677, %parallel_loop3A_678, %parallel_loop3A_679], %parallel_loop3A_674 {strides = array<i32>} : memref<4x4x8x128xf32, #tpu.memory_space<vmem>>, vector<16xf32>,
        %parallel_loop3A_681 = tpu.vector_load_idx %arg8[%add3A_91, %parallel_loop3A_484] : memref<512x33xf32, #tpu.memory_space<vmem>>[vector<16xi32>, vector<16xi32>], vector<16xf32>,
        %parallel_loop3A_682 = arith.constant 3 : i32
        %parallel_loop3A_683 = arith.index_cast %parallel_loop3A_475 : i32 to index
        %parallel_loop3A_684 = arith.index_cast %parallel_loop3A_682 : i32 to index
        %parallel_loop3A_685 = arith.index_cast %parallel_loop3A_477 : i32 to index
        %parallel_loop3A_686 = arith.constant 64 : index
        %parallel_loop3A_687 = tpu.vector_load %arg9[%parallel_loop3A_683, %parallel_loop3A_684, %parallel_loop3A_685, %parallel_loop3A_686] {strides = array<i32>} : memref<4x4x8x128xf32, #tpu.memory_space<vmem>>, vector<16xf32>,
        tpu.vector_store %arg9[%parallel_loop3A_683, %parallel_loop3A_684, %parallel_loop3A_685, %parallel_loop3A_686], %parallel_loop3A_681 {strides = array<i32>} : memref<4x4x8x128xf32, #tpu.memory_space<vmem>>, vector<16xf32>,
        %parallel_loop3A_688 = tpu.vector_load_idx %arg8[%add3A_94, %parallel_loop3A_484] : memref<512x33xf32, #tpu.memory_space<vmem>>[vector<16xi32>, vector<16xi32>], vector<16xf32>,
        %parallel_loop3A_689 = arith.constant 3 : i32
        %parallel_loop3A_690 = arith.index_cast %parallel_loop3A_475 : i32 to index
        %parallel_loop3A_691 = arith.index_cast %parallel_loop3A_689 : i32 to index
        %parallel_loop3A_692 = arith.index_cast %parallel_loop3A_477 : i32 to index
        %parallel_loop3A_693 = arith.constant 80 : index
        %parallel_loop3A_694 = tpu.vector_load %arg9[%parallel_loop3A_690, %parallel_loop3A_691, %parallel_loop3A_692, %parallel_loop3A_693] {strides = array<i32>} : memref<4x4x8x128xf32, #tpu.memory_space<vmem>>, vector<16xf32>,
        tpu.vector_store %arg9[%parallel_loop3A_690, %parallel_loop3A_691, %parallel_loop3A_692, %parallel_loop3A_693], %parallel_loop3A_688 {strides = array<i32>} : memref<4x4x8x128xf32, #tpu.memory_space<vmem>>, vector<16xf32>,
        %parallel_loop3A_695 = tpu.vector_load_idx %arg8[%add3A_97, %parallel_loop3A_484] : memref<512x33xf32, #tpu.memory_space<vmem>>[vector<16xi32>, vector<16xi32>], vector<16xf32>,
        %parallel_loop3A_696 = arith.constant 3 : i32
        %parallel_loop3A_697 = arith.index_cast %parallel_loop3A_475 : i32 to index
        %parallel_loop3A_698 = arith.index_cast %parallel_loop3A_696 : i32 to index
        %parallel_loop3A_699 = arith.index_cast %parallel_loop3A_477 : i32 to index
        %parallel_loop3A_700 = arith.constant 96 : index
        %parallel_loop3A_701 = tpu.vector_load %arg9[%parallel_loop3A_697, %parallel_loop3A_698, %parallel_loop3A_699, %parallel_loop3A_700] {strides = array<i32>} : memref<4x4x8x128xf32, #tpu.memory_space<vmem>>, vector<16xf32>,
        tpu.vector_store %arg9[%parallel_loop3A_697, %parallel_loop3A_698, %parallel_loop3A_699, %parallel_loop3A_700], %parallel_loop3A_695 {strides = array<i32>} : memref<4x4x8x128xf32, #tpu.memory_space<vmem>>, vector<16xf32>,
        %parallel_loop3A_702 = tpu.vector_load_idx %arg8[%add3A_100, %parallel_loop3A_484] : memref<512x33xf32, #tpu.memory_space<vmem>>[vector<16xi32>, vector<16xi32>], vector<16xf32>,
        %parallel_loop3A_703 = arith.constant 3 : i32
        %parallel_loop3A_704 = arith.index_cast %parallel_loop3A_475 : i32 to index
        %parallel_loop3A_705 = arith.index_cast %parallel_loop3A_703 : i32 to index
        %parallel_loop3A_706 = arith.index_cast %parallel_loop3A_477 : i32 to index
        %parallel_loop3A_707 = arith.constant 112 : index
        %parallel_loop3A_708 = tpu.vector_load %arg9[%parallel_loop3A_704, %parallel_loop3A_705, %parallel_loop3A_706, %parallel_loop3A_707] {strides = array<i32>} : memref<4x4x8x128xf32, #tpu.memory_space<vmem>>, vector<16xf32>,
        tpu.vector_store %arg9[%parallel_loop3A_704, %parallel_loop3A_705, %parallel_loop3A_706, %parallel_loop3A_707], %parallel_loop3A_702 {strides = array<i32>} : memref<4x4x8x128xf32, #tpu.memory_space<vmem>>, vector<16xf32>,
      } {sc.loop_unroll_factor = 4 : i64, sc.parallel_access}
      %mul3A_287 = arith.constant 512 : i32
      %mul3A_288 = arith.muli %add3A_266, %mul3A_287 : i32
      %add3A_289 = arith.addi %mul3A_2, %mul3A_288 : i32
      %jit3A_290 = arith.constant 16384 : i32
      %div3A_291 = arith.divsi %add3A_289, %jit3A_290 : i32
      %sign3A_292 = arith.constant 0 : i32
      %sign3A_293 = arith.cmpi sgt, %add3A_289, %sign3A_292 : i32
      %sign3A_294 = arith.extui %sign3A_293 : i1 to i32
      %sign3A_295 = arith.constant 0 : i32
      %sign3A_296 = arith.cmpi slt, %add3A_289, %sign3A_295 : i32
      %sign3A_297 = arith.extui %sign3A_296 : i1 to i32
      %sign3A_298 = arith.subi %sign3A_294, %sign3A_297 : i32
      %sign3A_299 = arith.constant 0 : i32
      %sign3A_300 = arith.cmpi sgt, %jit3A_290, %sign3A_299 : i32
      %sign3A_301 = arith.extui %sign3A_300 : i1 to i32
      %sign3A_302 = arith.constant 0 : i32
      %sign3A_303 = arith.cmpi slt, %jit3A_290, %sign3A_302 : i32
      %sign3A_304 = arith.extui %sign3A_303 : i1 to i32
      %sign3A_305 = arith.subi %sign3A_301, %sign3A_304 : i32
      %ne3A_306 = arith.cmpi ne, %sign3A_298, %sign3A_305 : i32
      %rem3A_307 = arith.remsi %add3A_289, %jit3A_290 : i32
      %ne3A_308 = arith.constant 0 : i32
      %ne3A_309 = arith.cmpi ne, %rem3A_307, %ne3A_308 : i32
      %and3A_310 = arith.andi %ne3A_306, %ne3A_309 : i1
      %sub3A_311 = arith.constant 1 : i32
      %sub3A_312 = arith.subi %div3A_291, %sub3A_311 : i32
      %select_n3A_313 = arith.select %and3A_310, %sub3A_312, %div3A_291 : i32
      %jit3A_314 = arith.constant 16384 : i32
      %eq3A_315 = arith.constant 0 : i32
      %eq3A_316 = arith.cmpi eq, %jit3A_314, %eq3A_315 : i32
      %jit3A_317 = arith.constant 1 : i32
      %select_n3A_318 = arith.select %eq3A_316, %jit3A_317, %jit3A_314 : i32
      %rem3A_319 = arith.remsi %add3A_289, %select_n3A_318 : i32
      %ne3A_320 = arith.constant 0 : i32
      %ne3A_321 = arith.cmpi ne, %rem3A_319, %ne3A_320 : i32
      %lt3A_322 = arith.constant 0 : i32
      %lt3A_323 = arith.cmpi slt, %rem3A_319, %lt3A_322 : i32
      %lt3A_324 = arith.constant 0 : i32
      %lt3A_325 = arith.cmpi slt, %select_n3A_318, %lt3A_324 : i32
      %ne3A_326 = arith.xori %lt3A_323, %lt3A_325 : i1
      %and3A_327 = arith.andi %ne3A_326, %ne3A_321 : i1
      %add3A_328 = arith.addi %rem3A_319, %select_n3A_318 : i32
      %select_n3A_329 = arith.select %and3A_327, %add3A_328, %rem3A_319 : i32
      %jit3A_330 = arith.constant 512 : i32
      %div3A_331 = arith.divsi %select_n3A_329, %jit3A_330 : i32
      %sign3A_332 = arith.constant 0 : i32
      %sign3A_333 = arith.cmpi sgt, %select_n3A_329, %sign3A_332 : i32
      %sign3A_334 = arith.extui %sign3A_333 : i1 to i32
      %sign3A_335 = arith.constant 0 : i32
      %sign3A_336 = arith.cmpi slt, %select_n3A_329, %sign3A_335 : i32
      %sign3A_337 = arith.extui %sign3A_336 : i1 to i32
      %sign3A_338 = arith.subi %sign3A_334, %sign3A_337 : i32
      %sign3A_339 = arith.constant 0 : i32
      %sign3A_340 = arith.cmpi sgt, %jit3A_330, %sign3A_339 : i32
      %sign3A_341 = arith.extui %sign3A_340 : i1 to i32
      %sign3A_342 = arith.constant 0 : i32
      %sign3A_343 = arith.cmpi slt, %jit3A_330, %sign3A_342 : i32
      %sign3A_344 = arith.extui %sign3A_343 : i1 to i32
      %sign3A_345 = arith.subi %sign3A_341, %sign3A_344 : i32
      %ne3A_346 = arith.cmpi ne, %sign3A_338, %sign3A_345 : i32
      %rem3A_347 = arith.remsi %select_n3A_329, %jit3A_330 : i32
      %ne3A_348 = arith.constant 0 : i32
      %ne3A_349 = arith.cmpi ne, %rem3A_347, %ne3A_348 : i32
      %and3A_350 = arith.andi %ne3A_346, %ne3A_349 : i1
      %sub3A_351 = arith.constant 1 : i32
      %sub3A_352 = arith.subi %div3A_331, %sub3A_351 : i32
      %select_n3A_353 = arith.select %and3A_350, %sub3A_352, %div3A_331 : i32
      %mul3A_354 = arith.constant 4 : i32
      %mul3A_355 = arith.muli %select_n3A_353, %mul3A_354 : i32
      %dma_start3A_356 = arith.constant 0 : i32
      %dma_start3A_357 = arith.constant 0 : i32
      %dma_start3A_358 = arith.constant 0 : i32
      %dma_start3A_359 = tpu.memref_slice %arg4[%select_n3A_313, %dma_start3A_356, %mul3A_355, %dma_start3A_357, %dma_start3A_358] : memref<50x4x128x8x128xf32, #tpu.memory_space<hbm>> -> memref<1x4x4x8x128xf32, #tpu.memory_space<hbm>>
      %dma_start3A_360 = tpu.memref_squeeze %dma_start3A_359 : memref<1x4x4x8x128xf32, #tpu.memory_space<hbm>> -> memref<4x4x8x128xf32, #tpu.memory_space<hbm>>
      %dma_start3A_361 = arith.constant 0 : i32
      %dma_start3A_362 = arith.constant 0 : i32
      %dma_start3A_363 = arith.constant 0 : i32
      %dma_start3A_364 = tpu.memref_slice %arg4[%select_n3A_313, %dma_start3A_361, %mul3A_355, %dma_start3A_362, %dma_start3A_363] : memref<50x4x128x8x128xf32, #tpu.memory_space<hbm>> -> memref<1x4x4x8x128xf32, #tpu.memory_space<hbm>>
      %dma_start3A_365 = tpu.memref_squeeze %dma_start3A_364 : memref<1x4x4x8x128xf32, #tpu.memory_space<hbm>> -> memref<4x4x8x128xf32, #tpu.memory_space<hbm>>
      tpu.enqueue_dma source(%arg9 : memref<4x4x8x128xf32, #tpu.memory_space<vmem>>) target(%dma_start3A_365 : memref<4x4x8x128xf32, #tpu.memory_space<hbm>>) target_semaphore(%arg14 : memref<!tpu.dma_semaphore, #tpu.memory_space<semaphore_mem>>)
      %mul3A_366 = arith.constant 2 : i32
      %mul3A_367 = arith.muli %mul3A_366, %scan3A_262 : i32
      %add3A_368 = arith.constant 1 : i32
      %add3A_369 = arith.addi %mul3A_367, %add3A_368 : i32
      %mul3A_370 = arith.constant 512 : i32
      %mul3A_371 = arith.muli %add3A_369, %mul3A_370 : i32
      %dma_wait3A_372 = tpu.memref_slice %arg5[%mul3A_371] : memref<25600xi32, #tpu.memory_space<vmem>> -> memref<512xi32, #tpu.memory_space<vmem>>
      %dma_wait3A_373 = arith.constant 0 : i32
      %dma_wait3A_374 = arith.constant 0 : i32
      %dma_wait3A_375 = tpu.memref_slice %arg2[%dma_wait3A_373, %dma_wait3A_374] : memref<1000000x32xf32, #tpu.memory_space<hbm>> -> memref<1000000x32xf32, #tpu.memory_space<hbm>>
      tpu.wait_indirect_dma semaphore(%arg13 : memref<!tpu.dma_semaphore, #tpu.memory_space<semaphore_mem>>) src(%dma_wait3A_375 : memref<1000000x32xf32, #tpu.memory_space<hbm>>) dst(%arg7 : memref<512x32xf32, #tpu.memory_space<vmem>>)
      %parallel_loop3A_376 = arith.constant 0 : i32
      %parallel_loop3A_377 = arith.constant 512 : i32
      %parallel_loop3A_378 = arith.constant 1 : i32
      scf.for %parallel_loop3A_473 = %parallel_loop3A_376 to %parallel_loop3A_377 step %parallel_loop3A_378  : i32 {
        %parallel_loop3A_474 = arith.index_cast %parallel_loop3A_473 : i32 to index
        %parallel_loop3A_475 = arith.constant 0 : index
        %parallel_loop3A_476 = tpu.vector_load %arg7[%parallel_loop3A_474, %parallel_loop3A_475] {strides = array<i32>} : memref<512x32xf32, #tpu.memory_space<vmem>>, vector<16xf32>,
        %parallel_loop3A_477 = arith.index_cast %parallel_loop3A_473 : i32 to index
        %parallel_loop3A_478 = arith.constant 0 : index
        %parallel_loop3A_479 = tpu.vector_load %arg8[%parallel_loop3A_477, %parallel_loop3A_478] {strides = array<i32>} : memref<512x33xf32, #tpu.memory_space<vmem>>, vector<16xf32>,
        tpu.vector_store %arg8[%parallel_loop3A_477, %parallel_loop3A_478], %parallel_loop3A_476 {strides = array<i32>} : memref<512x33xf32, #tpu.memory_space<vmem>>, vector<16xf32>,
        %parallel_loop3A_480 = arith.index_cast %parallel_loop3A_473 : i32 to index
        %parallel_loop3A_481 = arith.constant 16 : index
        %parallel_loop3A_482 = tpu.vector_load %arg7[%parallel_loop3A_480, %parallel_loop3A_481] {strides = array<i32>} : memref<512x32xf32, #tpu.memory_space<vmem>>, vector<16xf32>,
        %parallel_loop3A_483 = arith.index_cast %parallel_loop3A_473 : i32 to index
        %parallel_loop3A_484 = arith.constant 16 : index
        %parallel_loop3A_485 = tpu.vector_load %arg8[%parallel_loop3A_483, %parallel_loop3A_484] {strides = array<i32>} : memref<512x33xf32, #tpu.memory_space<vmem>>, vector<16xf32>,
        tpu.vector_store %arg8[%parallel_loop3A_483, %parallel_loop3A_484], %parallel_loop3A_482 {strides = array<i32>} : memref<512x33xf32, #tpu.memory_space<vmem>>, vector<16xf32>,
      } {sc.loop_unroll_factor = 8 : i64, sc.parallel_access}
      %add3A_379 = arith.constant 2 : i32
      %add3A_380 = arith.addi %add3A_369, %add3A_379 : i32
      %lt3A_381 = arith.constant 50 : i32
      %lt3A_382 = arith.cmpi slt, %add3A_380, %lt3A_381 : i32
      %convert_element_type3A_383 = arith.extui %lt3A_382 : i1 to i32
      %cond3A_384 = arith.constant 0 : i32
      %cond3A_385 = arith.cmpi ne, %convert_element_type3A_383, %cond3A_384 : i32
      scf.if %cond3A_385 {
        %add3A_473 = arith.constant 2 : i32
        %add3A_474 = arith.addi %add3A_369, %add3A_473 : i32
        %mul3A_475 = arith.constant 512 : i32
        %mul3A_476 = arith.muli %add3A_474, %mul3A_475 : i32
        %dma_start3A_477 = tpu.memref_slice %arg5[%mul3A_476] : memref<25600xi32, #tpu.memory_space<vmem>> -> memref<512xi32, #tpu.memory_space<vmem>>
        %dma_start3A_478 = arith.constant 0 : i32
        %dma_start3A_479 = arith.constant 0 : i32
        %dma_start3A_480 = tpu.memref_slice %arg2[%dma_start3A_478, %dma_start3A_479] : memref<1000000x32xf32, #tpu.memory_space<hbm>> -> memref<1000000x32xf32, #tpu.memory_space<hbm>>
        tpu.enqueue_indirect_dma source(%dma_start3A_480 : memref<1000000x32xf32, #tpu.memory_space<hbm>>) target(%arg7 : memref<512x32xf32, #tpu.memory_space<vmem>>) offsets(%dma_start3A_477 : memref<512xi32, #tpu.memory_space<vmem>>) semaphore(%arg13 : memref<!tpu.dma_semaphore, #tpu.memory_space<semaphore_mem>>)
      } else {
      }
      %gt3A_386 = arith.constant 0 : i32
      %gt3A_387 = arith.cmpi sgt, %scan3A_262, %gt3A_386 : i32
      %convert_element_type3A_388 = arith.extui %gt3A_387 : i1 to i32
      %cond3A_389 = arith.constant 0 : i32
      %cond3A_390 = arith.cmpi ne, %convert_element_type3A_388, %cond3A_389 : i32
      scf.if %cond3A_390 {
        %sub3A_473 = arith.constant 2 : i32
        %sub3A_474 = arith.subi %add3A_369, %sub3A_473 : i32
        %mul3A_475 = arith.constant 512 : i32
        %mul3A_476 = arith.muli %sub3A_474, %mul3A_475 : i32
        %add3A_477 = arith.addi %mul3A_2, %mul3A_476 : i32
        %jit3A_478 = arith.constant 16384 : i32
        %div3A_479 = arith.divsi %add3A_477, %jit3A_478 : i32
        %sign3A_480 = arith.constant 0 : i32
        %sign3A_481 = arith.cmpi sgt, %add3A_477, %sign3A_480 : i32
        %sign3A_482 = arith.extui %sign3A_481 : i1 to i32
        %sign3A_483 = arith.constant 0 : i32
        %sign3A_484 = arith.cmpi slt, %add3A_477, %sign3A_483 : i32
        %sign3A_485 = arith.extui %sign3A_484 : i1 to i32
        %sign3A_486 = arith.subi %sign3A_482, %sign3A_485 : i32
        %sign3A_487 = arith.constant 0 : i32
        %sign3A_488 = arith.cmpi sgt, %jit3A_478, %sign3A_487 : i32
        %sign3A_489 = arith.extui %sign3A_488 : i1 to i32
        %sign3A_490 = arith.constant 0 : i32
        %sign3A_491 = arith.cmpi slt, %jit3A_478, %sign3A_490 : i32
        %sign3A_492 = arith.extui %sign3A_491 : i1 to i32
        %sign3A_493 = arith.subi %sign3A_489, %sign3A_492 : i32
        %ne3A_494 = arith.cmpi ne, %sign3A_486, %sign3A_493 : i32
        %rem3A_495 = arith.remsi %add3A_477, %jit3A_478 : i32
        %ne3A_496 = arith.constant 0 : i32
        %ne3A_497 = arith.cmpi ne, %rem3A_495, %ne3A_496 : i32
        %and3A_498 = arith.andi %ne3A_494, %ne3A_497 : i1
        %sub3A_499 = arith.constant 1 : i32
        %sub3A_500 = arith.subi %div3A_479, %sub3A_499 : i32
        %select_n3A_501 = arith.select %and3A_498, %sub3A_500, %div3A_479 : i32
        %jit3A_502 = arith.constant 16384 : i32
        %eq3A_503 = arith.constant 0 : i32
        %eq3A_504 = arith.cmpi eq, %jit3A_502, %eq3A_503 : i32
        %jit3A_505 = arith.constant 1 : i32
        %select_n3A_506 = arith.select %eq3A_504, %jit3A_505, %jit3A_502 : i32
        %rem3A_507 = arith.remsi %add3A_477, %select_n3A_506 : i32
        %ne3A_508 = arith.constant 0 : i32
        %ne3A_509 = arith.cmpi ne, %rem3A_507, %ne3A_508 : i32
        %lt3A_510 = arith.constant 0 : i32
        %lt3A_511 = arith.cmpi slt, %rem3A_507, %lt3A_510 : i32
        %lt3A_512 = arith.constant 0 : i32
        %lt3A_513 = arith.cmpi slt, %select_n3A_506, %lt3A_512 : i32
        %ne3A_514 = arith.xori %lt3A_511, %lt3A_513 : i1
        %and3A_515 = arith.andi %ne3A_514, %ne3A_509 : i1
        %add3A_516 = arith.addi %rem3A_507, %select_n3A_506 : i32
        %select_n3A_517 = arith.select %and3A_515, %add3A_516, %rem3A_507 : i32
        %jit3A_518 = arith.constant 512 : i32
        %div3A_519 = arith.divsi %select_n3A_517, %jit3A_518 : i32
        %sign3A_520 = arith.constant 0 : i32
        %sign3A_521 = arith.cmpi sgt, %select_n3A_517, %sign3A_520 : i32
        %sign3A_522 = arith.extui %sign3A_521 : i1 to i32
        %sign3A_523 = arith.constant 0 : i32
        %sign3A_524 = arith.cmpi slt, %select_n3A_517, %sign3A_523 : i32
        %sign3A_525 = arith.extui %sign3A_524 : i1 to i32
        %sign3A_526 = arith.subi %sign3A_522, %sign3A_525 : i32
        %sign3A_527 = arith.constant 0 : i32
        %sign3A_528 = arith.cmpi sgt, %jit3A_518, %sign3A_527 : i32
        %sign3A_529 = arith.extui %sign3A_528 : i1 to i32
        %sign3A_530 = arith.constant 0 : i32
        %sign3A_531 = arith.cmpi slt, %jit3A_518, %sign3A_530 : i32
        %sign3A_532 = arith.extui %sign3A_531 : i1 to i32
        %sign3A_533 = arith.subi %sign3A_529, %sign3A_532 : i32
        %ne3A_534 = arith.cmpi ne, %sign3A_526, %sign3A_533 : i32
        %rem3A_535 = arith.remsi %select_n3A_517, %jit3A_518 : i32
        %ne3A_536 = arith.constant 0 : i32
        %ne3A_537 = arith.cmpi ne, %rem3A_535, %ne3A_536 : i32
        %and3A_538 = arith.andi %ne3A_534, %ne3A_537 : i1
        %sub3A_539 = arith.constant 1 : i32
        %sub3A_540 = arith.subi %div3A_519, %sub3A_539 : i32
        %select_n3A_541 = arith.select %and3A_538, %sub3A_540, %div3A_519 : i32
        %mul3A_542 = arith.constant 4 : i32
        %mul3A_543 = arith.muli %select_n3A_541, %mul3A_542 : i32
        %dma_wait3A_544 = arith.constant 0 : i32
        %dma_wait3A_545 = arith.constant 0 : i32
        %dma_wait3A_546 = arith.constant 0 : i32
        %dma_wait3A_547 = tpu.memref_slice %arg4[%select_n3A_501, %dma_wait3A_544, %mul3A_543, %dma_wait3A_545, %dma_wait3A_546] : memref<50x4x128x8x128xf32, #tpu.memory_space<hbm>> -> memref<1x4x4x8x128xf32, #tpu.memory_space<hbm>>
        %dma_wait3A_548 = tpu.memref_squeeze %dma_wait3A_547 : memref<1x4x4x8x128xf32, #tpu.memory_space<hbm>> -> memref<4x4x8x128xf32, #tpu.memory_space<hbm>>
        %dma_wait3A_549 = arith.constant 0 : i32
        %dma_wait3A_550 = arith.constant 0 : i32
        %dma_wait3A_551 = arith.constant 0 : i32
        %dma_wait3A_552 = tpu.memref_slice %arg4[%select_n3A_501, %dma_wait3A_549, %mul3A_543, %dma_wait3A_550, %dma_wait3A_551] : memref<50x4x128x8x128xf32, #tpu.memory_space<hbm>> -> memref<1x4x4x8x128xf32, #tpu.memory_space<hbm>>
        %dma_wait3A_553 = tpu.memref_squeeze %dma_wait3A_552 : memref<1x4x4x8x128xf32, #tpu.memory_space<hbm>> -> memref<4x4x8x128xf32, #tpu.memory_space<hbm>>
        tpu.wait_dma2 semaphore(%arg15 : memref<!tpu.dma_semaphore, #tpu.memory_space<semaphore_mem>>) src(%arg10 : memref<4x4x8x128xf32, #tpu.memory_space<vmem>>) dst(%dma_wait3A_553 : memref<4x4x8x128xf32, #tpu.memory_space<hbm>>)
      } else {
      }
      %parallel_loop3A_391 = arith.constant 0 : i32
      %parallel_loop3A_392 = arith.constant 32 : i32
      %parallel_loop3A_393 = arith.constant 1 : i32
      scf.for %parallel_loop3A_473 = %parallel_loop3A_391 to %parallel_loop3A_392 step %parallel_loop3A_393  : i32 {
        %parallel_loop3A_474 = arith.constant 3 : i32
        %parallel_loop3A_475 = arith.shrsi %parallel_loop3A_473, %parallel_loop3A_474 : i32
        %parallel_loop3A_476 = arith.constant 7 : i32
        %parallel_loop3A_477 = arith.andi %parallel_loop3A_473, %parallel_loop3A_476 : i32
        %parallel_loop3A_478 = arith.constant 0 : i32
        %parallel_loop3A_479 = vector.broadcast %parallel_loop3A_478 : i32 to vector<16xi32>
        %parallel_loop3A_480 = arith.constant 8 : i32
        %parallel_loop3A_481 = arith.muli %parallel_loop3A_475, %parallel_loop3A_480 : i32
        %parallel_loop3A_482 = arith.addi %parallel_loop3A_481, %parallel_loop3A_477 : i32
        %parallel_loop3A_483 = vector.broadcast %parallel_loop3A_482 : i32 to vector<16xi32>
        %parallel_loop3A_484 = arith.addi %parallel_loop3A_479, %parallel_loop3A_483 : vector<16xi32>
        %parallel_loop3A_485 = tpu.vector_load_idx %arg8[%add3A_7, %parallel_loop3A_484] : memref<512x33xf32, #tpu.memory_space<vmem>>[vector<16xi32>, vector<16xi32>], vector<16xf32>,
        %parallel_loop3A_486 = arith.constant 0 : i32
        %parallel_loop3A_487 = arith.index_cast %parallel_loop3A_475 : i32 to index
        %parallel_loop3A_488 = arith.index_cast %parallel_loop3A_486 : i32 to index
        %parallel_loop3A_489 = arith.index_cast %parallel_loop3A_477 : i32 to index
        %parallel_loop3A_490 = arith.constant 0 : index
        %parallel_loop3A_491 = tpu.vector_load %arg10[%parallel_loop3A_487, %parallel_loop3A_488, %parallel_loop3A_489, %parallel_loop3A_490] {strides = array<i32>} : memref<4x4x8x128xf32, #tpu.memory_space<vmem>>, vector<16xf32>,
        tpu.vector_store %arg10[%parallel_loop3A_487, %parallel_loop3A_488, %parallel_loop3A_489, %parallel_loop3A_490], %parallel_loop3A_485 {strides = array<i32>} : memref<4x4x8x128xf32, #tpu.memory_space<vmem>>, vector<16xf32>,
        %parallel_loop3A_492 = tpu.vector_load_idx %arg8[%add3A_10, %parallel_loop3A_484] : memref<512x33xf32, #tpu.memory_space<vmem>>[vector<16xi32>, vector<16xi32>], vector<16xf32>,
        %parallel_loop3A_493 = arith.constant 0 : i32
        %parallel_loop3A_494 = arith.index_cast %parallel_loop3A_475 : i32 to index
        %parallel_loop3A_495 = arith.index_cast %parallel_loop3A_493 : i32 to index
        %parallel_loop3A_496 = arith.index_cast %parallel_loop3A_477 : i32 to index
        %parallel_loop3A_497 = arith.constant 16 : index
        %parallel_loop3A_498 = tpu.vector_load %arg10[%parallel_loop3A_494, %parallel_loop3A_495, %parallel_loop3A_496, %parallel_loop3A_497] {strides = array<i32>} : memref<4x4x8x128xf32, #tpu.memory_space<vmem>>, vector<16xf32>,
        tpu.vector_store %arg10[%parallel_loop3A_494, %parallel_loop3A_495, %parallel_loop3A_496, %parallel_loop3A_497], %parallel_loop3A_492 {strides = array<i32>} : memref<4x4x8x128xf32, #tpu.memory_space<vmem>>, vector<16xf32>,
        %parallel_loop3A_499 = tpu.vector_load_idx %arg8[%add3A_13, %parallel_loop3A_484] : memref<512x33xf32, #tpu.memory_space<vmem>>[vector<16xi32>, vector<16xi32>], vector<16xf32>,
        %parallel_loop3A_500 = arith.constant 0 : i32
        %parallel_loop3A_501 = arith.index_cast %parallel_loop3A_475 : i32 to index
        %parallel_loop3A_502 = arith.index_cast %parallel_loop3A_500 : i32 to index
        %parallel_loop3A_503 = arith.index_cast %parallel_loop3A_477 : i32 to index
        %parallel_loop3A_504 = arith.constant 32 : index
        %parallel_loop3A_505 = tpu.vector_load %arg10[%parallel_loop3A_501, %parallel_loop3A_502, %parallel_loop3A_503, %parallel_loop3A_504] {strides = array<i32>} : memref<4x4x8x128xf32, #tpu.memory_space<vmem>>, vector<16xf32>,
        tpu.vector_store %arg10[%parallel_loop3A_501, %parallel_loop3A_502, %parallel_loop3A_503, %parallel_loop3A_504], %parallel_loop3A_499 {strides = array<i32>} : memref<4x4x8x128xf32, #tpu.memory_space<vmem>>, vector<16xf32>,
        %parallel_loop3A_506 = tpu.vector_load_idx %arg8[%add3A_16, %parallel_loop3A_484] : memref<512x33xf32, #tpu.memory_space<vmem>>[vector<16xi32>, vector<16xi32>], vector<16xf32>,
        %parallel_loop3A_507 = arith.constant 0 : i32
        %parallel_loop3A_508 = arith.index_cast %parallel_loop3A_475 : i32 to index
        %parallel_loop3A_509 = arith.index_cast %parallel_loop3A_507 : i32 to index
        %parallel_loop3A_510 = arith.index_cast %parallel_loop3A_477 : i32 to index
        %parallel_loop3A_511 = arith.constant 48 : index
        %parallel_loop3A_512 = tpu.vector_load %arg10[%parallel_loop3A_508, %parallel_loop3A_509, %parallel_loop3A_510, %parallel_loop3A_511] {strides = array<i32>} : memref<4x4x8x128xf32, #tpu.memory_space<vmem>>, vector<16xf32>,
        tpu.vector_store %arg10[%parallel_loop3A_508, %parallel_loop3A_509, %parallel_loop3A_510, %parallel_loop3A_511], %parallel_loop3A_506 {strides = array<i32>} : memref<4x4x8x128xf32, #tpu.memory_space<vmem>>, vector<16xf32>,
        %parallel_loop3A_513 = tpu.vector_load_idx %arg8[%add3A_19, %parallel_loop3A_484] : memref<512x33xf32, #tpu.memory_space<vmem>>[vector<16xi32>, vector<16xi32>], vector<16xf32>,
        %parallel_loop3A_514 = arith.constant 0 : i32
        %parallel_loop3A_515 = arith.index_cast %parallel_loop3A_475 : i32 to index
        %parallel_loop3A_516 = arith.index_cast %parallel_loop3A_514 : i32 to index
        %parallel_loop3A_517 = arith.index_cast %parallel_loop3A_477 : i32 to index
        %parallel_loop3A_518 = arith.constant 64 : index
        %parallel_loop3A_519 = tpu.vector_load %arg10[%parallel_loop3A_515, %parallel_loop3A_516, %parallel_loop3A_517, %parallel_loop3A_518] {strides = array<i32>} : memref<4x4x8x128xf32, #tpu.memory_space<vmem>>, vector<16xf32>,
        tpu.vector_store %arg10[%parallel_loop3A_515, %parallel_loop3A_516, %parallel_loop3A_517, %parallel_loop3A_518], %parallel_loop3A_513 {strides = array<i32>} : memref<4x4x8x128xf32, #tpu.memory_space<vmem>>, vector<16xf32>,
        %parallel_loop3A_520 = tpu.vector_load_idx %arg8[%add3A_22, %parallel_loop3A_484] : memref<512x33xf32, #tpu.memory_space<vmem>>[vector<16xi32>, vector<16xi32>], vector<16xf32>,
        %parallel_loop3A_521 = arith.constant 0 : i32
        %parallel_loop3A_522 = arith.index_cast %parallel_loop3A_475 : i32 to index
        %parallel_loop3A_523 = arith.index_cast %parallel_loop3A_521 : i32 to index
        %parallel_loop3A_524 = arith.index_cast %parallel_loop3A_477 : i32 to index
        %parallel_loop3A_525 = arith.constant 80 : index
        %parallel_loop3A_526 = tpu.vector_load %arg10[%parallel_loop3A_522, %parallel_loop3A_523, %parallel_loop3A_524, %parallel_loop3A_525] {strides = array<i32>} : memref<4x4x8x128xf32, #tpu.memory_space<vmem>>, vector<16xf32>,
        tpu.vector_store %arg10[%parallel_loop3A_522, %parallel_loop3A_523, %parallel_loop3A_524, %parallel_loop3A_525], %parallel_loop3A_520 {strides = array<i32>} : memref<4x4x8x128xf32, #tpu.memory_space<vmem>>, vector<16xf32>,
        %parallel_loop3A_527 = tpu.vector_load_idx %arg8[%add3A_25, %parallel_loop3A_484] : memref<512x33xf32, #tpu.memory_space<vmem>>[vector<16xi32>, vector<16xi32>], vector<16xf32>,
        %parallel_loop3A_528 = arith.constant 0 : i32
        %parallel_loop3A_529 = arith.index_cast %parallel_loop3A_475 : i32 to index
        %parallel_loop3A_530 = arith.index_cast %parallel_loop3A_528 : i32 to index
        %parallel_loop3A_531 = arith.index_cast %parallel_loop3A_477 : i32 to index
        %parallel_loop3A_532 = arith.constant 96 : index
        %parallel_loop3A_533 = tpu.vector_load %arg10[%parallel_loop3A_529, %parallel_loop3A_530, %parallel_loop3A_531, %parallel_loop3A_532] {strides = array<i32>} : memref<4x4x8x128xf32, #tpu.memory_space<vmem>>, vector<16xf32>,
        tpu.vector_store %arg10[%parallel_loop3A_529, %parallel_loop3A_530, %parallel_loop3A_531, %parallel_loop3A_532], %parallel_loop3A_527 {strides = array<i32>} : memref<4x4x8x128xf32, #tpu.memory_space<vmem>>, vector<16xf32>,
        %parallel_loop3A_534 = tpu.vector_load_idx %arg8[%add3A_28, %parallel_loop3A_484] : memref<512x33xf32, #tpu.memory_space<vmem>>[vector<16xi32>, vector<16xi32>], vector<16xf32>,
        %parallel_loop3A_535 = arith.constant 0 : i32
        %parallel_loop3A_536 = arith.index_cast %parallel_loop3A_475 : i32 to index
        %parallel_loop3A_537 = arith.index_cast %parallel_loop3A_535 : i32 to index
        %parallel_loop3A_538 = arith.index_cast %parallel_loop3A_477 : i32 to index
        %parallel_loop3A_539 = arith.constant 112 : index
        %parallel_loop3A_540 = tpu.vector_load %arg10[%parallel_loop3A_536, %parallel_loop3A_537, %parallel_loop3A_538, %parallel_loop3A_539] {strides = array<i32>} : memref<4x4x8x128xf32, #tpu.memory_space<vmem>>, vector<16xf32>,
        tpu.vector_store %arg10[%parallel_loop3A_536, %parallel_loop3A_537, %parallel_loop3A_538, %parallel_loop3A_539], %parallel_loop3A_534 {strides = array<i32>} : memref<4x4x8x128xf32, #tpu.memory_space<vmem>>, vector<16xf32>,
        %parallel_loop3A_541 = tpu.vector_load_idx %arg8[%add3A_31, %parallel_loop3A_484] : memref<512x33xf32, #tpu.memory_space<vmem>>[vector<16xi32>, vector<16xi32>], vector<16xf32>,
        %parallel_loop3A_542 = arith.constant 1 : i32
        %parallel_loop3A_543 = arith.index_cast %parallel_loop3A_475 : i32 to index
        %parallel_loop3A_544 = arith.index_cast %parallel_loop3A_542 : i32 to index
        %parallel_loop3A_545 = arith.index_cast %parallel_loop3A_477 : i32 to index
        %parallel_loop3A_546 = arith.constant 0 : index
        %parallel_loop3A_547 = tpu.vector_load %arg10[%parallel_loop3A_543, %parallel_loop3A_544, %parallel_loop3A_545, %parallel_loop3A_546] {strides = array<i32>} : memref<4x4x8x128xf32, #tpu.memory_space<vmem>>, vector<16xf32>,
        tpu.vector_store %arg10[%parallel_loop3A_543, %parallel_loop3A_544, %parallel_loop3A_545, %parallel_loop3A_546], %parallel_loop3A_541 {strides = array<i32>} : memref<4x4x8x128xf32, #tpu.memory_space<vmem>>, vector<16xf32>,
        %parallel_loop3A_548 = tpu.vector_load_idx %arg8[%add3A_34, %parallel_loop3A_484] : memref<512x33xf32, #tpu.memory_space<vmem>>[vector<16xi32>, vector<16xi32>], vector<16xf32>,
        %parallel_loop3A_549 = arith.constant 1 : i32
        %parallel_loop3A_550 = arith.index_cast %parallel_loop3A_475 : i32 to index
        %parallel_loop3A_551 = arith.index_cast %parallel_loop3A_549 : i32 to index
        %parallel_loop3A_552 = arith.index_cast %parallel_loop3A_477 : i32 to index
        %parallel_loop3A_553 = arith.constant 16 : index
        %parallel_loop3A_554 = tpu.vector_load %arg10[%parallel_loop3A_550, %parallel_loop3A_551, %parallel_loop3A_552, %parallel_loop3A_553] {strides = array<i32>} : memref<4x4x8x128xf32, #tpu.memory_space<vmem>>, vector<16xf32>,
        tpu.vector_store %arg10[%parallel_loop3A_550, %parallel_loop3A_551, %parallel_loop3A_552, %parallel_loop3A_553], %parallel_loop3A_548 {strides = array<i32>} : memref<4x4x8x128xf32, #tpu.memory_space<vmem>>, vector<16xf32>,
        %parallel_loop3A_555 = tpu.vector_load_idx %arg8[%add3A_37, %parallel_loop3A_484] : memref<512x33xf32, #tpu.memory_space<vmem>>[vector<16xi32>, vector<16xi32>], vector<16xf32>,
        %parallel_loop3A_556 = arith.constant 1 : i32
        %parallel_loop3A_557 = arith.index_cast %parallel_loop3A_475 : i32 to index
        %parallel_loop3A_558 = arith.index_cast %parallel_loop3A_556 : i32 to index
        %parallel_loop3A_559 = arith.index_cast %parallel_loop3A_477 : i32 to index
        %parallel_loop3A_560 = arith.constant 32 : index
        %parallel_loop3A_561 = tpu.vector_load %arg10[%parallel_loop3A_557, %parallel_loop3A_558, %parallel_loop3A_559, %parallel_loop3A_560] {strides = array<i32>} : memref<4x4x8x128xf32, #tpu.memory_space<vmem>>, vector<16xf32>,
        tpu.vector_store %arg10[%parallel_loop3A_557, %parallel_loop3A_558, %parallel_loop3A_559, %parallel_loop3A_560], %parallel_loop3A_555 {strides = array<i32>} : memref<4x4x8x128xf32, #tpu.memory_space<vmem>>, vector<16xf32>,
        %parallel_loop3A_562 = tpu.vector_load_idx %arg8[%add3A_40, %parallel_loop3A_484] : memref<512x33xf32, #tpu.memory_space<vmem>>[vector<16xi32>, vector<16xi32>], vector<16xf32>,
        %parallel_loop3A_563 = arith.constant 1 : i32
        %parallel_loop3A_564 = arith.index_cast %parallel_loop3A_475 : i32 to index
        %parallel_loop3A_565 = arith.index_cast %parallel_loop3A_563 : i32 to index
        %parallel_loop3A_566 = arith.index_cast %parallel_loop3A_477 : i32 to index
        %parallel_loop3A_567 = arith.constant 48 : index
        %parallel_loop3A_568 = tpu.vector_load %arg10[%parallel_loop3A_564, %parallel_loop3A_565, %parallel_loop3A_566, %parallel_loop3A_567] {strides = array<i32>} : memref<4x4x8x128xf32, #tpu.memory_space<vmem>>, vector<16xf32>,
        tpu.vector_store %arg10[%parallel_loop3A_564, %parallel_loop3A_565, %parallel_loop3A_566, %parallel_loop3A_567], %parallel_loop3A_562 {strides = array<i32>} : memref<4x4x8x128xf32, #tpu.memory_space<vmem>>, vector<16xf32>,
        %parallel_loop3A_569 = tpu.vector_load_idx %arg8[%add3A_43, %parallel_loop3A_484] : memref<512x33xf32, #tpu.memory_space<vmem>>[vector<16xi32>, vector<16xi32>], vector<16xf32>,
        %parallel_loop3A_570 = arith.constant 1 : i32
        %parallel_loop3A_571 = arith.index_cast %parallel_loop3A_475 : i32 to index
        %parallel_loop3A_572 = arith.index_cast %parallel_loop3A_570 : i32 to index
        %parallel_loop3A_573 = arith.index_cast %parallel_loop3A_477 : i32 to index
        %parallel_loop3A_574 = arith.constant 64 : index
        %parallel_loop3A_575 = tpu.vector_load %arg10[%parallel_loop3A_571, %parallel_loop3A_572, %parallel_loop3A_573, %parallel_loop3A_574] {strides = array<i32>} : memref<4x4x8x128xf32, #tpu.memory_space<vmem>>, vector<16xf32>,
        tpu.vector_store %arg10[%parallel_loop3A_571, %parallel_loop3A_572, %parallel_loop3A_573, %parallel_loop3A_574], %parallel_loop3A_569 {strides = array<i32>} : memref<4x4x8x128xf32, #tpu.memory_space<vmem>>, vector<16xf32>,
        %parallel_loop3A_576 = tpu.vector_load_idx %arg8[%add3A_46, %parallel_loop3A_484] : memref<512x33xf32, #tpu.memory_space<vmem>>[vector<16xi32>, vector<16xi32>], vector<16xf32>,
        %parallel_loop3A_577 = arith.constant 1 : i32
        %parallel_loop3A_578 = arith.index_cast %parallel_loop3A_475 : i32 to index
        %parallel_loop3A_579 = arith.index_cast %parallel_loop3A_577 : i32 to index
        %parallel_loop3A_580 = arith.index_cast %parallel_loop3A_477 : i32 to index
        %parallel_loop3A_581 = arith.constant 80 : index
        %parallel_loop3A_582 = tpu.vector_load %arg10[%parallel_loop3A_578, %parallel_loop3A_579, %parallel_loop3A_580, %parallel_loop3A_581] {strides = array<i32>} : memref<4x4x8x128xf32, #tpu.memory_space<vmem>>, vector<16xf32>,
        tpu.vector_store %arg10[%parallel_loop3A_578, %parallel_loop3A_579, %parallel_loop3A_580, %parallel_loop3A_581], %parallel_loop3A_576 {strides = array<i32>} : memref<4x4x8x128xf32, #tpu.memory_space<vmem>>, vector<16xf32>,
        %parallel_loop3A_583 = tpu.vector_load_idx %arg8[%add3A_49, %parallel_loop3A_484] : memref<512x33xf32, #tpu.memory_space<vmem>>[vector<16xi32>, vector<16xi32>], vector<16xf32>,
        %parallel_loop3A_584 = arith.constant 1 : i32
        %parallel_loop3A_585 = arith.index_cast %parallel_loop3A_475 : i32 to index
        %parallel_loop3A_586 = arith.index_cast %parallel_loop3A_584 : i32 to index
        %parallel_loop3A_587 = arith.index_cast %parallel_loop3A_477 : i32 to index
        %parallel_loop3A_588 = arith.constant 96 : index
        %parallel_loop3A_589 = tpu.vector_load %arg10[%parallel_loop3A_585, %parallel_loop3A_586, %parallel_loop3A_587, %parallel_loop3A_588] {strides = array<i32>} : memref<4x4x8x128xf32, #tpu.memory_space<vmem>>, vector<16xf32>,
        tpu.vector_store %arg10[%parallel_loop3A_585, %parallel_loop3A_586, %parallel_loop3A_587, %parallel_loop3A_588], %parallel_loop3A_583 {strides = array<i32>} : memref<4x4x8x128xf32, #tpu.memory_space<vmem>>, vector<16xf32>,
        %parallel_loop3A_590 = tpu.vector_load_idx %arg8[%add3A_52, %parallel_loop3A_484] : memref<512x33xf32, #tpu.memory_space<vmem>>[vector<16xi32>, vector<16xi32>], vector<16xf32>,
        %parallel_loop3A_591 = arith.constant 1 : i32
        %parallel_loop3A_592 = arith.index_cast %parallel_loop3A_475 : i32 to index
        %parallel_loop3A_593 = arith.index_cast %parallel_loop3A_591 : i32 to index
        %parallel_loop3A_594 = arith.index_cast %parallel_loop3A_477 : i32 to index
        %parallel_loop3A_595 = arith.constant 112 : index
        %parallel_loop3A_596 = tpu.vector_load %arg10[%parallel_loop3A_592, %parallel_loop3A_593, %parallel_loop3A_594, %parallel_loop3A_595] {strides = array<i32>} : memref<4x4x8x128xf32, #tpu.memory_space<vmem>>, vector<16xf32>,
        tpu.vector_store %arg10[%parallel_loop3A_592, %parallel_loop3A_593, %parallel_loop3A_594, %parallel_loop3A_595], %parallel_loop3A_590 {strides = array<i32>} : memref<4x4x8x128xf32, #tpu.memory_space<vmem>>, vector<16xf32>,
        %parallel_loop3A_597 = tpu.vector_load_idx %arg8[%add3A_55, %parallel_loop3A_484] : memref<512x33xf32, #tpu.memory_space<vmem>>[vector<16xi32>, vector<16xi32>], vector<16xf32>,
        %parallel_loop3A_598 = arith.constant 2 : i32
        %parallel_loop3A_599 = arith.index_cast %parallel_loop3A_475 : i32 to index
        %parallel_loop3A_600 = arith.index_cast %parallel_loop3A_598 : i32 to index
        %parallel_loop3A_601 = arith.index_cast %parallel_loop3A_477 : i32 to index
        %parallel_loop3A_602 = arith.constant 0 : index
        %parallel_loop3A_603 = tpu.vector_load %arg10[%parallel_loop3A_599, %parallel_loop3A_600, %parallel_loop3A_601, %parallel_loop3A_602] {strides = array<i32>} : memref<4x4x8x128xf32, #tpu.memory_space<vmem>>, vector<16xf32>,
        tpu.vector_store %arg10[%parallel_loop3A_599, %parallel_loop3A_600, %parallel_loop3A_601, %parallel_loop3A_602], %parallel_loop3A_597 {strides = array<i32>} : memref<4x4x8x128xf32, #tpu.memory_space<vmem>>, vector<16xf32>,
        %parallel_loop3A_604 = tpu.vector_load_idx %arg8[%add3A_58, %parallel_loop3A_484] : memref<512x33xf32, #tpu.memory_space<vmem>>[vector<16xi32>, vector<16xi32>], vector<16xf32>,
        %parallel_loop3A_605 = arith.constant 2 : i32
        %parallel_loop3A_606 = arith.index_cast %parallel_loop3A_475 : i32 to index
        %parallel_loop3A_607 = arith.index_cast %parallel_loop3A_605 : i32 to index
        %parallel_loop3A_608 = arith.index_cast %parallel_loop3A_477 : i32 to index
        %parallel_loop3A_609 = arith.constant 16 : index
        %parallel_loop3A_610 = tpu.vector_load %arg10[%parallel_loop3A_606, %parallel_loop3A_607, %parallel_loop3A_608, %parallel_loop3A_609] {strides = array<i32>} : memref<4x4x8x128xf32, #tpu.memory_space<vmem>>, vector<16xf32>,
        tpu.vector_store %arg10[%parallel_loop3A_606, %parallel_loop3A_607, %parallel_loop3A_608, %parallel_loop3A_609], %parallel_loop3A_604 {strides = array<i32>} : memref<4x4x8x128xf32, #tpu.memory_space<vmem>>, vector<16xf32>,
        %parallel_loop3A_611 = tpu.vector_load_idx %arg8[%add3A_61, %parallel_loop3A_484] : memref<512x33xf32, #tpu.memory_space<vmem>>[vector<16xi32>, vector<16xi32>], vector<16xf32>,
        %parallel_loop3A_612 = arith.constant 2 : i32
        %parallel_loop3A_613 = arith.index_cast %parallel_loop3A_475 : i32 to index
        %parallel_loop3A_614 = arith.index_cast %parallel_loop3A_612 : i32 to index
        %parallel_loop3A_615 = arith.index_cast %parallel_loop3A_477 : i32 to index
        %parallel_loop3A_616 = arith.constant 32 : index
        %parallel_loop3A_617 = tpu.vector_load %arg10[%parallel_loop3A_613, %parallel_loop3A_614, %parallel_loop3A_615, %parallel_loop3A_616] {strides = array<i32>} : memref<4x4x8x128xf32, #tpu.memory_space<vmem>>, vector<16xf32>,
        tpu.vector_store %arg10[%parallel_loop3A_613, %parallel_loop3A_614, %parallel_loop3A_615, %parallel_loop3A_616], %parallel_loop3A_611 {strides = array<i32>} : memref<4x4x8x128xf32, #tpu.memory_space<vmem>>, vector<16xf32>,
        %parallel_loop3A_618 = tpu.vector_load_idx %arg8[%add3A_64, %parallel_loop3A_484] : memref<512x33xf32, #tpu.memory_space<vmem>>[vector<16xi32>, vector<16xi32>], vector<16xf32>,
        %parallel_loop3A_619 = arith.constant 2 : i32
        %parallel_loop3A_620 = arith.index_cast %parallel_loop3A_475 : i32 to index
        %parallel_loop3A_621 = arith.index_cast %parallel_loop3A_619 : i32 to index
        %parallel_loop3A_622 = arith.index_cast %parallel_loop3A_477 : i32 to index
        %parallel_loop3A_623 = arith.constant 48 : index
        %parallel_loop3A_624 = tpu.vector_load %arg10[%parallel_loop3A_620, %parallel_loop3A_621, %parallel_loop3A_622, %parallel_loop3A_623] {strides = array<i32>} : memref<4x4x8x128xf32, #tpu.memory_space<vmem>>, vector<16xf32>,
        tpu.vector_store %arg10[%parallel_loop3A_620, %parallel_loop3A_621, %parallel_loop3A_622, %parallel_loop3A_623], %parallel_loop3A_618 {strides = array<i32>} : memref<4x4x8x128xf32, #tpu.memory_space<vmem>>, vector<16xf32>,
        %parallel_loop3A_625 = tpu.vector_load_idx %arg8[%add3A_67, %parallel_loop3A_484] : memref<512x33xf32, #tpu.memory_space<vmem>>[vector<16xi32>, vector<16xi32>], vector<16xf32>,
        %parallel_loop3A_626 = arith.constant 2 : i32
        %parallel_loop3A_627 = arith.index_cast %parallel_loop3A_475 : i32 to index
        %parallel_loop3A_628 = arith.index_cast %parallel_loop3A_626 : i32 to index
        %parallel_loop3A_629 = arith.index_cast %parallel_loop3A_477 : i32 to index
        %parallel_loop3A_630 = arith.constant 64 : index
        %parallel_loop3A_631 = tpu.vector_load %arg10[%parallel_loop3A_627, %parallel_loop3A_628, %parallel_loop3A_629, %parallel_loop3A_630] {strides = array<i32>} : memref<4x4x8x128xf32, #tpu.memory_space<vmem>>, vector<16xf32>,
        tpu.vector_store %arg10[%parallel_loop3A_627, %parallel_loop3A_628, %parallel_loop3A_629, %parallel_loop3A_630], %parallel_loop3A_625 {strides = array<i32>} : memref<4x4x8x128xf32, #tpu.memory_space<vmem>>, vector<16xf32>,
        %parallel_loop3A_632 = tpu.vector_load_idx %arg8[%add3A_70, %parallel_loop3A_484] : memref<512x33xf32, #tpu.memory_space<vmem>>[vector<16xi32>, vector<16xi32>], vector<16xf32>,
        %parallel_loop3A_633 = arith.constant 2 : i32
        %parallel_loop3A_634 = arith.index_cast %parallel_loop3A_475 : i32 to index
        %parallel_loop3A_635 = arith.index_cast %parallel_loop3A_633 : i32 to index
        %parallel_loop3A_636 = arith.index_cast %parallel_loop3A_477 : i32 to index
        %parallel_loop3A_637 = arith.constant 80 : index
        %parallel_loop3A_638 = tpu.vector_load %arg10[%parallel_loop3A_634, %parallel_loop3A_635, %parallel_loop3A_636, %parallel_loop3A_637] {strides = array<i32>} : memref<4x4x8x128xf32, #tpu.memory_space<vmem>>, vector<16xf32>,
        tpu.vector_store %arg10[%parallel_loop3A_634, %parallel_loop3A_635, %parallel_loop3A_636, %parallel_loop3A_637], %parallel_loop3A_632 {strides = array<i32>} : memref<4x4x8x128xf32, #tpu.memory_space<vmem>>, vector<16xf32>,
        %parallel_loop3A_639 = tpu.vector_load_idx %arg8[%add3A_73, %parallel_loop3A_484] : memref<512x33xf32, #tpu.memory_space<vmem>>[vector<16xi32>, vector<16xi32>], vector<16xf32>,
        %parallel_loop3A_640 = arith.constant 2 : i32
        %parallel_loop3A_641 = arith.index_cast %parallel_loop3A_475 : i32 to index
        %parallel_loop3A_642 = arith.index_cast %parallel_loop3A_640 : i32 to index
        %parallel_loop3A_643 = arith.index_cast %parallel_loop3A_477 : i32 to index
        %parallel_loop3A_644 = arith.constant 96 : index
        %parallel_loop3A_645 = tpu.vector_load %arg10[%parallel_loop3A_641, %parallel_loop3A_642, %parallel_loop3A_643, %parallel_loop3A_644] {strides = array<i32>} : memref<4x4x8x128xf32, #tpu.memory_space<vmem>>, vector<16xf32>,
        tpu.vector_store %arg10[%parallel_loop3A_641, %parallel_loop3A_642, %parallel_loop3A_643, %parallel_loop3A_644], %parallel_loop3A_639 {strides = array<i32>} : memref<4x4x8x128xf32, #tpu.memory_space<vmem>>, vector<16xf32>,
        %parallel_loop3A_646 = tpu.vector_load_idx %arg8[%add3A_76, %parallel_loop3A_484] : memref<512x33xf32, #tpu.memory_space<vmem>>[vector<16xi32>, vector<16xi32>], vector<16xf32>,
        %parallel_loop3A_647 = arith.constant 2 : i32
        %parallel_loop3A_648 = arith.index_cast %parallel_loop3A_475 : i32 to index
        %parallel_loop3A_649 = arith.index_cast %parallel_loop3A_647 : i32 to index
        %parallel_loop3A_650 = arith.index_cast %parallel_loop3A_477 : i32 to index
        %parallel_loop3A_651 = arith.constant 112 : index
        %parallel_loop3A_652 = tpu.vector_load %arg10[%parallel_loop3A_648, %parallel_loop3A_649, %parallel_loop3A_650, %parallel_loop3A_651] {strides = array<i32>} : memref<4x4x8x128xf32, #tpu.memory_space<vmem>>, vector<16xf32>,
        tpu.vector_store %arg10[%parallel_loop3A_648, %parallel_loop3A_649, %parallel_loop3A_650, %parallel_loop3A_651], %parallel_loop3A_646 {strides = array<i32>} : memref<4x4x8x128xf32, #tpu.memory_space<vmem>>, vector<16xf32>,
        %parallel_loop3A_653 = tpu.vector_load_idx %arg8[%add3A_79, %parallel_loop3A_484] : memref<512x33xf32, #tpu.memory_space<vmem>>[vector<16xi32>, vector<16xi32>], vector<16xf32>,
        %parallel_loop3A_654 = arith.constant 3 : i32
        %parallel_loop3A_655 = arith.index_cast %parallel_loop3A_475 : i32 to index
        %parallel_loop3A_656 = arith.index_cast %parallel_loop3A_654 : i32 to index
        %parallel_loop3A_657 = arith.index_cast %parallel_loop3A_477 : i32 to index
        %parallel_loop3A_658 = arith.constant 0 : index
        %parallel_loop3A_659 = tpu.vector_load %arg10[%parallel_loop3A_655, %parallel_loop3A_656, %parallel_loop3A_657, %parallel_loop3A_658] {strides = array<i32>} : memref<4x4x8x128xf32, #tpu.memory_space<vmem>>, vector<16xf32>,
        tpu.vector_store %arg10[%parallel_loop3A_655, %parallel_loop3A_656, %parallel_loop3A_657, %parallel_loop3A_658], %parallel_loop3A_653 {strides = array<i32>} : memref<4x4x8x128xf32, #tpu.memory_space<vmem>>, vector<16xf32>,
        %parallel_loop3A_660 = tpu.vector_load_idx %arg8[%add3A_82, %parallel_loop3A_484] : memref<512x33xf32, #tpu.memory_space<vmem>>[vector<16xi32>, vector<16xi32>], vector<16xf32>,
        %parallel_loop3A_661 = arith.constant 3 : i32
        %parallel_loop3A_662 = arith.index_cast %parallel_loop3A_475 : i32 to index
        %parallel_loop3A_663 = arith.index_cast %parallel_loop3A_661 : i32 to index
        %parallel_loop3A_664 = arith.index_cast %parallel_loop3A_477 : i32 to index
        %parallel_loop3A_665 = arith.constant 16 : index
        %parallel_loop3A_666 = tpu.vector_load %arg10[%parallel_loop3A_662, %parallel_loop3A_663, %parallel_loop3A_664, %parallel_loop3A_665] {strides = array<i32>} : memref<4x4x8x128xf32, #tpu.memory_space<vmem>>, vector<16xf32>,
        tpu.vector_store %arg10[%parallel_loop3A_662, %parallel_loop3A_663, %parallel_loop3A_664, %parallel_loop3A_665], %parallel_loop3A_660 {strides = array<i32>} : memref<4x4x8x128xf32, #tpu.memory_space<vmem>>, vector<16xf32>,
        %parallel_loop3A_667 = tpu.vector_load_idx %arg8[%add3A_85, %parallel_loop3A_484] : memref<512x33xf32, #tpu.memory_space<vmem>>[vector<16xi32>, vector<16xi32>], vector<16xf32>,
        %parallel_loop3A_668 = arith.constant 3 : i32
        %parallel_loop3A_669 = arith.index_cast %parallel_loop3A_475 : i32 to index
        %parallel_loop3A_670 = arith.index_cast %parallel_loop3A_668 : i32 to index
        %parallel_loop3A_671 = arith.index_cast %parallel_loop3A_477 : i32 to index
        %parallel_loop3A_672 = arith.constant 32 : index
        %parallel_loop3A_673 = tpu.vector_load %arg10[%parallel_loop3A_669, %parallel_loop3A_670, %parallel_loop3A_671, %parallel_loop3A_672] {strides = array<i32>} : memref<4x4x8x128xf32, #tpu.memory_space<vmem>>, vector<16xf32>,
        tpu.vector_store %arg10[%parallel_loop3A_669, %parallel_loop3A_670, %parallel_loop3A_671, %parallel_loop3A_672], %parallel_loop3A_667 {strides = array<i32>} : memref<4x4x8x128xf32, #tpu.memory_space<vmem>>, vector<16xf32>,
        %parallel_loop3A_674 = tpu.vector_load_idx %arg8[%add3A_88, %parallel_loop3A_484] : memref<512x33xf32, #tpu.memory_space<vmem>>[vector<16xi32>, vector<16xi32>], vector<16xf32>,
        %parallel_loop3A_675 = arith.constant 3 : i32
        %parallel_loop3A_676 = arith.index_cast %parallel_loop3A_475 : i32 to index
        %parallel_loop3A_677 = arith.index_cast %parallel_loop3A_675 : i32 to index
        %parallel_loop3A_678 = arith.index_cast %parallel_loop3A_477 : i32 to index
        %parallel_loop3A_679 = arith.constant 48 : index
        %parallel_loop3A_680 = tpu.vector_load %arg10[%parallel_loop3A_676, %parallel_loop3A_677, %parallel_loop3A_678, %parallel_loop3A_679] {strides = array<i32>} : memref<4x4x8x128xf32, #tpu.memory_space<vmem>>, vector<16xf32>,
        tpu.vector_store %arg10[%parallel_loop3A_676, %parallel_loop3A_677, %parallel_loop3A_678, %parallel_loop3A_679], %parallel_loop3A_674 {strides = array<i32>} : memref<4x4x8x128xf32, #tpu.memory_space<vmem>>, vector<16xf32>,
        %parallel_loop3A_681 = tpu.vector_load_idx %arg8[%add3A_91, %parallel_loop3A_484] : memref<512x33xf32, #tpu.memory_space<vmem>>[vector<16xi32>, vector<16xi32>], vector<16xf32>,
        %parallel_loop3A_682 = arith.constant 3 : i32
        %parallel_loop3A_683 = arith.index_cast %parallel_loop3A_475 : i32 to index
        %parallel_loop3A_684 = arith.index_cast %parallel_loop3A_682 : i32 to index
        %parallel_loop3A_685 = arith.index_cast %parallel_loop3A_477 : i32 to index
        %parallel_loop3A_686 = arith.constant 64 : index
        %parallel_loop3A_687 = tpu.vector_load %arg10[%parallel_loop3A_683, %parallel_loop3A_684, %parallel_loop3A_685, %parallel_loop3A_686] {strides = array<i32>} : memref<4x4x8x128xf32, #tpu.memory_space<vmem>>, vector<16xf32>,
        tpu.vector_store %arg10[%parallel_loop3A_683, %parallel_loop3A_684, %parallel_loop3A_685, %parallel_loop3A_686], %parallel_loop3A_681 {strides = array<i32>} : memref<4x4x8x128xf32, #tpu.memory_space<vmem>>, vector<16xf32>,
        %parallel_loop3A_688 = tpu.vector_load_idx %arg8[%add3A_94, %parallel_loop3A_484] : memref<512x33xf32, #tpu.memory_space<vmem>>[vector<16xi32>, vector<16xi32>], vector<16xf32>,
        %parallel_loop3A_689 = arith.constant 3 : i32
        %parallel_loop3A_690 = arith.index_cast %parallel_loop3A_475 : i32 to index
        %parallel_loop3A_691 = arith.index_cast %parallel_loop3A_689 : i32 to index
        %parallel_loop3A_692 = arith.index_cast %parallel_loop3A_477 : i32 to index
        %parallel_loop3A_693 = arith.constant 80 : index
        %parallel_loop3A_694 = tpu.vector_load %arg10[%parallel_loop3A_690, %parallel_loop3A_691, %parallel_loop3A_692, %parallel_loop3A_693] {strides = array<i32>} : memref<4x4x8x128xf32, #tpu.memory_space<vmem>>, vector<16xf32>,
        tpu.vector_store %arg10[%parallel_loop3A_690, %parallel_loop3A_691, %parallel_loop3A_692, %parallel_loop3A_693], %parallel_loop3A_688 {strides = array<i32>} : memref<4x4x8x128xf32, #tpu.memory_space<vmem>>, vector<16xf32>,
        %parallel_loop3A_695 = tpu.vector_load_idx %arg8[%add3A_97, %parallel_loop3A_484] : memref<512x33xf32, #tpu.memory_space<vmem>>[vector<16xi32>, vector<16xi32>], vector<16xf32>,
        %parallel_loop3A_696 = arith.constant 3 : i32
        %parallel_loop3A_697 = arith.index_cast %parallel_loop3A_475 : i32 to index
        %parallel_loop3A_698 = arith.index_cast %parallel_loop3A_696 : i32 to index
        %parallel_loop3A_699 = arith.index_cast %parallel_loop3A_477 : i32 to index
        %parallel_loop3A_700 = arith.constant 96 : index
        %parallel_loop3A_701 = tpu.vector_load %arg10[%parallel_loop3A_697, %parallel_loop3A_698, %parallel_loop3A_699, %parallel_loop3A_700] {strides = array<i32>} : memref<4x4x8x128xf32, #tpu.memory_space<vmem>>, vector<16xf32>,
        tpu.vector_store %arg10[%parallel_loop3A_697, %parallel_loop3A_698, %parallel_loop3A_699, %parallel_loop3A_700], %parallel_loop3A_695 {strides = array<i32>} : memref<4x4x8x128xf32, #tpu.memory_space<vmem>>, vector<16xf32>,
        %parallel_loop3A_702 = tpu.vector_load_idx %arg8[%add3A_100, %parallel_loop3A_484] : memref<512x33xf32, #tpu.memory_space<vmem>>[vector<16xi32>, vector<16xi32>], vector<16xf32>,
        %parallel_loop3A_703 = arith.constant 3 : i32
        %parallel_loop3A_704 = arith.index_cast %parallel_loop3A_475 : i32 to index
        %parallel_loop3A_705 = arith.index_cast %parallel_loop3A_703 : i32 to index
        %parallel_loop3A_706 = arith.index_cast %parallel_loop3A_477 : i32 to index
        %parallel_loop3A_707 = arith.constant 112 : index
        %parallel_loop3A_708 = tpu.vector_load %arg10[%parallel_loop3A_704, %parallel_loop3A_705, %parallel_loop3A_706, %parallel_loop3A_707] {strides = array<i32>} : memref<4x4x8x128xf32, #tpu.memory_space<vmem>>, vector<16xf32>,
        tpu.vector_store %arg10[%parallel_loop3A_704, %parallel_loop3A_705, %parallel_loop3A_706, %parallel_loop3A_707], %parallel_loop3A_702 {strides = array<i32>} : memref<4x4x8x128xf32, #tpu.memory_space<vmem>>, vector<16xf32>,
      } {sc.loop_unroll_factor = 4 : i64, sc.parallel_access}
      %mul3A_394 = arith.constant 512 : i32
      %mul3A_395 = arith.muli %add3A_369, %mul3A_394 : i32
      %add3A_396 = arith.addi %mul3A_2, %mul3A_395 : i32
      %jit3A_397 = arith.constant 16384 : i32
      %div3A_398 = arith.divsi %add3A_396, %jit3A_397 : i32
      %sign3A_399 = arith.constant 0 : i32
      %sign3A_400 = arith.cmpi sgt, %add3A_396, %sign3A_399 : i32
      %sign3A_401 = arith.extui %sign3A_400 : i1 to i32
      %sign3A_402 = arith.constant 0 : i32
      %sign3A_403 = arith.cmpi slt, %add3A_396, %sign3A_402 : i32
      %sign3A_404 = arith.extui %sign3A_403 : i1 to i32
      %sign3A_405 = arith.subi %sign3A_401, %sign3A_404 : i32
      %sign3A_406 = arith.constant 0 : i32
      %sign3A_407 = arith.cmpi sgt, %jit3A_397, %sign3A_406 : i32
      %sign3A_408 = arith.extui %sign3A_407 : i1 to i32
      %sign3A_409 = arith.constant 0 : i32
      %sign3A_410 = arith.cmpi slt, %jit3A_397, %sign3A_409 : i32
      %sign3A_411 = arith.extui %sign3A_410 : i1 to i32
      %sign3A_412 = arith.subi %sign3A_408, %sign3A_411 : i32
      %ne3A_413 = arith.cmpi ne, %sign3A_405, %sign3A_412 : i32
      %rem3A_414 = arith.remsi %add3A_396, %jit3A_397 : i32
      %ne3A_415 = arith.constant 0 : i32
      %ne3A_416 = arith.cmpi ne, %rem3A_414, %ne3A_415 : i32
      %and3A_417 = arith.andi %ne3A_413, %ne3A_416 : i1
      %sub3A_418 = arith.constant 1 : i32
      %sub3A_419 = arith.subi %div3A_398, %sub3A_418 : i32
      %select_n3A_420 = arith.select %and3A_417, %sub3A_419, %div3A_398 : i32
      %jit3A_421 = arith.constant 16384 : i32
      %eq3A_422 = arith.constant 0 : i32
      %eq3A_423 = arith.cmpi eq, %jit3A_421, %eq3A_422 : i32
      %jit3A_424 = arith.constant 1 : i32
      %select_n3A_425 = arith.select %eq3A_423, %jit3A_424, %jit3A_421 : i32
      %rem3A_426 = arith.remsi %add3A_396, %select_n3A_425 : i32
      %ne3A_427 = arith.constant 0 : i32
      %ne3A_428 = arith.cmpi ne, %rem3A_426, %ne3A_427 : i32
      %lt3A_429 = arith.constant 0 : i32
      %lt3A_430 = arith.cmpi slt, %rem3A_426, %lt3A_429 : i32
      %lt3A_431 = arith.constant 0 : i32
      %lt3A_432 = arith.cmpi slt, %select_n3A_425, %lt3A_431 : i32
      %ne3A_433 = arith.xori %lt3A_430, %lt3A_432 : i1
      %and3A_434 = arith.andi %ne3A_433, %ne3A_428 : i1
      %add3A_435 = arith.addi %rem3A_426, %select_n3A_425 : i32
      %select_n3A_436 = arith.select %and3A_434, %add3A_435, %rem3A_426 : i32
      %jit3A_437 = arith.constant 512 : i32
      %div3A_438 = arith.divsi %select_n3A_436, %jit3A_437 : i32
      %sign3A_439 = arith.constant 0 : i32
      %sign3A_440 = arith.cmpi sgt, %select_n3A_436, %sign3A_439 : i32
      %sign3A_441 = arith.extui %sign3A_440 : i1 to i32
      %sign3A_442 = arith.constant 0 : i32
      %sign3A_443 = arith.cmpi slt, %select_n3A_436, %sign3A_442 : i32
      %sign3A_444 = arith.extui %sign3A_443 : i1 to i32
      %sign3A_445 = arith.subi %sign3A_441, %sign3A_444 : i32
      %sign3A_446 = arith.constant 0 : i32
      %sign3A_447 = arith.cmpi sgt, %jit3A_437, %sign3A_446 : i32
      %sign3A_448 = arith.extui %sign3A_447 : i1 to i32
      %sign3A_449 = arith.constant 0 : i32
      %sign3A_450 = arith.cmpi slt, %jit3A_437, %sign3A_449 : i32
      %sign3A_451 = arith.extui %sign3A_450 : i1 to i32
      %sign3A_452 = arith.subi %sign3A_448, %sign3A_451 : i32
      %ne3A_453 = arith.cmpi ne, %sign3A_445, %sign3A_452 : i32
      %rem3A_454 = arith.remsi %select_n3A_436, %jit3A_437 : i32
      %ne3A_455 = arith.constant 0 : i32
      %ne3A_456 = arith.cmpi ne, %rem3A_454, %ne3A_455 : i32
      %and3A_457 = arith.andi %ne3A_453, %ne3A_456 : i1
      %sub3A_458 = arith.constant 1 : i32
      %sub3A_459 = arith.subi %div3A_438, %sub3A_458 : i32
      %select_n3A_460 = arith.select %and3A_457, %sub3A_459, %div3A_438 : i32
      %mul3A_461 = arith.constant 4 : i32
      %mul3A_462 = arith.muli %select_n3A_460, %mul3A_461 : i32
      %dma_start3A_463 = arith.constant 0 : i32
      %dma_start3A_464 = arith.constant 0 : i32
      %dma_start3A_465 = arith.constant 0 : i32
      %dma_start3A_466 = tpu.memref_slice %arg4[%select_n3A_420, %dma_start3A_463, %mul3A_462, %dma_start3A_464, %dma_start3A_465] : memref<50x4x128x8x128xf32, #tpu.memory_space<hbm>> -> memref<1x4x4x8x128xf32, #tpu.memory_space<hbm>>
      %dma_start3A_467 = tpu.memref_squeeze %dma_start3A_466 : memref<1x4x4x8x128xf32, #tpu.memory_space<hbm>> -> memref<4x4x8x128xf32, #tpu.memory_space<hbm>>
      %dma_start3A_468 = arith.constant 0 : i32
      %dma_start3A_469 = arith.constant 0 : i32
      %dma_start3A_470 = arith.constant 0 : i32
      %dma_start3A_471 = tpu.memref_slice %arg4[%select_n3A_420, %dma_start3A_468, %mul3A_462, %dma_start3A_469, %dma_start3A_470] : memref<50x4x128x8x128xf32, #tpu.memory_space<hbm>> -> memref<1x4x4x8x128xf32, #tpu.memory_space<hbm>>
      %dma_start3A_472 = tpu.memref_squeeze %dma_start3A_471 : memref<1x4x4x8x128xf32, #tpu.memory_space<hbm>> -> memref<4x4x8x128xf32, #tpu.memory_space<hbm>>
      tpu.enqueue_dma source(%arg10 : memref<4x4x8x128xf32, #tpu.memory_space<vmem>>) target(%dma_start3A_472 : memref<4x4x8x128xf32, #tpu.memory_space<hbm>>) target_semaphore(%arg15 : memref<!tpu.dma_semaphore, #tpu.memory_space<semaphore_mem>>)
    }
    %scan3A_115 = arith.constant 25 : i32
    %add3A_116 = arith.constant 24576 : i32
    %add3A_117 = arith.addi %mul3A_2, %add3A_116 : i32
    %jit3A = arith.constant 16384 : i32
    %div3A = arith.divsi %add3A_117, %jit3A : i32
    %sign3A = arith.constant 0 : i32
    %sign3A_118 = arith.cmpi sgt, %add3A_117, %sign3A : i32
    %sign3A_119 = arith.extui %sign3A_118 : i1 to i32
    %sign3A_120 = arith.constant 0 : i32
    %sign3A_121 = arith.cmpi slt, %add3A_117, %sign3A_120 : i32
    %sign3A_122 = arith.extui %sign3A_121 : i1 to i32
    %sign3A_123 = arith.subi %sign3A_119, %sign3A_122 : i32
    %sign3A_124 = arith.constant 0 : i32
    %sign3A_125 = arith.cmpi sgt, %jit3A, %sign3A_124 : i32
    %sign3A_126 = arith.extui %sign3A_125 : i1 to i32
    %sign3A_127 = arith.constant 0 : i32
    %sign3A_128 = arith.cmpi slt, %jit3A, %sign3A_127 : i32
    %sign3A_129 = arith.extui %sign3A_128 : i1 to i32
    %sign3A_130 = arith.subi %sign3A_126, %sign3A_129 : i32
    %ne3A = arith.cmpi ne, %sign3A_123, %sign3A_130 : i32
    %rem3A = arith.remsi %add3A_117, %jit3A : i32
    %ne3A_131 = arith.constant 0 : i32
    %ne3A_132 = arith.cmpi ne, %rem3A, %ne3A_131 : i32
    %and3A = arith.andi %ne3A, %ne3A_132 : i1
    %sub3A = arith.constant 1 : i32
    %sub3A_133 = arith.subi %div3A, %sub3A : i32
    %select_n3A = arith.select %and3A, %sub3A_133, %div3A : i32
    %jit3A_134 = arith.constant 16384 : i32
    %eq3A = arith.constant 0 : i32
    %eq3A_135 = arith.cmpi eq, %jit3A_134, %eq3A : i32
    %jit3A_136 = arith.constant 1 : i32
    %select_n3A_137 = arith.select %eq3A_135, %jit3A_136, %jit3A_134 : i32
    %rem3A_138 = arith.remsi %add3A_117, %select_n3A_137 : i32
    %ne3A_139 = arith.constant 0 : i32
    %ne3A_140 = arith.cmpi ne, %rem3A_138, %ne3A_139 : i32
    %lt3A = arith.constant 0 : i32
    %lt3A_141 = arith.cmpi slt, %rem3A_138, %lt3A : i32
    %lt3A_142 = arith.constant 0 : i32
    %lt3A_143 = arith.cmpi slt, %select_n3A_137, %lt3A_142 : i32
    %ne3A_144 = arith.xori %lt3A_141, %lt3A_143 : i1
    %and3A_145 = arith.andi %ne3A_144, %ne3A_140 : i1
    %add3A_146 = arith.addi %rem3A_138, %select_n3A_137 : i32
    %select_n3A_147 = arith.select %and3A_145, %add3A_146, %rem3A_138 : i32
    %jit3A_148 = arith.constant 512 : i32
    %div3A_149 = arith.divsi %select_n3A_147, %jit3A_148 : i32
    %sign3A_150 = arith.constant 0 : i32
    %sign3A_151 = arith.cmpi sgt, %select_n3A_147, %sign3A_150 : i32
    %sign3A_152 = arith.extui %sign3A_151 : i1 to i32
    %sign3A_153 = arith.constant 0 : i32
    %sign3A_154 = arith.cmpi slt, %select_n3A_147, %sign3A_153 : i32
    %sign3A_155 = arith.extui %sign3A_154 : i1 to i32
    %sign3A_156 = arith.subi %sign3A_152, %sign3A_155 : i32
    %sign3A_157 = arith.constant 0 : i32
    %sign3A_158 = arith.cmpi sgt, %jit3A_148, %sign3A_157 : i32
    %sign3A_159 = arith.extui %sign3A_158 : i1 to i32
    %sign3A_160 = arith.constant 0 : i32
    %sign3A_161 = arith.cmpi slt, %jit3A_148, %sign3A_160 : i32
    %sign3A_162 = arith.extui %sign3A_161 : i1 to i32
    %sign3A_163 = arith.subi %sign3A_159, %sign3A_162 : i32
    %ne3A_164 = arith.cmpi ne, %sign3A_156, %sign3A_163 : i32
    %rem3A_165 = arith.remsi %select_n3A_147, %jit3A_148 : i32
    %ne3A_166 = arith.constant 0 : i32
    %ne3A_167 = arith.cmpi ne, %rem3A_165, %ne3A_166 : i32
    %and3A_168 = arith.andi %ne3A_164, %ne3A_167 : i1
    %sub3A_169 = arith.constant 1 : i32
    %sub3A_170 = arith.subi %div3A_149, %sub3A_169 : i32
    %select_n3A_171 = arith.select %and3A_168, %sub3A_170, %div3A_149 : i32
    %mul3A_172 = arith.constant 4 : i32
    %mul3A_173 = arith.muli %select_n3A_171, %mul3A_172 : i32
    %dma_wait3A_174 = arith.constant 0 : i32
    %dma_wait3A_175 = arith.constant 0 : i32
    %dma_wait3A_176 = arith.constant 0 : i32
    %dma_wait3A_177 = tpu.memref_slice %arg4[%select_n3A, %dma_wait3A_174, %mul3A_173, %dma_wait3A_175, %dma_wait3A_176] : memref<50x4x128x8x128xf32, #tpu.memory_space<hbm>> -> memref<1x4x4x8x128xf32, #tpu.memory_space<hbm>>
    %dma_wait3A_178 = tpu.memref_squeeze %dma_wait3A_177 : memref<1x4x4x8x128xf32, #tpu.memory_space<hbm>> -> memref<4x4x8x128xf32, #tpu.memory_space<hbm>>
    %dma_wait3A_179 = arith.constant 0 : i32
    %dma_wait3A_180 = arith.constant 0 : i32
    %dma_wait3A_181 = arith.constant 0 : i32
    %dma_wait3A_182 = tpu.memref_slice %arg4[%select_n3A, %dma_wait3A_179, %mul3A_173, %dma_wait3A_180, %dma_wait3A_181] : memref<50x4x128x8x128xf32, #tpu.memory_space<hbm>> -> memref<1x4x4x8x128xf32, #tpu.memory_space<hbm>>
    %dma_wait3A_183 = tpu.memref_squeeze %dma_wait3A_182 : memref<1x4x4x8x128xf32, #tpu.memory_space<hbm>> -> memref<4x4x8x128xf32, #tpu.memory_space<hbm>>
    tpu.wait_dma2 semaphore(%arg14 : memref<!tpu.dma_semaphore, #tpu.memory_space<semaphore_mem>>) src(%arg9 : memref<4x4x8x128xf32, #tpu.memory_space<vmem>>) dst(%dma_wait3A_183 : memref<4x4x8x128xf32, #tpu.memory_space<hbm>>)
    %add3A_184 = arith.constant 25088 : i32
    %add3A_185 = arith.addi %mul3A_2, %add3A_184 : i32
    %jit3A_186 = arith.constant 16384 : i32
    %div3A_187 = arith.divsi %add3A_185, %jit3A_186 : i32
    %sign3A_188 = arith.constant 0 : i32
    %sign3A_189 = arith.cmpi sgt, %add3A_185, %sign3A_188 : i32
    %sign3A_190 = arith.extui %sign3A_189 : i1 to i32
    %sign3A_191 = arith.constant 0 : i32
    %sign3A_192 = arith.cmpi slt, %add3A_185, %sign3A_191 : i32
    %sign3A_193 = arith.extui %sign3A_192 : i1 to i32
    %sign3A_194 = arith.subi %sign3A_190, %sign3A_193 : i32
    %sign3A_195 = arith.constant 0 : i32
    %sign3A_196 = arith.cmpi sgt, %jit3A_186, %sign3A_195 : i32
    %sign3A_197 = arith.extui %sign3A_196 : i1 to i32
    %sign3A_198 = arith.constant 0 : i32
    %sign3A_199 = arith.cmpi slt, %jit3A_186, %sign3A_198 : i32
    %sign3A_200 = arith.extui %sign3A_199 : i1 to i32
    %sign3A_201 = arith.subi %sign3A_197, %sign3A_200 : i32
    %ne3A_202 = arith.cmpi ne, %sign3A_194, %sign3A_201 : i32
    %rem3A_203 = arith.remsi %add3A_185, %jit3A_186 : i32
    %ne3A_204 = arith.constant 0 : i32
    %ne3A_205 = arith.cmpi ne, %rem3A_203, %ne3A_204 : i32
    %and3A_206 = arith.andi %ne3A_202, %ne3A_205 : i1
    %sub3A_207 = arith.constant 1 : i32
    %sub3A_208 = arith.subi %div3A_187, %sub3A_207 : i32
    %select_n3A_209 = arith.select %and3A_206, %sub3A_208, %div3A_187 : i32
    %jit3A_210 = arith.constant 16384 : i32
    %eq3A_211 = arith.constant 0 : i32
    %eq3A_212 = arith.cmpi eq, %jit3A_210, %eq3A_211 : i32
    %jit3A_213 = arith.constant 1 : i32
    %select_n3A_214 = arith.select %eq3A_212, %jit3A_213, %jit3A_210 : i32
    %rem3A_215 = arith.remsi %add3A_185, %select_n3A_214 : i32
    %ne3A_216 = arith.constant 0 : i32
    %ne3A_217 = arith.cmpi ne, %rem3A_215, %ne3A_216 : i32
    %lt3A_218 = arith.constant 0 : i32
    %lt3A_219 = arith.cmpi slt, %rem3A_215, %lt3A_218 : i32
    %lt3A_220 = arith.constant 0 : i32
    %lt3A_221 = arith.cmpi slt, %select_n3A_214, %lt3A_220 : i32
    %ne3A_222 = arith.xori %lt3A_219, %lt3A_221 : i1
    %and3A_223 = arith.andi %ne3A_222, %ne3A_217 : i1
    %add3A_224 = arith.addi %rem3A_215, %select_n3A_214 : i32
    %select_n3A_225 = arith.select %and3A_223, %add3A_224, %rem3A_215 : i32
    %jit3A_226 = arith.constant 512 : i32
    %div3A_227 = arith.divsi %select_n3A_225, %jit3A_226 : i32
    %sign3A_228 = arith.constant 0 : i32
    %sign3A_229 = arith.cmpi sgt, %select_n3A_225, %sign3A_228 : i32
    %sign3A_230 = arith.extui %sign3A_229 : i1 to i32
    %sign3A_231 = arith.constant 0 : i32
    %sign3A_232 = arith.cmpi slt, %select_n3A_225, %sign3A_231 : i32
    %sign3A_233 = arith.extui %sign3A_232 : i1 to i32
    %sign3A_234 = arith.subi %sign3A_230, %sign3A_233 : i32
    %sign3A_235 = arith.constant 0 : i32
    %sign3A_236 = arith.cmpi sgt, %jit3A_226, %sign3A_235 : i32
    %sign3A_237 = arith.extui %sign3A_236 : i1 to i32
    %sign3A_238 = arith.constant 0 : i32
    %sign3A_239 = arith.cmpi slt, %jit3A_226, %sign3A_238 : i32
    %sign3A_240 = arith.extui %sign3A_239 : i1 to i32
    %sign3A_241 = arith.subi %sign3A_237, %sign3A_240 : i32
    %ne3A_242 = arith.cmpi ne, %sign3A_234, %sign3A_241 : i32
    %rem3A_243 = arith.remsi %select_n3A_225, %jit3A_226 : i32
    %ne3A_244 = arith.constant 0 : i32
    %ne3A_245 = arith.cmpi ne, %rem3A_243, %ne3A_244 : i32
    %and3A_246 = arith.andi %ne3A_242, %ne3A_245 : i1
    %sub3A_247 = arith.constant 1 : i32
    %sub3A_248 = arith.subi %div3A_227, %sub3A_247 : i32
    %select_n3A_249 = arith.select %and3A_246, %sub3A_248, %div3A_227 : i32
    %mul3A_250 = arith.constant 4 : i32
    %mul3A_251 = arith.muli %select_n3A_249, %mul3A_250 : i32
    %dma_wait3A_252 = arith.constant 0 : i32
    %dma_wait3A_253 = arith.constant 0 : i32
    %dma_wait3A_254 = arith.constant 0 : i32
    %dma_wait3A_255 = tpu.memref_slice %arg4[%select_n3A_209, %dma_wait3A_252, %mul3A_251, %dma_wait3A_253, %dma_wait3A_254] : memref<50x4x128x8x128xf32, #tpu.memory_space<hbm>> -> memref<1x4x4x8x128xf32, #tpu.memory_space<hbm>>
    %dma_wait3A_256 = tpu.memref_squeeze %dma_wait3A_255 : memref<1x4x4x8x128xf32, #tpu.memory_space<hbm>> -> memref<4x4x8x128xf32, #tpu.memory_space<hbm>>
    %dma_wait3A_257 = arith.constant 0 : i32
    %dma_wait3A_258 = arith.constant 0 : i32
    %dma_wait3A_259 = arith.constant 0 : i32
    %dma_wait3A_260 = tpu.memref_slice %arg4[%select_n3A_209, %dma_wait3A_257, %mul3A_251, %dma_wait3A_258, %dma_wait3A_259] : memref<50x4x128x8x128xf32, #tpu.memory_space<hbm>> -> memref<1x4x4x8x128xf32, #tpu.memory_space<hbm>>
    %dma_wait3A_261 = tpu.memref_squeeze %dma_wait3A_260 : memref<1x4x4x8x128xf32, #tpu.memory_space<hbm>> -> memref<4x4x8x128xf32, #tpu.memory_space<hbm>>
    tpu.wait_dma2 semaphore(%arg15 : memref<!tpu.dma_semaphore, #tpu.memory_space<semaphore_mem>>) src(%arg10 : memref<4x4x8x128xf32, #tpu.memory_space<vmem>>) dst(%dma_wait3A_261 : memref<4x4x8x128xf32, #tpu.memory_space<hbm>>)
    return
  }
}

</mosaic_0001>

<sc_bundles>
// kernel: _lookup.3.cloned.1.call-start
scs
__scs_entry_jumppad:
0x0: {  	(pc) =	sbr.rel $0x88, $3  }
0x1: {  	(tag) =	ssettag $0x0;
	lr =	simm.s32 $0x1  }
0x2: {  	[smem:$0x3F9F] =	sst lr;
	_ =	strace $0xD0000000  }
0x3: {  	_ = 	snop  }
0x4: {  	_ = 	snop  }
0x5: {  	_ = 	snop  }
0x6: {  	_ = 	snop  }
0x7: {  	_ = 	snop  }
__scs_overlays_trampoline_lowered:
0x8: {  	[smem:$0x3FAE] =	sst s0  }
0x9: {  	[smem:$0x3FAF] =	sst s1  }
0xa: {  	[smem:$0x3FB0] =	sst s2  }
0xb: {  	[smem:$0x3FB1] =	sst s3  }
0xc: {  	[smem:$0x3FB2] =	sst s4  }
0xd: {  	[smem:$0x3FB3] =	sst s5  }
0xe: {  	[smem:$0x3FB4] =	sst s6  }
0xf: {  	[smem:$0x3FB5] =	sst s7  }
0x10: {  	[smem:$0x3FB6] =	sst s8  }
0x11: {  	[smem:$0x3FB7] =	sst s9;
	s0 =	simm.s32 @!p0 $0x0  }
0x12: {  	s1 =	sld [smem:$0x3F9D];
	s0 =	simm.s32 @p0 $0x1  }
0x13: {  	[smem:$0x3FB8] =	sst s0;
	s0 =	simm.s32 @!p1 $0x0  }
0x14: {  	s2 =	sld [smem:$0x3F9C];
	s0 =	simm.s32 @p1 $0x1  }
0x15: {  	[smem:$0x3FB9] =	sst s0;
	s0 =	simm.s32 @!p2 $0x0  }
0x16: {  	s3 =	sld [smem:$0x3FDB];
	s0 =	simm.s32 @p2 $0x1  }
0x17: {  	s4 =	simm.s32 $0x1BF5;
	[smem:$0x3FBB] =	sst s0  }
0x18: {  	s0 =	sld [smem:$0x3F9E];
	_ =	swait.ge [sflag:s4], $0x0  }
0x19: {  	s7 =	sld [smem:$0x3F9F]  }
0x1a: {  	s8 =	sadd.s32 $0xFFFFE003, lr  }
0x1b: {  	s9 =	sadd.s32 $0xFFFFFEF7, lr;
	s5 =	simm.s32 $0xFFFFFFFF;
	p2 =	slt.u32 s8, $0xFFFFF086  }
0x1c: {  	p1 =	slt.u32 s9, $0xF7A;
	s5 =	simm.s32 @!p2 $0x0  }
0x1d: {  	s5 =	simm.s32 @p1 $0x1;
	p0 =	seq.s32 s7, s2  }
0x1e: {  	s7 =	smul.u32 @!p0 $0xF7A, s2;
	p2 =	seq.s32 @!p0 s5, $0x0  }
0x1f: {  	s9 =	smul.u32 $0xF7A, s1;
	s8 =	simm.s32 @!p0 $0x1BF5;
	p2 =	por !p2, p0  }
0x20: {  	[sflag:s8] =	ssyncset.s32 @!p0 $0xFFFFF086;
	s6 =	sadd.s32 @!p0 s3, s7;
	s7 =	simm.s32 @!p0 $0x108  }
0x21: {  	s3 =	sadd.s32 s3, s9;
	s6 =	sadd.s32 @!p0 $0x88, s6;
	s7 =	simm.s32 @p2 $0x1082  }
0x22: {  	[simem:s7], [sflag:s8] =	dma.local @!p0 [hbm:s6], $0xF7A  }
0x23: {  	s9 =	sor.u32 $0xD0000000, s2;
	s6 =	simm.s32 $0x108;
	_ =	swait.ge @!p0 [sflag:s8], $0x0  }
0x24: {  	s3 =	sadd.s32 $0x88, s3;
	s6 =	simm.s32 @!p1 $0x1082;
	[sflag:s4] =	ssyncset.s32 $0xFFFFF086  }
0x25: {  	[simem:s6], [sflag:s4] =	dma.local [hbm:s3], $0xF7A  }
0x26: {  	[smem:$0x3F9F] =	sst s1;
	(tag) =	ssettag s2;
	_ =	strace s9  }
0x27: {  	s1 =	sld [smem:$0x3FAF]  }
0x28: {  	s2 =	sld [smem:$0x3FB0]  }
0x29: {  	s4 =	sld [smem:$0x3FB2]  }
0x2a: {  	p0 =	seq.s32 s5, $0x0;
	s5 =	sld [smem:$0x3FB3]  }
0x2b: {  	s6 =	sld [smem:$0x3FB4]  }
0x2c: {  	s7 =	sld [smem:$0x3FB5]  }
0x2d: {  	s3 =	simm.s32 $0x108;
	s8 =	sld [smem:$0x3FB6]  }
0x2e: {  	s3 =	simm.s32 @!p0 $0x1082;
	s9 =	sld [smem:$0x3FB7]  }
0x2f: {  	lr =	sadd.s32 s0, s3;
	s0 =	sld [smem:$0x3FAE]  }
0x30: {  	s3 =	sld [smem:$0x3FB1]  }
0x31: {  	[smem:$0x3FBA] =	sst s10  }
0x32: {  	s10 =	sld [smem:$0x3FB8];
	_ =	sdelay $0x3  }
0x33: {  	p0 =	seq.s32 s10, $0x1;
	s10 =	sld [smem:$0x3FBA];
	_ =	sdelay $0x3  }
0x34: {  	[smem:$0x3FBA] =	sst s10  }
0x35: {  	s10 =	sld [smem:$0x3FB9];
	_ =	sdelay $0x3  }
0x36: {  	p1 =	seq.s32 s10, $0x1;
	s10 =	sld [smem:$0x3FBA];
	_ =	sdelay $0x3  }
0x37: {  	[smem:$0x3FBA] =	sst s10  }
0x38: {  	s10 =	sld [smem:$0x3FBB]  }
0x39: {  	_ = 	snop;
	(pc) =	sbr.ind lr, $3  }
0x3a: {  	_ = 	snop  }
0x3b: {  	_ = 	snop  }
0x3c: {  	p2 =	seq.s32 s10, $0x1;
	s10 =	sld [smem:$0x3FBA]  }
0x3d: {  	_ =	shalt  }
0x3e: {  	_ =	shalt  }
0x3f: {  	_ =	shalt  }
0x40: {  	_ =	shalt  }
0x41: {  	_ =	shalt  }
0x42: {  	_ =	shalt  }
0x43: {  	_ =	shalt  }
0x44: {  	_ =	shalt  }
0x45: {  	_ =	shalt  }
0x46: {  	_ =	shalt  }
0x47: {  	_ =	shalt  }
0x48: {  	_ =	shalt  }
0x49: {  	_ =	shalt  }
0x4a: {  	_ =	shalt  }
0x4b: {  	_ =	shalt  }
0x4c: {  	_ =	shalt  }
0x4d: {  	_ =	shalt  }
0x4e: {  	_ =	shalt  }
0x4f: {  	_ =	shalt  }
0x50: {  	_ =	shalt  }
0x51: {  	_ =	shalt  }
0x52: {  	_ =	shalt  }
0x53: {  	_ =	shalt  }
0x54: {  	_ =	shalt  }
0x55: {  	_ =	shalt  }
0x56: {  	_ =	shalt  }
0x57: {  	_ =	shalt  }
0x58: {  	_ =	shalt  }
0x59: {  	_ =	shalt  }
0x5a: {  	_ =	shalt  }
0x5b: {  	_ =	shalt  }
0x5c: {  	_ =	shalt  }
0x5d: {  	_ =	shalt  }
0x5e: {  	_ =	shalt  }
0x5f: {  	_ =	shalt  }
0x60: {  	_ =	shalt  }
0x61: {  	_ =	shalt  }
0x62: {  	_ =	shalt  }
0x63: {  	_ =	shalt  }
0x64: {  	_ =	shalt  }
0x65: {  	_ =	shalt  }
0x66: {  	_ =	shalt  }
0x67: {  	_ =	shalt  }
0x68: {  	_ =	shalt  }
0x69: {  	_ =	shalt  }
0x6a: {  	_ =	shalt  }
0x6b: {  	_ =	shalt  }
0x6c: {  	_ =	shalt  }
0x6d: {  	_ =	shalt  }
0x6e: {  	_ =	shalt  }
0x6f: {  	_ =	shalt  }
0x70: {  	_ =	shalt  }
0x71: {  	_ =	shalt  }
0x72: {  	_ =	shalt  }
0x73: {  	_ =	shalt  }
0x74: {  	_ =	shalt  }
0x75: {  	_ =	shalt  }
0x76: {  	_ =	shalt  }
0x77: {  	_ =	shalt  }
0x78: {  	_ =	shalt  }
0x79: {  	_ =	shalt  }
0x7a: {  	_ =	shalt  }
0x7b: {  	_ =	shalt  }
0x7c: {  	_ =	shalt  }
0x7d: {  	_ =	shalt  }
0x7e: {  	_ =	shalt  }
0x7f: {  	_ =	shalt  }
0x80: {  	_ =	shalt  }
0x81: {  	_ =	shalt  }
0x82: {  	_ =	shalt  }
0x83: {  	_ =	shalt  }
0x84: {  	_ =	shalt  }
0x85: {  	_ =	shalt  }
0x86: {  	_ =	shalt  }
0x87: {  	_ =	shalt  }
.Lfunc_end0:
.L_simem_size_0:
called_computation_lowered:
.L_overlay_start_0:
0x88: {  	s2 =	sld [smem:$0x3FD9]  }
0x89: {  	s3 =	sld [smem:$0x3FFE];
	_ =	sdelay $0x1  }
0x8a: {  	s1 =	srdreg.scid  }
0x8b: {  	s0 =	sand.u32 $0x1, s1  }
0x8c: {  	s17 =	sshll.u32 s0, $0xA;
	s2 =	sadd.s32 s3, s2  }
0x8d: {  	s2 =	sadd.s32 s2, s17  }
0x8e: {  	[smem:$0x3FC6] =	sst s2  }
0x8f: {  	_ = 	snop  }
0x90: {  	s2 =	sld [smem:$0x3FC9]  }
0x91: {  	s18 =	sld [smem:$0x3FD0];
	(tm) =	ssettm $0x1  }
0x92: {  	s4 =	sld [smem:$0x3FFB];
	_ =	sdelay $0x3  }
0x93: {  	_ =	strace s4  }
0x94: {  	s4 =	sld [smem:$0x3FFC];
	_ =	sdelay $0x3  }
0x95: {  	_ =	strace s4  }
0x96: {  	s4 =	sld [smem:$0x3FFD];
	_ =	sdelay $0x3  }
0x97: {  	_ =	strace s4  }
0x98: {  	_ =	strace $0x8FFFFFFF  }
0x99: {  	s19 =	sld [smem:$0x3FDB];
	_ =	sdelay $0x1  }
0x9a: {  	s5 =	simm.s32 $_scs_section_size  }
0x9b: {  	s6 =	simm.s32 $_size__tile_overlayer_lowered;
	s7 =	simm.s32 $_tile_overlayer_lowered  }
0x9c: {  	s22 =	simm.s32 $0x1BFF;
	s21 =	sshll.u32 s7, $0x1;
	s4 =	sadd.s32 s5, s19  }
0x9d: {  	s8 =	simm.s32 $0x0;
	s20 =	sshll.u32 s6, $0x1;
	s6 =	sadd.s32 s21, s4  }
0x9e: {  	[timem:s8], [sflag:s22] =	dma.local [hbm:s6], s20  }
0x9f: {  	_ =	swait.ge [sflag:s22], s20  }
0xa0: {  	s5 =	ssub.s32 $0x0, s20;
	[sflag:s22] =	ssyncset.done $0x0  }
0xa1: {  	[sflag:s22] =	ssyncadd.s32 s5;
	_ =	sdelay $0x1  }
0xa2: {  	s23 =	simm.s32 $0x1B8B  }
0xa3: {  	_ =	swait.ge [sflag:s23], $0x1  }
0xa4: {  	[sflag:s23] =	ssyncset.done $0x0  }
0xa5: {  	s25 =	simm.s32 $0x1B8E;
	s24 =	sld [smem:$0x3FFE];
	[sflag:s23] =	ssyncadd.s32 $0xFFFFFFFF  }
0xa6: {  	s26 =	simm.s32 $execute0_lowered;
	[smem:$0x3FD2] =	sst s25  }
0xa7: {  	s6 =	sshll.u32 s26, $0x1;
	_ =	strace $0x80000046;
	[dreg:$0x1] =	wrdreg $0xFFFFFFFF  }
0xa8: {  	s28 =	simm.s32 $_size_execute0_lowered;
	s4 =	sadd.s32 s4, s6;
	[dreg:$0x0] =	wrdreg $0x0  }
0xa9: {  	s6 =	sshll.u32 s28, $0x1;
	[dreg:$0x2] =	wrdreg s4  }
0xaa: {  	[dreg:$0x3] =	wrdreg s6  }
0xab: {  	[dreg:$0x4] =	wrdreg $0xC0  }
0xac: {  	_ =	task [dreg:s8], $0x5FFFF  }
0xad: {  	[dreg:$0x1] =	wrdreg $0xFFFFFFFF  }
0xae: {  	[dreg:$0x0] =	wrdreg $0x60  }
0xaf: {  	[dreg:$0x2] =	wrdreg s24  }
0xb0: {  	[dreg:$0x3] =	wrdreg s2  }
0xb1: {  	[dreg:$0x4] =	wrdreg s18  }
0xb2: {  	[dreg:$0x5] =	wrdreg $0x9  }
0xb3: {  	_ =	task.clear_ibuf [dreg:s8], $0x6FFFF;
	_ =	strace $0x90000046  }
0xb4: {  	s29 =	simm.s32 $0x9;
	_ =	strace $0x80000048  }
0xb5: {  	_ =	swait.ge [sflag:s29], $0x1  }
0xb6: {  	[sflag:s29] =	ssyncadd.s32 $0xFFFFFFFF  }
0xb7: {  	_ =	strace $0x90000048  }
0xb8: {  	_ =	sfence  }
0xb9: {  	s30 =	sld [smem:$0x0];
	_ =	sdelay $0x2  }
0xba: {  	s31 =	sshll.u32 s1, $0xD;
	s1 =	sshrl.u32 s1, $0x2  }
0xbb: {  	s3 =	sand.u32 $0x4000, s31;
	s1 =	sadd.s32 s1, s30  }
0xbc: {  	s0 =	sor.u32 s3, s0;
	s1 =	sshll.u32 s1, $0x11  }
0xbd: {  	s0 =	sor.u32 s1, s0  }
0xbe: {  	s0 =	sadd.s32 $0x8F2B, s0  }
0xbf: {  	[sflag:s0] =	ssyncadd.remote.s32 $0x1  }
0xc0: {  	_ =	sfence.sel $0xFFFF  }
0xc1: {  	[dreg:$0x0] =	wrdreg $0xFFFFFFFF;
	(pc) =	sbr.abs _section_cstart, $3  }
0xc2: {  	[dreg:$0x1] =	wrdreg $0xFFFFFFFF  }
0xc3: {  	_ =	task.clear_ibuf [dreg:s8], $0x2FFFF;
	_ =	strace $0x9FFFFFFF  }
0xc4: {  	(tm) =	ssettm $0x7FFFFFFF  }
0xc5: {  	_ =	shalt  }
tec
execute0_lowered:
.L_overlay_start_1:
0x0: {  	(tag) =	ssettag $0x1  }
0x1: {  	v0 =	vlaneseq.u32  }
0x2: {  	v62 =	vmul.u32 $0x28, v0;
	_ =	sdelay $0x1  }
0x3: {  	v0 =	vadd.s32 $0xA00, v62  }
0x4: {  	v61 =	vor.u32 $0x1400, v62;
	[tilespmem:$0x1FE00] =	vst v0  }
0x5: {  	s0 =	rddreg [dreg:$0x0];
	s4 =	simm.s32 $0x0;
	v63 =	vadd.s32 $0x1900, v62;
	[tilespmem:$0x1FE10] =	vst v61  }
0x6: {  	[smem:$0x7FF] =	sst s4;
	[tilespmem:$0x1FE20] =	vst v63  }
0x7: {  	s2 =	rddreg [dreg:$0x1];
	v30 =	vadd.s32 $0x280, v62;
	_ =	strace $0x80000047;
	[tilespmem:$0x1FE30] =	vst v62  }
0x8: {  	v31 =	vadd.s32 $0x500, v62;
	[tilespmem:$0x1FE40] =	vst v30  }
0x9: {  	v32 =	vadd.s32 $0x780, v62;
	[tilespmem:$0x1FE50] =	vst v31  }
0xa: {  	v34 =	vadd.s32 $0xF00, v62;
	[tilespmem:$0x1FE60] =	vst v32  }
0xb: {  	v33 =	vadd.s32 $0x1180, v62;
	[tilespmem:$0x1FE70] =	vst v34  }
0xc: {  	v39 =	vadd.s32 $0x1680, v62;
	[tilespmem:$0x1FE80] =	vst v33  }
0xd: {  	v27 =	vadd.s32 $0x1B80, v62;
	[tilespmem:$0x1FE90] =	vst v39  }
0xe: {  	v63 =	vadd.s32 $0x1E00, v62;
	[tilespmem:$0x1FEA0] =	vst v27  }
0xf: {  	v59 =	vadd.s32 $0x2080, v62;
	[tilespmem:$0x1FEB0] =	vst v63  }
0x10: {  	v57 =	vadd.s32 $0x2300, v62;
	[tilespmem:$0x1FEC0] =	vst v59  }
0x11: {  	v28 =	vadd.s32 $0x2580, v62;
	[tilespmem:$0x1FED0] =	vst v57  }
0x12: {  	v40 =	vor.u32 $0x2800, v62;
	[tilespmem:$0x1FEE0] =	vst v28  }
0x13: {  	v41 =	vadd.s32 $0x2A80, v62;
	[tilespmem:$0x1FEF0] =	vst v40  }
0x14: {  	v36 =	vadd.s32 $0x2D00, v62;
	[tilespmem:$0x1FF00] =	vst v41  }
0x15: {  	v47 =	vadd.s32 $0x2F80, v62;
	[tilespmem:$0x1FF10] =	vst v36  }
0x16: {  	v46 =	vadd.s32 $0x3200, v62;
	[tilespmem:$0x1FF20] =	vst v47  }
0x17: {  	v37 =	vadd.s32 $0x3480, v62;
	[tilespmem:$0x1FF30] =	vst v46  }
0x18: {  	v58 =	vadd.s32 $0x3700, v62;
	[tilespmem:$0x1FF40] =	vst v37  }
0x19: {  	v13 =	vadd.s32 $0xC80, v62;
	[tilespmem:$0x1FF50] =	vst v58  }
0x1a: {  	v43 =	vadd.s32 $0x3980, v62;
	[tilespmem:$0x1FF60] =	vst v13  }
0x1b: {  	s1 =	srdreg.scid;
	s3 =	stileid.u32;
	v14 =	vor.u32 $0x3C00, v62;
	[tilespmem:$0x1FF70] =	vst v43  }
0x1c: {  	s1 =	sand.u32 $0x1, s1;
	s3 =	sshll.u32 s3, $0x1;
	v45 =	vadd.s32 $0x3E80, v62;
	[tilespmem:$0x1FF80] =	vst v14  }
0x1d: {  	s3 =	sor.u32 s1, s3;
	v48 =	vadd.s32 $0x4100, v62;
	[tilespmem:$0x1FF90] =	vst v45  }
0x1e: {  	s1 =	ssub.s32 $0x2, s1;
	s5 =	smul.u32 $0x6400, s3;
	v51 =	vadd.s32 $0x4380, v62;
	[tilespmem:$0x1FFA0] =	vst v48  }
0x1f: {  	s28 =	sshrl.u32 s1, $0x1;
	v52 =	vadd.s32 $0x4600, v62;
	[tilespmem:$0x1FFB0] =	vst v51  }
0x20: {  	s0 =	sadd.s32 $0xF42800, s0;
	v53 =	vadd.s32 $0x4880, v62;
	s30 =	ssub.s32 s1, s28;
	[smem:$0x7FA] =	sst s5;
	[tilespmem:$0x1FFC0] =	vst v52  }
0x21: {  	v29 =	vadd.s32 $0x4B00, v62;
	s29 =	sshrl.u32 s5, $0x3;
	[smem:$0x7FB] =	sst s0;
	s0 =	smax.u32 s30, $0x1;
	[tilespmem:$0x1FFD0] =	vst v53  }
0x22: {  	v55 =	vadd.s32 $0x4D80, v62;
	[tilespmem:$0x1FFE0] =	vst v29;
	s31 =	sadd.s32 s2, s29;
	[smem:$0x7FD] =	sst s0  }
0x23: {  	s13 =	simm.s32 $0xE400;
	[tilespmem:$0x1FFF0] =	vst v55;
	s2 =	simm.s32 $0x0;
	[smem:$0x7FC] =	sst s31  }
.LBB2_1:
0x24: {  	s1 =	sld [smem:$0x7FC];
	_ =	sdelay $0x1  }
0x25: {  	[smem:$0x7F9] =	sst s2;
	s0 =	simm.s32 $0x0;
	s28 =	simm.s32 $0x1  }
0x26: {  	[tilespmem:s0], [sflag:$0x1] =	stream.linear.gather [hbm4b:s1+s0], $0x6400, $0x38;
	[tilespmem:$0x1B400] =	vst v63  }
0x27: {  	_ =	swait.ge [sflag:s28], $0x6400  }
0x28: {  	s29 =	sld [smem:$0x7FB]  }
0x29: {  	[sflag:s28] =	ssyncset.done $0x0  }
0x2a: {  	s30 =	simm.s32 $0x200;
	s3 =	simm.s32 $0x6400;
	[sflag:s28] =	ssyncadd.s32 $0xFFFF9C00  }
0x2b: {  	[tilespmem:s3], [sflag:$0x2] =	stream.indirect.gather [hbm4b:s29+s30], $0x20, s0, s30, $0xb8;
	[tilespmem:$0x1B400] =	vst v63  }
0x2c: {  	s31 =	simm.s32 $0xA400;
	s4 =	simm.s32 $0x0  }
0x2d: {  	[tilespmem:s31], [sflag:$0x3] =	stream.indirect.gather [hbm4b:s29+s30], $0x20, s30, s30, $0xb8;
	[tilespmem:$0x1B400] =	vst v63  }
.LBB2_2:
0x2e: {  	s0 =	simm.s32 $0x2  }
0x2f: {  	_ =	swait.ge [sflag:s0], $0x4000  }
0x30: {  	[sflag:s0] =	ssyncset.done $0x0  }
0x31: {  	s2 =	simm.s32 $0x6480;
	[sflag:s0] =	ssyncadd.s32 $0xFFFFC000  }
0x32: {  	v0 =	vld [tilespmem:s2+$0x60]  }
0x33: {  	v1 =	vld [tilespmem:s2+$0xFFFFFFA0]  }
0x34: {  	v2 =	vld [tilespmem:s2+$0xFFFFFFC0]  }
0x35: {  	v3 =	vld [tilespmem:s2+$0xFFFFFFE0]  }
0x36: {  	s0 =	simm.s32 $0xE4A0;
	v4 =	vld [tilespmem:s2+$0x0]  }
0x37: {  	v5 =	vld [tilespmem:s2+$0x20];
	[tilespmem:s0+$0x78] =	vst v0  }
0x38: {  	v6 =	vld [tilespmem:s2+$0xFFFFFF80];
	[tilespmem:s0+$0xFFFFFF88] =	vst v1  }
0x39: {  	[tilespmem:s0+$0xFFFFFFB0] =	vst v2;
	v1 =	vld [tilespmem:s2+$0x70]  }
0x3a: {  	v2 =	vld [tilespmem:s2+$0x40];
	[tilespmem:s0+$0xFFFFFFD8] =	vst v3  }
0x3b: {  	[tilespmem:s0+$0x0] =	vst v4;
	v7 =	vld [tilespmem:s2+$0xFFFFFFB0]  }
0x3c: {  	[tilespmem:s0+$0x28] =	vst v5;
	v4 =	vld [tilespmem:s2+$0xFFFFFFD0]  }
0x3d: {  	[tilespmem:s0+$0xFFFFFF60] =	vst v6;
	v0 =	vld [tilespmem:s2+$0xFFFFFFF0]  }
0x3e: {  	[tilespmem:s0+$0x88] =	vst v1;
	v1 =	vld [tilespmem:s2+$0x10]  }
0x3f: {  	v3 =	vld [tilespmem:s2+$0x30];
	[tilespmem:s0+$0x50] =	vst v2  }
0x40: {  	v2 =	vld [tilespmem:s2+$0xFFFFFF90];
	[tilespmem:s0+$0xFFFFFF98] =	vst v7  }
0x41: {  	s1 =	simm.s32 $0x0;
	[tilespmem:s0+$0xFFFFFFC0] =	vst v4;
	v4 =	vld [tilespmem:s2+$0x50];
	s2 =	simm.s32 $0x6580  }
.LBB2_3:
0x42: {  	v5 =	vld [tilespmem:s2+$0x60];
	s1 =	sadd.s32 $0x8, s1;
	[tilespmem:s0+$0xFFFFFFE8] =	vst v0  }
0x43: {  	v0 =	vld [tilespmem:s2+$0xFFFFFFA0];
	p0 =	slt.u32 s1, $0x1F8;
	[tilespmem:s0+$0x10] =	vst v1  }
0x44: {  	v1 =	vld [tilespmem:s2+$0xFFFFFFC0];
	[tilespmem:s0+$0x38] =	vst v3  }
0x45: {  	v3 =	vld [tilespmem:s2+$0xFFFFFFE0];
	[tilespmem:s0+$0xFFFFFF70] =	vst v2  }
0x46: {  	v2 =	vld [tilespmem:s2+$0x0];
	[tilespmem:s0+$0x60] =	vst v4;
	s0 =	sadd.s32 $0x140, s0  }
0x47: {  	v4 =	vld [tilespmem:s2+$0x20];
	[tilespmem:s0+$0x78] =	vst v5  }
0x48: {  	[tilespmem:s0+$0xFFFFFF88] =	vst v0;
	v5 =	vld [tilespmem:s2+$0x70]  }
0x49: {  	[tilespmem:s0+$0xFFFFFFB0] =	vst v1;
	v6 =	vld [tilespmem:s2+$0x40]  }
0x4a: {  	v7 =	vld [tilespmem:s2+$0xFFFFFF80];
	[tilespmem:s0+$0xFFFFFFD8] =	vst v3  }
0x4b: {  	v8 =	vld [tilespmem:s2+$0xFFFFFFB0];
	[tilespmem:s0+$0x0] =	vst v2  }
0x4c: {  	v9 =	vld [tilespmem:s2+$0xFFFFFFD0];
	[tilespmem:s0+$0x28] =	vst v4  }
.Ltmp0:
0x4d: {  	v0 =	vld [tilespmem:s2+$0xFFFFFFF0];
	[tilespmem:s0+$0x88] =	vst v5;
	(pc) =	sbr.rel @p0 .LBB2_3-.Ltmp0, $4  }
0x4e: {  	v1 =	vld [tilespmem:s2+$0x10];
	[tilespmem:s0+$0x50] =	vst v6  }
0x4f: {  	[tilespmem:s0+$0xFFFFFF60] =	vst v7;
	v3 =	vld [tilespmem:s2+$0x30]  }
0x50: {  	v2 =	vld [tilespmem:s2+$0xFFFFFF90];
	[tilespmem:s0+$0xFFFFFF98] =	vst v8  }
0x51: {  	[tilespmem:s0+$0xFFFFFFC0] =	vst v9;
	v4 =	vld [tilespmem:s2+$0x50];
	s2 =	sadd.s32 $0x100, s2  }
0x52: {  	[tilespmem:s0+$0xFFFFFFE8] =	vst v0  }
0x53: {  	p0 =	seq.s32 s4, $0x18;
	[tilespmem:s0+$0x10] =	vst v1  }
0x54: {  	p1 =	seq.s32 @!p0 s4, $0x0;
	[tilespmem:s0+$0x38] =	vst v3  }
0x55: {  	p1 =	por p0, !p1;
	[tilespmem:s0+$0xFFFFFF70] =	vst v2  }
.Ltmp1:
0x56: {  	s1 =	sshll.u32 s4, $0xC;
	[tilespmem:s0+$0x60] =	vst v4;
	(pc) =	sbr.rel @!p1 .LBB2_5-.Ltmp1, $4  }
0x57: {  	s1 =	sshrl.u32 @!p0 s1, $0x2;
	s3 =	sld [smem:$0x7FB]  }
0x58: {  	s2 =	simm.s32 @!p0 $0x6400;
	[smem:$0x7F7] =	sst s1  }
0x59: {  	s0 =	sadd.s32 @!p0 $0x400, s1;
	s1 =	simm.s32 @!p0 $0x200;
	[smem:$0x7F8] =	sst s4  }
0x5a: {  	[tilespmem:s2], [sflag:$0x2] =	stream.indirect.gather @!p0 [hbm4b:s3+s1], $0x20, s0, s1, $0xb8;
	[tilespmem:$0x1B400] =	vst v63  }
.Ltmp2:
0x5b: {  	(pc) =	sbr.rel .LBB2_7-.Ltmp2, $4  }
0x5c: {  	s0 =	simm.s32 $0x4  }
0x5d: {  	_ =	swait.ge [sflag:s0], $0x4000  }
0x5e: {  	[sflag:s0] =	ssyncset.done $0x0  }
0x5f: {  	p1 =	por $0x0, $0x0;
	[sflag:s0] =	ssyncadd.s32 $0xFFFFC000  }
.LBB2_5:
0x60: {  	p1 =	por @!p0 $0x1, $0x1  }
.LBB2_7:
0x61: {  	s2 =	simm.s32 $0x0  }
0x62: {  	s0 =	sand.u32 $0x4, s2  }
0x63: {  	s3 =	sand.u32 $0x18, s2;
	s4 =	sor.u32 $0x3, s0  }
0x64: {  	s9 =	sor.u32 s3, s4  }
0x65: {  	s6 =	sor.u32 $0x1, s0;
	v0 =	vadd.s32 s9, v62  }
0x66: {  	s1 =	sor.u32 s3, s6  }
0x67: {  	s7 =	sor.u32 $0x2, s0;
	v1 =	vadd.s32 s1, v62  }
0x68: {  	s0 =	sor.u32 s3, s7  }
0x69: {  	v2 =	vadd.s32 s0, v62  }
0x6a: {  	v3 =	vmov s2;
	v4 =	vld.idx.msk [tilespmem:v0+s13+$0x0], $0xffff  }
0x6b: {  	s8 =	simm.s32 $0x0;
	v0 =	vand.u32 $0x1C, v3;
	v3 =	vadd.s32 s9, v30  }
0x6c: {  	s29 =	sand.u32 $0x3000, s8;
	v1 =	vld.idx.msk [tilespmem:v1+s13+$0x0], $0xffff;
	v5 =	vadd.s32 v62, v0  }
0x6d: {  	s10 =	sadd.s32 $0x13400, s29;
	s30 =	sshll.u32 s4, $0x7;
	v6 =	vadd.s32 s1, v30  }
0x6e: {  	s5 =	sor.u32 s30, s10;
	v2 =	vld.idx.msk [tilespmem:v2+s13+$0x0], $0xffff  }
0x6f: {  	s31 =	sshll.u32 s6, $0x7;
	[tilespmem:s5+$0x0] =	vst v4  }
0x70: {  	v7 =	vadd.s32 s0, v30;
	s6 =	sor.u32 s31, s10;
	v3 =	vld.idx.msk [tilespmem:v3+s13+$0x0], $0xffff  }
0x71: {  	s3 =	sshll.u32 s7, $0x7;
	[tilespmem:s6+$0x0] =	vst v1;
	v1 =	vadd.s32 s9, v31;
	v4 =	vld.idx.msk [tilespmem:v5+s13+$0x0], $0xffff  }
0x72: {  	s7 =	sor.u32 s3, s10;
	v5 =	vadd.s32 v30, v0;
	v6 =	vld.idx.msk [tilespmem:v6+s13+$0x0], $0xffff  }
0x73: {  	[tilespmem:s7+$0x0] =	vst v2;
	v2 =	vadd.s32 s1, v31  }
0x74: {  	s8 =	sand.u32 $0x200, s8  }
0x75: {  	s4 =	sor.u32 s8, s10;
	v7 =	vld.idx.msk [tilespmem:v7+s13+$0x0], $0xffff;
	[tilespmem:s5+$0x10] =	vst v3  }
0x76: {  	[tilespmem:s4+$0x0] =	vst v4;
	v1 =	vld.idx.msk [tilespmem:v1+s13+$0x0], $0xffff  }
0x77: {  	[tilespmem:s6+$0x10] =	vst v6;
	v3 =	vld.idx.msk [tilespmem:v5+s13+$0x0], $0xffff  }
0x78: {  	v2 =	vld.idx.msk [tilespmem:v2+s13+$0x0], $0xffff;
	_ =	sdelay $0x1  }
0x79: {  	[tilespmem:s7+$0x10] =	vst v7  }
0x7a: {  	[tilespmem:s5+$0x20] =	vst v1  }
0x7b: {  	v8 =	vadd.s32 s0, v31;
	[tilespmem:s4+$0x10] =	vst v3  }
0x7c: {  	v4 =	vadd.s32 s9, v32;
	[tilespmem:s6+$0x20] =	vst v2  }
0x7d: {  	v5 =	vadd.s32 v31, v0;
	v15 =	vld [tilespmem:$0x1FE00]  }
0x7e: {  	v6 =	vadd.s32 s1, v32;
	_ =	sdelay $0x1  }
0x7f: {  	v7 =	vld.idx.msk [tilespmem:v8+s13+$0x0], $0xffff  }
0x80: {  	v8 =	vadd.s32 s0, v32;
	v1 =	vld.idx.msk [tilespmem:v4+s13+$0x0], $0xffff  }
0x81: {  	v3 =	vld.idx.msk [tilespmem:v5+s13+$0x0], $0xffff;
	v2 =	vadd.s32 s9, v15  }
0x82: {  	v4 =	vadd.s32 v32, v0;
	v5 =	vld.idx.msk [tilespmem:v6+s13+$0x0], $0xffff  }
0x83: {  	v6 =	vadd.s32 s1, v15  }
0x84: {  	[tilespmem:s7+$0x20] =	vst v7  }
0x85: {  	v7 =	vld.idx.msk [tilespmem:v8+s13+$0x0], $0xffff;
	[tilespmem:s5+$0x30] =	vst v1  }
0x86: {  	v8 =	vadd.s32 s0, v15;
	[tilespmem:s4+$0x20] =	vst v3;
	v1 =	vld.idx.msk [tilespmem:v2+s13+$0x0], $0xffff  }
0x87: {  	[tilespmem:s6+$0x30] =	vst v5;
	v3 =	vadd.s32 s9, v13;
	v2 =	vld.idx.msk [tilespmem:v4+s13+$0x0], $0xffff  }
0x88: {  	v4 =	vadd.s32 v15, v0;
	v5 =	vld.idx.msk [tilespmem:v6+s13+$0x0], $0xffff  }
0x89: {  	v6 =	vadd.s32 s1, v13  }
0x8a: {  	[tilespmem:s7+$0x30] =	vst v7  }
0x8b: {  	v7 =	vld.idx.msk [tilespmem:v8+s13+$0x0], $0xffff;
	[tilespmem:s5+$0x40] =	vst v1  }
0x8c: {  	v8 =	vadd.s32 s0, v13;
	[tilespmem:s4+$0x30] =	vst v2;
	v1 =	vld.idx.msk [tilespmem:v3+s13+$0x0], $0xffff  }
0x8d: {  	[tilespmem:s6+$0x40] =	vst v5;
	v2 =	vld.idx.msk [tilespmem:v4+s13+$0x0], $0xffff;
	v3 =	vadd.s32 s9, v34  }
0x8e: {  	v4 =	vadd.s32 v13, v0;
	v5 =	vld.idx.msk [tilespmem:v6+s13+$0x0], $0xffff  }
0x8f: {  	v6 =	vadd.s32 s1, v34  }
0x90: {  	[tilespmem:s7+$0x40] =	vst v7  }
0x91: {  	v7 =	vld.idx.msk [tilespmem:v8+s13+$0x0], $0xffff;
	[tilespmem:s5+$0x50] =	vst v1  }
0x92: {  	[tilespmem:s4+$0x40] =	vst v2;
	v1 =	vld.idx.msk [tilespmem:v3+s13+$0x0], $0xffff  }
0x93: {  	[tilespmem:s6+$0x50] =	vst v5;
	v2 =	vld.idx.msk [tilespmem:v4+s13+$0x0], $0xffff  }
0x94: {  	v5 =	vld.idx.msk [tilespmem:v6+s13+$0x0], $0xffff;
	_ =	sdelay $0x1  }
0x95: {  	[tilespmem:s7+$0x50] =	vst v7  }
0x96: {  	v8 =	vadd.s32 s0, v34;
	[tilespmem:s5+$0x60] =	vst v1  }
0x97: {  	v4 =	vadd.s32 v34, v0;
	[tilespmem:s4+$0x50] =	vst v2  }
0x98: {  	v3 =	vadd.s32 s9, v33;
	[tilespmem:s6+$0x60] =	vst v5  }
0x99: {  	v6 =	vadd.s32 s1, v33;
	v18 =	vld [tilespmem:$0x1FE10];
	_ =	sdelay $0x1  }
0x9a: {  	v7 =	vld.idx.msk [tilespmem:v8+s13+$0x0], $0xffff  }
0x9b: {  	v8 =	vadd.s32 s0, v33;
	v2 =	vld.idx.msk [tilespmem:v4+s13+$0x0], $0xffff  }
0x9c: {  	v1 =	vld.idx.msk [tilespmem:v3+s13+$0x0], $0xffff;
	v4 =	vadd.s32 v33, v0  }
0x9d: {  	v5 =	vld.idx.msk [tilespmem:v6+s13+$0x0], $0xffff;
	v3 =	vadd.s32 s9, v18  }
0x9e: {  	v6 =	vadd.s32 s1, v18  }
0x9f: {  	[tilespmem:s7+$0x60] =	vst v7  }
0xa0: {  	v7 =	vld.idx.msk [tilespmem:v8+s13+$0x0], $0xffff;
	[tilespmem:s4+$0x60] =	vst v2  }
0xa1: {  	[tilespmem:s5+$0x70] =	vst v1;
	v2 =	vld.idx.msk [tilespmem:v4+s13+$0x0], $0xffff  }
0xa2: {  	[tilespmem:s6+$0x70] =	vst v5;
	v1 =	vld.idx.msk [tilespmem:v3+s13+$0x0], $0xffff  }
0xa3: {  	v5 =	vld.idx.msk [tilespmem:v6+s13+$0x0], $0xffff;
	_ =	sdelay $0x1  }
0xa4: {  	v8 =	vadd.s32 s0, v18;
	[tilespmem:s7+$0x70] =	vst v7  }
0xa5: {  	[tilespmem:s4+$0x70] =	vst v2  }
0xa6: {  	v4 =	vadd.s32 v18, v0;
	[tilespmem:s5+$0x400] =	vst v1  }
0xa7: {  	v3 =	vadd.s32 s9, v39;
	[tilespmem:s6+$0x400] =	vst v5  }
0xa8: {  	v6 =	vadd.s32 s1, v39;
	v16 =	vld [tilespmem:$0x1FE20]  }
0xa9: {  	v7 =	vld.idx.msk [tilespmem:v8+s13+$0x0], $0xffff  }
0xaa: {  	v8 =	vadd.s32 s0, v39  }
0xab: {  	v2 =	vld.idx.msk [tilespmem:v4+s13+$0x0], $0xffff  }
0xac: {  	v4 =	vadd.s32 v39, v0;
	v1 =	vld.idx.msk [tilespmem:v3+s13+$0x0], $0xffff  }
0xad: {  	v5 =	vld.idx.msk [tilespmem:v6+s13+$0x0], $0xffff;
	v3 =	vadd.s32 s9, v16  }
0xae: {  	[tilespmem:s7+$0x400] =	vst v7;
	v6 =	vadd.s32 s1, v16  }
0xaf: {  	v7 =	vld.idx.msk [tilespmem:v8+s13+$0x0], $0xffff  }
0xb0: {  	[tilespmem:s4+$0x400] =	vst v2;
	v8 =	vadd.s32 s0, v16  }
0xb1: {  	v2 =	vld.idx.msk [tilespmem:v4+s13+$0x0], $0xffff;
	[tilespmem:s5+$0x410] =	vst v1  }
0xb2: {  	[tilespmem:s6+$0x410] =	vst v5;
	v4 =	vadd.s32 v16, v0;
	v1 =	vld.idx.msk [tilespmem:v3+s13+$0x0], $0xffff  }
0xb3: {  	v3 =	vadd.s32 s9, v27;
	v5 =	vld.idx.msk [tilespmem:v6+s13+$0x0], $0xffff  }
0xb4: {  	[tilespmem:s7+$0x410] =	vst v7;
	v6 =	vadd.s32 s1, v27  }
0xb5: {  	v7 =	vld.idx.msk [tilespmem:v8+s13+$0x0], $0xffff  }
0xb6: {  	[tilespmem:s4+$0x410] =	vst v2;
	v8 =	vadd.s32 s0, v27  }
0xb7: {  	v2 =	vld.idx.msk [tilespmem:v4+s13+$0x0], $0xffff;
	[tilespmem:s5+$0x420] =	vst v1  }
0xb8: {  	v4 =	vadd.s32 v27, v0;
	[tilespmem:s6+$0x420] =	vst v5;
	v1 =	vld.idx.msk [tilespmem:v3+s13+$0x0], $0xffff  }
0xb9: {  	v3 =	vadd.s32 s9, v63;
	v5 =	vld.idx.msk [tilespmem:v6+s13+$0x0], $0xffff  }
0xba: {  	[tilespmem:s7+$0x420] =	vst v7;
	v6 =	vadd.s32 s1, v63  }
0xbb: {  	v7 =	vld.idx.msk [tilespmem:v8+s13+$0x0], $0xffff  }
0xbc: {  	[tilespmem:s4+$0x420] =	vst v2;
	v8 =	vadd.s32 s0, v63  }
0xbd: {  	v2 =	vld.idx.msk [tilespmem:v4+s13+$0x0], $0xffff;
	[tilespmem:s5+$0x430] =	vst v1  }
0xbe: {  	v4 =	vadd.s32 v63, v0;
	[tilespmem:s6+$0x430] =	vst v5;
	v1 =	vld.idx.msk [tilespmem:v3+s13+$0x0], $0xffff  }
0xbf: {  	v3 =	vadd.s32 s9, v59;
	v5 =	vld.idx.msk [tilespmem:v6+s13+$0x0], $0xffff  }
0xc0: {  	[tilespmem:s7+$0x430] =	vst v7;
	v6 =	vadd.s32 s1, v59  }
0xc1: {  	v7 =	vld.idx.msk [tilespmem:v8+s13+$0x0], $0xffff  }
0xc2: {  	[tilespmem:s4+$0x430] =	vst v2;
	v8 =	vadd.s32 s0, v59  }
0xc3: {  	v2 =	vld.idx.msk [tilespmem:v4+s13+$0x0], $0xffff;
	[tilespmem:s5+$0x440] =	vst v1  }
0xc4: {  	v4 =	vadd.s32 v59, v0;
	[tilespmem:s6+$0x440] =	vst v5;
	v1 =	vld.idx.msk [tilespmem:v3+s13+$0x0], $0xffff  }
0xc5: {  	v3 =	vadd.s32 s9, v57;
	v5 =	vld.idx.msk [tilespmem:v6+s13+$0x0], $0xffff  }
0xc6: {  	[tilespmem:s7+$0x440] =	vst v7;
	v6 =	vadd.s32 s1, v57  }
0xc7: {  	v7 =	vld.idx.msk [tilespmem:v8+s13+$0x0], $0xffff  }
0xc8: {  	[tilespmem:s4+$0x440] =	vst v2;
	v8 =	vadd.s32 s0, v57  }
0xc9: {  	v2 =	vld.idx.msk [tilespmem:v4+s13+$0x0], $0xffff;
	[tilespmem:s5+$0x450] =	vst v1  }
0xca: {  	v4 =	vadd.s32 v57, v0;
	[tilespmem:s6+$0x450] =	vst v5;
	v1 =	vld.idx.msk [tilespmem:v3+s13+$0x0], $0xffff  }
0xcb: {  	v3 =	vadd.s32 s9, v28;
	v5 =	vld.idx.msk [tilespmem:v6+s13+$0x0], $0xffff  }
0xcc: {  	[tilespmem:s7+$0x450] =	vst v7;
	v6 =	vadd.s32 s1, v28  }
0xcd: {  	v7 =	vld.idx.msk [tilespmem:v8+s13+$0x0], $0xffff  }
0xce: {  	[tilespmem:s4+$0x450] =	vst v2;
	v8 =	vadd.s32 s0, v28  }
0xcf: {  	v2 =	vld.idx.msk [tilespmem:v4+s13+$0x0], $0xffff;
	[tilespmem:s5+$0x460] =	vst v1  }
0xd0: {  	v4 =	vadd.s32 v28, v0;
	[tilespmem:s6+$0x460] =	vst v5;
	v1 =	vld.idx.msk [tilespmem:v3+s13+$0x0], $0xffff  }
0xd1: {  	v3 =	vadd.s32 s9, v40;
	v5 =	vld.idx.msk [tilespmem:v6+s13+$0x0], $0xffff  }
0xd2: {  	[tilespmem:s7+$0x460] =	vst v7;
	v6 =	vadd.s32 s1, v40  }
0xd3: {  	v7 =	vld.idx.msk [tilespmem:v8+s13+$0x0], $0xffff  }
0xd4: {  	[tilespmem:s4+$0x460] =	vst v2;
	v8 =	vadd.s32 s0, v40  }
0xd5: {  	p2 =	por $0x0, $0x0;
	v2 =	vld.idx.msk [tilespmem:v4+s13+$0x0], $0xffff;
	[tilespmem:s5+$0x470] =	vst v1;
	s5 =	simm.s32 $0x1  }
0xd6: {  	v4 =	vadd.s32 v40, v0;
	[tilespmem:s6+$0x470] =	vst v5;
	v1 =	vld.idx.msk [tilespmem:v3+s13+$0x0], $0xffff;
	s5 =	simm.s32 @!p2 $0x0  }
0xd7: {  	v3 =	vadd.s32 s9, v41;
	v5 =	vld.idx.msk [tilespmem:v6+s13+$0x0], $0xffff;
	s11 =	sshll.u32 s5, $0x9  }
0xd8: {  	[tilespmem:s7+$0x470] =	vst v7;
	v6 =	vadd.s32 s1, v41;
	s3 =	sadd.s32 $0x0, s11  }
0xd9: {  	v7 =	vld.idx.msk [tilespmem:v8+s13+$0x0], $0xffff;
	s8 =	sadd.s32 $0x180, s3  }
0xda: {  	[tilespmem:s4+$0x470] =	vst v2;
	v8 =	vadd.s32 s0, v41;
	s10 =	sadd.s32 $0x80, s3;
	s12 =	sor.u32 $0x800, s8  }
0xdb: {  	v2 =	vld.idx.msk [tilespmem:v4+s13+$0x0], $0xffff;
	s14 =	sor.u32 $0x800, s10;
	[tilespmem:s12+$0x13400] =	vst v1  }
0xdc: {  	s30 =	sadd.s32 $0x100, s3;
	[tilespmem:s14+$0x13400] =	vst v5;
	v1 =	vld.idx.msk [tilespmem:v3+s13+$0x0], $0xffff  }
0xdd: {  	s25 =	simm.s32 $0x4;
	s15 =	sor.u32 $0x800, s30;
	v3 =	vadd.s32 s9, v36;
	v5 =	vld.idx.msk [tilespmem:v6+s13+$0x0], $0xffff  }
0xde: {  	s16 =	sand.u32 $0x4, s25;
	[tilespmem:s15+$0x13400] =	vst v7;
	v6 =	vadd.s32 s1, v36  }
0xdf: {  	s17 =	sand.u32 $0x18, s25;
	s18 =	sor.u32 $0x3, s16;
	v4 =	vadd.s32 v41, v0;
	s20 =	sor.u32 $0x800, s3;
	v7 =	vld.idx.msk [tilespmem:v8+s13+$0x0], $0xffff  }
0xe0: {  	s24 =	sor.u32 s17, s18;
	s11 =	sor.u32 $0x1, s16;
	s19 =	sor.u32 $0x810, s8;
	[tilespmem:s20+$0x13400] =	vst v2;
	v8 =	vadd.s32 s0, v36  }
0xe1: {  	s2 =	sor.u32 s17, s11;
	s12 =	sor.u32 $0x810, s10;
	s14 =	sor.u32 $0x2, s16;
	[tilespmem:s19+$0x13400] =	vst v1;
	v1 =	vadd.s32 s24, v62  }
0xe2: {  	s6 =	sor.u32 s17, s14;
	[tilespmem:s12+$0x13400] =	vst v5;
	v2 =	vld.idx.msk [tilespmem:v3+s13+$0x0], $0xffff;
	v3 =	vadd.s32 s2, v62  }
0xe3: {  	s21 =	sor.u32 $0x810, s30;
	v11 =	vadd.s32 s6, v62;
	v6 =	vld.idx.msk [tilespmem:v6+s13+$0x0], $0xffff  }
0xe4: {  	v9 =	vmov s25;
	v4 =	vld.idx.msk [tilespmem:v4+s13+$0x0], $0xffff;
	v5 =	vadd.s32 s9, v47;
	[tilespmem:s21+$0x13400] =	vst v7  }
0xe5: {  	v10 =	vand.u32 $0x1C, v9;
	v7 =	vadd.s32 v36, v0;
	v8 =	vld.idx.msk [tilespmem:v8+s13+$0x0], $0xffff  }
0xe6: {  	v9 =	vadd.s32 v62, v10;
	s22 =	sor.u32 $0x820, s8;
	v1 =	vld.idx.msk [tilespmem:v1+s13+$0x0], $0xffff  }
0xe7: {  	v12 =	vadd.s32 s1, v47;
	s26 =	sor.u32 $0x820, s10;
	v3 =	vld.idx.msk [tilespmem:v3+s13+$0x0], $0xffff;
	[tilespmem:s22+$0x13400] =	vst v2;
	s22 =	simm.s32 $0x800  }
0xe8: {  	s23 =	sor.u32 $0x810, s3;
	v2 =	vadd.s32 s24, v30;
	[tilespmem:s26+$0x13400] =	vst v6;
	v6 =	vld.idx.msk [tilespmem:v11+s13+$0x0], $0xffff;
	s29 =	sand.u32 $0x3000, s22  }
0xe9: {  	s7 =	sshll.u32 s18, $0x7;
	s31 =	sor.u32 $0x820, s30;
	[tilespmem:s23+$0x13400] =	vst v4;
	v4 =	vld.idx.msk [tilespmem:v5+s13+$0x0], $0xffff;
	v5 =	vadd.s32 s2, v30;
	s16 =	sadd.s32 $0x13400, s29  }
0xea: {  	s15 =	sshll.u32 s11, $0x7;
	v7 =	vld.idx.msk [tilespmem:v7+s13+$0x0], $0xffff;
	[tilespmem:s31+$0x13400] =	vst v8;
	v8 =	vadd.s32 s6, v30;
	s4 =	sor.u32 s7, s16  }
0xeb: {  	v9 =	vld.idx.msk [tilespmem:v9+s13+$0x0], $0xffff;
	s17 =	sshll.u32 s14, $0x7;
	v11 =	vadd.s32 s9, v46;
	s5 =	sor.u32 s15, s16;
	[tilespmem:s4+$0x0] =	vst v1  }
0xec: {  	v12 =	vld.idx.msk [tilespmem:v12+s13+$0x0], $0xffff;
	s7 =	sor.u32 s17, s16;
	v1 =	vadd.s32 s0, v47;
	[tilespmem:s5+$0x0] =	vst v3  }
0xed: {  	s18 =	sor.u32 $0x830, s8;
	s19 =	simm.s32 $0x200;
	v3 =	vadd.s32 v30, v10;
	v2 =	vld.idx.msk [tilespmem:v2+s13+$0x0], $0xffff;
	[tilespmem:s7+$0x0] =	vst v6  }
0xee: {  	s21 =	sor.u32 $0x820, s3;
	s20 =	sand.u32 $0x200, s19;
	[tilespmem:s18+$0x13400] =	vst v4;
	v4 =	vadd.s32 v47, v0;
	v5 =	vld.idx.msk [tilespmem:v5+s13+$0x0], $0xffff  }
0xef: {  	s28 =	sor.u32 s20, s16;
	[tilespmem:s21+$0x13400] =	vst v7;
	v6 =	vadd.s32 s24, v31;
	v8 =	vld.idx.msk [tilespmem:v8+s13+$0x0], $0xffff  }
0xf0: {  	s23 =	sor.u32 $0x830, s10;
	v7 =	vadd.s32 s2, v31;
	[tilespmem:s28+$0x0] =	vst v9;
	v11 =	vld.idx.msk [tilespmem:v11+s13+$0x0], $0xffff  }
0xf1: {  	v9 =	vadd.s32 s9, v37;
	[tilespmem:s23+$0x13400] =	vst v12;
	v1 =	vld.idx.msk [tilespmem:v1+s13+$0x0], $0xffff  }
0xf2: {  	v12 =	vadd.s32 s6, v31;
	v3 =	vld.idx.msk [tilespmem:v3+s13+$0x0], $0xffff;
	[tilespmem:s4+$0x10] =	vst v2  }
0xf3: {  	v2 =	vadd.s32 s1, v46;
	v4 =	vld.idx.msk [tilespmem:v4+s13+$0x0], $0xffff;
	[tilespmem:s5+$0x10] =	vst v5  }
0xf4: {  	s26 =	sor.u32 $0x840, s8;
	v5 =	vadd.s32 v31, v10;
	v6 =	vld.idx.msk [tilespmem:v6+s13+$0x0], $0xffff;
	[tilespmem:s7+$0x10] =	vst v8  }
0xf5: {  	s29 =	sor.u32 $0x830, s30;
	[tilespmem:s26+$0x13400] =	vst v11;
	v11 =	vadd.s32 s0, v46;
	v7 =	vld.idx.msk [tilespmem:v7+s13+$0x0], $0xffff  }
0xf6: {  	v8 =	vadd.s32 s24, v32;
	v9 =	vld.idx.msk [tilespmem:v9+s13+$0x0], $0xffff;
	[tilespmem:s29+$0x13400] =	vst v1  }
0xf7: {  	s31 =	sor.u32 $0x830, s3;
	v1 =	vadd.s32 s2, v32;
	[tilespmem:s28+$0x10] =	vst v3;
	v3 =	vld.idx.msk [tilespmem:v12+s13+$0x0], $0xffff  }
0xf8: {  	v2 =	vld.idx.msk [tilespmem:v2+s13+$0x0], $0xffff;
	v12 =	vadd.s32 s9, v58;
	[tilespmem:s31+$0x13400] =	vst v4  }
0xf9: {  	v4 =	vadd.s32 s6, v32;
	v5 =	vld.idx.msk [tilespmem:v5+s13+$0x0], $0xffff;
	[tilespmem:s4+$0x20] =	vst v6  }
0xfa: {  	s12 =	sor.u32 $0x850, s8;
	v6 =	vadd.s32 v46, v0;
	v11 =	vld.idx.msk [tilespmem:v11+s13+$0x0], $0xffff;
	[tilespmem:s5+$0x20] =	vst v7  }
0xfb: {  	v7 =	vadd.s32 v32, v10;
	v8 =	vld.idx.msk [tilespmem:v8+s13+$0x0], $0xffff;
	[tilespmem:s12+$0x13400] =	vst v9  }
0xfc: {  	s14 =	sor.u32 $0x840, s10;
	v9 =	vadd.s32 s1, v37;
	v1 =	vld.idx.msk [tilespmem:v1+s13+$0x0], $0xffff;
	[tilespmem:s7+$0x20] =	vst v3  }
0xfd: {  	v3 =	vadd.s32 s24, v15;
	v12 =	vld.idx.msk [tilespmem:v12+s13+$0x0], $0xffff;
	[tilespmem:s14+$0x13400] =	vst v2  }
0xfe: {  	s15 =	sor.u32 $0x840, s30;
	v2 =	vadd.s32 s2, v15;
	[tilespmem:s28+$0x20] =	vst v5;
	v4 =	vld.idx.msk [tilespmem:v4+s13+$0x0], $0xffff  }
0xff: {  	v5 =	vld.idx.msk [tilespmem:v6+s13+$0x0], $0xffff;
	v6 =	vadd.s32 s9, v43;
	[tilespmem:s15+$0x13400] =	vst v11  }
0x100: {  	v11 =	vadd.s32 s6, v15;
	v7 =	vld.idx.msk [tilespmem:v7+s13+$0x0], $0xffff;
	[tilespmem:s4+$0x30] =	vst v8  }
0x101: {  	s16 =	sor.u32 $0x860, s8;
	v8 =	vadd.s32 s0, v37;
	v9 =	vld.idx.msk [tilespmem:v9+s13+$0x0], $0xffff;
	[tilespmem:s5+$0x30] =	vst v1  }
0x102: {  	v1 =	vadd.s32 v15, v10;
	v3 =	vld.idx.msk [tilespmem:v3+s13+$0x0], $0xffff;
	[tilespmem:s16+$0x13400] =	vst v12  }
0x103: {  	s17 =	sor.u32 $0x840, s3;
	v12 =	vadd.s32 v37, v0;
	v2 =	vld.idx.msk [tilespmem:v2+s13+$0x0], $0xffff;
	[tilespmem:s7+$0x30] =	vst v4  }
0x104: {  	v4 =	vadd.s32 s24, v13;
	v6 =	vld.idx.msk [tilespmem:v6+s13+$0x0], $0xffff;
	[tilespmem:s17+$0x13400] =	vst v5  }
0x105: {  	s18 =	sor.u32 $0x850, s10;
	v5 =	vadd.s32 s2, v13;
	[tilespmem:s28+$0x30] =	vst v7;
	v7 =	vld.idx.msk [tilespmem:v11+s13+$0x0], $0xffff  }
0x106: {  	v8 =	vld.idx.msk [tilespmem:v8+s13+$0x0], $0xffff;
	v11 =	vadd.s32 s9, v14;
	[tilespmem:s18+$0x13400] =	vst v9  }
0x107: {  	v9 =	vadd.s32 s6, v13;
	v1 =	vld.idx.msk [tilespmem:v1+s13+$0x0], $0xffff;
	[tilespmem:s4+$0x40] =	vst v3  }
0x108: {  	s19 =	sor.u32 $0x870, s8;
	v3 =	vadd.s32 s1, v58;
	v12 =	vld.idx.msk [tilespmem:v12+s13+$0x0], $0xffff;
	[tilespmem:s5+$0x40] =	vst v2  }
0x109: {  	v2 =	vadd.s32 v13, v10;
	v4 =	vld.idx.msk [tilespmem:v4+s13+$0x0], $0xffff;
	[tilespmem:s19+$0x13400] =	vst v6  }
0x10a: {  	s20 =	sor.u32 $0x850, s30;
	v6 =	vadd.s32 s0, v58;
	v5 =	vld.idx.msk [tilespmem:v5+s13+$0x0], $0xffff;
	[tilespmem:s7+$0x40] =	vst v7  }
0x10b: {  	v7 =	vadd.s32 s24, v34;
	v11 =	vld.idx.msk [tilespmem:v11+s13+$0x0], $0xffff;
	[tilespmem:s20+$0x13400] =	vst v8  }
0x10c: {  	s21 =	sor.u32 $0x850, s3;
	v8 =	vadd.s32 s2, v34;
	[tilespmem:s28+$0x40] =	vst v1;
	v1 =	vld.idx.msk [tilespmem:v9+s13+$0x0], $0xffff  }
0x10d: {  	v9 =	vadd.s32 s9, v45;
	v3 =	vld.idx.msk [tilespmem:v3+s13+$0x0], $0xffff;
	[tilespmem:s21+$0x13400] =	vst v12  }
0x10e: {  	v12 =	vadd.s32 s6, v34;
	v2 =	vld.idx.msk [tilespmem:v2+s13+$0x0], $0xffff;
	[tilespmem:s4+$0x50] =	vst v4  }
0x10f: {  	s23 =	sor.u32 $0xC00, s8;
	v4 =	vadd.s32 v58, v0;
	v6 =	vld.idx.msk [tilespmem:v6+s13+$0x0], $0xffff;
	[tilespmem:s5+$0x50] =	vst v5  }
0x110: {  	v5 =	vadd.s32 v34, v10;
	v7 =	vld.idx.msk [tilespmem:v7+s13+$0x0], $0xffff;
	[tilespmem:s23+$0x13400] =	vst v11  }
0x111: {  	s26 =	sor.u32 $0x860, s10;
	v11 =	vadd.s32 s1, v43;
	v8 =	vld.idx.msk [tilespmem:v8+s13+$0x0], $0xffff;
	[tilespmem:s7+$0x50] =	vst v1  }
0x112: {  	v1 =	vadd.s32 s24, v33;
	v9 =	vld.idx.msk [tilespmem:v9+s13+$0x0], $0xffff;
	[tilespmem:s26+$0x13400] =	vst v3  }
0x113: {  	s29 =	sor.u32 $0x860, s30;
	v3 =	vadd.s32 s2, v33;
	[tilespmem:s28+$0x50] =	vst v2;
	v2 =	vld.idx.msk [tilespmem:v12+s13+$0x0], $0xffff  }
0x114: {  	v12 =	vadd.s32 s9, v48;
	v4 =	vld.idx.msk [tilespmem:v4+s13+$0x0], $0xffff;
	[tilespmem:s29+$0x13400] =	vst v6  }
0x115: {  	v6 =	vadd.s32 s6, v33;
	v5 =	vld.idx.msk [tilespmem:v5+s13+$0x0], $0xffff;
	[tilespmem:s4+$0x60] =	vst v7  }
0x116: {  	s31 =	sor.u32 $0xC10, s8;
	v7 =	vadd.s32 s0, v43;
	v11 =	vld.idx.msk [tilespmem:v11+s13+$0x0], $0xffff;
	[tilespmem:s5+$0x60] =	vst v8  }
0x117: {  	v8 =	vadd.s32 v33, v10;
	v1 =	vld.idx.msk [tilespmem:v1+s13+$0x0], $0xffff;
	[tilespmem:s31+$0x13400] =	vst v9  }
0x118: {  	s12 =	sor.u32 $0x860, s3;
	v9 =	vadd.s32 v43, v0;
	v3 =	vld.idx.msk [tilespmem:v3+s13+$0x0], $0xffff;
	[tilespmem:s7+$0x60] =	vst v2  }
0x119: {  	v2 =	vadd.s32 s24, v18;
	v12 =	vld.idx.msk [tilespmem:v12+s13+$0x0], $0xffff;
	[tilespmem:s12+$0x13400] =	vst v4  }
0x11a: {  	s14 =	sor.u32 $0x870, s10;
	v4 =	vadd.s32 s2, v18;
	[tilespmem:s28+$0x60] =	vst v5;
	v5 =	vld.idx.msk [tilespmem:v6+s13+$0x0], $0xffff  }
0x11b: {  	v6 =	vld.idx.msk [tilespmem:v7+s13+$0x0], $0xffff;
	v7 =	vadd.s32 s9, v51;
	[tilespmem:s14+$0x13400] =	vst v11  }
0x11c: {  	v11 =	vadd.s32 s6, v18;
	v8 =	vld.idx.msk [tilespmem:v8+s13+$0x0], $0xffff;
	[tilespmem:s4+$0x70] =	vst v1  }
0x11d: {  	s15 =	sor.u32 $0xC20, s8;
	v1 =	vadd.s32 s1, v14;
	v9 =	vld.idx.msk [tilespmem:v9+s13+$0x0], $0xffff;
	[tilespmem:s5+$0x70] =	vst v3  }
0x11e: {  	v3 =	vadd.s32 v18, v10;
	v2 =	vld.idx.msk [tilespmem:v2+s13+$0x0], $0xffff;
	[tilespmem:s15+$0x13400] =	vst v12  }
0x11f: {  	s16 =	sor.u32 $0x870, s30;
	v12 =	vadd.s32 s0, v14;
	v4 =	vld.idx.msk [tilespmem:v4+s13+$0x0], $0xffff;
	[tilespmem:s7+$0x70] =	vst v5  }
0x120: {  	v5 =	vadd.s32 s24, v39;
	v7 =	vld.idx.msk [tilespmem:v7+s13+$0x0], $0xffff;
	[tilespmem:s16+$0x13400] =	vst v6  }
0x121: {  	s17 =	sor.u32 $0x870, s3;
	[tilespmem:s28+$0x70] =	vst v8;
	v6 =	vld.idx.msk [tilespmem:v11+s13+$0x0], $0xffff;
	v8 =	vadd.s32 s9, v52  }
0x122: {  	v11 =	vadd.s32 s2, v39;
	v1 =	vld.idx.msk [tilespmem:v1+s13+$0x0], $0xffff;
	[tilespmem:s17+$0x13400] =	vst v9  }
0x123: {  	v9 =	vadd.s32 s6, v39;
	v3 =	vld.idx.msk [tilespmem:v3+s13+$0x0], $0xffff;
	[tilespmem:s4+$0x400] =	vst v2  }
0x124: {  	s18 =	sor.u32 $0xC30, s8;
	v2 =	vadd.s32 v14, v0;
	v12 =	vld.idx.msk [tilespmem:v12+s13+$0x0], $0xffff;
	[tilespmem:s5+$0x400] =	vst v4  }
0x125: {  	v4 =	vadd.s32 v39, v10;
	v5 =	vld.idx.msk [tilespmem:v5+s13+$0x0], $0xffff;
	[tilespmem:s18+$0x13400] =	vst v7  }
0x126: {  	s19 =	sor.u32 $0xC00, s10;
	v7 =	vadd.s32 s1, v45;
	[tilespmem:s7+$0x400] =	vst v6;
	v6 =	vld.idx.msk [tilespmem:v8+s13+$0x0], $0xffff  }
0x127: {  	v8 =	vld.idx.msk [tilespmem:v11+s13+$0x0], $0xffff;
	v11 =	vadd.s32 s0, v45;
	[tilespmem:s19+$0x13400] =	vst v1  }
0x128: {  	s20 =	sor.u32 $0xC00, s30;
	v1 =	vadd.s32 s9, v53;
	[tilespmem:s28+$0x400] =	vst v3;
	v3 =	vld.idx.msk [tilespmem:v9+s13+$0x0], $0xffff  }
0x129: {  	v2 =	vld.idx.msk [tilespmem:v2+s13+$0x0], $0xffff;
	v9 =	vadd.s32 s24, v16;
	[tilespmem:s20+$0x13400] =	vst v12  }
0x12a: {  	s21 =	sor.u32 $0xC40, s8;
	v12 =	vadd.s32 s2, v16;
	v4 =	vld.idx.msk [tilespmem:v4+s13+$0x0], $0xffff;
	[tilespmem:s4+$0x410] =	vst v5  }
0x12b: {  	v5 =	vadd.s32 s6, v16;
	v7 =	vld.idx.msk [tilespmem:v7+s13+$0x0], $0xffff;
	[tilespmem:s21+$0x13400] =	vst v6  }
0x12c: {  	[tilespmem:s5+$0x410] =	vst v8;
	v8 =	vadd.s32 v45, v0;
	v11 =	vld.idx.msk [tilespmem:v11+s13+$0x0], $0xffff  }
0x12d: {  	s23 =	sor.u32 $0xC00, s3;
	v6 =	vadd.s32 v16, v10;
	v1 =	vld.idx.msk [tilespmem:v1+s13+$0x0], $0xffff;
	[tilespmem:s7+$0x410] =	vst v3  }
0x12e: {  	v3 =	vld.idx.msk [tilespmem:v9+s13+$0x0], $0xffff;
	[tilespmem:s23+$0x13400] =	vst v2;
	v2 =	vadd.s32 s9, v29  }
0x12f: {  	s26 =	sor.u32 $0xC10, s10;
	v9 =	vld.idx.msk [tilespmem:v12+s13+$0x0], $0xffff;
	v12 =	vadd.s32 s24, v27;
	[tilespmem:s28+$0x410] =	vst v4  }
0x130: {  	s31 =	sor.u32 $0xC10, s30;
	v4 =	vadd.s32 s1, v48;
	v5 =	vld.idx.msk [tilespmem:v5+s13+$0x0], $0xffff;
	[tilespmem:s26+$0x13400] =	vst v7  }
0x131: {  	s29 =	sor.u32 $0xC50, s8;
	[tilespmem:s31+$0x13400] =	vst v11;
	v8 =	vld.idx.msk [tilespmem:v8+s13+$0x0], $0xffff;
	v11 =	vadd.s32 s6, v27  }
0x132: {  	v6 =	vld.idx.msk [tilespmem:v6+s13+$0x0], $0xffff;
	[tilespmem:s29+$0x13400] =	vst v1;
	v1 =	vadd.s32 s2, v27  }
0x133: {  	v7 =	vadd.s32 s0, v48;
	[tilespmem:s4+$0x420] =	vst v3;
	v2 =	vld.idx.msk [tilespmem:v2+s13+$0x0], $0xffff  }
0x134: {  	v3 =	vadd.s32 v27, v10;
	[tilespmem:s5+$0x420] =	vst v9;
	v9 =	vld.idx.msk [tilespmem:v12+s13+$0x0], $0xffff  }
0x135: {  	s12 =	sor.u32 $0xC10, s3;
	v4 =	vld.idx.msk [tilespmem:v4+s13+$0x0], $0xffff;
	[tilespmem:s7+$0x420] =	vst v5;
	v5 =	vadd.s32 s24, v63  }
0x136: {  	[tilespmem:s12+$0x13400] =	vst v8;
	v8 =	vadd.s32 v48, v0;
	v11 =	vld.idx.msk [tilespmem:v11+s13+$0x0], $0xffff  }
0x137: {  	s14 =	sor.u32 $0xC60, s8;
	v12 =	vadd.s32 s9, v55;
	[tilespmem:s28+$0x420] =	vst v6;
	v1 =	vld.idx.msk [tilespmem:v1+s13+$0x0], $0xffff  }
0x138: {  	v7 =	vld.idx.msk [tilespmem:v7+s13+$0x0], $0xffff;
	v6 =	vadd.s32 s2, v63;
	[tilespmem:s14+$0x13400] =	vst v2  }
0x139: {  	s15 =	sor.u32 $0xC20, s10;
	v2 =	vadd.s32 s6, v63;
	v3 =	vld.idx.msk [tilespmem:v3+s13+$0x0], $0xffff;
	[tilespmem:s4+$0x430] =	vst v9  }
0x13a: {  	v9 =	vadd.s32 v63, v10;
	[tilespmem:s15+$0x13400] =	vst v4;
	v5 =	vld.idx.msk [tilespmem:v5+s13+$0x0], $0xffff  }
0x13b: {  	v4 =	vadd.s32 s1, v51;
	v8 =	vld.idx.msk [tilespmem:v8+s13+$0x0], $0xffff;
	[tilespmem:s7+$0x430] =	vst v11  }
0x13c: {  	s16 =	sor.u32 $0xC20, s30;
	v11 =	vadd.s32 s0, v51;
	[tilespmem:s5+$0x430] =	vst v1;
	v1 =	vld.idx.msk [tilespmem:v12+s13+$0x0], $0xffff  }
0x13d: {  	[tilespmem:s16+$0x13400] =	vst v7;
	v7 =	vadd.s32 s24, v59;
	v6 =	vld.idx.msk [tilespmem:v6+s13+$0x0], $0xffff  }
0x13e: {  	v12 =	vadd.s32 s2, v59;
	[tilespmem:s28+$0x430] =	vst v3;
	v2 =	vld.idx.msk [tilespmem:v2+s13+$0x0], $0xffff  }
0x13f: {  	s17 =	sor.u32 $0xC20, s3;
	v9 =	vld.idx.msk [tilespmem:v9+s13+$0x0], $0xffff;
	[tilespmem:s4+$0x440] =	vst v5  }
0x140: {  	s8 =	sor.u32 $0xC70, s8;
	v3 =	vadd.s32 s6, v59;
	v4 =	vld.idx.msk [tilespmem:v4+s13+$0x0], $0xffff;
	[tilespmem:s17+$0x13400] =	vst v8  }
0x141: {  	v5 =	vadd.s32 v51, v0;
	v11 =	vld.idx.msk [tilespmem:v11+s13+$0x0], $0xffff;
	[tilespmem:s8+$0x13400] =	vst v1  }
0x142: {  	v13 =	vadd.s32 v59, v10;
	[tilespmem:s5+$0x440] =	vst v6;
	v6 =	vld.idx.msk [tilespmem:v7+s13+$0x0], $0xffff  }
0x143: {  	v7 =	vadd.s32 s1, v52;
	[tilespmem:s7+$0x440] =	vst v2;
	v12 =	vld.idx.msk [tilespmem:v12+s13+$0x0], $0xffff  }
0x144: {  	s18 =	sor.u32 $0xC30, s10;
	v2 =	vadd.s32 s24, v57;
	[tilespmem:s28+$0x440] =	vst v9  }
0x145: {  	s19 =	sor.u32 $0xC30, s30;
	v3 =	vld.idx.msk [tilespmem:v3+s13+$0x0], $0xffff;
	[tilespmem:s18+$0x13400] =	vst v4  }
0x146: {  	v20 =	vadd.s32 s2, v57;
	v5 =	vld.idx.msk [tilespmem:v5+s13+$0x0], $0xffff;
	[tilespmem:s19+$0x13400] =	vst v11  }
0x147: {  	v13 =	vld.idx.msk [tilespmem:v13+s13+$0x0], $0xffff;
	[tilespmem:s4+$0x450] =	vst v6  }
0x148: {  	v11 =	vadd.s32 s6, v41;
	v7 =	vld.idx.msk [tilespmem:v7+s13+$0x0], $0xffff;
	[tilespmem:s5+$0x450] =	vst v12  }
0x149: {  	v8 =	vadd.s32 s0, v52;
	v2 =	vld.idx.msk [tilespmem:v2+s13+$0x0], $0xffff;
	[tilespmem:$0x1FC30] =	vst v11  }
0x14a: {  	[tilespmem:s7+$0x450] =	vst v3;
	v3 =	vadd.s32 v36, v10  }
0x14b: {  	v11 =	vld.idx.msk [tilespmem:v20+s13+$0x0], $0xffff;
	[tilespmem:$0x1FC40] =	vst v3;
	v3 =	vadd.s32 s2, v36  }
0x14c: {  	s20 =	sor.u32 $0xC30, s3;
	[tilespmem:$0x1FC50] =	vst v3  }
0x14d: {  	v4 =	vadd.s32 s6, v57;
	[tilespmem:s20+$0x13400] =	vst v5;
	v5 =	vadd.s32 s6, v36  }
0x14e: {  	v20 =	vld.idx.msk [tilespmem:v8+s13+$0x0], $0xffff;
	[tilespmem:$0x1FC60] =	vst v5;
	v5 =	vadd.s32 v47, v10  }
0x14f: {  	[tilespmem:$0x1FC70] =	vst v5;
	v5 =	vadd.s32 s2, v47  }
0x150: {  	v1 =	vadd.s32 v52, v0;
	[tilespmem:$0x1FC80] =	vst v5  }
0x151: {  	v5 =	vadd.s32 s6, v47;
	[tilespmem:s28+$0x450] =	vst v13  }
0x152: {  	v4 =	vld.idx.msk [tilespmem:v4+s13+$0x0], $0xffff;
	[tilespmem:$0x1FC90] =	vst v5;
	v5 =	vadd.s32 s2, v46  }
0x153: {  	v23 =	vadd.s32 v53, v0;
	v61 =	vadd.s32 v29, v0;
	s21 =	sor.u32 $0xC40, s10;
	[tilespmem:$0x1FCA0] =	vst v5  }
0x154: {  	v56 =	vadd.s32 v55, v0;
	v0 =	vadd.s32 v57, v10;
	v5 =	vadd.s32 s2, v37;
	[tilespmem:s21+$0x13400] =	vst v7  }
0x155: {  	v1 =	vld.idx.msk [tilespmem:v1+s13+$0x0], $0xffff;
	[tilespmem:$0x1FCB0] =	vst v5;
	v5 =	vadd.s32 s6, v46  }
0x156: {  	[tilespmem:$0x1FCC0] =	vst v5;
	v5 =	vadd.s32 s6, v37  }
0x157: {  	[tilespmem:$0x1FCD0] =	vst v5  }
0x158: {  	v16 =	vadd.s32 s1, v53;
	[tilespmem:s4+$0x460] =	vst v2;
	v2 =	vadd.s32 v37, v10  }
0x159: {  	v0 =	vld.idx.msk [tilespmem:v0+s13+$0x0], $0xffff;
	[tilespmem:$0x1FCE0] =	vst v2;
	v2 =	vadd.s32 s2, v58  }
0x15a: {  	[tilespmem:$0x1FCF0] =	vst v2;
	v2 =	vadd.s32 v58, v10  }
0x15b: {  	[tilespmem:$0x1FD00] =	vst v2  }
0x15c: {  	v3 =	vadd.s32 s24, v28;
	v5 =	vadd.s32 s2, v43;
	[tilespmem:s5+$0x460] =	vst v11  }
0x15d: {  	v2 =	vld.idx.msk [tilespmem:v16+s13+$0x0], $0xffff;
	[tilespmem:$0x1FD10] =	vst v5;
	v5 =	vadd.s32 s6, v58  }
0x15e: {  	[tilespmem:$0x1FD20] =	vst v5;
	v5 =	vadd.s32 v43, v10  }
0x15f: {  	s23 =	sor.u32 $0xC40, s30;
	[tilespmem:$0x1FD30] =	vst v5  }
0x160: {  	v24 =	vadd.s32 s2, v28;
	v5 =	vadd.s32 s2, v14;
	[tilespmem:s23+$0x13400] =	vst v20  }
0x161: {  	v3 =	vld.idx.msk [tilespmem:v3+s13+$0x0], $0xffff;
	[tilespmem:$0x1FD40] =	vst v5;
	v5 =	vadd.s32 s6, v43  }
0x162: {  	[tilespmem:$0x1FD50] =	vst v5;
	v5 =	vadd.s32 s2, v45  }
0x163: {  	v19 =	vadd.s32 s0, v53;
	[tilespmem:$0x1FD60] =	vst v5  }
0x164: {  	[tilespmem:s7+$0x460] =	vst v4;
	v4 =	vadd.s32 v14, v10  }
0x165: {  	v5 =	vld.idx.msk [tilespmem:v24+s13+$0x0], $0xffff;
	[tilespmem:$0x1FD70] =	vst v4;
	v4 =	vadd.s32 s6, v14  }
0x166: {  	s26 =	sor.u32 $0xC40, s3;
	[tilespmem:$0x1FD80] =	vst v4  }
0x167: {  	v26 =	vadd.s32 s6, v28;
	[tilespmem:s26+$0x13400] =	vst v1;
	v1 =	vadd.s32 v45, v10  }
0x168: {  	v16 =	vld.idx.msk [tilespmem:v19+s13+$0x0], $0xffff;
	[tilespmem:$0x1FD90] =	vst v1;
	v1 =	vadd.s32 s2, v48  }
0x169: {  	[tilespmem:$0x1FDA0] =	vst v1;
	v1 =	vadd.s32 s6, v45  }
0x16a: {  	v25 =	vadd.s32 v28, v10;
	[tilespmem:$0x1FDB0] =	vst v1  }
0x16b: {  	[tilespmem:s28+$0x460] =	vst v0;
	v0 =	vadd.s32 v48, v10  }
0x16c: {  	s29 =	sor.u32 $0xC50, s10;
	v24 =	vld.idx.msk [tilespmem:v26+s13+$0x0], $0xffff;
	[tilespmem:$0x1FDC0] =	vst v0  }
0x16d: {  	v22 =	vadd.s32 s1, v29;
	[tilespmem:s29+$0x13400] =	vst v2  }
0x16e: {  	v17 =	vadd.s32 v40, v10;
	v49 =	vadd.s32 v46, v10;
	v4 =	vadd.s32 s24, v40;
	[tilespmem:s4+$0x470] =	vst v3  }
0x16f: {  	v44 =	vadd.s32 v52, v10;
	v21 =	vadd.s32 s0, v29;
	v1 =	vadd.s32 s6, v48;
	v0 =	vld.idx.msk [tilespmem:v25+s13+$0x0], $0xffff;
	[tilespmem:s5+$0x470] =	vst v5  }
0x170: {  	v35 =	vadd.s32 v55, v10;
	v60 =	vadd.s32 s1, v55;
	v20 =	vld.idx.msk [tilespmem:v23+s13+$0x0], $0xffff;
	[tilespmem:$0x1FDD0] =	vst v1;
	v1 =	vadd.s32 s6, v51  }
0x171: {  	v50 =	vadd.s32 s2, v41;
	v38 =	vadd.s32 s2, v51;
	s31 =	sor.u32 $0xC50, s30;
	v6 =	vadd.s32 s2, v40;
	[tilespmem:$0x1FDE0] =	vst v1  }
0x172: {  	v42 =	vadd.s32 s6, v52;
	v15 =	vadd.s32 v41, v10;
	v2 =	vadd.s32 v51, v10;
	v19 =	vld.idx.msk [tilespmem:v22+s13+$0x0], $0xffff;
	[tilespmem:s31+$0x13400] =	vst v16  }
0x173: {  	p2 =	por !p2, !p2;
	s11 =	sor.u32 $0xC70, s3;
	v18 =	vadd.s32 s6, v40;
	s9 =	simm.s32 $0x400;
	v9 =	vadd.s32 s0, v55;
	v12 =	vadd.s32 s2, v53;
	v1 =	vld.idx.msk [tilespmem:v4+s13+$0x0], $0xffff;
	[tilespmem:$0x1FDF0] =	vst v2  }
0x174: {  	s12 =	sor.u32 $0xC60, s3;
	s14 =	sor.u32 $0xC70, s30;
	s1 =	simm.s32 $0x1;
	v8 =	vadd.s32 s2, v29;
	v13 =	vadd.s32 s2, v55;
	v7 =	vadd.s32 s6, v29;
	v21 =	vld.idx.msk [tilespmem:v21+s13+$0x0], $0xffff  }
0x175: {  	s15 =	sor.u32 $0xC70, s10;
	s16 =	sor.u32 $0xC50, s3;
	s1 =	simm.s32 @!p2 $0x0;
	v11 =	vadd.s32 s6, v55;
	v26 =	vadd.s32 s2, v52;
	v23 =	vadd.s32 s6, v53  }
0x176: {  	s0 =	sshll.u32 s1, $0x9;
	s19 =	sor.u32 $0xC60, s30;
	s26 =	sor.u32 $0xC60, s10;
	v25 =	vadd.s32 v53, v10;
	v3 =	vadd.s32 s24, v41;
	v16 =	vadd.s32 v29, v10;
	v2 =	vld.idx.msk [tilespmem:v6+s13+$0x0], $0xffff;
	[tilespmem:s7+$0x470] =	vst v24  }
.LBB2_8:
0x177: {  	[tilespmem:s28+$0x470] =	vst v0  }
0x178: {  	s1 =	sadd.s32 s0, s22;
	v0 =	vld.idx.msk [tilespmem:v18+s13+$0x0], $0xffff;
	[tilespmem:s26+$0x13400] =	vst v19  }
0x179: {  	[tilespmem:s19+$0x13400] =	vst v21;
	s3 =	sadd.s32 $0x180, s1  }
0x17a: {  	s23 =	smov.u32 s14;
	v4 =	vld.idx.msk [tilespmem:v17+s13+$0x0], $0xffff;
	s14 =	sadd.s32 $0x80, s1;
	[tilespmem:s16+$0x13400] =	vst v20;
	s5 =	sor.u32 $0x800, s3  }
0x17b: {  	s0 =	sadd.s32 $0x100, s1;
	s2 =	sor.u32 $0x800, s14;
	[tilespmem:s5+$0x13400] =	vst v1;
	v1 =	vld.idx.msk [tilespmem:v60+s13+$0x0], $0xffff  }
0x17c: {  	s4 =	sor.u32 $0x800, s0;
	[tilespmem:s2+$0x13400] =	vst v2;
	v2 =	vld.idx.msk [tilespmem:v3+s13+$0x0], $0xffff  }
0x17d: {  	v5 =	vld.idx.msk [tilespmem:v61+s13+$0x0], $0xffff;
	[tilespmem:s4+$0x13400] =	vst v0;
	v0 =	vadd.s32 s24, v36  }
0x17e: {  	[tilespmem:$0x1FC10] =	vst v7;
	s7 =	sor.u32 $0x800, s1;
	v3 =	vld.idx.msk [tilespmem:v50+s13+$0x0], $0xffff  }
0x17f: {  	v7 =	vmov v13;
	[tilespmem:s7+$0x13400] =	vst v4;
	v4 =	vld [tilespmem:$0x1FC30]  }
0x180: {  	[tilespmem:$0x1FAB0] =	vst v38;
	s25 =	sadd.s32 $0x4, s25;
	s19 =	sor.u32 $0x850, s1;
	s31 =	sor.u32 $0x810, s3;
	v13 =	vld.idx.msk [tilespmem:v9+s13+$0x0], $0xffff  }
0x181: {  	[smem:$0x7EF] =	sst s19;
	s21 =	sor.u32 $0x850, s0;
	s4 =	sor.u32 $0x840, s1;
	v14 =	vld.idx.msk [tilespmem:v15+s13+$0x0], $0xffff;
	[tilespmem:s31+$0x13400] =	vst v2  }
0x182: {  	[tilespmem:$0x1F990] =	vst v7;
	v7 =	vmov v11;
	v11 =	vmov s25;
	s2 =	sand.u32 $0x4, s25;
	[smem:$0x7EC] =	sst s4;
	s7 =	sor.u32 $0x850, s14;
	v17 =	vld.idx.msk [tilespmem:v0+s13+$0x0], $0xffff  }
0x183: {  	v52 =	vand.u32 $0x1C, v11;
	s4 =	sand.u32 $0x18, s25;
	[smem:$0x7ED] =	sst s7;
	s7 =	sor.u32 $0x3, s2;
	[tilespmem:s12+$0x13400] =	vst v5;
	v0 =	vld [tilespmem:$0x1FC50]  }
0x184: {  	[tilespmem:$0x1FBE0] =	vst v8;
	[smem:$0x7EE] =	sst s21;
	s21 =	sor.u32 $0x1, s2;
	v15 =	vadd.s32 v62, v52;
	s19 =	sor.u32 s4, s7;
	v5 =	vld.idx.msk [tilespmem:v56+s13+$0x0], $0xffff  }
0x185: {  	v8 =	vmov v16;
	s8 =	sor.u32 $0x810, s14;
	[tilespmem:s15+$0x13400] =	vst v1;
	s15 =	sor.u32 $0x2, s2;
	s2 =	sor.u32 s4, s21;
	v16 =	vadd.s32 s19, v62  }
0x186: {  	s31 =	sor.u32 s4, s15;
	[tilespmem:s8+$0x13400] =	vst v3;
	s4 =	sshll.u32 s15, $0x7;
	s15 =	sor.u32 $0xC20, s14  }
0x187: {  	s28 =	sor.u32 $0x810, s1;
	[dreg:$0x16] =	wrdreg s15;
	v4 =	vld.idx.msk [tilespmem:v4+s13+$0x0], $0xffff;
	[tilespmem:s23+$0x13400] =	vst v13;
	s23 =	sor.u32 $0x860, s1  }
0x188: {  	v6 =	vld [tilespmem:$0x1FE10];
	[tilespmem:s28+$0x13400] =	vst v14;
	[smem:$0x7F0] =	sst s23;
	s23 =	sor.u32 $0x870, s14  }
0x189: {  	s15 =	sor.u32 $0x820, s3;
	v14 =	vld.idx.msk [tilespmem:v15+s13+$0x0], $0xffff;
	[tilespmem:s11+$0x13400] =	vst v5;
	[smem:$0x7F1] =	sst s23;
	s23 =	sor.u32 $0x870, s0  }
0x18a: {  	v5 =	vld.idx.msk [tilespmem:v16+s13+$0x0], $0xffff;
	[tilespmem:s15+$0x13400] =	vst v17;
	s15 =	sor.u32 $0xC30, s0;
	[smem:$0x7F2] =	sst s23  }
0x18b: {  	[tilespmem:$0x1FB40] =	vst v44;
	s26 =	sor.u32 $0x810, s0;
	v18 =	vadd.s32 s2, v62;
	s23 =	sor.u32 $0xC00, s14;
	[dreg:$0x10] =	wrdreg s15;
	v9 =	vld.idx.msk [tilespmem:v0+s13+$0x0], $0xffff  }
0x18c: {  	[smem:$0x7F4] =	sst s23;
	s23 =	sor.u32 $0xC00, s1;
	[tilespmem:s26+$0x13400] =	vst v4;
	v4 =	vadd.s32 s24, v47;
	v0 =	vld [tilespmem:$0x1FC60]  }
0x18d: {  	[tilespmem:$0x1FAF0] =	vst v26;
	s22 =	sadd.s32 $0x800, s22;
	v19 =	vadd.s32 s31, v62;
	[smem:$0x7F6] =	sst s23;
	s23 =	sor.u32 $0xC10, s0  }
0x18e: {  	[tilespmem:$0x1FB60] =	vst v12;
	s6 =	sor.u32 $0x820, s14;
	[dreg:$0x1a] =	wrdreg s23;
	s23 =	sor.u32 $0xC20, s1  }
0x18f: {  	v29 =	vld [tilespmem:$0x1FE20];
	[tilespmem:$0x1FA70] =	vst v8;
	s21 =	sshll.u32 s21, $0x7;
	[dreg:$0x14] =	wrdreg s23;
	s23 =	sor.u32 $0xC20, s0  }
0x190: {  	[tilespmem:$0x1FA10] =	vst v7;
	v7 =	vadd.s32 v6, v52;
	v15 =	vld.idx.msk [tilespmem:v18+s13+$0x0], $0xffff;
	s15 =	sor.u32 $0xC40, s0;
	[dreg:$0x18] =	wrdreg s23;
	s23 =	sand.u32 $0x3000, s22  }
0x191: {  	[tilespmem:$0x1F9C0] =	vst v7;
	[dreg:$0x8] =	wrdreg s15;
	s15 =	sadd.s32 $0x13400, s23;
	s23 =	sshll.u32 s7, $0x7;
	v4 =	vld.idx.msk [tilespmem:v4+s13+$0x0], $0xffff  }
0x192: {  	[tilespmem:s6+$0x13400] =	vst v9;
	v9 =	vld.idx.msk [tilespmem:v19+s13+$0x0], $0xffff;
	s7 =	sor.u32 s21, s15;
	s21 =	sor.u32 s23, s15  }
0x193: {  	v7 =	vadd.s32 s2, v6;
	v19 =	vadd.s32 s31, v6;
	v6 =	vadd.s32 s2, v39;
	[tilespmem:s21+$0x0] =	vst v5;
	v5 =	vld [tilespmem:$0x1FC90]  }
0x194: {  	[tilespmem:$0x1F9D0] =	vst v6;
	v6 =	vadd.s32 s31, v39;
	v8 =	vld.idx.msk [tilespmem:v0+s13+$0x0], $0xffff  }
0x195: {  	[tilespmem:$0x1F9E0] =	vst v6;
	v6 =	vld [tilespmem:$0x1FC40]  }
0x196: {  	[tilespmem:$0x1FBC0] =	vst v25;
	v1 =	vmov v35  }
0x197: {  	[tilespmem:$0x1F9A0] =	vst v1  }
0x198: {  	s16 =	sor.u32 $0x820, s0;
	[tilespmem:$0x1F9B0] =	vst v7  }
0x199: {  	[tilespmem:s16+$0x13400] =	vst v8;
	v8 =	vadd.s32 v29, v52  }
0x19a: {  	s6 =	sor.u32 s4, s15;
	[tilespmem:$0x1FA30] =	vst v8  }
0x19b: {  	s17 =	sand.u32 $0x200, s9;
	v8 =	vadd.s32 s2, v27;
	v5 =	vld.idx.msk [tilespmem:v5+s13+$0x0], $0xffff;
	[tilespmem:s6+$0x0] =	vst v9  }
0x19c: {  	s28 =	sor.u32 s17, s15;
	[tilespmem:$0x1FA40] =	vst v8  }
0x19d: {  	v9 =	vadd.s32 v57, v52;
	v7 =	vld.idx.msk [tilespmem:v6+s13+$0x0], $0xffff;
	[tilespmem:s28+$0x0] =	vst v14  }
0x19e: {  	v6 =	vadd.s32 v39, v52;
	[tilespmem:$0x1FB30] =	vst v9  }
0x19f: {  	v8 =	vadd.s32 s31, v27;
	[tilespmem:$0x1F9F0] =	vst v6  }
0x1a0: {  	v9 =	vadd.s32 s2, v28;
	[tilespmem:$0x1FA50] =	vst v8  }
0x1a1: {  	v6 =	vadd.s32 s2, v29;
	[tilespmem:$0x1FB70] =	vst v9  }
0x1a2: {  	v26 =	vadd.s32 s31, v30;
	[tilespmem:$0x1FA00] =	vst v6;
	v6 =	vadd.s32 s31, v29  }
0x1a3: {  	v8 =	vadd.s32 v27, v52;
	[tilespmem:$0x1FA20] =	vst v6;
	v6 =	vld [tilespmem:$0x1FC80]  }
0x1a4: {  	v16 =	vadd.s32 s19, v30;
	v9 =	vadd.s32 s31, v57;
	[tilespmem:$0x1FA60] =	vst v8  }
0x1a5: {  	v12 =	vadd.s32 v30, v52;
	v8 =	vadd.s32 s2, v63;
	[tilespmem:$0x1FB20] =	vst v9  }
0x1a6: {  	v9 =	vadd.s32 v28, v52;
	[tilespmem:$0x1FA80] =	vst v8  }
0x1a7: {  	s11 =	sor.u32 $0xC40, s1;
	v26 =	vld.idx.msk [tilespmem:v26+s13+$0x0], $0xffff;
	v8 =	vadd.s32 s31, v63;
	[tilespmem:$0x1FBB0] =	vst v9  }
0x1a8: {  	[dreg:$0x4] =	wrdreg s11;
	s11 =	sor.u32 $0x830, s3;
	[tilespmem:$0x1FA90] =	vst v8  }
0x1a9: {  	v3 =	vadd.s32 s31, v31;
	v9 =	vadd.s32 s31, v28;
	v8 =	vld.idx.msk [tilespmem:v16+s13+$0x0], $0xffff;
	[tilespmem:s11+$0x13400] =	vst v4  }
0x1aa: {  	s10 =	sor.u32 $0x820, s1;
	v27 =	vld.idx.msk [tilespmem:v12+s13+$0x0], $0xffff;
	[tilespmem:$0x1FBA0] =	vst v9  }
0x1ab: {  	v25 =	vadd.s32 s2, v30;
	[tilespmem:s10+$0x13400] =	vst v7;
	v6 =	vld.idx.msk [tilespmem:v6+s13+$0x0], $0xffff  }
0x1ac: {  	v7 =	vadd.s32 s2, v40;
	[tilespmem:s6+$0x10] =	vst v26  }
0x1ad: {  	s20 =	sor.u32 $0x830, s0;
	[tilespmem:$0x1FC00] =	vst v7;
	v7 =	vld [tilespmem:$0x1FC70]  }
0x1ae: {  	v43 =	vld.idx.msk [tilespmem:v3+s13+$0x0], $0xffff;
	[tilespmem:s20+$0x13400] =	vst v5  }
0x1af: {  	s18 =	sor.u32 $0x830, s14;
	v17 =	vadd.s32 s24, v46;
	v5 =	vld [tilespmem:$0x1FCC0];
	[tilespmem:s7+$0x0] =	vst v15  }
0x1b0: {  	v16 =	vld.idx.msk [tilespmem:v25+s13+$0x0], $0xffff;
	[tilespmem:s18+$0x13400] =	vst v6;
	v6 =	vadd.s32 s31, v41  }
0x1b1: {  	v45 =	vadd.s32 v31, v52;
	v4 =	vadd.s32 v59, v52;
	[tilespmem:$0x1FC30] =	vst v6;
	v6 =	vld [tilespmem:$0x1FCA0]  }
0x1b2: {  	v54 =	vld [tilespmem:$0x1FE00];
	[tilespmem:$0x1FAE0] =	vst v4;
	v4 =	vadd.s32 s2, v57  }
0x1b3: {  	v1 =	vld [tilespmem:$0x1FF60];
	[tilespmem:$0x1FB10] =	vst v4;
	v15 =	vadd.s32 v63, v52  }
0x1b4: {  	[tilespmem:$0x1FAA0] =	vst v15;
	v25 =	vld.idx.msk [tilespmem:v17+s13+$0x0], $0xffff  }
0x1b5: {  	v13 =	vadd.s32 s2, v31;
	v61 =	vld.idx.msk [tilespmem:v7+s13+$0x0], $0xffff;
	[tilespmem:s28+$0x10] =	vst v27  }
0x1b6: {  	v3 =	vadd.s32 s31, v46;
	[tilespmem:s21+$0x10] =	vst v8;
	v44 =	vld.idx.msk [tilespmem:v45+s13+$0x0], $0xffff  }
0x1b7: {  	v4 =	vadd.s32 s19, v31;
	v35 =	vld.idx.msk [tilespmem:v5+s13+$0x0], $0xffff;
	v5 =	vmov v3;
	[tilespmem:s6+$0x20] =	vst v43  }
0x1b8: {  	v14 =	vld [tilespmem:$0x1FF90];
	[tilespmem:$0x1FCC0] =	vst v5  }
0x1b9: {  	s29 =	sor.u32 $0x830, s1;
	v38 =	vld.idx.msk [tilespmem:v6+s13+$0x0], $0xffff;
	[tilespmem:s7+$0x10] =	vst v16  }
0x1ba: {  	v28 =	vadd.s32 s24, v37;
	[tilespmem:s29+$0x13400] =	vst v61;
	v13 =	vld.idx.msk [tilespmem:v13+s13+$0x0], $0xffff  }
0x1bb: {  	v2 =	vadd.s32 s2, v32;
	s18 =	sor.u32 $0x840, s3;
	v7 =	vld.idx.msk [tilespmem:v49+s13+$0x0], $0xffff;
	[tilespmem:s28+$0x20] =	vst v44  }
0x1bc: {  	v6 =	vadd.s32 v36, v52;
	v16 =	vld.idx.msk [tilespmem:v4+s13+$0x0], $0xffff;
	[tilespmem:s18+$0x13400] =	vst v25  }
0x1bd: {  	v12 =	vld [tilespmem:$0x1FF80];
	[tilespmem:$0x1FC40] =	vst v6;
	v6 =	vadd.s32 s2, v36  }
0x1be: {  	v53 =	vadd.s32 v34, v52;
	v9 =	vld [tilespmem:$0x1FF70];
	[tilespmem:$0x1FC50] =	vst v6  }
0x1bf: {  	v63 =	vadd.s32 s19, v32;
	v4 =	vadd.s32 v47, v52;
	v6 =	vadd.s32 s31, v36;
	v36 =	vld.idx.msk [tilespmem:v28+s13+$0x0], $0xffff;
	[tilespmem:s7+$0x20] =	vst v13  }
0x1c0: {  	s30 =	sor.u32 $0x840, s14;
	v55 =	vadd.s32 s2, v34;
	v11 =	vadd.s32 s31, v32;
	v56 =	vadd.s32 s31, v34;
	[tilespmem:$0x1FC70] =	vst v4;
	v34 =	vld.idx.msk [tilespmem:v2+s13+$0x0], $0xffff  }
0x1c1: {  	v4 =	vadd.s32 s2, v47;
	[tilespmem:s30+$0x13400] =	vst v38;
	v38 =	vld [tilespmem:$0x1FFD0]  }
0x1c2: {  	v43 =	vld [tilespmem:$0x1FFF0];
	[tilespmem:$0x1FC80] =	vst v4  }
0x1c3: {  	v10 =	vadd.s32 v32, v52;
	v20 =	vadd.s32 v54, v52;
	v45 =	vld [tilespmem:$0x1FFA0];
	v4 =	vadd.s32 s31, v47;
	[tilespmem:s21+$0x20] =	vst v16  }
0x1c4: {  	v18 =	vadd.s32 s31, v40;
	v17 =	vadd.s32 v40, v52;
	v40 =	vadd.s32 s24, v9;
	s29 =	sor.u32 $0x850, s3;
	[tilespmem:$0x1FC90] =	vst v4;
	v13 =	vld.idx.msk [tilespmem:v63+s13+$0x0], $0xffff  }
0x1c5: {  	v29 =	vadd.s32 s2, v37;
	v5 =	vadd.s32 s31, v9;
	v4 =	vadd.s32 s2, v46;
	[tilespmem:s29+$0x13400] =	vst v36;
	v36 =	vld.idx.msk [tilespmem:v11+s13+$0x0], $0xffff  }
0x1c6: {  	v28 =	vadd.s32 v9, v52;
	[tilespmem:$0x1FCA0] =	vst v4;
	v4 =	vadd.s32 s2, v9;
	v11 =	vmovc v29;
	v29 =	vld [tilespmem:$0x1FFE0];
	v9 =	vadd.s32 s31, v38  }
0x1c7: {  	v30 =	vadd.s32 s31, v37;
	v31 =	vadd.s32 v37, v52;
	v15 =	vadd.s32 s2, v59;
	[tilespmem:$0x1FB90] =	vst v9;
	v9 =	vld [tilespmem:$0x1FCB0]  }
0x1c8: {  	[tilespmem:$0x1FAC0] =	vst v15;
	v15 =	vadd.s32 s31, v59;
	v37 =	vld.idx.msk [tilespmem:v10+s13+$0x0], $0xffff;
	v25 =	vadd.s32 v46, v52;
	v46 =	vadd.s32 s24, v58  }
0x1c9: {  	v22 =	vadd.s32 v33, v52;
	v21 =	vadd.s32 s2, v33;
	v50 =	vadd.s32 s2, v41;
	[tilespmem:$0x1FAD0] =	vst v15;
	v10 =	vld [tilespmem:$0x1FFC0]  }
0x1ca: {  	v62 =	vadd.s32 s31, v54;
	v51 =	vadd.s32 s31, v33;
	v33 =	vadd.s32 s31, v58;
	v47 =	vld [tilespmem:$0x1FFB0];
	[tilespmem:$0x1FC60] =	vst v6  }
0x1cb: {  	v60 =	vadd.s32 s2, v1;
	v0 =	vadd.s32 s2, v54;
	[tilespmem:$0x1FCB0] =	vst v11;
	v11 =	vadd.s32 v38, v52  }
0x1cc: {  	v39 =	vadd.s32 s19, v54;
	v32 =	vadd.s32 s2, v58;
	[tilespmem:$0x1FBD0] =	vst v11;
	v11 =	vadd.s32 s2, v29  }
0x1cd: {  	v27 =	vadd.s32 s2, v12;
	v15 =	vadd.s32 s2, v14;
	v8 =	vld.idx.msk [tilespmem:v46+s13+$0x0], $0xffff;
	[tilespmem:$0x1FBF0] =	vst v11;
	v11 =	vadd.s32 s31, v29  }
0x1ce: {  	v3 =	vmovc v25;
	v25 =	vadd.s32 s2, v45;
	v49 =	vadd.s32 s2, v10;
	v6 =	vadd.s32 v58, v52;
	[tilespmem:$0x1FC20] =	vst v11;
	v11 =	vld [tilespmem:$0x1FCD0]  }
0x1cf: {  	v58 =	vadd.s32 s2, v47;
	[tilespmem:s21+$0x30] =	vst v13;
	v13 =	vadd.s32 s2, v43;
	v54 =	vadd.s32 s2, v38;
	s2 =	sld [smem:$0x7EC];
	v9 =	vld.idx.msk [tilespmem:v9+s13+$0x0], $0xffff  }
0x1d0: {  	[tilespmem:s28+$0x30] =	vst v37  }
0x1d1: {  	s4 =	sld [smem:$0x7ED];
	[tilespmem:$0x1FB00] =	vst v3  }
0x1d2: {  	s26 =	sor.u32 $0x870, s1;
	v37 =	vld.idx.msk [tilespmem:v20+s13+$0x0], $0xffff;
	[tilespmem:s2+$0x13400] =	vst v7  }
0x1d3: {  	[smem:$0x7F3] =	sst s26;
	s26 =	sor.u32 $0xC00, s0;
	v26 =	vadd.s32 v12, v52;
	v3 =	vadd.s32 s31, v12;
	v7 =	vadd.s32 s24, v12;
	v12 =	vld [tilespmem:$0x1FCE0];
	[tilespmem:s7+$0x30] =	vst v34  }
0x1d4: {  	[smem:$0x7F5] =	sst s26;
	s26 =	sor.u32 $0xC10, s14;
	v0 =	vld.idx.msk [tilespmem:v0+s13+$0x0], $0xffff;
	[tilespmem:s4+$0x13400] =	vst v9;
	v9 =	vmov v31  }
0x1d5: {  	s5 =	sor.u32 $0x840, s0;
	[dreg:$0x1e] =	wrdreg s26;
	s26 =	sor.u32 $0xC10, s1;
	[tilespmem:$0x1FCE0] =	vst v9;
	v9 =	vld [tilespmem:$0x1FCF0]  }
0x1d6: {  	[dreg:$0x1c] =	wrdreg s26;
	s26 =	sor.u32 $0xC30, s14;
	[tilespmem:s5+$0x13400] =	vst v35  }
0x1d7: {  	[dreg:$0x12] =	wrdreg s26;
	s26 =	sor.u32 $0xC30, s1;
	s17 =	sor.u32 $0xC60, s1;
	v44 =	vmov v42;
	v42 =	vld.idx.msk [tilespmem:v11+s13+$0x0], $0xffff  }
0x1d8: {  	s16 =	sor.u32 $0xC50, s1;
	s11 =	sor.u32 $0xC70, s1;
	s1 =	sor.u32 $0x860, s3;
	v11 =	vmov v30;
	v30 =	vld.idx.msk [tilespmem:v39+s13+$0x0], $0xffff  }
0x1d9: {  	[tilespmem:s1+$0x13400] =	vst v8;
	v8 =	vadd.s32 s19, v1  }
0x1da: {  	[tilespmem:s6+$0x30] =	vst v36;
	v34 =	vld.idx.msk [tilespmem:v40+s13+$0x0], $0xffff  }
0x1db: {  	v36 =	vld.idx.msk [tilespmem:v62+s13+$0x0], $0xffff  }
0x1dc: {  	v63 =	vadd.s32 v14, v52;
	v2 =	vadd.s32 s31, v14;
	v31 =	vadd.s32 s24, v14;
	v14 =	vld [tilespmem:$0x1FD20]  }
0x1dd: {  	[tilespmem:s21+$0x40] =	vst v30;
	v9 =	vld.idx.msk [tilespmem:v9+s13+$0x0], $0xffff  }
0x1de: {  	s5 =	sor.u32 $0x870, s3;
	[tilespmem:s7+$0x40] =	vst v0;
	v0 =	vld.idx.msk [tilespmem:v8+s13+$0x0], $0xffff  }
0x1df: {  	v24 =	vadd.s32 s31, v1;
	[tilespmem:s5+$0x13400] =	vst v34;
	v34 =	vld [tilespmem:$0x1FE70];
	_ =	sdelay $0x2  }
0x1e0: {  	[tilespmem:$0x1FB80] =	vst v23  }
0x1e1: {  	v23 =	vadd.s32 v1, v52;
	s10 =	sld [smem:$0x7EE];
	v1 =	vmov v33;
	v33 =	vld [tilespmem:$0x1FE80];
	[tilespmem:s6+$0x40] =	vst v36  }
0x1e2: {  	v24 =	vld.idx.msk [tilespmem:v24+s13+$0x0], $0xffff;
	v30 =	vadd.s32 s19, v34  }
0x1e3: {  	v7 =	vld.idx.msk [tilespmem:v7+s13+$0x0], $0xffff  }
0x1e4: {  	v16 =	vadd.s32 v10, v52;
	[tilespmem:s10+$0x13400] =	vst v42;
	v8 =	vld.idx.msk [tilespmem:v60+s13+$0x0], $0xffff  }
0x1e5: {  	[tilespmem:$0x1FB50] =	vst v16;
	v62 =	vld.idx.msk [tilespmem:v14+s13+$0x0], $0xffff  }
0x1e6: {  	v14 =	vmov v6;
	[tilespmem:s21+$0x50] =	vst v0;
	v0 =	vld [tilespmem:$0x1FD00]  }
0x1e7: {  	s20 =	sor.u32 $0xC00, s3;
	[tilespmem:$0x1FD00] =	vst v14;
	v6 =	vld.idx.msk [tilespmem:v30+s13+$0x0], $0xffff  }
0x1e8: {  	v14 =	vld [tilespmem:$0x1FD10];
	[tilespmem:s20+$0x13400] =	vst v7;
	v7 =	vadd.s32 s19, v33  }
0x1e9: {  	[tilespmem:s7+$0x50] =	vst v8  }
0x1ea: {  	s8 =	sor.u32 $0x860, s14;
	[tilespmem:s6+$0x50] =	vst v24;
	v8 =	vld.idx.msk [tilespmem:v55+s13+$0x0], $0xffff  }
0x1eb: {  	[tilespmem:s8+$0x13400] =	vst v9;
	v24 =	vld.idx.msk [tilespmem:v31+s13+$0x0], $0xffff  }
0x1ec: {  	v48 =	vadd.s32 v41, v52;
	v20 =	vld [tilespmem:$0x1FE10];
	v9 =	vadd.s32 s24, v45;
	[tilespmem:s21+$0x60] =	vst v6  }
0x1ed: {  	v59 =	vadd.s32 v45, v52;
	v41 =	vadd.s32 v47, v52;
	[tilespmem:$0x1FCD0] =	vst v11;
	v6 =	vmov v5;
	v5 =	vld.idx.msk [tilespmem:v7+s13+$0x0], $0xffff  }
0x1ee: {  	v35 =	vadd.s32 v43, v52;
	v16 =	vadd.s32 v29, v52;
	v52 =	vld.idx.msk [tilespmem:v12+s13+$0x0], $0xffff;
	[tilespmem:s28+$0x40] =	vst v37  }
0x1ef: {  	s29 =	sor.u32 $0xC10, s3;
	v23 =	vld.idx.msk [tilespmem:v23+s13+$0x0], $0xffff;
	[tilespmem:$0x1FD20] =	vst v1  }
0x1f0: {  	v31 =	vld.idx.msk [tilespmem:v14+s13+$0x0], $0xffff;
	[tilespmem:s29+$0x13400] =	vst v24  }
0x1f1: {  	[tilespmem:s7+$0x60] =	vst v8;
	v8 =	vld.idx.msk [tilespmem:v9+s13+$0x0], $0xffff  }
0x1f2: {  	s18 =	sld [smem:$0x7EF];
	v14 =	vmov v4;
	[tilespmem:s21+$0x70] =	vst v5;
	v5 =	vld [tilespmem:$0x1FD40]  }
0x1f3: {  	v1 =	vmov v28;
	[tilespmem:$0x1FD10] =	vst v14;
	v14 =	vld [tilespmem:$0x1FD30]  }
0x1f4: {  	[tilespmem:$0x1FD30] =	vst v1;
	v1 =	vld [tilespmem:$0x1F9B0]  }
0x1f5: {  	v61 =	vadd.s32 s31, v45;
	v57 =	vadd.s32 s31, v47;
	[tilespmem:s18+$0x13400] =	vst v52;
	v4 =	vld [tilespmem:$0x1FD50]  }
0x1f6: {  	v46 =	vadd.s32 s31, v10;
	v11 =	vadd.s32 s31, v43;
	s31 =	sld [smem:$0x7F1];
	[tilespmem:$0x1FD50] =	vst v6;
	v6 =	vld.idx.msk [tilespmem:v21+s13+$0x0], $0xffff;
	v7 =	vadd.s32 s19, v20  }
0x1f7: {  	v0 =	vld.idx.msk [tilespmem:v0+s13+$0x0], $0xffff  }
0x1f8: {  	[tilespmem:s28+$0x50] =	vst v23;
	v23 =	vld.idx.msk [tilespmem:v56+s13+$0x0], $0xffff  }
0x1f9: {  	v30 =	vld.idx.msk [tilespmem:v53+s13+$0x0], $0xffff;
	[tilespmem:s31+$0x13400] =	vst v31  }
0x1fa: {  	v5 =	vld.idx.msk [tilespmem:v5+s13+$0x0], $0xffff  }
0x1fb: {  	[tilespmem:s7+$0x70] =	vst v6;
	v6 =	vld.idx.msk [tilespmem:v7+s13+$0x0], $0xffff  }
0x1fc: {  	s12 =	sor.u32 $0x860, s0;
	v7 =	vld.idx.msk [tilespmem:v1+s13+$0x0], $0xffff  }
0x1fd: {  	[tilespmem:s12+$0x13400] =	vst v62;
	v1 =	vld [tilespmem:$0x1F9C0]  }
0x1fe: {  	[tilespmem:s28+$0x60] =	vst v30;
	v4 =	vld.idx.msk [tilespmem:v4+s13+$0x0], $0xffff  }
0x1ff: {  	[tilespmem:s6+$0x60] =	vst v23;
	v23 =	vld.idx.msk [tilespmem:v22+s13+$0x0], $0xffff  }
0x200: {  	s30 =	sld [smem:$0x7F0]  }
0x201: {  	v9 =	vld.idx.msk [tilespmem:v51+s13+$0x0], $0xffff;
	_ =	sdelay $0x1  }
0x202: {  	v39 =	vld [tilespmem:$0x1FE90];
	[tilespmem:s30+$0x13400] =	vst v0  }
0x203: {  	v24 =	vld.idx.msk [tilespmem:v14+s13+$0x0], $0xffff;
	[tilespmem:s28+$0x70] =	vst v23  }
0x204: {  	s2 =	sld [smem:$0x7F2];
	v21 =	vld.idx.msk [tilespmem:v1+s13+$0x0], $0xffff  }
0x205: {  	[tilespmem:s6+$0x70] =	vst v9;
	v1 =	vld [tilespmem:$0x1F9D0]  }
0x206: {  	v9 =	vld.idx.msk [tilespmem:v19+s13+$0x0], $0xffff  }
0x207: {  	v0 =	vadd.s32 s24, v47;
	[tilespmem:s2+$0x13400] =	vst v4;
	v4 =	vadd.s32 s24, v10;
	v10 =	vld [tilespmem:$0x1FD80];
	_ =	sdelay $0x2  }
0x208: {  	s1 =	sor.u32 $0xC20, s3  }
0x209: {  	v40 =	vld [tilespmem:$0x1FE20];
	[tilespmem:s1+$0x13400] =	vst v8  }
0x20a: {  	v8 =	vadd.s32 s19, v39;
	v0 =	vld.idx.msk [tilespmem:v0+s13+$0x0], $0xffff;
	[tilespmem:s7+$0x400] =	vst v7  }
0x20b: {  	v7 =	vld.idx.msk [tilespmem:v1+s13+$0x0], $0xffff  }
0x20c: {  	v1 =	vld [tilespmem:$0x1F9E0]  }
0x20d: {  	v22 =	vld.idx.msk [tilespmem:v10+s13+$0x0], $0xffff  }
0x20e: {  	[tilespmem:s21+$0x400] =	vst v6;
	v6 =	vmov v26;
	v10 =	vmov v3;
	v3 =	vld [tilespmem:$0x1FD70]  }
0x20f: {  	[tilespmem:$0x1FD70] =	vst v6;
	v6 =	vld.idx.msk [tilespmem:v8+s13+$0x0], $0xffff  }
0x210: {  	s5 =	sor.u32 $0xC30, s3  }
0x211: {  	[tilespmem:s5+$0x13400] =	vst v0;
	v0 =	vadd.s32 s19, v40  }
0x212: {  	s8 =	sld [smem:$0x7F4];
	[tilespmem:s6+$0x400] =	vst v9;
	v4 =	vld.idx.msk [tilespmem:v4+s13+$0x0], $0xffff  }
0x213: {  	[tilespmem:$0x1FD80] =	vst v10;
	v10 =	vld [tilespmem:$0x1FD60]  }
0x214: {  	[tilespmem:s21+$0x410] =	vst v6;
	v8 =	vld.idx.msk [tilespmem:v1+s13+$0x0], $0xffff  }
0x215: {  	s4 =	sld [smem:$0x7F3];
	[tilespmem:s8+$0x13400] =	vst v5;
	v5 =	vadd.s32 s24, v38;
	v1 =	vld [tilespmem:$0x1F9F0]  }
0x216: {  	v12 =	vmov v32;
	v0 =	vld.idx.msk [tilespmem:v0+s13+$0x0], $0xffff  }
0x217: {  	[tilespmem:$0x1FCF0] =	vst v12;
	v6 =	vmov v2;
	v2 =	vld [tilespmem:$0x1FA00]  }
0x218: {  	v12 =	vld [tilespmem:$0x1FEA0];
	s12 =	smov.u32 s17;
	s17 =	sor.u32 $0xC40, s3;
	[tilespmem:s4+$0x13400] =	vst v24  }
0x219: {  	[tilespmem:s17+$0x13400] =	vst v4;
	v3 =	vld.idx.msk [tilespmem:v3+s13+$0x0], $0xffff  }
0x21a: {  	v5 =	vld.idx.msk [tilespmem:v5+s13+$0x0], $0xffff  }
0x21b: {  	[tilespmem:s21+$0x420] =	vst v0;
	v0 =	vld [tilespmem:$0x1FDA0]  }
0x21c: {  	[tilespmem:s28+$0x400] =	vst v21;
	v19 =	vld.idx.msk [tilespmem:v10+s13+$0x0], $0xffff  }
0x21d: {  	v9 =	vld.idx.msk [tilespmem:v1+s13+$0x0], $0xffff  }
0x21e: {  	[tilespmem:s7+$0x410] =	vst v7;
	v1 =	vld [tilespmem:$0x1FDB0]  }
0x21f: {  	v4 =	vadd.s32 s19, v12;
	v2 =	vld.idx.msk [tilespmem:v2+s13+$0x0], $0xffff;
	_ =	sdelay $0x1  }
0x220: {  	s20 =	rddreg [dreg:$0x1e]  }
0x221: {  	s10 =	sld [smem:$0x7F5];
	v7 =	vld [tilespmem:$0x1FA30];
	[tilespmem:s20+$0x13400] =	vst v19  }
0x222: {  	v0 =	vld.idx.msk [tilespmem:v0+s13+$0x0], $0xffff  }
0x223: {  	[tilespmem:s7+$0x420] =	vst v2;
	v2 =	vld.idx.msk [tilespmem:v4+s13+$0x0], $0xffff  }
0x224: {  	v10 =	vmov v15;
	[tilespmem:s10+$0x13400] =	vst v22;
	v4 =	vld [tilespmem:$0x1FA40]  }
0x225: {  	v1 =	vld.idx.msk [tilespmem:v1+s13+$0x0], $0xffff  }
0x226: {  	[tilespmem:s6+$0x410] =	vst v8;
	v8 =	vld [tilespmem:$0x1FD90]  }
0x227: {  	[tilespmem:$0x1FD60] =	vst v10;
	v10 =	vmov v63;
	v63 =	vld [tilespmem:$0x1FEB0]  }
0x228: {  	s18 =	sld [smem:$0x7F6]  }
0x229: {  	[tilespmem:s28+$0x410] =	vst v9  }
0x22a: {  	[tilespmem:$0x1FDB0] =	vst v6;
	v7 =	vld.idx.msk [tilespmem:v7+s13+$0x0], $0xffff  }
0x22b: {  	s29 =	sor.u32 $0xC50, s3;
	v6 =	vld [tilespmem:$0x1FA20];
	[tilespmem:s18+$0x13400] =	vst v3;
	v3 =	vadd.s32 s24, v29  }
0x22c: {  	[tilespmem:s29+$0x13400] =	vst v5;
	v5 =	vadd.s32 s19, v63;
	v4 =	vld.idx.msk [tilespmem:v4+s13+$0x0], $0xffff;
	_ =	sdelay $0x1  }
0x22d: {  	v8 =	vld.idx.msk [tilespmem:v8+s13+$0x0], $0xffff  }
0x22e: {  	[tilespmem:s28+$0x420] =	vst v7;
	v7 =	vld [tilespmem:$0x1FA60]  }
0x22f: {  	v3 =	vld.idx.msk [tilespmem:v3+s13+$0x0], $0xffff;
	[tilespmem:s21+$0x430] =	vst v2  }
0x230: {  	[tilespmem:s7+$0x430] =	vst v4;
	v4 =	vld.idx.msk [tilespmem:v5+s13+$0x0], $0xffff  }
0x231: {  	v5 =	vld [tilespmem:$0x1FA80]  }
0x232: {  	v2 =	vld [tilespmem:$0x1FDC0]  }
0x233: {  	v6 =	vld.idx.msk [tilespmem:v6+s13+$0x0], $0xffff;
	_ =	sdelay $0x2  }
0x234: {  	v7 =	vld.idx.msk [tilespmem:v7+s13+$0x0], $0xffff;
	_ =	sdelay $0x1  }
0x235: {  	s31 =	rddreg [dreg:$0x1c];
	[tilespmem:s6+$0x420] =	vst v6;
	v6 =	vld [tilespmem:$0x1FA50]  }
0x236: {  	v5 =	vld.idx.msk [tilespmem:v5+s13+$0x0], $0xffff;
	[tilespmem:s31+$0x13400] =	vst v8  }
0x237: {  	v2 =	vld.idx.msk [tilespmem:v2+s13+$0x0], $0xffff  }
0x238: {  	s2 =	rddreg [dreg:$0x16];
	[tilespmem:s28+$0x430] =	vst v7;
	v7 =	vld [tilespmem:$0x1FAA0]  }
0x239: {  	[tilespmem:s2+$0x13400] =	vst v0;
	v0 =	vld [tilespmem:$0x1FAB0];
	_ =	sdelay $0x1  }
0x23a: {  	[tilespmem:$0x1FD90] =	vst v10;
	v10 =	vmov v25;
	v8 =	vld [tilespmem:$0x1FDD0];
	_ =	sdelay $0x2  }
0x23b: {  	[tilespmem:$0x1FDA0] =	vst v10;
	v10 =	vmov v59;
	v59 =	vld [tilespmem:$0x1FEC0]  }
0x23c: {  	v6 =	vld.idx.msk [tilespmem:v6+s13+$0x0], $0xffff  }
0x23d: {  	s30 =	rddreg [dreg:$0x1a];
	v7 =	vld.idx.msk [tilespmem:v7+s13+$0x0], $0xffff  }
0x23e: {  	[tilespmem:s30+$0x13400] =	vst v1;
	v0 =	vld.idx.msk [tilespmem:v0+s13+$0x0], $0xffff  }
0x23f: {  	s1 =	sor.u32 $0xC60, s3;
	[tilespmem:s7+$0x440] =	vst v5;
	v5 =	vld [tilespmem:$0x1FAC0]  }
0x240: {  	[tilespmem:s1+$0x13400] =	vst v3;
	v1 =	vadd.s32 s24, v43;
	v8 =	vld.idx.msk [tilespmem:v8+s13+$0x0], $0xffff  }
0x241: {  	s24 =	smov.u32 s19;
	[tilespmem:s6+$0x430] =	vst v6;
	v6 =	vld [tilespmem:$0x1FA90]  }
0x242: {  	v3 =	vadd.s32 s24, v59;
	[tilespmem:s28+$0x440] =	vst v7;
	v7 =	vld [tilespmem:$0x1FAE0];
	_ =	sdelay $0x2  }
0x243: {  	v1 =	vld.idx.msk [tilespmem:v1+s13+$0x0], $0xffff  }
0x244: {  	[tilespmem:s21+$0x440] =	vst v4;
	v4 =	vld [tilespmem:$0x1FDE0]  }
0x245: {  	v3 =	vld.idx.msk [tilespmem:v3+s13+$0x0], $0xffff  }
0x246: {  	v5 =	vld.idx.msk [tilespmem:v5+s13+$0x0], $0xffff  }
0x247: {  	s10 =	rddreg [dreg:$0x12];
	v6 =	vld.idx.msk [tilespmem:v6+s13+$0x0], $0xffff  }
0x248: {  	s8 =	rddreg [dreg:$0x14];
	[tilespmem:s10+$0x13400] =	vst v0;
	v7 =	vld.idx.msk [tilespmem:v7+s13+$0x0], $0xffff  }
0x249: {  	v0 =	vmov v41;
	[tilespmem:s8+$0x13400] =	vst v2;
	v2 =	vld [tilespmem:$0x1FDF0]  }
0x24a: {  	s4 =	rddreg [dreg:$0x18];
	[tilespmem:$0x1FDF0] =	vst v0;
	v0 =	vld [tilespmem:$0x1FAF0]  }
0x24b: {  	s5 =	sor.u32 $0xC70, s3;
	[tilespmem:s4+$0x13400] =	vst v8  }
0x24c: {  	[tilespmem:s5+$0x13400] =	vst v1;
	v4 =	vld.idx.msk [tilespmem:v4+s13+$0x0], $0xffff  }
0x24d: {  	[tilespmem:s6+$0x440] =	vst v6;
	v6 =	vld [tilespmem:$0x1FAD0]  }
0x24e: {  	[tilespmem:s21+$0x450] =	vst v3;
	v3 =	vld [tilespmem:$0x1FB10];
	_ =	sdelay $0x3  }
0x24f: {  	v0 =	vld.idx.msk [tilespmem:v0+s13+$0x0], $0xffff;
	_ =	sdelay $0x1  }
0x250: {  	[dreg:$0xa] =	wrdreg s26;
	s26 =	sor.u32 $0xC40, s14;
	v8 =	vmov v57;
	v57 =	vld [tilespmem:$0x1FED0]  }
0x251: {  	[dreg:$0xc] =	wrdreg s26;
	v6 =	vld.idx.msk [tilespmem:v6+s13+$0x0], $0xffff;
	[tilespmem:s7+$0x450] =	vst v5  }
0x252: {  	s20 =	rddreg [dreg:$0xc];
	v3 =	vld.idx.msk [tilespmem:v3+s13+$0x0], $0xffff  }
0x253: {  	[tilespmem:s20+$0x13400] =	vst v0;
	v0 =	vld [tilespmem:$0x1FB50]  }
0x254: {  	s17 =	rddreg [dreg:$0x10]  }
0x255: {  	[tilespmem:s17+$0x13400] =	vst v4  }
0x256: {  	v1 =	vadd.s32 s24, v57;
	[tilespmem:s6+$0x450] =	vst v6  }
0x257: {  	v5 =	vld.idx.msk [tilespmem:v44+s13+$0x0], $0xffff  }
0x258: {  	v44 =	vmov v0;
	v0 =	vld [tilespmem:$0x1FB60];
	_ =	sdelay $0x2  }
0x259: {  	v1 =	vld.idx.msk [tilespmem:v1+s13+$0x0], $0xffff;
	_ =	sdelay $0x2  }
0x25a: {  	v28 =	vld [tilespmem:$0x1FEE0];
	_ =	sdelay $0x1  }
0x25b: {  	[tilespmem:s21+$0x460] =	vst v1;
	v1 =	vld.idx.msk [tilespmem:v0+s13+$0x0], $0xffff  }
0x25c: {  	v0 =	vld [tilespmem:$0x1FB70];
	_ =	sdelay $0x1  }
0x25d: {  	v4 =	vadd.s32 s24, v28  }
0x25e: {  	v6 =	vld [tilespmem:$0x1FB20];
	_ =	sdelay $0x3  }
0x25f: {  	[tilespmem:s7+$0x460] =	vst v3;
	v3 =	vld.idx.msk [tilespmem:v4+s13+$0x0], $0xffff  }
0x260: {  	v4 =	vld.idx.msk [tilespmem:v0+s13+$0x0], $0xffff  }
0x261: {  	v0 =	vld [tilespmem:$0x1FB80]  }
0x262: {  	v2 =	vld.idx.msk [tilespmem:v2+s13+$0x0], $0xffff  }
0x263: {  	v6 =	vld.idx.msk [tilespmem:v6+s13+$0x0], $0xffff  }
0x264: {  	s23 =	sor.u32 $0xC50, s14;
	[tilespmem:s28+$0x450] =	vst v7;
	v7 =	vld [tilespmem:$0x1FB30]  }
0x265: {  	[dreg:$0xd] =	wrdreg s23;
	s23 =	sor.u32 $0xC60, s0  }
0x266: {  	s19 =	smov.u32 s23;
	s23 =	rddreg [dreg:$0x8]  }
0x267: {  	[tilespmem:s23+$0x13400] =	vst v5  }
0x268: {  	[tilespmem:s6+$0x460] =	vst v6  }
0x269: {  	v6 =	vld.idx.msk [tilespmem:v0+s13+$0x0], $0xffff  }
0x26a: {  	v0 =	vld [tilespmem:$0x1FB90];
	_ =	sdelay $0x1  }
0x26b: {  	s18 =	rddreg [dreg:$0xa];
	v7 =	vld.idx.msk [tilespmem:v7+s13+$0x0], $0xffff  }
0x26c: {  	[tilespmem:s18+$0x13400] =	vst v2;
	v2 =	vld [tilespmem:$0x1FB40];
	_ =	sdelay $0x1  }
0x26d: {  	v23 =	vmov v0;
	v0 =	vld [tilespmem:$0x1FBA0];
	_ =	sdelay $0x3  }
0x26e: {  	v32 =	vld [tilespmem:$0x1FE60]  }
0x26f: {  	v37 =	vld [tilespmem:$0x1FF40]  }
0x270: {  	s30 =	rddreg [dreg:$0xd];
	v2 =	vld.idx.msk [tilespmem:v2+s13+$0x0], $0xffff  }
0x271: {  	[tilespmem:s30+$0x13400] =	vst v1;
	v1 =	vld [tilespmem:$0x1FBD0]  }
0x272: {  	[tilespmem:s28+$0x460] =	vst v7;
	v7 =	vld.idx.msk [tilespmem:v0+s13+$0x0], $0xffff  }
0x273: {  	v0 =	vld [tilespmem:$0x1FBB0]  }
0x274: {  	v36 =	vld [tilespmem:$0x1FF10]  }
0x275: {  	v42 =	vmov v46;
	v46 =	vld [tilespmem:$0x1FF30]  }
0x276: {  	v25 =	vmov v1;
	v1 =	vld [tilespmem:$0x1FBE0]  }
0x277: {  	v60 =	vld [tilespmem:$0x1F990]  }
0x278: {  	v56 =	vld [tilespmem:$0x1F9A0]  }
0x279: {  	v62 =	vld [tilespmem:$0x1FE30]  }
0x27a: {  	v31 =	vld [tilespmem:$0x1FE50]  }
0x27b: {  	s29 =	rddreg [dreg:$0x4];
	v0 =	vld.idx.msk [tilespmem:v0+s13+$0x0], $0xffff  }
0x27c: {  	[tilespmem:s29+$0x13400] =	vst v2;
	v2 =	vld [tilespmem:$0x1FBC0]  }
0x27d: {  	v30 =	vld [tilespmem:$0x1FE40]  }
0x27e: {  	v19 =	vld.idx.msk [tilespmem:v1+s13+$0x0], $0xffff  }
0x27f: {  	[tilespmem:s7+$0x470] =	vst v4;
	v4 =	vld [tilespmem:$0x1FC10]  }
0x280: {  	v47 =	vld [tilespmem:$0x1FF20]  }
0x281: {  	v26 =	vmov v49;
	v49 =	vld [tilespmem:$0x1FB00]  }
0x282: {  	s26 =	sor.u32 $0xC50, s0;
	v40 =	vld [tilespmem:$0x1FEF0]  }
0x283: {  	[dreg:$0x6] =	wrdreg s26;
	v41 =	vld [tilespmem:$0x1FF00]  }
0x284: {  	s31 =	rddreg [dreg:$0x6];
	v20 =	vld.idx.msk [tilespmem:v2+s13+$0x0], $0xffff  }
0x285: {  	[tilespmem:s31+$0x13400] =	vst v6;
	v2 =	vld [tilespmem:$0x1FC00]  }
0x286: {  	v1 =	vld [tilespmem:$0x1FBF0];
	[tilespmem:s6+$0x470] =	vst v7  }
0x287: {  	v5 =	vadd.s32 s24, v40;
	v21 =	vld.idx.msk [tilespmem:v4+s13+$0x0], $0xffff  }
0x288: {  	p3 =	slt.u32 s25, $0x1C;
	v14 =	vmov v27;
	v4 =	vld [tilespmem:$0x1FC20]  }
.Ltmp3:
0x289: {  	v27 =	vmov v12;
	[tilespmem:$0x1FD40] =	vst v14;
	v12 =	vmov v61;
	v61 =	vld [tilespmem:$0x1FA70];
	(pc) =	sbr.rel @p3 .LBB2_8-.Ltmp3, $4  }
0x28a: {  	p2 =	por !p2, !p2;
	s15 =	sor.u32 $0xC70, s14;
	v38 =	vmov v58;
	v58 =	vld [tilespmem:$0x1FF50];
	[tilespmem:$0x1FDC0] =	vst v10  }
0x28b: {  	s26 =	sor.u32 $0xC60, s14;
	s14 =	sor.u32 $0xC70, s0;
	s0 =	simm.s32 $0x1;
	v9 =	vld [tilespmem:$0x1FA10];
	[tilespmem:s21+$0x470] =	vst v3  }
0x28c: {  	s0 =	simm.s32 @!p2 $0x0;
	[tilespmem:$0x1FDE0] =	vst v8;
	v8 =	vmov v1;
	v1 =	vld.idx.msk [tilespmem:v5+s13+$0x0], $0xffff  }
0x28d: {  	s9 =	sadd.s32 $0x200, s9;
	s0 =	sshll.u32 s0, $0x9;
	v15 =	vmovc v48;
	[tilespmem:$0x1FDD0] =	vst v12;
	v12 =	vmov v54;
	v3 =	vadd.s32 s24, v41;
	v7 =	vmov v4;
	v2 =	vld.idx.msk [tilespmem:v2+s13+$0x0], $0xffff  }
0x28e: {  	_ =	sdelay $0x2  }
0x28f: {  	v22 =	vld [tilespmem:$0x1FF60]  }
0x290: {  	[tilespmem:s28+$0x470] =	vst v0;
	s2 =	sadd.s32 s0, s22;
	v0 =	vld.idx.msk [tilespmem:v18+s13+$0x0], $0xffff  }
0x291: {  	v4 =	vld.idx.msk [tilespmem:v17+s13+$0x0], $0xffff;
	s5 =	sadd.s32 $0x180, s2  }
0x292: {  	s3 =	sadd.s32 $0x80, s2;
	s6 =	sor.u32 $0x800, s5  }
0x293: {  	s4 =	sadd.s32 $0x100, s2;
	s7 =	sor.u32 $0x800, s3;
	[tilespmem:s6+$0x13400] =	vst v1  }
0x294: {  	s8 =	sor.u32 $0x800, s4;
	[tilespmem:s7+$0x13400] =	vst v2  }
0x295: {  	s9 =	sor.u32 $0x800, s2;
	[tilespmem:s8+$0x13400] =	vst v0  }
0x296: {  	v1 =	vld.idx.msk [tilespmem:v3+s13+$0x0], $0xffff;
	[tilespmem:s9+$0x13400] =	vst v4  }
0x297: {  	v3 =	vld [tilespmem:$0x1FC30];
	_ =	sdelay $0x6  }
0x298: {  	v0 =	vld.idx.msk [tilespmem:v50+s13+$0x0], $0xffff  }
0x299: {  	v3 =	vld.idx.msk [tilespmem:v3+s13+$0x0], $0xffff  }
0x29a: {  	v4 =	vld.idx.msk [tilespmem:v15+s13+$0x0], $0xffff  }
0x29b: {  	s10 =	sor.u32 $0x810, s5  }
0x29c: {  	s17 =	sor.u32 $0x810, s3;
	[tilespmem:s10+$0x13400] =	vst v1  }
0x29d: {  	s18 =	sor.u32 $0x810, s4;
	[tilespmem:s17+$0x13400] =	vst v0  }
0x29e: {  	s20 =	sor.u32 $0x810, s2;
	[tilespmem:s18+$0x13400] =	vst v3  }
0x29f: {  	v1 =	vld [tilespmem:$0x1FC50];
	[tilespmem:s20+$0x13400] =	vst v4  }
0x2a0: {  	v3 =	vld [tilespmem:$0x1FC60]  }
0x2a1: {  	v2 =	vadd.s32 s24, v36;
	v4 =	vld [tilespmem:$0x1FC40];
	_ =	sdelay $0x4  }
0x2a2: {  	v0 =	vld.idx.msk [tilespmem:v2+s13+$0x0], $0xffff  }
0x2a3: {  	v1 =	vld.idx.msk [tilespmem:v1+s13+$0x0], $0xffff  }
0x2a4: {  	v2 =	vadd.s32 s24, v47;
	v3 =	vld.idx.msk [tilespmem:v3+s13+$0x0], $0xffff  }
0x2a5: {  	v4 =	vld.idx.msk [tilespmem:v4+s13+$0x0], $0xffff  }
0x2a6: {  	s21 =	sor.u32 $0x820, s5  }
0x2a7: {  	s22 =	sor.u32 $0x820, s3;
	[tilespmem:s21+$0x13400] =	vst v0  }
0x2a8: {  	s23 =	sor.u32 $0x820, s4;
	[tilespmem:s22+$0x13400] =	vst v1  }
0x2a9: {  	s25 =	sor.u32 $0x820, s2;
	v0 =	vld.idx.msk [tilespmem:v2+s13+$0x0], $0xffff;
	[tilespmem:s23+$0x13400] =	vst v3  }
0x2aa: {  	v2 =	vld [tilespmem:$0x1FC80];
	[tilespmem:s25+$0x13400] =	vst v4  }
0x2ab: {  	v3 =	vld [tilespmem:$0x1FC90]  }
0x2ac: {  	v4 =	vld [tilespmem:$0x1FC70];
	_ =	sdelay $0x5  }
0x2ad: {  	v2 =	vld.idx.msk [tilespmem:v2+s13+$0x0], $0xffff  }
0x2ae: {  	v3 =	vld.idx.msk [tilespmem:v3+s13+$0x0], $0xffff  }
0x2af: {  	v4 =	vld.idx.msk [tilespmem:v4+s13+$0x0], $0xffff  }
0x2b0: {  	s28 =	sor.u32 $0x830, s5  }
0x2b1: {  	s29 =	sor.u32 $0x830, s3;
	[tilespmem:s28+$0x13400] =	vst v0  }
0x2b2: {  	s30 =	sor.u32 $0x830, s4;
	[tilespmem:s29+$0x13400] =	vst v2  }
0x2b3: {  	s31 =	sor.u32 $0x830, s2;
	[tilespmem:s30+$0x13400] =	vst v3  }
0x2b4: {  	v2 =	vld [tilespmem:$0x1FCA0];
	[tilespmem:s31+$0x13400] =	vst v4  }
0x2b5: {  	v3 =	vld [tilespmem:$0x1FCC0]  }
0x2b6: {  	v1 =	vadd.s32 s24, v46;
	_ =	sdelay $0x4  }
0x2b7: {  	v0 =	vld.idx.msk [tilespmem:v1+s13+$0x0], $0xffff  }
0x2b8: {  	v2 =	vld.idx.msk [tilespmem:v2+s13+$0x0], $0xffff  }
0x2b9: {  	v3 =	vld.idx.msk [tilespmem:v3+s13+$0x0], $0xffff  }
0x2ba: {  	v4 =	vld.idx.msk [tilespmem:v49+s13+$0x0], $0xffff  }
0x2bb: {  	s1 =	sor.u32 $0x840, s5  }
0x2bc: {  	s6 =	sor.u32 $0x840, s3;
	[tilespmem:s1+$0x13400] =	vst v0  }
0x2bd: {  	s7 =	sor.u32 $0x840, s4;
	[tilespmem:s6+$0x13400] =	vst v2  }
0x2be: {  	s8 =	sor.u32 $0x840, s2;
	[tilespmem:s7+$0x13400] =	vst v3  }
0x2bf: {  	v2 =	vld [tilespmem:$0x1FCB0];
	[tilespmem:s8+$0x13400] =	vst v4  }
0x2c0: {  	v3 =	vld [tilespmem:$0x1FCD0]  }
0x2c1: {  	v1 =	vadd.s32 s24, v37  }
0x2c2: {  	v4 =	vld [tilespmem:$0x1FCE0];
	_ =	sdelay $0x3  }
0x2c3: {  	v0 =	vld.idx.msk [tilespmem:v1+s13+$0x0], $0xffff  }
0x2c4: {  	v2 =	vld.idx.msk [tilespmem:v2+s13+$0x0], $0xffff  }
0x2c5: {  	v3 =	vld.idx.msk [tilespmem:v3+s13+$0x0], $0xffff;
	_ =	sdelay $0x1  }
0x2c6: {  	s9 =	sor.u32 $0x850, s5;
	v4 =	vld.idx.msk [tilespmem:v4+s13+$0x0], $0xffff  }
0x2c7: {  	s10 =	sor.u32 $0x850, s3;
	[tilespmem:s9+$0x13400] =	vst v0  }
0x2c8: {  	s17 =	sor.u32 $0x850, s4;
	[tilespmem:s10+$0x13400] =	vst v2  }
0x2c9: {  	[tilespmem:s17+$0x13400] =	vst v3  }
0x2ca: {  	s18 =	sor.u32 $0x850, s2;
	v6 =	vld [tilespmem:$0x1FF70]  }
0x2cb: {  	v2 =	vld [tilespmem:$0x1FCF0];
	[tilespmem:s18+$0x13400] =	vst v4  }
0x2cc: {  	v3 =	vld [tilespmem:$0x1FD20]  }
0x2cd: {  	v1 =	vadd.s32 s24, v58  }
0x2ce: {  	v4 =	vld [tilespmem:$0x1FD00];
	_ =	sdelay $0x3  }
0x2cf: {  	v0 =	vld.idx.msk [tilespmem:v1+s13+$0x0], $0xffff  }
0x2d0: {  	v2 =	vld.idx.msk [tilespmem:v2+s13+$0x0], $0xffff  }
0x2d1: {  	v3 =	vld.idx.msk [tilespmem:v3+s13+$0x0], $0xffff;
	_ =	sdelay $0x1  }
0x2d2: {  	s20 =	sor.u32 $0x860, s5;
	v4 =	vld.idx.msk [tilespmem:v4+s13+$0x0], $0xffff  }
0x2d3: {  	s21 =	sor.u32 $0x860, s3;
	[tilespmem:s20+$0x13400] =	vst v0  }
0x2d4: {  	s22 =	sor.u32 $0x860, s4;
	[tilespmem:s21+$0x13400] =	vst v2  }
0x2d5: {  	[tilespmem:s22+$0x13400] =	vst v3  }
0x2d6: {  	s23 =	sor.u32 $0x860, s2;
	v45 =	vld [tilespmem:$0x1FF80]  }
0x2d7: {  	v2 =	vld [tilespmem:$0x1FD10];
	[tilespmem:s23+$0x13400] =	vst v4  }
0x2d8: {  	v3 =	vld [tilespmem:$0x1FD50]  }
0x2d9: {  	v1 =	vadd.s32 s24, v6  }
0x2da: {  	v4 =	vld [tilespmem:$0x1FD30];
	_ =	sdelay $0x3  }
0x2db: {  	v0 =	vld.idx.msk [tilespmem:v1+s13+$0x0], $0xffff  }
0x2dc: {  	v2 =	vld.idx.msk [tilespmem:v2+s13+$0x0], $0xffff  }
0x2dd: {  	v3 =	vld.idx.msk [tilespmem:v3+s13+$0x0], $0xffff;
	_ =	sdelay $0x1  }
0x2de: {  	s25 =	sor.u32 $0x870, s5;
	v4 =	vld.idx.msk [tilespmem:v4+s13+$0x0], $0xffff  }
0x2df: {  	s28 =	sor.u32 $0x870, s3;
	[tilespmem:s25+$0x13400] =	vst v0  }
0x2e0: {  	s29 =	sor.u32 $0x870, s4;
	[tilespmem:s28+$0x13400] =	vst v2  }
0x2e1: {  	[tilespmem:s29+$0x13400] =	vst v3  }
0x2e2: {  	s30 =	sor.u32 $0x870, s2;
	v48 =	vld [tilespmem:$0x1FF90]  }
0x2e3: {  	v2 =	vld [tilespmem:$0x1FD40];
	[tilespmem:s30+$0x13400] =	vst v4  }
0x2e4: {  	v3 =	vld [tilespmem:$0x1FD80]  }
0x2e5: {  	v1 =	vadd.s32 s24, v45  }
0x2e6: {  	v4 =	vld [tilespmem:$0x1FD70];
	_ =	sdelay $0x3  }
0x2e7: {  	v0 =	vld.idx.msk [tilespmem:v1+s13+$0x0], $0xffff  }
0x2e8: {  	v2 =	vld.idx.msk [tilespmem:v2+s13+$0x0], $0xffff  }
0x2e9: {  	v3 =	vld.idx.msk [tilespmem:v3+s13+$0x0], $0xffff;
	_ =	sdelay $0x1  }
0x2ea: {  	s31 =	sor.u32 $0xC00, s5;
	v4 =	vld.idx.msk [tilespmem:v4+s13+$0x0], $0xffff  }
0x2eb: {  	s1 =	sor.u32 $0xC00, s3;
	[tilespmem:s31+$0x13400] =	vst v0  }
0x2ec: {  	s6 =	sor.u32 $0xC00, s4;
	[tilespmem:s1+$0x13400] =	vst v2  }
0x2ed: {  	[tilespmem:s6+$0x13400] =	vst v3  }
0x2ee: {  	s7 =	sor.u32 $0xC00, s2;
	v49 =	vld [tilespmem:$0x1FFA0]  }
0x2ef: {  	v2 =	vld [tilespmem:$0x1FD60];
	[tilespmem:s7+$0x13400] =	vst v4  }
0x2f0: {  	v3 =	vld [tilespmem:$0x1FDB0]  }
0x2f1: {  	v1 =	vadd.s32 s24, v48  }
0x2f2: {  	v4 =	vld [tilespmem:$0x1FD90];
	_ =	sdelay $0x3  }
0x2f3: {  	v0 =	vld.idx.msk [tilespmem:v1+s13+$0x0], $0xffff  }
0x2f4: {  	v2 =	vld.idx.msk [tilespmem:v2+s13+$0x0], $0xffff  }
0x2f5: {  	v3 =	vld.idx.msk [tilespmem:v3+s13+$0x0], $0xffff;
	_ =	sdelay $0x1  }
0x2f6: {  	s8 =	sor.u32 $0xC10, s5;
	v4 =	vld.idx.msk [tilespmem:v4+s13+$0x0], $0xffff  }
0x2f7: {  	s9 =	sor.u32 $0xC10, s3;
	[tilespmem:s8+$0x13400] =	vst v0  }
0x2f8: {  	s10 =	sor.u32 $0xC10, s4;
	[tilespmem:s9+$0x13400] =	vst v2  }
0x2f9: {  	[tilespmem:s10+$0x13400] =	vst v3  }
0x2fa: {  	s17 =	sor.u32 $0xC10, s2;
	v50 =	vld [tilespmem:$0x1FFB0]  }
0x2fb: {  	v2 =	vld [tilespmem:$0x1FDA0];
	[tilespmem:s17+$0x13400] =	vst v4  }
0x2fc: {  	v3 =	vld [tilespmem:$0x1FDD0]  }
0x2fd: {  	v1 =	vadd.s32 s24, v49;
	v4 =	vld [tilespmem:$0x1FDC0];
	_ =	sdelay $0x4  }
0x2fe: {  	v0 =	vld.idx.msk [tilespmem:v1+s13+$0x0], $0xffff  }
0x2ff: {  	v2 =	vld.idx.msk [tilespmem:v2+s13+$0x0], $0xffff  }
0x300: {  	v3 =	vld.idx.msk [tilespmem:v3+s13+$0x0], $0xffff  }
0x301: {  	v4 =	vld.idx.msk [tilespmem:v4+s13+$0x0], $0xffff  }
0x302: {  	s18 =	sor.u32 $0xC20, s5  }
0x303: {  	s20 =	sor.u32 $0xC20, s3;
	[tilespmem:s18+$0x13400] =	vst v0  }
0x304: {  	s21 =	sor.u32 $0xC20, s4;
	[tilespmem:s20+$0x13400] =	vst v2  }
0x305: {  	s22 =	sor.u32 $0xC20, s2;
	[tilespmem:s21+$0x13400] =	vst v3  }
0x306: {  	v52 =	vld [tilespmem:$0x1FFC0];
	[tilespmem:s22+$0x13400] =	vst v4  }
0x307: {  	v3 =	vld [tilespmem:$0x1FDE0]  }
0x308: {  	v1 =	vadd.s32 s24, v50;
	_ =	sdelay $0x2  }
0x309: {  	v4 =	vld [tilespmem:$0x1FDF0];
	_ =	sdelay $0x1  }
0x30a: {  	v0 =	vld.idx.msk [tilespmem:v1+s13+$0x0], $0xffff  }
0x30b: {  	v2 =	vld.idx.msk [tilespmem:v38+s13+$0x0], $0xffff  }
0x30c: {  	v1 =	vadd.s32 s24, v52;
	v3 =	vld.idx.msk [tilespmem:v3+s13+$0x0], $0xffff;
	_ =	sdelay $0x1  }
0x30d: {  	s23 =	sor.u32 $0xC30, s5  }
0x30e: {  	s25 =	sor.u32 $0xC30, s3;
	[tilespmem:s23+$0x13400] =	vst v0  }
0x30f: {  	s28 =	sor.u32 $0xC30, s4;
	[tilespmem:s25+$0x13400] =	vst v2;
	v4 =	vld.idx.msk [tilespmem:v4+s13+$0x0], $0xffff  }
0x310: {  	v0 =	vld.idx.msk [tilespmem:v1+s13+$0x0], $0xffff;
	[tilespmem:s28+$0x13400] =	vst v3  }
0x311: {  	v53 =	vld [tilespmem:$0x1FFD0]  }
0x312: {  	v2 =	vld.idx.msk [tilespmem:v26+s13+$0x0], $0xffff  }
0x313: {  	s29 =	sor.u32 $0xC30, s2;
	v3 =	vld.idx.msk [tilespmem:v42+s13+$0x0], $0xffff  }
0x314: {  	[tilespmem:s29+$0x13400] =	vst v4  }
0x315: {  	s30 =	sor.u32 $0xC40, s5;
	[tilespmem:s16+$0x13400] =	vst v20  }
0x316: {  	s31 =	sor.u32 $0xC40, s3;
	[tilespmem:s30+$0x13400] =	vst v0;
	v4 =	vld.idx.msk [tilespmem:v44+s13+$0x0], $0xffff;
	v1 =	vadd.s32 s24, v53  }
0x317: {  	s1 =	sor.u32 $0xC40, s4;
	[tilespmem:s31+$0x13400] =	vst v2  }
0x318: {  	v2 =	vld.idx.msk [tilespmem:v12+s13+$0x0], $0xffff;
	[tilespmem:s1+$0x13400] =	vst v3  }
0x319: {  	v43 =	vld [tilespmem:$0x1FFE0]  }
0x31a: {  	s6 =	sor.u32 $0xC40, s2;
	v3 =	vld.idx.msk [tilespmem:v23+s13+$0x0], $0xffff  }
0x31b: {  	[tilespmem:s6+$0x13400] =	vst v4;
	v0 =	vld.idx.msk [tilespmem:v1+s13+$0x0], $0xffff  }
0x31c: {  	[tilespmem:s26+$0x13400] =	vst v19  }
0x31d: {  	s8 =	sor.u32 $0xC50, s3;
	[tilespmem:s19+$0x13400] =	vst v21  }
0x31e: {  	s9 =	sor.u32 $0xC50, s4;
	[tilespmem:s8+$0x13400] =	vst v2  }
0x31f: {  	s7 =	sor.u32 $0xC50, s5;
	[tilespmem:s9+$0x13400] =	vst v3  }
0x320: {  	v1 =	vadd.s32 s24, v43;
	[tilespmem:s7+$0x13400] =	vst v0  }
0x321: {  	v55 =	vld [tilespmem:$0x1FFF0]  }
0x322: {  	v4 =	vld.idx.msk [tilespmem:v25+s13+$0x0], $0xffff  }
0x323: {  	v5 =	vld.idx.msk [tilespmem:v61+s13+$0x0], $0xffff  }
0x324: {  	v0 =	vld.idx.msk [tilespmem:v60+s13+$0x0], $0xffff  }
0x325: {  	v1 =	vld.idx.msk [tilespmem:v1+s13+$0x0], $0xffff  }
0x326: {  	s10 =	sor.u32 $0xC50, s2;
	v3 =	vld.idx.msk [tilespmem:v8+s13+$0x0], $0xffff;
	v2 =	vadd.s32 s24, v55  }
0x327: {  	[tilespmem:s10+$0x13400] =	vst v4;
	v4 =	vld.idx.msk [tilespmem:v7+s13+$0x0], $0xffff  }
0x328: {  	[tilespmem:s12+$0x13400] =	vst v5;
	v5 =	vld.idx.msk [tilespmem:v16+s13+$0x0], $0xffff  }
0x329: {  	s16 =	sor.u32 $0xC60, s5;
	[tilespmem:s15+$0x13400] =	vst v0;
	v0 =	vld.idx.msk [tilespmem:v9+s13+$0x0], $0xffff  }
0x32a: {  	s17 =	sor.u32 $0xC60, s3;
	[tilespmem:s16+$0x13400] =	vst v1;
	v1 =	vld.idx.msk [tilespmem:v56+s13+$0x0], $0xffff  }
0x32b: {  	s18 =	sor.u32 $0xC60, s4;
	[tilespmem:s17+$0x13400] =	vst v3;
	v2 =	vld.idx.msk [tilespmem:v2+s13+$0x0], $0xffff  }
0x32c: {  	s19 =	sor.u32 $0xC60, s2;
	[tilespmem:s18+$0x13400] =	vst v4  }
0x32d: {  	[tilespmem:s19+$0x13400] =	vst v5  }
0x32e: {  	[tilespmem:s14+$0x13400] =	vst v0  }
0x32f: {  	s20 =	sor.u32 $0xC70, s5;
	[tilespmem:s11+$0x13400] =	vst v1  }
0x330: {  	v3 =	vld.idx.msk [tilespmem:v13+s13+$0x0], $0xffff;
	s1 =	sld [smem:$0x7F8];
	[tilespmem:s20+$0x13400] =	vst v2  }
0x331: {  	v4 =	vld.idx.msk [tilespmem:v11+s13+$0x0], $0xffff;
	s0 =	sld [smem:$0x7FA]  }
0x332: {  	s22 =	sor.u32 $0xC70, s3;
	v0 =	vld.idx.msk [tilespmem:v35+s13+$0x0], $0xffff  }
0x333: {  	s23 =	sor.u32 $0xC70, s4;
	s25 =	rddreg [dreg:$0x2];
	s21 =	sshll.u32 s1, $0xA  }
0x334: {  	s28 =	simm.s32 $0x20000;
	[smem:$0x7EB] =	sst s21;
	s0 =	sadd.s32 s0, s21  }
0x335: {  	s29 =	simm.s32 $0x13400;
	[tilespmem:s22+$0x13400] =	vst v3;
	s24 =	sshll.u32 s0, $0x2;
	s0 =	sand.u32 $0x3C00, s0  }
0x336: {  	s2 =	sor.u32 $0xC70, s2;
	[tilespmem:s23+$0x13400] =	vst v4;
	s1 =	sand.u32 $0xFFF0000, s24;
	s0 =	sadd.s32 s25, s0  }
0x337: {  	s30 =	simm.s32 $0x3;
	s26 =	simm.s32 $0x1000;
	[tilespmem:s2+$0x13400] =	vst v0;
	s0 =	sadd.s32 s1, s0  }
0x338: {  	[hbm4b:s0+s26] =	stream.strided.scatter [tilespmem:s29], [sflag:$0x4], $0x4000, s28, s26, $0x38;
	[tilespmem:$0x1B400] =	vst v63  }
0x339: {  	_ =	swait.ge [sflag:s30], $0x4000  }
0x33a: {  	[sflag:s30] =	ssyncset.done $0x0  }
0x33b: {  	s31 =	simm.s32 $0xA480;
	[sflag:s30] =	ssyncadd.s32 $0xFFFFC000  }
0x33c: {  	v0 =	vld [tilespmem:s31+$0x60]  }
0x33d: {  	v2 =	vld [tilespmem:s31+$0xFFFFFFC0]  }
0x33e: {  	v1 =	vld [tilespmem:s31+$0xFFFFFFA0]  }
0x33f: {  	v3 =	vld [tilespmem:s31+$0xFFFFFFE0]  }
0x340: {  	s0 =	simm.s32 $0xE4A0;
	v4 =	vld [tilespmem:s31+$0x0]  }
0x341: {  	[tilespmem:s0+$0x78] =	vst v0;
	v0 =	vld [tilespmem:s31+$0x20]  }
0x342: {  	[tilespmem:s0+$0xFFFFFFB0] =	vst v2;
	v2 =	vld [tilespmem:s31+$0x40]  }
0x343: {  	[tilespmem:s0+$0xFFFFFF88] =	vst v1;
	v1 =	vld [tilespmem:s31+$0x70]  }
0x344: {  	[tilespmem:s0+$0xFFFFFFD8] =	vst v3;
	v3 =	vld [tilespmem:s31+$0xFFFFFF80]  }
0x345: {  	[tilespmem:s0+$0x0] =	vst v4;
	v4 =	vld [tilespmem:s31+$0xFFFFFFB0]  }
0x346: {  	v5 =	vld [tilespmem:s31+$0xFFFFFFD0];
	[tilespmem:s0+$0x28] =	vst v0  }
0x347: {  	v0 =	vld [tilespmem:s31+$0xFFFFFFF0];
	[tilespmem:s0+$0x50] =	vst v2  }
0x348: {  	[tilespmem:s0+$0x88] =	vst v1;
	v1 =	vld [tilespmem:s31+$0x10]  }
0x349: {  	[tilespmem:s0+$0xFFFFFF60] =	vst v3;
	v2 =	vld [tilespmem:s31+$0x30]  }
0x34a: {  	[tilespmem:s0+$0xFFFFFF98] =	vst v4;
	v3 =	vld [tilespmem:s31+$0xFFFFFF90]  }
0x34b: {  	v38 =	vmov v48;
	v42 =	vmov v6;
	v35 =	vmov v45;
	s2 =	simm.s32 $0xA580;
	s1 =	simm.s32 $0x0;
	[tilespmem:s0+$0xFFFFFFC0] =	vst v5;
	v4 =	vld [tilespmem:s31+$0x50]  }
.LBB2_10:
0x34c: {  	v5 =	vld [tilespmem:s2+$0x60];
	s1 =	sadd.s32 $0x8, s1;
	[tilespmem:s0+$0xFFFFFFE8] =	vst v0  }
0x34d: {  	v0 =	vld [tilespmem:s2+$0xFFFFFFA0];
	p2 =	slt.u32 s1, $0x1F8;
	[tilespmem:s0+$0x10] =	vst v1  }
0x34e: {  	v1 =	vld [tilespmem:s2+$0xFFFFFFC0];
	[tilespmem:s0+$0x38] =	vst v2  }
0x34f: {  	v2 =	vld [tilespmem:s2+$0xFFFFFFE0];
	[tilespmem:s0+$0xFFFFFF70] =	vst v3  }
0x350: {  	v3 =	vld [tilespmem:s2+$0x0];
	[tilespmem:s0+$0x60] =	vst v4;
	s0 =	sadd.s32 $0x140, s0  }
0x351: {  	v4 =	vld [tilespmem:s2+$0x20];
	[tilespmem:s0+$0x78] =	vst v5  }
0x352: {  	[tilespmem:s0+$0xFFFFFF88] =	vst v0;
	v5 =	vld [tilespmem:s2+$0x70]  }
0x353: {  	[tilespmem:s0+$0xFFFFFFB0] =	vst v1;
	v6 =	vld [tilespmem:s2+$0x40]  }
0x354: {  	v7 =	vld [tilespmem:s2+$0xFFFFFF80];
	[tilespmem:s0+$0xFFFFFFD8] =	vst v2  }
0x355: {  	v8 =	vld [tilespmem:s2+$0xFFFFFFB0];
	[tilespmem:s0+$0x0] =	vst v3  }
0x356: {  	v9 =	vld [tilespmem:s2+$0xFFFFFFD0];
	[tilespmem:s0+$0x28] =	vst v4  }
.Ltmp4:
0x357: {  	v0 =	vld [tilespmem:s2+$0xFFFFFFF0];
	[tilespmem:s0+$0x88] =	vst v5;
	(pc) =	sbr.rel @p2 .LBB2_10-.Ltmp4, $4  }
0x358: {  	v1 =	vld [tilespmem:s2+$0x10];
	[tilespmem:s0+$0x50] =	vst v6  }
0x359: {  	[tilespmem:s0+$0xFFFFFF60] =	vst v7;
	v2 =	vld [tilespmem:s2+$0x30]  }
0x35a: {  	v3 =	vld [tilespmem:s2+$0xFFFFFF90];
	[tilespmem:s0+$0xFFFFFF98] =	vst v8  }
0x35b: {  	[tilespmem:s0+$0xFFFFFFC0] =	vst v9;
	v4 =	vld [tilespmem:s2+$0x50];
	s2 =	sadd.s32 $0x100, s2  }
0x35c: {  	[tilespmem:s0+$0xFFFFFFE8] =	vst v0  }
0x35d: {  	[tilespmem:s0+$0x10] =	vst v1  }
0x35e: {  	[tilespmem:s0+$0x38] =	vst v2  }
0x35f: {  	[tilespmem:s0+$0xFFFFFF70] =	vst v3  }
0x360: {  	[tilespmem:s0+$0x60] =	vst v4  }
0x361: {  	s23 =	simm.s32 $0x0;
	s0 =	sld [smem:$0x7F7]  }
0x362: {  	s1 =	simm.s32 @!p0 $0x200;
	s24 =	sand.u32 $0x4, s23;
	s3 =	sld [smem:$0x7FB]  }
0x363: {  	s2 =	simm.s32 @!p0 $0xA400;
	s25 =	sand.u32 $0x18, s23;
	s4 =	sor.u32 $0x3, s24  }
0x364: {  	s6 =	sor.u32 $0x1, s24;
	s9 =	sor.u32 s25, s4;
	s0 =	sadd.s32 @!p0 $0x600, s0  }
0x365: {  	v0 =	vadd.s32 s9, v62;
	[tilespmem:s2], [sflag:$0x3] =	stream.indirect.gather @!p0 [hbm4b:s3+s1], $0x20, s0, s1, $0xb8;
	[tilespmem:$0x1B400] =	vst v63  }
0x366: {  	s5 =	simm.s32 @!p1 $0x5;
	s1 =	sor.u32 s25, s6  }
0x367: {  	s7 =	sor.u32 $0x2, s24;
	_ =	swait.ge @!p1 [sflag:s5], $0x4000;
	v1 =	vadd.s32 s1, v62  }
0x368: {  	s0 =	sor.u32 s25, s7;
	[sflag:s5] =	ssyncset.done @!p1 $0x0  }
0x369: {  	v2 =	vadd.s32 s0, v62;
	[sflag:s5] =	ssyncadd.s32 @!p1 $0xFFFFC000  }
0x36a: {  	v3 =	vmov s23;
	v4 =	vld.idx.msk [tilespmem:v0+s13+$0x0], $0xffff  }
0x36b: {  	s8 =	simm.s32 $0x0;
	v0 =	vand.u32 $0x1C, v3;
	v3 =	vadd.s32 s9, v30  }
0x36c: {  	s26 =	sand.u32 $0x3000, s8;
	v5 =	vadd.s32 v62, v0;
	v1 =	vld.idx.msk [tilespmem:v1+s13+$0x0], $0xffff  }
0x36d: {  	s10 =	sadd.s32 $0x17400, s26;
	s29 =	sshll.u32 s4, $0x7;
	v6 =	vadd.s32 s1, v30  }
0x36e: {  	s30 =	sor.u32 s29, s10;
	v2 =	vld.idx.msk [tilespmem:v2+s13+$0x0], $0xffff  }
0x36f: {  	s31 =	sshll.u32 s6, $0x7;
	[tilespmem:s30+$0x0] =	vst v4  }
0x370: {  	s6 =	sor.u32 s31, s10;
	v7 =	vadd.s32 s0, v30;
	v3 =	vld.idx.msk [tilespmem:v3+s13+$0x0], $0xffff  }
0x371: {  	s3 =	sshll.u32 s7, $0x7;
	v4 =	vld.idx.msk [tilespmem:v5+s13+$0x0], $0xffff;
	[tilespmem:s6+$0x0] =	vst v1;
	v1 =	vadd.s32 s9, v31  }
0x372: {  	s7 =	sor.u32 s3, s10;
	v5 =	vadd.s32 v30, v0;
	v6 =	vld.idx.msk [tilespmem:v6+s13+$0x0], $0xffff  }
0x373: {  	[tilespmem:s7+$0x0] =	vst v2;
	v2 =	vadd.s32 s1, v31  }
0x374: {  	s8 =	sand.u32 $0x200, s8  }
0x375: {  	s4 =	sor.u32 s8, s10;
	v7 =	vld.idx.msk [tilespmem:v7+s13+$0x0], $0xffff;
	[tilespmem:s30+$0x10] =	vst v3  }
0x376: {  	[tilespmem:s4+$0x0] =	vst v4;
	v1 =	vld.idx.msk [tilespmem:v1+s13+$0x0], $0xffff  }
0x377: {  	v3 =	vld.idx.msk [tilespmem:v5+s13+$0x0], $0xffff;
	[tilespmem:s6+$0x10] =	vst v6  }
0x378: {  	v2 =	vld.idx.msk [tilespmem:v2+s13+$0x0], $0xffff;
	_ =	sdelay $0x1  }
0x379: {  	[tilespmem:s7+$0x10] =	vst v7  }
0x37a: {  	[tilespmem:s30+$0x20] =	vst v1  }
0x37b: {  	v8 =	vadd.s32 s0, v31;
	[tilespmem:s4+$0x10] =	vst v3  }
0x37c: {  	v4 =	vadd.s32 s9, v32;
	[tilespmem:s6+$0x20] =	vst v2  }
0x37d: {  	v5 =	vadd.s32 v31, v0;
	v13 =	vld [tilespmem:$0x1FE00]  }
0x37e: {  	v6 =	vadd.s32 s1, v32;
	_ =	sdelay $0x1  }
0x37f: {  	v7 =	vld.idx.msk [tilespmem:v8+s13+$0x0], $0xffff  }
0x380: {  	v8 =	vadd.s32 s0, v32;
	v1 =	vld.idx.msk [tilespmem:v4+s13+$0x0], $0xffff  }
0x381: {  	v3 =	vld.idx.msk [tilespmem:v5+s13+$0x0], $0xffff;
	v2 =	vadd.s32 s9, v13  }
0x382: {  	v4 =	vadd.s32 v32, v0;
	v5 =	vld.idx.msk [tilespmem:v6+s13+$0x0], $0xffff  }
0x383: {  	v6 =	vadd.s32 s1, v13  }
0x384: {  	[tilespmem:s7+$0x20] =	vst v7  }
0x385: {  	v7 =	vld.idx.msk [tilespmem:v8+s13+$0x0], $0xffff;
	[tilespmem:s30+$0x30] =	vst v1  }
0x386: {  	[tilespmem:s4+$0x20] =	vst v3;
	v8 =	vadd.s32 s0, v13;
	v1 =	vld.idx.msk [tilespmem:v2+s13+$0x0], $0xffff  }
0x387: {  	v3 =	vadd.s32 s9, v22;
	[tilespmem:s6+$0x30] =	vst v5;
	v2 =	vld.idx.msk [tilespmem:v4+s13+$0x0], $0xffff  }
0x388: {  	v4 =	vadd.s32 v13, v0;
	v5 =	vld.idx.msk [tilespmem:v6+s13+$0x0], $0xffff  }
0x389: {  	v6 =	vadd.s32 s1, v22  }
0x38a: {  	[tilespmem:s7+$0x30] =	vst v7  }
0x38b: {  	v7 =	vld.idx.msk [tilespmem:v8+s13+$0x0], $0xffff;
	[tilespmem:s30+$0x40] =	vst v1  }
0x38c: {  	v8 =	vadd.s32 s0, v22;
	[tilespmem:s4+$0x30] =	vst v2;
	v1 =	vld.idx.msk [tilespmem:v3+s13+$0x0], $0xffff  }
0x38d: {  	[tilespmem:s6+$0x40] =	vst v5;
	v2 =	vld.idx.msk [tilespmem:v4+s13+$0x0], $0xffff;
	v3 =	vadd.s32 s9, v34  }
0x38e: {  	v4 =	vadd.s32 v22, v0;
	v5 =	vld.idx.msk [tilespmem:v6+s13+$0x0], $0xffff  }
0x38f: {  	v6 =	vadd.s32 s1, v34  }
0x390: {  	[tilespmem:s7+$0x40] =	vst v7  }
0x391: {  	v7 =	vld.idx.msk [tilespmem:v8+s13+$0x0], $0xffff;
	[tilespmem:s30+$0x50] =	vst v1  }
0x392: {  	[tilespmem:s4+$0x40] =	vst v2;
	v1 =	vld.idx.msk [tilespmem:v3+s13+$0x0], $0xffff  }
0x393: {  	[tilespmem:s6+$0x50] =	vst v5;
	v2 =	vld.idx.msk [tilespmem:v4+s13+$0x0], $0xffff  }
0x394: {  	v5 =	vld.idx.msk [tilespmem:v6+s13+$0x0], $0xffff;
	_ =	sdelay $0x1  }
0x395: {  	[tilespmem:s7+$0x50] =	vst v7  }
0x396: {  	v8 =	vadd.s32 s0, v34;
	[tilespmem:s30+$0x60] =	vst v1  }
0x397: {  	v4 =	vadd.s32 v34, v0;
	[tilespmem:s4+$0x50] =	vst v2  }
0x398: {  	v3 =	vadd.s32 s9, v33;
	[tilespmem:s6+$0x60] =	vst v5  }
0x399: {  	v6 =	vadd.s32 s1, v33;
	v16 =	vld [tilespmem:$0x1FE10];
	_ =	sdelay $0x1  }
0x39a: {  	v7 =	vld.idx.msk [tilespmem:v8+s13+$0x0], $0xffff  }
0x39b: {  	v8 =	vadd.s32 s0, v33;
	v2 =	vld.idx.msk [tilespmem:v4+s13+$0x0], $0xffff  }
0x39c: {  	v1 =	vld.idx.msk [tilespmem:v3+s13+$0x0], $0xffff;
	v4 =	vadd.s32 v33, v0  }
0x39d: {  	v5 =	vld.idx.msk [tilespmem:v6+s13+$0x0], $0xffff;
	v3 =	vadd.s32 s9, v16  }
0x39e: {  	v6 =	vadd.s32 s1, v16  }
0x39f: {  	[tilespmem:s7+$0x60] =	vst v7  }
0x3a0: {  	v7 =	vld.idx.msk [tilespmem:v8+s13+$0x0], $0xffff;
	[tilespmem:s4+$0x60] =	vst v2  }
0x3a1: {  	[tilespmem:s30+$0x70] =	vst v1;
	v2 =	vld.idx.msk [tilespmem:v4+s13+$0x0], $0xffff  }
0x3a2: {  	[tilespmem:s6+$0x70] =	vst v5;
	v1 =	vld.idx.msk [tilespmem:v3+s13+$0x0], $0xffff  }
0x3a3: {  	v5 =	vld.idx.msk [tilespmem:v6+s13+$0x0], $0xffff;
	_ =	sdelay $0x1  }
0x3a4: {  	v8 =	vadd.s32 s0, v16;
	[tilespmem:s7+$0x70] =	vst v7  }
0x3a5: {  	[tilespmem:s4+$0x70] =	vst v2  }
0x3a6: {  	v4 =	vadd.s32 v16, v0;
	[tilespmem:s30+$0x400] =	vst v1  }
0x3a7: {  	v3 =	vadd.s32 s9, v39;
	[tilespmem:s6+$0x400] =	vst v5  }
0x3a8: {  	v6 =	vadd.s32 s1, v39;
	v14 =	vld [tilespmem:$0x1FE20]  }
0x3a9: {  	v7 =	vld.idx.msk [tilespmem:v8+s13+$0x0], $0xffff  }
0x3aa: {  	v8 =	vadd.s32 s0, v39  }
0x3ab: {  	v2 =	vld.idx.msk [tilespmem:v4+s13+$0x0], $0xffff  }
0x3ac: {  	v4 =	vadd.s32 v39, v0;
	v1 =	vld.idx.msk [tilespmem:v3+s13+$0x0], $0xffff  }
0x3ad: {  	v5 =	vld.idx.msk [tilespmem:v6+s13+$0x0], $0xffff;
	v3 =	vadd.s32 s9, v14  }
0x3ae: {  	[tilespmem:s7+$0x400] =	vst v7;
	v6 =	vadd.s32 s1, v14  }
0x3af: {  	v7 =	vld.idx.msk [tilespmem:v8+s13+$0x0], $0xffff  }
0x3b0: {  	[tilespmem:s4+$0x400] =	vst v2;
	v8 =	vadd.s32 s0, v14  }
0x3b1: {  	v2 =	vld.idx.msk [tilespmem:v4+s13+$0x0], $0xffff;
	[tilespmem:s30+$0x410] =	vst v1  }
0x3b2: {  	[tilespmem:s6+$0x410] =	vst v5;
	v4 =	vadd.s32 v14, v0;
	v1 =	vld.idx.msk [tilespmem:v3+s13+$0x0], $0xffff  }
0x3b3: {  	v3 =	vadd.s32 s9, v27;
	v5 =	vld.idx.msk [tilespmem:v6+s13+$0x0], $0xffff  }
0x3b4: {  	[tilespmem:s7+$0x410] =	vst v7;
	v6 =	vadd.s32 s1, v27  }
0x3b5: {  	v7 =	vld.idx.msk [tilespmem:v8+s13+$0x0], $0xffff  }
0x3b6: {  	[tilespmem:s4+$0x410] =	vst v2;
	v8 =	vadd.s32 s0, v27  }
0x3b7: {  	v2 =	vld.idx.msk [tilespmem:v4+s13+$0x0], $0xffff;
	[tilespmem:s30+$0x420] =	vst v1  }
0x3b8: {  	v4 =	vadd.s32 v27, v0;
	[tilespmem:s6+$0x420] =	vst v5;
	v1 =	vld.idx.msk [tilespmem:v3+s13+$0x0], $0xffff  }
0x3b9: {  	v3 =	vadd.s32 s9, v63;
	v5 =	vld.idx.msk [tilespmem:v6+s13+$0x0], $0xffff  }
0x3ba: {  	[tilespmem:s7+$0x420] =	vst v7;
	v6 =	vadd.s32 s1, v63  }
0x3bb: {  	v7 =	vld.idx.msk [tilespmem:v8+s13+$0x0], $0xffff  }
0x3bc: {  	[tilespmem:s4+$0x420] =	vst v2;
	v8 =	vadd.s32 s0, v63  }
0x3bd: {  	v2 =	vld.idx.msk [tilespmem:v4+s13+$0x0], $0xffff;
	[tilespmem:s30+$0x430] =	vst v1  }
0x3be: {  	v4 =	vadd.s32 v63, v0;
	[tilespmem:s6+$0x430] =	vst v5;
	v1 =	vld.idx.msk [tilespmem:v3+s13+$0x0], $0xffff  }
0x3bf: {  	v3 =	vadd.s32 s9, v59;
	v5 =	vld.idx.msk [tilespmem:v6+s13+$0x0], $0xffff  }
0x3c0: {  	[tilespmem:s7+$0x430] =	vst v7;
	v6 =	vadd.s32 s1, v59  }
0x3c1: {  	v7 =	vld.idx.msk [tilespmem:v8+s13+$0x0], $0xffff  }
0x3c2: {  	[tilespmem:s4+$0x430] =	vst v2;
	v8 =	vadd.s32 s0, v59  }
0x3c3: {  	v2 =	vld.idx.msk [tilespmem:v4+s13+$0x0], $0xffff;
	[tilespmem:s30+$0x440] =	vst v1  }
0x3c4: {  	v4 =	vadd.s32 v59, v0;
	[tilespmem:s6+$0x440] =	vst v5;
	v1 =	vld.idx.msk [tilespmem:v3+s13+$0x0], $0xffff  }
0x3c5: {  	v3 =	vadd.s32 s9, v57;
	v5 =	vld.idx.msk [tilespmem:v6+s13+$0x0], $0xffff  }
0x3c6: {  	[tilespmem:s7+$0x440] =	vst v7;
	v6 =	vadd.s32 s1, v57  }
0x3c7: {  	v7 =	vld.idx.msk [tilespmem:v8+s13+$0x0], $0xffff  }
0x3c8: {  	[tilespmem:s4+$0x440] =	vst v2;
	v8 =	vadd.s32 s0, v57  }
0x3c9: {  	v2 =	vld.idx.msk [tilespmem:v4+s13+$0x0], $0xffff;
	[tilespmem:s30+$0x450] =	vst v1  }
0x3ca: {  	v4 =	vadd.s32 v57, v0;
	[tilespmem:s6+$0x450] =	vst v5;
	v1 =	vld.idx.msk [tilespmem:v3+s13+$0x0], $0xffff  }
0x3cb: {  	v3 =	vadd.s32 s9, v28;
	v5 =	vld.idx.msk [tilespmem:v6+s13+$0x0], $0xffff  }
0x3cc: {  	[tilespmem:s7+$0x450] =	vst v7;
	v6 =	vadd.s32 s1, v28  }
0x3cd: {  	v7 =	vld.idx.msk [tilespmem:v8+s13+$0x0], $0xffff  }
0x3ce: {  	[tilespmem:s4+$0x450] =	vst v2;
	v8 =	vadd.s32 s0, v28  }
0x3cf: {  	v2 =	vld.idx.msk [tilespmem:v4+s13+$0x0], $0xffff;
	[tilespmem:s30+$0x460] =	vst v1  }
0x3d0: {  	v4 =	vadd.s32 v28, v0;
	[tilespmem:s6+$0x460] =	vst v5;
	v1 =	vld.idx.msk [tilespmem:v3+s13+$0x0], $0xffff  }
0x3d1: {  	v3 =	vadd.s32 s9, v40;
	v5 =	vld.idx.msk [tilespmem:v6+s13+$0x0], $0xffff  }
0x3d2: {  	[tilespmem:s7+$0x460] =	vst v7;
	v6 =	vadd.s32 s1, v40  }
0x3d3: {  	v7 =	vld.idx.msk [tilespmem:v8+s13+$0x0], $0xffff  }
0x3d4: {  	[tilespmem:s4+$0x460] =	vst v2;
	v8 =	vadd.s32 s0, v40  }
0x3d5: {  	p0 =	por $0x0, $0x0;
	s5 =	simm.s32 $0x1;
	v2 =	vld.idx.msk [tilespmem:v4+s13+$0x0], $0xffff;
	[tilespmem:s30+$0x470] =	vst v1  }
0x3d6: {  	s5 =	simm.s32 @!p0 $0x0;
	v4 =	vadd.s32 v40, v0;
	[tilespmem:s6+$0x470] =	vst v5;
	v1 =	vld.idx.msk [tilespmem:v3+s13+$0x0], $0xffff  }
0x3d7: {  	s11 =	sshll.u32 s5, $0x9;
	v3 =	vadd.s32 s9, v41;
	v5 =	vld.idx.msk [tilespmem:v6+s13+$0x0], $0xffff  }
0x3d8: {  	s3 =	sadd.s32 $0x0, s11;
	[tilespmem:s7+$0x470] =	vst v7;
	v6 =	vadd.s32 s1, v41  }
0x3d9: {  	s8 =	sadd.s32 $0x180, s3;
	v7 =	vld.idx.msk [tilespmem:v8+s13+$0x0], $0xffff  }
0x3da: {  	s10 =	sadd.s32 $0x80, s3;
	s12 =	sor.u32 $0x800, s8;
	[tilespmem:s4+$0x470] =	vst v2;
	v8 =	vadd.s32 s0, v41  }
0x3db: {  	s14 =	sor.u32 $0x800, s10;
	v2 =	vld.idx.msk [tilespmem:v4+s13+$0x0], $0xffff;
	[tilespmem:s12+$0x17400] =	vst v1  }
0x3dc: {  	s30 =	sadd.s32 $0x100, s3;
	[tilespmem:s14+$0x17400] =	vst v5;
	v1 =	vld.idx.msk [tilespmem:v3+s13+$0x0], $0xffff  }
0x3dd: {  	s25 =	simm.s32 $0x4;
	s15 =	sor.u32 $0x800, s30;
	v3 =	vadd.s32 s9, v36;
	v5 =	vld.idx.msk [tilespmem:v6+s13+$0x0], $0xffff  }
0x3de: {  	s16 =	sand.u32 $0x4, s25;
	[tilespmem:s15+$0x17400] =	vst v7;
	v6 =	vadd.s32 s1, v36  }
0x3df: {  	s17 =	sand.u32 $0x18, s25;
	s18 =	sor.u32 $0x3, s16;
	s20 =	sor.u32 $0x800, s3;
	v4 =	vadd.s32 v41, v0;
	v7 =	vld.idx.msk [tilespmem:v8+s13+$0x0], $0xffff  }
0x3e0: {  	s23 =	sor.u32 s17, s18;
	s11 =	sor.u32 $0x1, s16;
	s19 =	sor.u32 $0x810, s8;
	[tilespmem:s20+$0x17400] =	vst v2;
	v8 =	vadd.s32 s0, v36  }
0x3e1: {  	s2 =	sor.u32 s17, s11;
	s12 =	sor.u32 $0x810, s10;
	s14 =	sor.u32 $0x2, s16;
	[tilespmem:s19+$0x17400] =	vst v1;
	v1 =	vadd.s32 s23, v62  }
0x3e2: {  	s6 =	sor.u32 s17, s14;
	[tilespmem:s12+$0x17400] =	vst v5;
	v2 =	vld.idx.msk [tilespmem:v3+s13+$0x0], $0xffff;
	v3 =	vadd.s32 s2, v62  }
0x3e3: {  	s21 =	sor.u32 $0x810, s30;
	v11 =	vadd.s32 s6, v62;
	v6 =	vld.idx.msk [tilespmem:v6+s13+$0x0], $0xffff  }
0x3e4: {  	v9 =	vmov s25;
	v4 =	vld.idx.msk [tilespmem:v4+s13+$0x0], $0xffff;
	v5 =	vadd.s32 s9, v47;
	[tilespmem:s21+$0x17400] =	vst v7  }
0x3e5: {  	v10 =	vand.u32 $0x1C, v9;
	v7 =	vadd.s32 v36, v0;
	v8 =	vld.idx.msk [tilespmem:v8+s13+$0x0], $0xffff  }
0x3e6: {  	v9 =	vadd.s32 v62, v10;
	s22 =	sor.u32 $0x820, s8;
	v1 =	vld.idx.msk [tilespmem:v1+s13+$0x0], $0xffff  }
0x3e7: {  	v12 =	vadd.s32 s1, v47;
	s26 =	sor.u32 $0x820, s10;
	v3 =	vld.idx.msk [tilespmem:v3+s13+$0x0], $0xffff;
	[tilespmem:s22+$0x17400] =	vst v2;
	s22 =	simm.s32 $0x800  }
0x3e8: {  	s24 =	sor.u32 $0x810, s3;
	v2 =	vadd.s32 s23, v30;
	[tilespmem:s26+$0x17400] =	vst v6;
	v6 =	vld.idx.msk [tilespmem:v11+s13+$0x0], $0xffff;
	s29 =	sand.u32 $0x3000, s22  }
0x3e9: {  	s7 =	sshll.u32 s18, $0x7;
	s31 =	sor.u32 $0x820, s30;
	[tilespmem:s24+$0x17400] =	vst v4;
	v4 =	vld.idx.msk [tilespmem:v5+s13+$0x0], $0xffff;
	v5 =	vadd.s32 s2, v30;
	s16 =	sadd.s32 $0x17400, s29  }
0x3ea: {  	s15 =	sshll.u32 s11, $0x7;
	v7 =	vld.idx.msk [tilespmem:v7+s13+$0x0], $0xffff;
	[tilespmem:s31+$0x17400] =	vst v8;
	v8 =	vadd.s32 s6, v30;
	s4 =	sor.u32 s7, s16  }
0x3eb: {  	v9 =	vld.idx.msk [tilespmem:v9+s13+$0x0], $0xffff;
	s17 =	sshll.u32 s14, $0x7;
	v11 =	vadd.s32 s9, v46;
	s5 =	sor.u32 s15, s16;
	[tilespmem:s4+$0x0] =	vst v1  }
0x3ec: {  	v12 =	vld.idx.msk [tilespmem:v12+s13+$0x0], $0xffff;
	s7 =	sor.u32 s17, s16;
	v1 =	vadd.s32 s0, v47;
	[tilespmem:s5+$0x0] =	vst v3  }
0x3ed: {  	s18 =	sor.u32 $0x830, s8;
	s19 =	simm.s32 $0x200;
	v3 =	vadd.s32 v30, v10;
	v2 =	vld.idx.msk [tilespmem:v2+s13+$0x0], $0xffff;
	[tilespmem:s7+$0x0] =	vst v6  }
0x3ee: {  	s21 =	sor.u32 $0x820, s3;
	s20 =	sand.u32 $0x200, s19;
	[tilespmem:s18+$0x17400] =	vst v4;
	v4 =	vadd.s32 v47, v0;
	v5 =	vld.idx.msk [tilespmem:v5+s13+$0x0], $0xffff  }
0x3ef: {  	s28 =	sor.u32 s20, s16;
	[tilespmem:s21+$0x17400] =	vst v7;
	v6 =	vadd.s32 s23, v31;
	v8 =	vld.idx.msk [tilespmem:v8+s13+$0x0], $0xffff  }
0x3f0: {  	s24 =	sor.u32 $0x830, s10;
	v7 =	vadd.s32 s2, v31;
	[tilespmem:s28+$0x0] =	vst v9;
	v11 =	vld.idx.msk [tilespmem:v11+s13+$0x0], $0xffff  }
0x3f1: {  	v9 =	vadd.s32 s9, v37;
	[tilespmem:s24+$0x17400] =	vst v12;
	v1 =	vld.idx.msk [tilespmem:v1+s13+$0x0], $0xffff  }
0x3f2: {  	v12 =	vadd.s32 s6, v31;
	v3 =	vld.idx.msk [tilespmem:v3+s13+$0x0], $0xffff;
	[tilespmem:s4+$0x10] =	vst v2  }
0x3f3: {  	v2 =	vadd.s32 s1, v46;
	v4 =	vld.idx.msk [tilespmem:v4+s13+$0x0], $0xffff;
	[tilespmem:s5+$0x10] =	vst v5  }
0x3f4: {  	s26 =	sor.u32 $0x840, s8;
	v5 =	vadd.s32 v31, v10;
	v6 =	vld.idx.msk [tilespmem:v6+s13+$0x0], $0xffff;
	[tilespmem:s7+$0x10] =	vst v8  }
0x3f5: {  	s29 =	sor.u32 $0x830, s30;
	[tilespmem:s26+$0x17400] =	vst v11;
	v11 =	vadd.s32 s0, v46;
	v7 =	vld.idx.msk [tilespmem:v7+s13+$0x0], $0xffff  }
0x3f6: {  	v8 =	vadd.s32 s23, v32;
	v9 =	vld.idx.msk [tilespmem:v9+s13+$0x0], $0xffff;
	[tilespmem:s29+$0x17400] =	vst v1  }
0x3f7: {  	s31 =	sor.u32 $0x830, s3;
	v1 =	vadd.s32 s2, v32;
	[tilespmem:s28+$0x10] =	vst v3;
	v3 =	vld.idx.msk [tilespmem:v12+s13+$0x0], $0xffff  }
0x3f8: {  	v2 =	vld.idx.msk [tilespmem:v2+s13+$0x0], $0xffff;
	v12 =	vadd.s32 s9, v58;
	[tilespmem:s31+$0x17400] =	vst v4  }
0x3f9: {  	v4 =	vadd.s32 s6, v32;
	v5 =	vld.idx.msk [tilespmem:v5+s13+$0x0], $0xffff;
	[tilespmem:s4+$0x20] =	vst v6  }
0x3fa: {  	s12 =	sor.u32 $0x850, s8;
	v6 =	vadd.s32 v46, v0;
	v11 =	vld.idx.msk [tilespmem:v11+s13+$0x0], $0xffff;
	[tilespmem:s5+$0x20] =	vst v7  }
0x3fb: {  	v7 =	vadd.s32 v32, v10;
	v8 =	vld.idx.msk [tilespmem:v8+s13+$0x0], $0xffff;
	[tilespmem:s12+$0x17400] =	vst v9  }
0x3fc: {  	s14 =	sor.u32 $0x840, s10;
	v9 =	vadd.s32 s1, v37;
	v1 =	vld.idx.msk [tilespmem:v1+s13+$0x0], $0xffff;
	[tilespmem:s7+$0x20] =	vst v3  }
0x3fd: {  	v3 =	vadd.s32 s23, v13;
	v12 =	vld.idx.msk [tilespmem:v12+s13+$0x0], $0xffff;
	[tilespmem:s14+$0x17400] =	vst v2  }
0x3fe: {  	s15 =	sor.u32 $0x840, s30;
	v2 =	vadd.s32 s2, v13;
	[tilespmem:s28+$0x20] =	vst v5;
	v4 =	vld.idx.msk [tilespmem:v4+s13+$0x0], $0xffff  }
0x3ff: {  	v5 =	vld.idx.msk [tilespmem:v6+s13+$0x0], $0xffff;
	v6 =	vadd.s32 s9, v42;
	[tilespmem:s15+$0x17400] =	vst v11  }
0x400: {  	v11 =	vadd.s32 s6, v13;
	v7 =	vld.idx.msk [tilespmem:v7+s13+$0x0], $0xffff;
	[tilespmem:s4+$0x30] =	vst v8  }
0x401: {  	s16 =	sor.u32 $0x860, s8;
	v8 =	vadd.s32 s0, v37;
	v9 =	vld.idx.msk [tilespmem:v9+s13+$0x0], $0xffff;
	[tilespmem:s5+$0x30] =	vst v1  }
0x402: {  	v1 =	vadd.s32 v13, v10;
	v3 =	vld.idx.msk [tilespmem:v3+s13+$0x0], $0xffff;
	[tilespmem:s16+$0x17400] =	vst v12  }
0x403: {  	s17 =	sor.u32 $0x840, s3;
	v12 =	vadd.s32 v37, v0;
	v2 =	vld.idx.msk [tilespmem:v2+s13+$0x0], $0xffff;
	[tilespmem:s7+$0x30] =	vst v4  }
0x404: {  	v4 =	vadd.s32 s23, v22;
	v6 =	vld.idx.msk [tilespmem:v6+s13+$0x0], $0xffff;
	[tilespmem:s17+$0x17400] =	vst v5  }
0x405: {  	s18 =	sor.u32 $0x850, s10;
	v5 =	vadd.s32 s2, v22;
	[tilespmem:s28+$0x30] =	vst v7;
	v7 =	vld.idx.msk [tilespmem:v11+s13+$0x0], $0xffff  }
0x406: {  	v8 =	vld.idx.msk [tilespmem:v8+s13+$0x0], $0xffff;
	v11 =	vadd.s32 s9, v35;
	[tilespmem:s18+$0x17400] =	vst v9  }
0x407: {  	v9 =	vadd.s32 s6, v22;
	v1 =	vld.idx.msk [tilespmem:v1+s13+$0x0], $0xffff;
	[tilespmem:s4+$0x40] =	vst v3  }
0x408: {  	s19 =	sor.u32 $0x870, s8;
	v3 =	vadd.s32 s1, v58;
	v12 =	vld.idx.msk [tilespmem:v12+s13+$0x0], $0xffff;
	[tilespmem:s5+$0x40] =	vst v2  }
0x409: {  	v2 =	vadd.s32 v22, v10;
	v4 =	vld.idx.msk [tilespmem:v4+s13+$0x0], $0xffff;
	[tilespmem:s19+$0x17400] =	vst v6  }
0x40a: {  	s20 =	sor.u32 $0x850, s30;
	v6 =	vadd.s32 s0, v58;
	v5 =	vld.idx.msk [tilespmem:v5+s13+$0x0], $0xffff;
	[tilespmem:s7+$0x40] =	vst v7  }
0x40b: {  	v7 =	vadd.s32 s23, v34;
	v11 =	vld.idx.msk [tilespmem:v11+s13+$0x0], $0xffff;
	[tilespmem:s20+$0x17400] =	vst v8  }
0x40c: {  	s21 =	sor.u32 $0x850, s3;
	v8 =	vadd.s32 s2, v34;
	[tilespmem:s28+$0x40] =	vst v1;
	v1 =	vld.idx.msk [tilespmem:v9+s13+$0x0], $0xffff  }
0x40d: {  	v9 =	vadd.s32 s9, v38;
	v3 =	vld.idx.msk [tilespmem:v3+s13+$0x0], $0xffff;
	[tilespmem:s21+$0x17400] =	vst v12  }
0x40e: {  	v12 =	vadd.s32 s6, v34;
	v2 =	vld.idx.msk [tilespmem:v2+s13+$0x0], $0xffff;
	[tilespmem:s4+$0x50] =	vst v4  }
0x40f: {  	s24 =	sor.u32 $0xC00, s8;
	v4 =	vadd.s32 v58, v0;
	v6 =	vld.idx.msk [tilespmem:v6+s13+$0x0], $0xffff;
	[tilespmem:s5+$0x50] =	vst v5  }
0x410: {  	v5 =	vadd.s32 v34, v10;
	v7 =	vld.idx.msk [tilespmem:v7+s13+$0x0], $0xffff;
	[tilespmem:s24+$0x17400] =	vst v11  }
0x411: {  	s26 =	sor.u32 $0x860, s10;
	v11 =	vadd.s32 s1, v42;
	v8 =	vld.idx.msk [tilespmem:v8+s13+$0x0], $0xffff;
	[tilespmem:s7+$0x50] =	vst v1  }
0x412: {  	v1 =	vadd.s32 s23, v33;
	v9 =	vld.idx.msk [tilespmem:v9+s13+$0x0], $0xffff;
	[tilespmem:s26+$0x17400] =	vst v3  }
0x413: {  	s29 =	sor.u32 $0x860, s30;
	v3 =	vadd.s32 s2, v33;
	[tilespmem:s28+$0x50] =	vst v2;
	v2 =	vld.idx.msk [tilespmem:v12+s13+$0x0], $0xffff  }
0x414: {  	v12 =	vadd.s32 s9, v49;
	v4 =	vld.idx.msk [tilespmem:v4+s13+$0x0], $0xffff;
	[tilespmem:s29+$0x17400] =	vst v6  }
0x415: {  	v6 =	vadd.s32 s6, v33;
	v5 =	vld.idx.msk [tilespmem:v5+s13+$0x0], $0xffff;
	[tilespmem:s4+$0x60] =	vst v7  }
0x416: {  	s31 =	sor.u32 $0xC10, s8;
	v7 =	vadd.s32 s0, v42;
	v11 =	vld.idx.msk [tilespmem:v11+s13+$0x0], $0xffff;
	[tilespmem:s5+$0x60] =	vst v8  }
0x417: {  	v8 =	vadd.s32 v33, v10;
	v1 =	vld.idx.msk [tilespmem:v1+s13+$0x0], $0xffff;
	[tilespmem:s31+$0x17400] =	vst v9  }
0x418: {  	s12 =	sor.u32 $0x860, s3;
	v9 =	vadd.s32 v42, v0;
	v3 =	vld.idx.msk [tilespmem:v3+s13+$0x0], $0xffff;
	[tilespmem:s7+$0x60] =	vst v2  }
0x419: {  	v2 =	vadd.s32 s23, v16;
	v12 =	vld.idx.msk [tilespmem:v12+s13+$0x0], $0xffff;
	[tilespmem:s12+$0x17400] =	vst v4  }
0x41a: {  	s14 =	sor.u32 $0x870, s10;
	v4 =	vadd.s32 s2, v16;
	[tilespmem:s28+$0x60] =	vst v5;
	v5 =	vld.idx.msk [tilespmem:v6+s13+$0x0], $0xffff  }
0x41b: {  	v6 =	vld.idx.msk [tilespmem:v7+s13+$0x0], $0xffff;
	v7 =	vadd.s32 s9, v50;
	[tilespmem:s14+$0x17400] =	vst v11  }
0x41c: {  	v11 =	vadd.s32 s6, v16;
	v8 =	vld.idx.msk [tilespmem:v8+s13+$0x0], $0xffff;
	[tilespmem:s4+$0x70] =	vst v1  }
0x41d: {  	s15 =	sor.u32 $0xC20, s8;
	v1 =	vadd.s32 s1, v35;
	v9 =	vld.idx.msk [tilespmem:v9+s13+$0x0], $0xffff;
	[tilespmem:s5+$0x70] =	vst v3  }
0x41e: {  	v3 =	vadd.s32 v16, v10;
	v2 =	vld.idx.msk [tilespmem:v2+s13+$0x0], $0xffff;
	[tilespmem:s15+$0x17400] =	vst v12  }
0x41f: {  	s16 =	sor.u32 $0x870, s30;
	v12 =	vadd.s32 s0, v35;
	v4 =	vld.idx.msk [tilespmem:v4+s13+$0x0], $0xffff;
	[tilespmem:s7+$0x70] =	vst v5  }
0x420: {  	v5 =	vadd.s32 s23, v39;
	v7 =	vld.idx.msk [tilespmem:v7+s13+$0x0], $0xffff;
	[tilespmem:s16+$0x17400] =	vst v6  }
0x421: {  	s17 =	sor.u32 $0x870, s3;
	[tilespmem:s28+$0x70] =	vst v8;
	v6 =	vld.idx.msk [tilespmem:v11+s13+$0x0], $0xffff;
	v8 =	vadd.s32 s9, v52  }
0x422: {  	v11 =	vadd.s32 s2, v39;
	v1 =	vld.idx.msk [tilespmem:v1+s13+$0x0], $0xffff;
	[tilespmem:s17+$0x17400] =	vst v9  }
0x423: {  	v9 =	vadd.s32 s6, v39;
	v3 =	vld.idx.msk [tilespmem:v3+s13+$0x0], $0xffff;
	[tilespmem:s4+$0x400] =	vst v2  }
0x424: {  	s18 =	sor.u32 $0xC30, s8;
	v2 =	vadd.s32 v35, v0;
	v12 =	vld.idx.msk [tilespmem:v12+s13+$0x0], $0xffff;
	[tilespmem:s5+$0x400] =	vst v4  }
0x425: {  	v4 =	vadd.s32 v39, v10;
	v5 =	vld.idx.msk [tilespmem:v5+s13+$0x0], $0xffff;
	[tilespmem:s18+$0x17400] =	vst v7  }
0x426: {  	s19 =	sor.u32 $0xC00, s10;
	v7 =	vadd.s32 s1, v38;
	[tilespmem:s7+$0x400] =	vst v6;
	v6 =	vld.idx.msk [tilespmem:v8+s13+$0x0], $0xffff  }
0x427: {  	v8 =	vld.idx.msk [tilespmem:v11+s13+$0x0], $0xffff;
	v11 =	vadd.s32 s0, v38;
	[tilespmem:s19+$0x17400] =	vst v1  }
0x428: {  	s20 =	sor.u32 $0xC00, s30;
	v1 =	vadd.s32 s9, v53;
	[tilespmem:s28+$0x400] =	vst v3;
	v3 =	vld.idx.msk [tilespmem:v9+s13+$0x0], $0xffff  }
0x429: {  	v2 =	vld.idx.msk [tilespmem:v2+s13+$0x0], $0xffff;
	v9 =	vadd.s32 s23, v14;
	[tilespmem:s20+$0x17400] =	vst v12  }
0x42a: {  	s21 =	sor.u32 $0xC40, s8;
	v12 =	vadd.s32 s2, v14;
	v4 =	vld.idx.msk [tilespmem:v4+s13+$0x0], $0xffff;
	[tilespmem:s4+$0x410] =	vst v5  }
0x42b: {  	v5 =	vadd.s32 s6, v14;
	v7 =	vld.idx.msk [tilespmem:v7+s13+$0x0], $0xffff;
	[tilespmem:s21+$0x17400] =	vst v6  }
0x42c: {  	[tilespmem:s5+$0x410] =	vst v8;
	v8 =	vadd.s32 v38, v0;
	v11 =	vld.idx.msk [tilespmem:v11+s13+$0x0], $0xffff  }
0x42d: {  	s24 =	sor.u32 $0xC00, s3;
	v6 =	vadd.s32 v14, v10;
	v1 =	vld.idx.msk [tilespmem:v1+s13+$0x0], $0xffff;
	[tilespmem:s7+$0x410] =	vst v3  }
0x42e: {  	v3 =	vld.idx.msk [tilespmem:v9+s13+$0x0], $0xffff;
	[tilespmem:s24+$0x17400] =	vst v2;
	v2 =	vadd.s32 s9, v43  }
0x42f: {  	s26 =	sor.u32 $0xC10, s10;
	v9 =	vld.idx.msk [tilespmem:v12+s13+$0x0], $0xffff;
	v12 =	vadd.s32 s23, v27;
	[tilespmem:s28+$0x410] =	vst v4  }
0x430: {  	s31 =	sor.u32 $0xC10, s30;
	v4 =	vadd.s32 s1, v49;
	v5 =	vld.idx.msk [tilespmem:v5+s13+$0x0], $0xffff;
	[tilespmem:s26+$0x17400] =	vst v7  }
0x431: {  	s29 =	sor.u32 $0xC50, s8;
	[tilespmem:s31+$0x17400] =	vst v11;
	v8 =	vld.idx.msk [tilespmem:v8+s13+$0x0], $0xffff;
	v11 =	vadd.s32 s6, v27  }
0x432: {  	v6 =	vld.idx.msk [tilespmem:v6+s13+$0x0], $0xffff;
	[tilespmem:s29+$0x17400] =	vst v1;
	v1 =	vadd.s32 s2, v27  }
0x433: {  	v7 =	vadd.s32 s0, v49;
	[tilespmem:s4+$0x420] =	vst v3;
	v2 =	vld.idx.msk [tilespmem:v2+s13+$0x0], $0xffff  }
0x434: {  	v3 =	vadd.s32 v27, v10;
	[tilespmem:s5+$0x420] =	vst v9;
	v9 =	vld.idx.msk [tilespmem:v12+s13+$0x0], $0xffff  }
0x435: {  	s12 =	sor.u32 $0xC10, s3;
	v4 =	vld.idx.msk [tilespmem:v4+s13+$0x0], $0xffff;
	[tilespmem:s7+$0x420] =	vst v5;
	v5 =	vadd.s32 s23, v63  }
0x436: {  	[tilespmem:s12+$0x17400] =	vst v8;
	v8 =	vadd.s32 v49, v0;
	v11 =	vld.idx.msk [tilespmem:v11+s13+$0x0], $0xffff  }
0x437: {  	s14 =	sor.u32 $0xC60, s8;
	v12 =	vadd.s32 s9, v55;
	[tilespmem:s28+$0x420] =	vst v6;
	v1 =	vld.idx.msk [tilespmem:v1+s13+$0x0], $0xffff  }
0x438: {  	v7 =	vld.idx.msk [tilespmem:v7+s13+$0x0], $0xffff;
	v6 =	vadd.s32 s2, v63;
	[tilespmem:s14+$0x17400] =	vst v2  }
0x439: {  	s15 =	sor.u32 $0xC20, s10;
	v2 =	vadd.s32 s6, v63;
	v3 =	vld.idx.msk [tilespmem:v3+s13+$0x0], $0xffff;
	[tilespmem:s4+$0x430] =	vst v9  }
0x43a: {  	v9 =	vadd.s32 v63, v10;
	[tilespmem:s15+$0x17400] =	vst v4;
	v5 =	vld.idx.msk [tilespmem:v5+s13+$0x0], $0xffff  }
0x43b: {  	v4 =	vadd.s32 s1, v50;
	v8 =	vld.idx.msk [tilespmem:v8+s13+$0x0], $0xffff;
	[tilespmem:s7+$0x430] =	vst v11  }
0x43c: {  	s16 =	sor.u32 $0xC20, s30;
	v11 =	vadd.s32 s0, v50;
	[tilespmem:s5+$0x430] =	vst v1;
	v1 =	vld.idx.msk [tilespmem:v12+s13+$0x0], $0xffff  }
0x43d: {  	[tilespmem:s16+$0x17400] =	vst v7;
	v7 =	vadd.s32 s23, v59;
	v6 =	vld.idx.msk [tilespmem:v6+s13+$0x0], $0xffff  }
0x43e: {  	v12 =	vadd.s32 s2, v59;
	[tilespmem:s28+$0x430] =	vst v3;
	v2 =	vld.idx.msk [tilespmem:v2+s13+$0x0], $0xffff  }
0x43f: {  	s17 =	sor.u32 $0xC20, s3;
	v9 =	vld.idx.msk [tilespmem:v9+s13+$0x0], $0xffff;
	[tilespmem:s4+$0x440] =	vst v5  }
0x440: {  	s8 =	sor.u32 $0xC70, s8;
	v3 =	vadd.s32 s6, v59;
	v4 =	vld.idx.msk [tilespmem:v4+s13+$0x0], $0xffff;
	[tilespmem:s17+$0x17400] =	vst v8  }
0x441: {  	v5 =	vadd.s32 v50, v0;
	v11 =	vld.idx.msk [tilespmem:v11+s13+$0x0], $0xffff;
	[tilespmem:s8+$0x17400] =	vst v1  }
0x442: {  	v13 =	vadd.s32 v59, v10;
	[tilespmem:s5+$0x440] =	vst v6;
	v6 =	vld.idx.msk [tilespmem:v7+s13+$0x0], $0xffff  }
0x443: {  	v7 =	vadd.s32 s1, v52;
	[tilespmem:s7+$0x440] =	vst v2;
	v12 =	vld.idx.msk [tilespmem:v12+s13+$0x0], $0xffff  }
0x444: {  	s18 =	sor.u32 $0xC30, s10;
	v2 =	vadd.s32 s23, v57;
	[tilespmem:s28+$0x440] =	vst v9  }
0x445: {  	s19 =	sor.u32 $0xC30, s30;
	v3 =	vld.idx.msk [tilespmem:v3+s13+$0x0], $0xffff;
	[tilespmem:s18+$0x17400] =	vst v4  }
0x446: {  	v20 =	vadd.s32 s2, v57;
	v5 =	vld.idx.msk [tilespmem:v5+s13+$0x0], $0xffff;
	[tilespmem:s19+$0x17400] =	vst v11  }
0x447: {  	v13 =	vld.idx.msk [tilespmem:v13+s13+$0x0], $0xffff;
	[tilespmem:s4+$0x450] =	vst v6  }
0x448: {  	v11 =	vadd.s32 s6, v41;
	v7 =	vld.idx.msk [tilespmem:v7+s13+$0x0], $0xffff;
	[tilespmem:s5+$0x450] =	vst v12  }
0x449: {  	v8 =	vadd.s32 s0, v52;
	v2 =	vld.idx.msk [tilespmem:v2+s13+$0x0], $0xffff;
	[tilespmem:$0x1F7E0] =	vst v11  }
0x44a: {  	[tilespmem:s7+$0x450] =	vst v3;
	v3 =	vadd.s32 v36, v10  }
0x44b: {  	v11 =	vld.idx.msk [tilespmem:v20+s13+$0x0], $0xffff;
	[tilespmem:$0x1F7F0] =	vst v3;
	v3 =	vadd.s32 s2, v36  }
0x44c: {  	s20 =	sor.u32 $0xC30, s3;
	[tilespmem:$0x1F800] =	vst v3  }
0x44d: {  	v4 =	vadd.s32 s6, v57;
	[tilespmem:s20+$0x17400] =	vst v5;
	v5 =	vadd.s32 s6, v36  }
0x44e: {  	v20 =	vld.idx.msk [tilespmem:v8+s13+$0x0], $0xffff;
	[tilespmem:$0x1F810] =	vst v5;
	v5 =	vadd.s32 v47, v10  }
0x44f: {  	[tilespmem:$0x1F820] =	vst v5;
	v5 =	vadd.s32 s2, v47  }
0x450: {  	v1 =	vadd.s32 v52, v0;
	[tilespmem:$0x1F830] =	vst v5  }
0x451: {  	v5 =	vadd.s32 s6, v47;
	[tilespmem:s28+$0x450] =	vst v13  }
0x452: {  	v4 =	vld.idx.msk [tilespmem:v4+s13+$0x0], $0xffff;
	[tilespmem:$0x1F840] =	vst v5;
	v5 =	vadd.s32 s2, v46  }
0x453: {  	v23 =	vadd.s32 v53, v0;
	v61 =	vadd.s32 v43, v0;
	s21 =	sor.u32 $0xC40, s10;
	[tilespmem:$0x1F850] =	vst v5  }
0x454: {  	v56 =	vadd.s32 v55, v0;
	v0 =	vadd.s32 v57, v10;
	v5 =	vadd.s32 s2, v37;
	[tilespmem:s21+$0x17400] =	vst v7  }
0x455: {  	v1 =	vld.idx.msk [tilespmem:v1+s13+$0x0], $0xffff;
	[tilespmem:$0x1F860] =	vst v5;
	v5 =	vadd.s32 s6, v46  }
0x456: {  	[tilespmem:$0x1F870] =	vst v5;
	v5 =	vadd.s32 s6, v37  }
0x457: {  	[tilespmem:$0x1F880] =	vst v5  }
0x458: {  	v16 =	vadd.s32 s1, v53;
	[tilespmem:s4+$0x460] =	vst v2;
	v2 =	vadd.s32 v37, v10  }
0x459: {  	v0 =	vld.idx.msk [tilespmem:v0+s13+$0x0], $0xffff;
	[tilespmem:$0x1F890] =	vst v2;
	v2 =	vadd.s32 s2, v58  }
0x45a: {  	[tilespmem:$0x1F8A0] =	vst v2;
	v2 =	vadd.s32 v58, v10  }
0x45b: {  	[tilespmem:$0x1F8B0] =	vst v2  }
0x45c: {  	v3 =	vadd.s32 s23, v28;
	v5 =	vadd.s32 s2, v42;
	[tilespmem:s5+$0x460] =	vst v11  }
0x45d: {  	v2 =	vld.idx.msk [tilespmem:v16+s13+$0x0], $0xffff;
	[tilespmem:$0x1F8C0] =	vst v5;
	v5 =	vadd.s32 s6, v58  }
0x45e: {  	[tilespmem:$0x1F8D0] =	vst v5;
	v5 =	vadd.s32 v42, v10  }
0x45f: {  	s24 =	sor.u32 $0xC40, s30;
	[tilespmem:$0x1F8E0] =	vst v5  }
0x460: {  	v24 =	vadd.s32 s2, v28;
	v5 =	vadd.s32 s2, v35;
	[tilespmem:s24+$0x17400] =	vst v20  }
0x461: {  	v3 =	vld.idx.msk [tilespmem:v3+s13+$0x0], $0xffff;
	[tilespmem:$0x1F8F0] =	vst v5;
	v5 =	vadd.s32 s6, v42  }
0x462: {  	[tilespmem:$0x1F900] =	vst v5;
	v5 =	vadd.s32 s2, v38  }
0x463: {  	v19 =	vadd.s32 s0, v53;
	[tilespmem:$0x1F910] =	vst v5  }
0x464: {  	[tilespmem:s7+$0x460] =	vst v4;
	v4 =	vadd.s32 v35, v10  }
0x465: {  	v5 =	vld.idx.msk [tilespmem:v24+s13+$0x0], $0xffff;
	[tilespmem:$0x1F920] =	vst v4;
	v4 =	vadd.s32 s6, v35  }
0x466: {  	s26 =	sor.u32 $0xC40, s3;
	[tilespmem:$0x1F930] =	vst v4  }
0x467: {  	v26 =	vadd.s32 s6, v28;
	[tilespmem:s26+$0x17400] =	vst v1;
	v1 =	vadd.s32 v38, v10  }
0x468: {  	v16 =	vld.idx.msk [tilespmem:v19+s13+$0x0], $0xffff;
	[tilespmem:$0x1F940] =	vst v1;
	v1 =	vadd.s32 s6, v38  }
0x469: {  	v25 =	vadd.s32 v28, v10;
	[tilespmem:$0x1F950] =	vst v1  }
0x46a: {  	v21 =	vadd.s32 s0, v43;
	v60 =	vadd.s32 s1, v55;
	v17 =	vadd.s32 v40, v10;
	s29 =	sor.u32 $0xC50, s10;
	[tilespmem:s28+$0x460] =	vst v0  }
0x46b: {  	v48 =	vadd.s32 v46, v10;
	v54 =	vadd.s32 v49, v10;
	v22 =	vadd.s32 s1, v43;
	[tilespmem:s29+$0x17400] =	vst v2  }
0x46c: {  	v44 =	vadd.s32 v52, v10;
	v29 =	vadd.s32 v55, v10;
	v4 =	vadd.s32 s23, v40;
	v24 =	vld.idx.msk [tilespmem:v26+s13+$0x0], $0xffff;
	[tilespmem:s4+$0x470] =	vst v3  }
0x46d: {  	v51 =	vadd.s32 s2, v41;
	v6 =	vadd.s32 s2, v40;
	v1 =	vadd.s32 s6, v49;
	v20 =	vld.idx.msk [tilespmem:v23+s13+$0x0], $0xffff;
	[tilespmem:s5+$0x470] =	vst v5  }
0x46e: {  	v45 =	vadd.s32 s2, v49;
	v15 =	vadd.s32 s2, v52;
	v0 =	vld.idx.msk [tilespmem:v25+s13+$0x0], $0xffff;
	[tilespmem:$0x1F960] =	vst v1;
	v1 =	vadd.s32 s6, v50  }
0x46f: {  	v18 =	vadd.s32 s6, v40;
	v14 =	vadd.s32 v41, v10;
	s31 =	sor.u32 $0xC50, s30;
	v9 =	vadd.s32 s0, v55;
	[tilespmem:$0x1F970] =	vst v1  }
0x470: {  	p0 =	por !p0, !p0;
	s11 =	sor.u32 $0xC70, s3;
	s9 =	simm.s32 $0x400;
	v12 =	vadd.s32 s2, v53;
	v8 =	vadd.s32 s2, v43;
	v2 =	vadd.s32 v50, v10;
	v19 =	vld.idx.msk [tilespmem:v22+s13+$0x0], $0xffff;
	[tilespmem:s31+$0x17400] =	vst v16  }
0x471: {  	s12 =	sor.u32 $0xC60, s3;
	s14 =	sor.u32 $0xC70, s30;
	s1 =	simm.s32 $0x1;
	v13 =	vadd.s32 s2, v55;
	v7 =	vadd.s32 s6, v43;
	v11 =	vadd.s32 s6, v55;
	v1 =	vld.idx.msk [tilespmem:v4+s13+$0x0], $0xffff;
	[tilespmem:$0x1F980] =	vst v2  }
0x472: {  	s15 =	sor.u32 $0xC70, s10;
	s16 =	sor.u32 $0xC50, s3;
	s1 =	simm.s32 @!p0 $0x0;
	v26 =	vadd.s32 s2, v50;
	v23 =	vadd.s32 v53, v10;
	v3 =	vadd.s32 s23, v41;
	v2 =	vld.idx.msk [tilespmem:v6+s13+$0x0], $0xffff  }
0x473: {  	s0 =	sshll.u32 s1, $0x9;
	s19 =	sor.u32 $0xC60, s30;
	s26 =	sor.u32 $0xC60, s10;
	v25 =	vadd.s32 s6, v52;
	v22 =	vadd.s32 s6, v53;
	v16 =	vadd.s32 v43, v10;
	[tilespmem:s7+$0x470] =	vst v24;
	v21 =	vld.idx.msk [tilespmem:v21+s13+$0x0], $0xffff  }
.LBB2_12:
0x474: {  	[tilespmem:$0x1F730] =	vst v22  }
0x475: {  	[tilespmem:$0x1F7C0] =	vst v7  }
0x476: {  	[tilespmem:s28+$0x470] =	vst v0  }
0x477: {  	[tilespmem:s26+$0x17400] =	vst v19  }
0x478: {  	s1 =	sadd.s32 s0, s22;
	v0 =	vld.idx.msk [tilespmem:v18+s13+$0x0], $0xffff;
	v6 =	vmov v16;
	[tilespmem:s19+$0x17400] =	vst v21  }
0x479: {  	v4 =	vld.idx.msk [tilespmem:v17+s13+$0x0], $0xffff;
	s3 =	sadd.s32 $0x180, s1;
	[tilespmem:s16+$0x17400] =	vst v20  }
0x47a: {  	[tilespmem:$0x1F600] =	vst v6;
	s5 =	sor.u32 $0x800, s3  }
0x47b: {  	s24 =	smov.u32 s14;
	s14 =	sadd.s32 $0x80, s1;
	v6 =	vmov v13;
	v5 =	vld.idx.msk [tilespmem:v61+s13+$0x0], $0xffff;
	[tilespmem:s5+$0x17400] =	vst v1  }
0x47c: {  	s0 =	sadd.s32 $0x100, s1;
	s2 =	sor.u32 $0x800, s14;
	v1 =	vld.idx.msk [tilespmem:v60+s13+$0x0], $0xffff;
	[tilespmem:$0x1F520] =	vst v6  }
0x47d: {  	s4 =	sor.u32 $0x800, s0;
	[tilespmem:s2+$0x17400] =	vst v2;
	v2 =	vld.idx.msk [tilespmem:v3+s13+$0x0], $0xffff  }
0x47e: {  	s25 =	sadd.s32 $0x4, s25;
	s7 =	sor.u32 $0x800, s1;
	v3 =	vld.idx.msk [tilespmem:v51+s13+$0x0], $0xffff;
	[tilespmem:s4+$0x17400] =	vst v0  }
0x47f: {  	v0 =	vadd.s32 s23, v36;
	v13 =	vld.idx.msk [tilespmem:v9+s13+$0x0], $0xffff;
	v6 =	vmov v11;
	[tilespmem:s7+$0x17400] =	vst v4;
	v11 =	vmov s25  }
0x480: {  	v4 =	vld [tilespmem:$0x1F7E0];
	[tilespmem:$0x1F5A0] =	vst v6;
	v52 =	vand.u32 $0x1C, v11  }
0x481: {  	s19 =	sor.u32 $0x850, s1;
	v14 =	vld.idx.msk [tilespmem:v14+s13+$0x0], $0xffff;
	v6 =	vadd.s32 v33, v52;
	[tilespmem:s12+$0x17400] =	vst v5  }
0x482: {  	s8 =	sor.u32 $0x810, s14;
	s31 =	sor.u32 $0x810, s3;
	s4 =	sor.u32 $0x840, s1;
	[tilespmem:$0x1F540] =	vst v6;
	v6 =	vld [tilespmem:$0x1FE10]  }
0x483: {  	s2 =	sand.u32 $0x4, s25;
	[smem:$0x7E0] =	sst s4;
	s7 =	sor.u32 $0x850, s14;
	v5 =	vld.idx.msk [tilespmem:v56+s13+$0x0], $0xffff;
	[tilespmem:s31+$0x17400] =	vst v2  }
0x484: {  	[tilespmem:$0x1F690] =	vst v15;
	s4 =	sand.u32 $0x18, s25;
	[smem:$0x7E1] =	sst s7;
	s7 =	sor.u32 $0x3, s2;
	v15 =	vadd.s32 v62, v52;
	v17 =	vld.idx.msk [tilespmem:v0+s13+$0x0], $0xffff  }
0x485: {  	[smem:$0x7E3] =	sst s19;
	s21 =	sor.u32 $0x850, s0;
	s19 =	sor.u32 s4, s7;
	[tilespmem:s15+$0x17400] =	vst v1;
	v0 =	vld [tilespmem:$0x1F800]  }
0x486: {  	s28 =	sor.u32 $0x810, s1;
	[smem:$0x7E2] =	sst s21;
	s21 =	sor.u32 $0x1, s2;
	v16 =	vadd.s32 s19, v62;
	[tilespmem:s8+$0x17400] =	vst v3  }
0x487: {  	s15 =	sor.u32 $0x2, s2;
	s2 =	sor.u32 s4, s21;
	[tilespmem:s28+$0x17400] =	vst v14  }
0x488: {  	s31 =	sor.u32 s4, s15;
	s4 =	sshll.u32 s15, $0x7;
	s15 =	sor.u32 $0xC20, s14;
	v4 =	vld.idx.msk [tilespmem:v4+s13+$0x0], $0xffff;
	[tilespmem:s24+$0x17400] =	vst v13  }
0x489: {  	[dreg:$0x17] =	wrdreg s15;
	v14 =	vld.idx.msk [tilespmem:v15+s13+$0x0], $0xffff;
	s24 =	sor.u32 $0x860, s1;
	v7 =	vadd.s32 v6, v52;
	[tilespmem:s11+$0x17400] =	vst v5  }
0x48a: {  	s15 =	sor.u32 $0x820, s3;
	[smem:$0x7E4] =	sst s24;
	s24 =	sor.u32 $0x870, s14;
	[tilespmem:$0x1F560] =	vst v7  }
0x48b: {  	v22 =	vadd.s32 s31, v6;
	v5 =	vld.idx.msk [tilespmem:v16+s13+$0x0], $0xffff;
	v7 =	vadd.s32 s2, v6;
	v6 =	vadd.s32 s31, v39;
	[smem:$0x7E5] =	sst s24;
	s24 =	sor.u32 $0x870, s0;
	[tilespmem:s15+$0x17400] =	vst v17  }
0x48c: {  	v18 =	vadd.s32 s2, v62;
	s15 =	sor.u32 $0xC30, s0;
	[tilespmem:$0x1F570] =	vst v6;
	v6 =	vld [tilespmem:$0x1F7F0];
	[smem:$0x7E6] =	sst s24  }
0x48d: {  	[tilespmem:$0x1F6E0] =	vst v44;
	s26 =	sor.u32 $0x810, s0;
	s24 =	sor.u32 $0xC00, s14;
	[dreg:$0x11] =	wrdreg s15;
	v9 =	vld.idx.msk [tilespmem:v0+s13+$0x0], $0xffff  }
0x48e: {  	[smem:$0x7E8] =	sst s24;
	s24 =	sor.u32 $0xC00, s1;
	[tilespmem:s26+$0x17400] =	vst v4;
	v4 =	vadd.s32 s23, v47;
	v0 =	vld [tilespmem:$0x1F810]  }
0x48f: {  	[tilespmem:$0x1F650] =	vst v26;
	[smem:$0x7EA] =	sst s24;
	s24 =	sor.u32 $0xC10, s0  }
0x490: {  	[tilespmem:$0x1F6B0] =	vst v25;
	s22 =	sadd.s32 $0x800, s22;
	[dreg:$0x1b] =	wrdreg s24;
	s24 =	sor.u32 $0xC20, s1  }
0x491: {  	[tilespmem:$0x1F790] =	vst v8;
	s21 =	sshll.u32 s21, $0x7;
	v15 =	vld.idx.msk [tilespmem:v18+s13+$0x0], $0xffff;
	[dreg:$0x15] =	wrdreg s24;
	s24 =	sor.u32 $0xC20, s0  }
0x492: {  	[tilespmem:$0x1F700] =	vst v12;
	v1 =	vmov v29;
	v18 =	vld [tilespmem:$0x1FE20];
	s15 =	sor.u32 $0xC40, s0;
	[dreg:$0x19] =	wrdreg s24;
	s24 =	sand.u32 $0x3000, s22  }
0x493: {  	[tilespmem:$0x1F530] =	vst v1;
	v19 =	vadd.s32 s31, v62;
	[dreg:$0x9] =	wrdreg s15;
	s15 =	sadd.s32 $0x17400, s24;
	s24 =	sshll.u32 s7, $0x7;
	v4 =	vld.idx.msk [tilespmem:v4+s13+$0x0], $0xffff  }
0x494: {  	[tilespmem:$0x1F550] =	vst v7;
	v7 =	vld.idx.msk [tilespmem:v6+s13+$0x0], $0xffff;
	s7 =	sor.u32 s21, s15;
	s21 =	sor.u32 s24, s15  }
0x495: {  	s6 =	sor.u32 $0x820, s14;
	[tilespmem:s21+$0x0] =	vst v5;
	v5 =	vld [tilespmem:$0x1F840]  }
0x496: {  	[tilespmem:s6+$0x17400] =	vst v9;
	v6 =	vadd.s32 v39, v52;
	v8 =	vld.idx.msk [tilespmem:v0+s13+$0x0], $0xffff  }
0x497: {  	[tilespmem:$0x1F580] =	vst v6;
	v6 =	vadd.s32 s2, v18  }
0x498: {  	s17 =	sand.u32 $0x200, s9;
	v9 =	vld.idx.msk [tilespmem:v19+s13+$0x0], $0xffff;
	[tilespmem:$0x1F590] =	vst v6;
	v6 =	vadd.s32 s31, v18  }
0x499: {  	s28 =	sor.u32 s17, s15;
	[tilespmem:$0x1F5B0] =	vst v6;
	v6 =	vld [tilespmem:$0x1F830]  }
0x49a: {  	s16 =	sor.u32 $0x820, s0;
	[tilespmem:s28+$0x0] =	vst v14  }
0x49b: {  	[tilespmem:s16+$0x17400] =	vst v8;
	v8 =	vadd.s32 v18, v52  }
0x49c: {  	s6 =	sor.u32 s4, s15;
	[tilespmem:$0x1F5C0] =	vst v8  }
0x49d: {  	v8 =	vadd.s32 s2, v27;
	v5 =	vld.idx.msk [tilespmem:v5+s13+$0x0], $0xffff;
	[tilespmem:s6+$0x0] =	vst v9  }
0x49e: {  	v12 =	vadd.s32 v30, v52;
	v9 =	vadd.s32 v57, v52;
	[tilespmem:$0x1F5D0] =	vst v8  }
0x49f: {  	v8 =	vadd.s32 s31, v27;
	[tilespmem:$0x1F6D0] =	vst v9  }
0x4a0: {  	[tilespmem:$0x1F5E0] =	vst v8  }
0x4a1: {  	v9 =	vadd.s32 s2, v28;
	v6 =	vld.idx.msk [tilespmem:v6+s13+$0x0], $0xffff;
	[tilespmem:s7+$0x0] =	vst v15  }
0x4a2: {  	s10 =	sor.u32 $0x820, s1;
	[tilespmem:$0x1F720] =	vst v9  }
0x4a3: {  	v26 =	vadd.s32 s31, v30;
	v8 =	vadd.s32 v27, v52;
	v27 =	vld.idx.msk [tilespmem:v12+s13+$0x0], $0xffff;
	[tilespmem:s10+$0x17400] =	vst v7  }
0x4a4: {  	v15 =	vadd.s32 v63, v52;
	[tilespmem:$0x1F5F0] =	vst v8  }
0x4a5: {  	v9 =	vadd.s32 s31, v57;
	[tilespmem:$0x1F640] =	vst v15  }
0x4a6: {  	v7 =	vadd.s32 s2, v40;
	[tilespmem:$0x1F6C0] =	vst v9  }
0x4a7: {  	v8 =	vadd.s32 s2, v63;
	[tilespmem:$0x1F7B0] =	vst v7  }
0x4a8: {  	v16 =	vadd.s32 s19, v30;
	v26 =	vld.idx.msk [tilespmem:v26+s13+$0x0], $0xffff;
	v15 =	vadd.s32 s2, v59;
	[tilespmem:$0x1F620] =	vst v8  }
0x4a9: {  	v25 =	vadd.s32 s2, v30;
	v9 =	vadd.s32 v28, v52;
	[tilespmem:$0x1F660] =	vst v15  }
0x4aa: {  	v8 =	vadd.s32 s31, v63;
	[tilespmem:$0x1F760] =	vst v9  }
0x4ab: {  	v3 =	vadd.s32 s31, v31;
	v15 =	vadd.s32 s31, v59;
	[tilespmem:$0x1F630] =	vst v8  }
0x4ac: {  	v7 =	vld [tilespmem:$0x1F820];
	[tilespmem:$0x1F670] =	vst v15  }
0x4ad: {  	s18 =	sor.u32 $0x830, s14;
	v8 =	vld.idx.msk [tilespmem:v16+s13+$0x0], $0xffff;
	[tilespmem:s6+$0x10] =	vst v26  }
0x4ae: {  	s11 =	sor.u32 $0xC40, s1;
	v17 =	vadd.s32 s23, v46;
	v16 =	vld.idx.msk [tilespmem:v25+s13+$0x0], $0xffff;
	[tilespmem:s18+$0x17400] =	vst v6;
	v6 =	vadd.s32 s31, v41  }
0x4af: {  	[dreg:$0x5] =	wrdreg s11;
	s11 =	sor.u32 $0x830, s3;
	[tilespmem:$0x1F7E0] =	vst v6;
	v6 =	vld [tilespmem:$0x1F850]  }
0x4b0: {  	s20 =	sor.u32 $0x830, s0;
	[tilespmem:s11+$0x17400] =	vst v4;
	v43 =	vld.idx.msk [tilespmem:v3+s13+$0x0], $0xffff  }
0x4b1: {  	v61 =	vadd.s32 v31, v52;
	v4 =	vadd.s32 v59, v52;
	[tilespmem:s20+$0x17400] =	vst v5;
	v5 =	vld [tilespmem:$0x1F870]  }
0x4b2: {  	[tilespmem:$0x1F680] =	vst v4;
	v4 =	vadd.s32 s2, v57  }
0x4b3: {  	v9 =	vadd.s32 s31, v28;
	v25 =	vld.idx.msk [tilespmem:v17+s13+$0x0], $0xffff;
	[tilespmem:$0x1F6A0] =	vst v4;
	v4 =	vadd.s32 s19, v31  }
0x4b4: {  	[tilespmem:$0x1F750] =	vst v9;
	v35 =	vld.idx.msk [tilespmem:v7+s13+$0x0], $0xffff  }
0x4b5: {  	v13 =	vadd.s32 s2, v31;
	[tilespmem:s28+$0x10] =	vst v27  }
0x4b6: {  	[tilespmem:s21+$0x10] =	vst v8;
	v44 =	vld.idx.msk [tilespmem:v61+s13+$0x0], $0xffff  }
0x4b7: {  	s18 =	sor.u32 $0x840, s3;
	v38 =	vld.idx.msk [tilespmem:v6+s13+$0x0], $0xffff;
	[tilespmem:s7+$0x10] =	vst v16  }
0x4b8: {  	s29 =	sor.u32 $0x830, s1;
	v16 =	vld.idx.msk [tilespmem:v4+s13+$0x0], $0xffff;
	[tilespmem:s18+$0x17400] =	vst v25  }
0x4b9: {  	[tilespmem:s29+$0x17400] =	vst v35;
	v35 =	vld.idx.msk [tilespmem:v5+s13+$0x0], $0xffff  }
0x4ba: {  	v28 =	vadd.s32 s23, v37;
	v6 =	vadd.s32 v36, v52;
	[tilespmem:s6+$0x20] =	vst v43;
	v13 =	vld.idx.msk [tilespmem:v13+s13+$0x0], $0xffff  }
0x4bb: {  	v2 =	vadd.s32 s2, v32;
	v3 =	vadd.s32 s31, v46;
	v4 =	vadd.s32 v47, v52;
	[tilespmem:$0x1F7F0] =	vst v6  }
0x4bc: {  	v5 =	vmov v3;
	[tilespmem:$0x1F820] =	vst v4  }
0x4bd: {  	v6 =	vadd.s32 s2, v36;
	[tilespmem:$0x1F870] =	vst v5  }
0x4be: {  	v63 =	vadd.s32 s19, v32;
	v9 =	vld [tilespmem:$0x1FF70];
	[tilespmem:$0x1F800] =	vst v6  }
0x4bf: {  	v11 =	vadd.s32 s31, v32;
	v4 =	vadd.s32 s2, v47;
	v6 =	vadd.s32 s31, v36;
	v36 =	vld.idx.msk [tilespmem:v28+s13+$0x0], $0xffff;
	[tilespmem:s7+$0x20] =	vst v13  }
0x4c0: {  	s30 =	sor.u32 $0x840, s14;
	v53 =	vadd.s32 v34, v52;
	v55 =	vadd.s32 s2, v34;
	v56 =	vadd.s32 s31, v34;
	[tilespmem:$0x1F830] =	vst v4;
	v34 =	vld.idx.msk [tilespmem:v2+s13+$0x0], $0xffff  }
0x4c1: {  	[tilespmem:s30+$0x17400] =	vst v38;
	v38 =	vld [tilespmem:$0x1FFD0]  }
0x4c2: {  	v4 =	vadd.s32 s31, v47;
	[tilespmem:s21+$0x20] =	vst v16  }
0x4c3: {  	s29 =	sor.u32 $0x850, s3;
	[tilespmem:$0x1F840] =	vst v4;
	v13 =	vld.idx.msk [tilespmem:v63+s13+$0x0], $0xffff  }
0x4c4: {  	s5 =	sor.u32 $0x840, s0;
	v18 =	vadd.s32 s31, v40;
	v17 =	vadd.s32 v40, v52;
	[tilespmem:s29+$0x17400] =	vst v36;
	v36 =	vld.idx.msk [tilespmem:v11+s13+$0x0], $0xffff  }
0x4c5: {  	v40 =	vadd.s32 s23, v9;
	v5 =	vadd.s32 s31, v9;
	v4 =	vadd.s32 s2, v46;
	[tilespmem:s5+$0x17400] =	vst v35;
	v35 =	vld [tilespmem:$0x1FFE0]  }
0x4c6: {  	v28 =	vadd.s32 v9, v52;
	[tilespmem:$0x1F850] =	vst v4;
	v4 =	vadd.s32 s2, v9;
	v9 =	vadd.s32 s2, v38  }
0x4c7: {  	v42 =	vld [tilespmem:$0x1FE00];
	v29 =	vadd.s32 s2, v37;
	[tilespmem:$0x1F710] =	vst v9;
	v9 =	vadd.s32 s31, v38  }
0x4c8: {  	v1 =	vld [tilespmem:$0x1FF60];
	v11 =	vmov v29;
	[tilespmem:$0x1F740] =	vst v9  }
0x4c9: {  	v9 =	vld [tilespmem:$0x1F860];
	[tilespmem:$0x1F860] =	vst v11;
	v11 =	vadd.s32 v38, v52  }
0x4ca: {  	v14 =	vld [tilespmem:$0x1FF80];
	[tilespmem:$0x1F780] =	vst v11;
	v11 =	vadd.s32 s2, v35  }
0x4cb: {  	v15 =	vld [tilespmem:$0x1FFB0];
	[tilespmem:$0x1F7A0] =	vst v11;
	v11 =	vadd.s32 s31, v35  }
0x4cc: {  	v25 =	vadd.s32 v46, v52;
	v46 =	vadd.s32 s23, v58;
	[tilespmem:$0x1F7D0] =	vst v11;
	v11 =	vld [tilespmem:$0x1F880]  }
0x4cd: {  	v10 =	vadd.s32 v32, v52;
	v43 =	vld [tilespmem:$0x1FFF0]  }
0x4ce: {  	v7 =	vld.idx.msk [tilespmem:v48+s13+$0x0], $0xffff  }
0x4cf: {  	s26 =	sor.u32 $0x870, s1;
	v48 =	vmov v45;
	v45 =	vld [tilespmem:$0x1FFA0]  }
0x4d0: {  	[smem:$0x7E7] =	sst s26;
	s26 =	sor.u32 $0xC00, s0;
	v19 =	vadd.s32 s2, v39;
	v39 =	vadd.s32 s19, v42;
	v47 =	vld [tilespmem:$0x1FF90]  }
0x4d1: {  	[smem:$0x7E9] =	sst s26;
	s26 =	sor.u32 $0xC10, s14;
	[tilespmem:s28+$0x20] =	vst v44;
	v8 =	vld.idx.msk [tilespmem:v46+s13+$0x0], $0xffff  }
0x4d2: {  	v30 =	vadd.s32 s31, v37;
	[dreg:$0x1f] =	wrdreg s26;
	s26 =	sor.u32 $0xC10, s1;
	v31 =	vadd.s32 v37, v52;
	v37 =	vld.idx.msk [tilespmem:v10+s13+$0x0], $0xffff  }
0x4d3: {  	[tilespmem:$0x1F610] =	vst v54;
	[dreg:$0x1d] =	wrdreg s26;
	s26 =	sor.u32 $0xC30, s14;
	v10 =	vld [tilespmem:$0x1FFC0]  }
0x4d4: {  	v54 =	vadd.s32 v42, v52;
	v62 =	vadd.s32 s31, v42;
	[dreg:$0x13] =	wrdreg s26;
	s26 =	sor.u32 $0xC30, s1;
	s17 =	sor.u32 $0xC60, s1;
	v0 =	vadd.s32 s2, v42;
	[tilespmem:s21+$0x30] =	vst v13;
	v42 =	vld.idx.msk [tilespmem:v11+s13+$0x0], $0xffff  }
0x4d5: {  	[tilespmem:$0x1F770] =	vst v23;
	v60 =	vadd.s32 s2, v1;
	s16 =	sor.u32 $0xC50, s1;
	s11 =	sor.u32 $0xC70, s1;
	s1 =	sor.u32 $0x860, s3;
	v11 =	vmov v30;
	v30 =	vld.idx.msk [tilespmem:v39+s13+$0x0], $0xffff  }
0x4d6: {  	v23 =	vadd.s32 v1, v52;
	v24 =	vadd.s32 s31, v1;
	[tilespmem:s1+$0x17400] =	vst v8;
	v8 =	vadd.s32 s19, v1;
	v1 =	vld [tilespmem:$0x1F890]  }
0x4d7: {  	v20 =	vadd.s32 s2, v33;
	v51 =	vadd.s32 s2, v41;
	v21 =	vadd.s32 s31, v33  }
0x4d8: {  	v33 =	vadd.s32 s31, v58;
	v32 =	vadd.s32 s2, v58;
	v27 =	vadd.s32 s2, v14  }
0x4d9: {  	v49 =	vmovc v25;
	[tilespmem:$0x1F810] =	vst v6;
	v6 =	vadd.s32 v58, v52;
	v58 =	vadd.s32 s2, v15;
	v25 =	vadd.s32 s2, v45  }
0x4da: {  	v12 =	vadd.s32 s2, v47;
	v44 =	vadd.s32 s2, v10;
	v13 =	vadd.s32 s2, v43;
	s2 =	sld [smem:$0x7E0]  }
0x4db: {  	[tilespmem:s28+$0x30] =	vst v37  }
0x4dc: {  	v37 =	vld.idx.msk [tilespmem:v54+s13+$0x0], $0xffff  }
0x4dd: {  	v26 =	vadd.s32 v14, v52;
	v3 =	vadd.s32 s31, v14;
	[tilespmem:s2+$0x17400] =	vst v7;
	v7 =	vadd.s32 s23, v14;
	v14 =	vld [tilespmem:$0x1F8D0]  }
0x4de: {  	v54 =	vld.idx.msk [tilespmem:v1+s13+$0x0], $0xffff;
	v1 =	vmov v31  }
0x4df: {  	[tilespmem:$0x1F890] =	vst v1;
	v1 =	vld [tilespmem:$0x1F8A0]  }
0x4e0: {  	v9 =	vld.idx.msk [tilespmem:v9+s13+$0x0], $0xffff;
	[tilespmem:s7+$0x30] =	vst v34  }
0x4e1: {  	v34 =	vld [tilespmem:$0x1FE70];
	[tilespmem:s6+$0x30] =	vst v36  }
0x4e2: {  	v50 =	vadd.s32 v41, v52;
	s4 =	sld [smem:$0x7E1];
	v41 =	vadd.s32 v15, v52;
	v36 =	vld.idx.msk [tilespmem:v62+s13+$0x0], $0xffff  }
0x4e3: {  	v59 =	vadd.s32 v45, v52;
	v63 =	vadd.s32 v47, v52;
	v16 =	vadd.s32 v10, v52;
	v0 =	vld.idx.msk [tilespmem:v0+s13+$0x0], $0xffff  }
0x4e4: {  	v29 =	vadd.s32 v43, v52;
	[tilespmem:$0x1F6F0] =	vst v16;
	v16 =	vadd.s32 v35, v52;
	v52 =	vld.idx.msk [tilespmem:v40+s13+$0x0], $0xffff  }
0x4e5: {  	[tilespmem:s4+$0x17400] =	vst v9  }
0x4e6: {  	v62 =	vmov v33;
	v33 =	vld [tilespmem:$0x1FE80];
	[tilespmem:s21+$0x40] =	vst v30  }
0x4e7: {  	[tilespmem:s6+$0x40] =	vst v36;
	v9 =	vld.idx.msk [tilespmem:v1+s13+$0x0], $0xffff  }
0x4e8: {  	s10 =	sld [smem:$0x7E2];
	s5 =	sor.u32 $0x870, s3;
	[tilespmem:s7+$0x40] =	vst v0;
	v0 =	vld.idx.msk [tilespmem:v8+s13+$0x0], $0xffff  }
0x4e9: {  	v30 =	vadd.s32 s19, v34;
	v24 =	vld.idx.msk [tilespmem:v24+s13+$0x0], $0xffff;
	[tilespmem:s5+$0x17400] =	vst v52  }
0x4ea: {  	v7 =	vld.idx.msk [tilespmem:v7+s13+$0x0], $0xffff  }
0x4eb: {  	[tilespmem:s10+$0x17400] =	vst v42  }
0x4ec: {  	[tilespmem:s28+$0x40] =	vst v37;
	v52 =	vld.idx.msk [tilespmem:v14+s13+$0x0], $0xffff  }
0x4ed: {  	[tilespmem:s21+$0x50] =	vst v0;
	v0 =	vld [tilespmem:$0x1F8B0]  }
0x4ee: {  	s20 =	sor.u32 $0xC00, s3;
	v31 =	vadd.s32 s23, v47;
	v14 =	vmov v6;
	[tilespmem:s6+$0x50] =	vst v24;
	v6 =	vld.idx.msk [tilespmem:v30+s13+$0x0], $0xffff  }
0x4ef: {  	v23 =	vld.idx.msk [tilespmem:v23+s13+$0x0], $0xffff;
	v1 =	vmov v32;
	[tilespmem:s20+$0x17400] =	vst v7;
	v7 =	vadd.s32 s19, v33  }
0x4f0: {  	[tilespmem:$0x1F8A0] =	vst v1;
	v1 =	vld [tilespmem:$0x1FE10]  }
0x4f1: {  	v4 =	vmov v4;
	[tilespmem:$0x1F8B0] =	vst v14;
	v14 =	vld [tilespmem:$0x1F8C0]  }
0x4f2: {  	s18 =	sld [smem:$0x7E3];
	[tilespmem:$0x1F8C0] =	vst v4;
	v4 =	vld [tilespmem:$0x1F900]  }
0x4f3: {  	v24 =	vld.idx.msk [tilespmem:v31+s13+$0x0], $0xffff;
	[tilespmem:s21+$0x60] =	vst v6  }
0x4f4: {  	v6 =	vmov v5;
	v5 =	vld.idx.msk [tilespmem:v7+s13+$0x0], $0xffff  }
0x4f5: {  	[tilespmem:s18+$0x17400] =	vst v54;
	v7 =	vadd.s32 s19, v1;
	v1 =	vld [tilespmem:$0x1F540]  }
0x4f6: {  	v0 =	vld.idx.msk [tilespmem:v0+s13+$0x0], $0xffff;
	[tilespmem:s28+$0x50] =	vst v23  }
0x4f7: {  	v30 =	vld.idx.msk [tilespmem:v53+s13+$0x0], $0xffff  }
0x4f8: {  	v23 =	vld.idx.msk [tilespmem:v56+s13+$0x0], $0xffff;
	_ =	sdelay $0x1  }
0x4f9: {  	s12 =	sor.u32 $0x860, s0  }
0x4fa: {  	[tilespmem:s12+$0x17400] =	vst v52  }
0x4fb: {  	v4 =	vld.idx.msk [tilespmem:v4+s13+$0x0], $0xffff;
	[tilespmem:s28+$0x60] =	vst v30  }
0x4fc: {  	[tilespmem:s6+$0x60] =	vst v23;
	v23 =	vld.idx.msk [tilespmem:v1+s13+$0x0], $0xffff  }
0x4fd: {  	v1 =	vld [tilespmem:$0x1F8E0]  }
0x4fe: {  	v8 =	vld.idx.msk [tilespmem:v60+s13+$0x0], $0xffff;
	_ =	sdelay $0x2  }
0x4ff: {  	s30 =	sld [smem:$0x7E4];
	_ =	sdelay $0x1  }
0x500: {  	[tilespmem:s7+$0x50] =	vst v8  }
0x501: {  	s29 =	sor.u32 $0xC10, s3;
	[tilespmem:s30+$0x17400] =	vst v0  }
0x502: {  	[tilespmem:s29+$0x17400] =	vst v24;
	v24 =	vld.idx.msk [tilespmem:v1+s13+$0x0], $0xffff;
	v1 =	vmov v28  }
0x503: {  	s8 =	sor.u32 $0x860, s14;
	[tilespmem:$0x1F8E0] =	vst v1;
	v1 =	vld [tilespmem:$0x1F8F0]  }
0x504: {  	v8 =	vld.idx.msk [tilespmem:v55+s13+$0x0], $0xffff;
	[tilespmem:s8+$0x17400] =	vst v9;
	v9 =	vadd.s32 s23, v45  }
0x505: {  	v31 =	vld.idx.msk [tilespmem:v14+s13+$0x0], $0xffff  }
0x506: {  	v57 =	vadd.s32 s31, v15;
	v61 =	vadd.s32 s31, v45  }
0x507: {  	v2 =	vadd.s32 s31, v47;
	v46 =	vadd.s32 s31, v10;
	[tilespmem:$0x1F880] =	vst v11;
	v11 =	vadd.s32 s31, v43;
	s31 =	sld [smem:$0x7E5]  }
0x508: {  	[tilespmem:$0x1F900] =	vst v6  }
0x509: {  	[tilespmem:s7+$0x60] =	vst v8;
	v8 =	vld.idx.msk [tilespmem:v9+s13+$0x0], $0xffff  }
0x50a: {  	v6 =	vld.idx.msk [tilespmem:v20+s13+$0x0], $0xffff;
	[tilespmem:s31+$0x17400] =	vst v31  }
0x50b: {  	[tilespmem:s21+$0x70] =	vst v5;
	v5 =	vld.idx.msk [tilespmem:v1+s13+$0x0], $0xffff;
	v1 =	vmov v27  }
0x50c: {  	[tilespmem:$0x1F8F0] =	vst v1;
	v1 =	vld [tilespmem:$0x1F550];
	_ =	sdelay $0x6  }
0x50d: {  	[tilespmem:s7+$0x70] =	vst v6;
	v6 =	vld.idx.msk [tilespmem:v7+s13+$0x0], $0xffff  }
0x50e: {  	v7 =	vld.idx.msk [tilespmem:v1+s13+$0x0], $0xffff  }
0x50f: {  	v1 =	vld [tilespmem:$0x1F560];
	_ =	sdelay $0x6  }
0x510: {  	v9 =	vld.idx.msk [tilespmem:v21+s13+$0x0], $0xffff;
	[tilespmem:s28+$0x70] =	vst v23  }
0x511: {  	v21 =	vld.idx.msk [tilespmem:v1+s13+$0x0], $0xffff  }
0x512: {  	v1 =	vld [tilespmem:$0x1F930];
	_ =	sdelay $0x3  }
0x513: {  	s2 =	sld [smem:$0x7E6];
	_ =	sdelay $0x1  }
0x514: {  	[tilespmem:s6+$0x70] =	vst v9  }
0x515: {  	v9 =	vld.idx.msk [tilespmem:v22+s13+$0x0], $0xffff;
	[tilespmem:s2+$0x17400] =	vst v4  }
0x516: {  	v22 =	vld.idx.msk [tilespmem:v1+s13+$0x0], $0xffff;
	v1 =	vmov v3  }
0x517: {  	[tilespmem:$0x1F930] =	vst v1;
	v1 =	vld [tilespmem:$0x1F920];
	_ =	sdelay $0x3  }
0x518: {  	s4 =	sld [smem:$0x7E7];
	_ =	sdelay $0x1  }
0x519: {  	v39 =	vld [tilespmem:$0x1FE90]  }
0x51a: {  	[tilespmem:s4+$0x17400] =	vst v24  }
0x51b: {  	v3 =	vld.idx.msk [tilespmem:v1+s13+$0x0], $0xffff;
	v1 =	vmov v26  }
0x51c: {  	[tilespmem:$0x1F920] =	vst v1;
	v1 =	vld [tilespmem:$0x1F570]  }
0x51d: {  	s1 =	sor.u32 $0xC20, s3;
	v0 =	vadd.s32 s23, v15  }
0x51e: {  	[tilespmem:s1+$0x17400] =	vst v8;
	v8 =	vadd.s32 s19, v39;
	_ =	sdelay $0x3  }
0x51f: {  	v0 =	vld.idx.msk [tilespmem:v0+s13+$0x0], $0xffff;
	[tilespmem:s21+$0x400] =	vst v6  }
0x520: {  	v6 =	vld.idx.msk [tilespmem:v8+s13+$0x0], $0xffff;
	[tilespmem:s6+$0x400] =	vst v9  }
0x521: {  	v8 =	vld.idx.msk [tilespmem:v1+s13+$0x0], $0xffff  }
0x522: {  	v1 =	vld [tilespmem:$0x1F580];
	_ =	sdelay $0x4  }
0x523: {  	v40 =	vld [tilespmem:$0x1FE20];
	_ =	sdelay $0x1  }
0x524: {  	[tilespmem:s28+$0x400] =	vst v21  }
0x525: {  	v4 =	vadd.s32 s23, v10;
	v9 =	vld.idx.msk [tilespmem:v1+s13+$0x0], $0xffff  }
0x526: {  	s5 =	sor.u32 $0xC30, s3;
	v1 =	vld [tilespmem:$0x1F910]  }
0x527: {  	[tilespmem:s5+$0x17400] =	vst v0;
	v0 =	vadd.s32 s19, v40;
	_ =	sdelay $0x1  }
0x528: {  	v42 =	vld [tilespmem:$0x1FEA0]  }
0x529: {  	s8 =	sld [smem:$0x7E8];
	v4 =	vld.idx.msk [tilespmem:v4+s13+$0x0], $0xffff  }
0x52a: {  	[tilespmem:s21+$0x410] =	vst v6;
	v6 =	vmov v2;
	v2 =	vld [tilespmem:$0x1F590]  }
0x52b: {  	v0 =	vld.idx.msk [tilespmem:v0+s13+$0x0], $0xffff;
	[tilespmem:s7+$0x400] =	vst v7  }
0x52c: {  	v7 =	vld.idx.msk [tilespmem:v19+s13+$0x0], $0xffff;
	[tilespmem:s8+$0x17400] =	vst v5;
	v5 =	vadd.s32 s23, v38  }
0x52d: {  	v19 =	vld.idx.msk [tilespmem:v1+s13+$0x0], $0xffff;
	v1 =	vmov v12  }
0x52e: {  	[tilespmem:$0x1F910] =	vst v1;
	v1 =	vld [tilespmem:$0x1F950]  }
0x52f: {  	s12 =	smov.u32 s17;
	s17 =	sor.u32 $0xC40, s3  }
0x530: {  	[tilespmem:s17+$0x17400] =	vst v4  }
0x531: {  	v5 =	vld.idx.msk [tilespmem:v5+s13+$0x0], $0xffff  }
0x532: {  	s10 =	sld [smem:$0x7E9];
	[tilespmem:s7+$0x410] =	vst v7;
	v7 =	vld [tilespmem:$0x1F5C0]  }
0x533: {  	s20 =	rddreg [dreg:$0x1f];
	v4 =	vadd.s32 s19, v42;
	[tilespmem:s21+$0x420] =	vst v0;
	v2 =	vld.idx.msk [tilespmem:v2+s13+$0x0], $0xffff  }
0x534: {  	[tilespmem:s20+$0x17400] =	vst v19  }
0x535: {  	[tilespmem:s10+$0x17400] =	vst v22;
	v0 =	vld.idx.msk [tilespmem:v48+s13+$0x0], $0xffff  }
0x536: {  	v1 =	vld.idx.msk [tilespmem:v1+s13+$0x0], $0xffff  }
0x537: {  	[tilespmem:s6+$0x410] =	vst v8;
	v8 =	vld [tilespmem:$0x1F940]  }
0x538: {  	[tilespmem:s7+$0x420] =	vst v2;
	v2 =	vld.idx.msk [tilespmem:v4+s13+$0x0], $0xffff  }
0x539: {  	v4 =	vld [tilespmem:$0x1F5D0]  }
0x53a: {  	[tilespmem:s28+$0x410] =	vst v9  }
0x53b: {  	s18 =	sld [smem:$0x7EA];
	v7 =	vld.idx.msk [tilespmem:v7+s13+$0x0], $0xffff  }
0x53c: {  	v10 =	vmov v63;
	v63 =	vld [tilespmem:$0x1FEB0]  }
0x53d: {  	[tilespmem:$0x1F950] =	vst v6  }
0x53e: {  	v6 =	vld [tilespmem:$0x1F5B0];
	[tilespmem:s18+$0x17400] =	vst v3;
	v3 =	vadd.s32 s23, v35  }
0x53f: {  	v8 =	vld.idx.msk [tilespmem:v8+s13+$0x0], $0xffff  }
0x540: {  	s29 =	sor.u32 $0xC50, s3;
	[tilespmem:s28+$0x420] =	vst v7;
	v7 =	vld [tilespmem:$0x1F5F0]  }
0x541: {  	[tilespmem:s29+$0x17400] =	vst v5;
	v5 =	vadd.s32 s19, v63;
	v4 =	vld.idx.msk [tilespmem:v4+s13+$0x0], $0xffff;
	_ =	sdelay $0x1  }
0x542: {  	v3 =	vld.idx.msk [tilespmem:v3+s13+$0x0], $0xffff  }
0x543: {  	[tilespmem:s21+$0x430] =	vst v2;
	v2 =	vld [tilespmem:$0x1F610];
	_ =	sdelay $0x1  }
0x544: {  	[tilespmem:s7+$0x430] =	vst v4;
	v4 =	vld.idx.msk [tilespmem:v5+s13+$0x0], $0xffff  }
0x545: {  	v5 =	vld [tilespmem:$0x1F620]  }
0x546: {  	v7 =	vld.idx.msk [tilespmem:v7+s13+$0x0], $0xffff  }
0x547: {  	v6 =	vld.idx.msk [tilespmem:v6+s13+$0x0], $0xffff  }
0x548: {  	s31 =	rddreg [dreg:$0x1d]  }
0x549: {  	[tilespmem:s31+$0x17400] =	vst v8  }
0x54a: {  	v2 =	vld.idx.msk [tilespmem:v2+s13+$0x0], $0xffff  }
0x54b: {  	[tilespmem:s28+$0x430] =	vst v7;
	v7 =	vld [tilespmem:$0x1F640]  }
0x54c: {  	[tilespmem:s6+$0x420] =	vst v6;
	v6 =	vld [tilespmem:$0x1F5E0]  }
0x54d: {  	s2 =	rddreg [dreg:$0x17];
	v5 =	vld.idx.msk [tilespmem:v5+s13+$0x0], $0xffff  }
0x54e: {  	[tilespmem:s2+$0x17400] =	vst v0;
	v0 =	vld [tilespmem:$0x1F650];
	_ =	sdelay $0x4  }
0x54f: {  	v7 =	vld.idx.msk [tilespmem:v7+s13+$0x0], $0xffff  }
0x550: {  	v54 =	vmov v59;
	v59 =	vld [tilespmem:$0x1FEC0]  }
0x551: {  	s30 =	rddreg [dreg:$0x1b];
	v6 =	vld.idx.msk [tilespmem:v6+s13+$0x0], $0xffff  }
0x552: {  	[tilespmem:s30+$0x17400] =	vst v1;
	v0 =	vld.idx.msk [tilespmem:v0+s13+$0x0], $0xffff  }
0x553: {  	[tilespmem:s7+$0x440] =	vst v5;
	v5 =	vld [tilespmem:$0x1F660]  }
0x554: {  	s1 =	sor.u32 $0xC60, s3;
	v1 =	vadd.s32 s23, v43;
	s23 =	smov.u32 s19;
	[tilespmem:s28+$0x440] =	vst v7;
	v7 =	vld [tilespmem:$0x1F680]  }
0x555: {  	[tilespmem:s1+$0x17400] =	vst v3;
	v3 =	vadd.s32 s23, v59;
	_ =	sdelay $0x1  }
0x556: {  	v8 =	vld [tilespmem:$0x1F960];
	_ =	sdelay $0x1  }
0x557: {  	v1 =	vld.idx.msk [tilespmem:v1+s13+$0x0], $0xffff;
	[tilespmem:s21+$0x440] =	vst v4  }
0x558: {  	v3 =	vld.idx.msk [tilespmem:v3+s13+$0x0], $0xffff  }
0x559: {  	s10 =	rddreg [dreg:$0x13];
	v5 =	vld.idx.msk [tilespmem:v5+s13+$0x0], $0xffff  }
0x55a: {  	s8 =	rddreg [dreg:$0x15];
	[tilespmem:s10+$0x17400] =	vst v0;
	v7 =	vld.idx.msk [tilespmem:v7+s13+$0x0], $0xffff  }
0x55b: {  	v0 =	vmov v41;
	[tilespmem:s8+$0x17400] =	vst v2;
	v2 =	vld [tilespmem:$0x1F980]  }
0x55c: {  	[tilespmem:$0x1F980] =	vst v0;
	v0 =	vld [tilespmem:$0x1F690]  }
0x55d: {  	v8 =	vld.idx.msk [tilespmem:v8+s13+$0x0], $0xffff  }
0x55e: {  	s5 =	sor.u32 $0xC70, s3;
	[tilespmem:s6+$0x430] =	vst v6;
	v6 =	vld [tilespmem:$0x1F630]  }
0x55f: {  	[tilespmem:s5+$0x17400] =	vst v1  }
0x560: {  	[tilespmem:s21+$0x450] =	vst v3;
	v3 =	vld [tilespmem:$0x1F6A0];
	_ =	sdelay $0x3  }
0x561: {  	v0 =	vld.idx.msk [tilespmem:v0+s13+$0x0], $0xffff  }
0x562: {  	s4 =	rddreg [dreg:$0x19];
	v4 =	vld [tilespmem:$0x1F970]  }
0x563: {  	[dreg:$0xb] =	wrdreg s26;
	s26 =	sor.u32 $0xC40, s14;
	v6 =	vld.idx.msk [tilespmem:v6+s13+$0x0], $0xffff;
	[tilespmem:s4+$0x17400] =	vst v8  }
0x564: {  	[dreg:$0xe] =	wrdreg s26;
	v8 =	vmov v57;
	v57 =	vld [tilespmem:$0x1FED0];
	[tilespmem:s7+$0x450] =	vst v5  }
0x565: {  	s20 =	rddreg [dreg:$0xe];
	v3 =	vld.idx.msk [tilespmem:v3+s13+$0x0], $0xffff  }
0x566: {  	[tilespmem:s20+$0x17400] =	vst v0;
	v0 =	vld [tilespmem:$0x1F6F0];
	_ =	sdelay $0x2  }
0x567: {  	v1 =	vadd.s32 s23, v57;
	_ =	sdelay $0x1  }
0x568: {  	v15 =	vmov v44;
	v44 =	vmov v0;
	v0 =	vld [tilespmem:$0x1F700];
	_ =	sdelay $0x1  }
0x569: {  	v4 =	vld.idx.msk [tilespmem:v4+s13+$0x0], $0xffff  }
0x56a: {  	v1 =	vld.idx.msk [tilespmem:v1+s13+$0x0], $0xffff  }
0x56b: {  	[tilespmem:s6+$0x440] =	vst v6;
	v6 =	vld [tilespmem:$0x1F670];
	_ =	sdelay $0x3  }
0x56c: {  	[tilespmem:s21+$0x460] =	vst v1;
	v1 =	vld.idx.msk [tilespmem:v0+s13+$0x0], $0xffff  }
0x56d: {  	v0 =	vld [tilespmem:$0x1F710];
	_ =	sdelay $0x1  }
0x56e: {  	v28 =	vld [tilespmem:$0x1FEE0]  }
0x56f: {  	v6 =	vld.idx.msk [tilespmem:v6+s13+$0x0], $0xffff;
	_ =	sdelay $0x1  }
0x570: {  	v12 =	vmov v0;
	v0 =	vld [tilespmem:$0x1F720]  }
0x571: {  	s17 =	rddreg [dreg:$0x11]  }
0x572: {  	[tilespmem:s17+$0x17400] =	vst v4;
	v4 =	vadd.s32 s23, v28;
	v5 =	vld [tilespmem:$0x1F6B0]  }
0x573: {  	[tilespmem:s6+$0x450] =	vst v6;
	v6 =	vld [tilespmem:$0x1F6C0];
	_ =	sdelay $0x2  }
0x574: {  	v2 =	vld.idx.msk [tilespmem:v2+s13+$0x0], $0xffff  }
0x575: {  	[tilespmem:s7+$0x460] =	vst v3;
	v3 =	vld.idx.msk [tilespmem:v4+s13+$0x0], $0xffff  }
0x576: {  	v4 =	vld.idx.msk [tilespmem:v0+s13+$0x0], $0xffff  }
0x577: {  	v0 =	vld [tilespmem:$0x1F730]  }
0x578: {  	v5 =	vld.idx.msk [tilespmem:v5+s13+$0x0], $0xffff  }
0x579: {  	v6 =	vld.idx.msk [tilespmem:v6+s13+$0x0], $0xffff  }
0x57a: {  	s24 =	sor.u32 $0xC50, s14;
	[tilespmem:s28+$0x450] =	vst v7;
	v7 =	vld [tilespmem:$0x1F6D0]  }
0x57b: {  	[dreg:$0xf] =	wrdreg s24;
	s24 =	sor.u32 $0xC60, s0  }
0x57c: {  	s19 =	smov.u32 s24;
	s24 =	rddreg [dreg:$0x9]  }
0x57d: {  	[tilespmem:s24+$0x17400] =	vst v5  }
0x57e: {  	[tilespmem:s6+$0x460] =	vst v6  }
0x57f: {  	v6 =	vld.idx.msk [tilespmem:v0+s13+$0x0], $0xffff  }
0x580: {  	v0 =	vld [tilespmem:$0x1F740];
	_ =	sdelay $0x1  }
0x581: {  	s18 =	rddreg [dreg:$0xb];
	v7 =	vld.idx.msk [tilespmem:v7+s13+$0x0], $0xffff  }
0x582: {  	[tilespmem:s18+$0x17400] =	vst v2;
	v2 =	vld [tilespmem:$0x1F6E0];
	_ =	sdelay $0x1  }
0x583: {  	v22 =	vmov v0;
	v0 =	vld [tilespmem:$0x1F750];
	_ =	sdelay $0x4  }
0x584: {  	[tilespmem:$0x1F8D0] =	vst v62;
	v62 =	vld [tilespmem:$0x1FE30]  }
0x585: {  	s30 =	rddreg [dreg:$0xf];
	v2 =	vld.idx.msk [tilespmem:v2+s13+$0x0], $0xffff  }
0x586: {  	[tilespmem:s30+$0x17400] =	vst v1;
	v1 =	vld [tilespmem:$0x1F780]  }
0x587: {  	[tilespmem:s28+$0x460] =	vst v7;
	v7 =	vld.idx.msk [tilespmem:v0+s13+$0x0], $0xffff  }
0x588: {  	v0 =	vld [tilespmem:$0x1F760]  }
0x589: {  	v36 =	vld [tilespmem:$0x1FF10]  }
0x58a: {  	v37 =	vld [tilespmem:$0x1FF40]  }
0x58b: {  	v23 =	vmov v1;
	v1 =	vld [tilespmem:$0x1F790]  }
0x58c: {  	v47 =	vld [tilespmem:$0x1FF20]  }
0x58d: {  	v32 =	vld [tilespmem:$0x1FE60]  }
0x58e: {  	v60 =	vld [tilespmem:$0x1F520]  }
0x58f: {  	v45 =	vmov v25;
	v25 =	vmov v46;
	v46 =	vld [tilespmem:$0x1FF30]  }
0x590: {  	s29 =	rddreg [dreg:$0x5];
	v0 =	vld.idx.msk [tilespmem:v0+s13+$0x0], $0xffff  }
0x591: {  	[tilespmem:s29+$0x17400] =	vst v2;
	v2 =	vld [tilespmem:$0x1F770]  }
0x592: {  	v56 =	vld [tilespmem:$0x1F530]  }
0x593: {  	v19 =	vld.idx.msk [tilespmem:v1+s13+$0x0], $0xffff  }
0x594: {  	[tilespmem:s7+$0x470] =	vst v4;
	v4 =	vld [tilespmem:$0x1F7C0]  }
0x595: {  	v31 =	vld [tilespmem:$0x1FE50]  }
0x596: {  	v30 =	vld [tilespmem:$0x1FE40]  }
0x597: {  	s26 =	sor.u32 $0xC50, s0;
	v40 =	vld [tilespmem:$0x1FEF0]  }
0x598: {  	[dreg:$0x7] =	wrdreg s26;
	v41 =	vld [tilespmem:$0x1FF00]  }
0x599: {  	s31 =	rddreg [dreg:$0x7];
	v20 =	vld.idx.msk [tilespmem:v2+s13+$0x0], $0xffff  }
0x59a: {  	[tilespmem:s31+$0x17400] =	vst v6;
	v2 =	vld [tilespmem:$0x1F7B0]  }
0x59b: {  	v1 =	vld [tilespmem:$0x1F7A0];
	[tilespmem:s6+$0x470] =	vst v7  }
0x59c: {  	v5 =	vadd.s32 s23, v40;
	v21 =	vld.idx.msk [tilespmem:v4+s13+$0x0], $0xffff  }
0x59d: {  	p1 =	slt.u32 s25, $0x1C;
	v4 =	vld [tilespmem:$0x1F7D0]  }
.Ltmp5:
0x59e: {  	v26 =	vmov v58;
	v58 =	vld [tilespmem:$0x1FF50];
	(pc) =	sbr.rel @p1 .LBB2_12-.Ltmp5, $4  }
0x59f: {  	p0 =	por !p0, !p0;
	s15 =	sor.u32 $0xC70, s14;
	v9 =	vld [tilespmem:$0x1F5A0];
	[tilespmem:$0x1F940] =	vst v10  }
0x5a0: {  	s26 =	sor.u32 $0xC60, s14;
	s14 =	sor.u32 $0xC70, s0;
	s0 =	simm.s32 $0x1;
	v10 =	vmov v61;
	v61 =	vld [tilespmem:$0x1F600];
	[tilespmem:s21+$0x470] =	vst v3  }
0x5a1: {  	s0 =	simm.s32 @!p0 $0x0;
	[tilespmem:$0x1F970] =	vst v8;
	v8 =	vmov v1;
	v1 =	vld.idx.msk [tilespmem:v5+s13+$0x0], $0xffff  }
0x5a2: {  	s9 =	sadd.s32 $0x200, s9;
	s0 =	sshll.u32 s0, $0x9;
	v14 =	vmovc v50;
	v27 =	vmovc v42;
	v48 =	vmov v49;
	[tilespmem:$0x1F960] =	vst v10;
	v3 =	vadd.s32 s23, v41;
	v7 =	vmov v4;
	v2 =	vld.idx.msk [tilespmem:v2+s13+$0x0], $0xffff  }
0x5a3: {  	_ =	sdelay $0x3  }
0x5a4: {  	[tilespmem:s28+$0x470] =	vst v0;
	s2 =	sadd.s32 s0, s22;
	v55 =	vld.idx.msk [tilespmem:v18+s13+$0x0], $0xffff  }
0x5a5: {  	v4 =	vld.idx.msk [tilespmem:v17+s13+$0x0], $0xffff;
	s5 =	sadd.s32 $0x180, s2  }
0x5a6: {  	s3 =	sadd.s32 $0x80, s2;
	s6 =	sor.u32 $0x800, s5  }
0x5a7: {  	s4 =	sadd.s32 $0x100, s2;
	s7 =	sor.u32 $0x800, s3;
	[tilespmem:s6+$0x17400] =	vst v1  }
0x5a8: {  	s8 =	sor.u32 $0x800, s4;
	[tilespmem:s7+$0x17400] =	vst v2  }
0x5a9: {  	s9 =	sor.u32 $0x800, s2;
	[tilespmem:s8+$0x17400] =	vst v55  }
0x5aa: {  	[tilespmem:s9+$0x17400] =	vst v4  }
0x5ab: {  	v18 =	vld [tilespmem:$0x1F7E0];
	_ =	sdelay $0x5  }
0x5ac: {  	v1 =	vld.idx.msk [tilespmem:v3+s13+$0x0], $0xffff  }
0x5ad: {  	v10 =	vld.idx.msk [tilespmem:v51+s13+$0x0], $0xffff  }
0x5ae: {  	v3 =	vld.idx.msk [tilespmem:v18+s13+$0x0], $0xffff  }
0x5af: {  	v4 =	vld.idx.msk [tilespmem:v14+s13+$0x0], $0xffff  }
0x5b0: {  	s10 =	sor.u32 $0x810, s5  }
0x5b1: {  	s17 =	sor.u32 $0x810, s3;
	[tilespmem:s10+$0x17400] =	vst v1  }
0x5b2: {  	s18 =	sor.u32 $0x810, s4;
	[tilespmem:s17+$0x17400] =	vst v10  }
0x5b3: {  	s20 =	sor.u32 $0x810, s2;
	[tilespmem:s18+$0x17400] =	vst v3  }
0x5b4: {  	v1 =	vld [tilespmem:$0x1F800];
	[tilespmem:s20+$0x17400] =	vst v4  }
0x5b5: {  	v3 =	vld [tilespmem:$0x1F810]  }
0x5b6: {  	v17 =	vadd.s32 s23, v36;
	v4 =	vld [tilespmem:$0x1F7F0];
	_ =	sdelay $0x4  }
0x5b7: {  	v35 =	vld.idx.msk [tilespmem:v17+s13+$0x0], $0xffff  }
0x5b8: {  	v1 =	vld.idx.msk [tilespmem:v1+s13+$0x0], $0xffff  }
0x5b9: {  	v3 =	vld.idx.msk [tilespmem:v3+s13+$0x0], $0xffff  }
0x5ba: {  	v4 =	vld.idx.msk [tilespmem:v4+s13+$0x0], $0xffff  }
0x5bb: {  	s21 =	sor.u32 $0x820, s5  }
0x5bc: {  	s22 =	sor.u32 $0x820, s3;
	[tilespmem:s21+$0x17400] =	vst v35  }
0x5bd: {  	s24 =	sor.u32 $0x820, s4;
	[tilespmem:s22+$0x17400] =	vst v1  }
0x5be: {  	s25 =	sor.u32 $0x820, s2;
	[tilespmem:s24+$0x17400] =	vst v3  }
0x5bf: {  	v43 =	vld [tilespmem:$0x1F830];
	[tilespmem:s25+$0x17400] =	vst v4  }
0x5c0: {  	v3 =	vld [tilespmem:$0x1F840]  }
0x5c1: {  	v38 =	vadd.s32 s23, v47;
	v4 =	vld [tilespmem:$0x1F820];
	_ =	sdelay $0x4  }
0x5c2: {  	v0 =	vld.idx.msk [tilespmem:v38+s13+$0x0], $0xffff  }
0x5c3: {  	v2 =	vld.idx.msk [tilespmem:v43+s13+$0x0], $0xffff  }
0x5c4: {  	v3 =	vld.idx.msk [tilespmem:v3+s13+$0x0], $0xffff  }
0x5c5: {  	v4 =	vld.idx.msk [tilespmem:v4+s13+$0x0], $0xffff  }
0x5c6: {  	s28 =	sor.u32 $0x830, s5  }
0x5c7: {  	s29 =	sor.u32 $0x830, s3;
	[tilespmem:s28+$0x17400] =	vst v0  }
0x5c8: {  	s30 =	sor.u32 $0x830, s4;
	[tilespmem:s29+$0x17400] =	vst v2  }
0x5c9: {  	s31 =	sor.u32 $0x830, s2;
	[tilespmem:s30+$0x17400] =	vst v3  }
0x5ca: {  	v2 =	vld [tilespmem:$0x1F850];
	[tilespmem:s31+$0x17400] =	vst v4  }
0x5cb: {  	v3 =	vld [tilespmem:$0x1F870]  }
0x5cc: {  	v42 =	vadd.s32 s23, v46;
	_ =	sdelay $0x4  }
0x5cd: {  	v0 =	vld.idx.msk [tilespmem:v42+s13+$0x0], $0xffff  }
0x5ce: {  	v2 =	vld.idx.msk [tilespmem:v2+s13+$0x0], $0xffff  }
0x5cf: {  	v3 =	vld.idx.msk [tilespmem:v3+s13+$0x0], $0xffff  }
0x5d0: {  	v4 =	vld.idx.msk [tilespmem:v48+s13+$0x0], $0xffff  }
0x5d1: {  	s1 =	sor.u32 $0x840, s5  }
0x5d2: {  	s6 =	sor.u32 $0x840, s3;
	[tilespmem:s1+$0x17400] =	vst v0  }
0x5d3: {  	s7 =	sor.u32 $0x840, s4;
	[tilespmem:s6+$0x17400] =	vst v2  }
0x5d4: {  	s8 =	sor.u32 $0x840, s2;
	[tilespmem:s7+$0x17400] =	vst v3  }
0x5d5: {  	v2 =	vld [tilespmem:$0x1F860];
	[tilespmem:s8+$0x17400] =	vst v4  }
0x5d6: {  	v3 =	vld [tilespmem:$0x1F880]  }
0x5d7: {  	v49 =	vadd.s32 s23, v37  }
0x5d8: {  	v4 =	vld [tilespmem:$0x1F890];
	_ =	sdelay $0x3  }
0x5d9: {  	v0 =	vld.idx.msk [tilespmem:v49+s13+$0x0], $0xffff  }
0x5da: {  	v2 =	vld.idx.msk [tilespmem:v2+s13+$0x0], $0xffff  }
0x5db: {  	v3 =	vld.idx.msk [tilespmem:v3+s13+$0x0], $0xffff;
	_ =	sdelay $0x1  }
0x5dc: {  	s9 =	sor.u32 $0x850, s5;
	v4 =	vld.idx.msk [tilespmem:v4+s13+$0x0], $0xffff  }
0x5dd: {  	s10 =	sor.u32 $0x850, s3;
	[tilespmem:s9+$0x17400] =	vst v0  }
0x5de: {  	s17 =	sor.u32 $0x850, s4;
	[tilespmem:s10+$0x17400] =	vst v2  }
0x5df: {  	[tilespmem:s17+$0x17400] =	vst v3  }
0x5e0: {  	s18 =	sor.u32 $0x850, s2;
	v43 =	vld [tilespmem:$0x1FF70]  }
0x5e1: {  	v2 =	vld [tilespmem:$0x1F8A0];
	[tilespmem:s18+$0x17400] =	vst v4  }
0x5e2: {  	v3 =	vld [tilespmem:$0x1F8D0]  }
0x5e3: {  	v50 =	vadd.s32 s23, v58  }
0x5e4: {  	v4 =	vld [tilespmem:$0x1F8B0];
	_ =	sdelay $0x3  }
0x5e5: {  	v0 =	vld.idx.msk [tilespmem:v50+s13+$0x0], $0xffff  }
0x5e6: {  	v2 =	vld.idx.msk [tilespmem:v2+s13+$0x0], $0xffff  }
0x5e7: {  	v3 =	vld.idx.msk [tilespmem:v3+s13+$0x0], $0xffff;
	_ =	sdelay $0x1  }
0x5e8: {  	s20 =	sor.u32 $0x860, s5;
	v4 =	vld.idx.msk [tilespmem:v4+s13+$0x0], $0xffff  }
0x5e9: {  	s21 =	sor.u32 $0x860, s3;
	[tilespmem:s20+$0x17400] =	vst v0  }
0x5ea: {  	s22 =	sor.u32 $0x860, s4;
	[tilespmem:s21+$0x17400] =	vst v2  }
0x5eb: {  	[tilespmem:s22+$0x17400] =	vst v3  }
0x5ec: {  	s24 =	sor.u32 $0x860, s2;
	v14 =	vld [tilespmem:$0x1FF80]  }
0x5ed: {  	v2 =	vld [tilespmem:$0x1F8C0];
	[tilespmem:s24+$0x17400] =	vst v4  }
0x5ee: {  	v3 =	vld [tilespmem:$0x1F900]  }
0x5ef: {  	v51 =	vadd.s32 s23, v43  }
0x5f0: {  	v4 =	vld [tilespmem:$0x1F8E0];
	_ =	sdelay $0x3  }
0x5f1: {  	v0 =	vld.idx.msk [tilespmem:v51+s13+$0x0], $0xffff  }
0x5f2: {  	v2 =	vld.idx.msk [tilespmem:v2+s13+$0x0], $0xffff  }
0x5f3: {  	v3 =	vld.idx.msk [tilespmem:v3+s13+$0x0], $0xffff;
	_ =	sdelay $0x1  }
0x5f4: {  	s25 =	sor.u32 $0x870, s5;
	v4 =	vld.idx.msk [tilespmem:v4+s13+$0x0], $0xffff  }
0x5f5: {  	s28 =	sor.u32 $0x870, s3;
	[tilespmem:s25+$0x17400] =	vst v0  }
0x5f6: {  	s29 =	sor.u32 $0x870, s4;
	[tilespmem:s28+$0x17400] =	vst v2  }
0x5f7: {  	[tilespmem:s29+$0x17400] =	vst v3  }
0x5f8: {  	s30 =	sor.u32 $0x870, s2;
	v48 =	vld [tilespmem:$0x1FF90]  }
0x5f9: {  	v2 =	vld [tilespmem:$0x1F8F0];
	[tilespmem:s30+$0x17400] =	vst v4  }
0x5fa: {  	v3 =	vld [tilespmem:$0x1F930]  }
0x5fb: {  	v52 =	vadd.s32 s23, v14  }
0x5fc: {  	v4 =	vld [tilespmem:$0x1F920];
	_ =	sdelay $0x3  }
0x5fd: {  	v0 =	vld.idx.msk [tilespmem:v52+s13+$0x0], $0xffff  }
0x5fe: {  	v2 =	vld.idx.msk [tilespmem:v2+s13+$0x0], $0xffff  }
0x5ff: {  	v3 =	vld.idx.msk [tilespmem:v3+s13+$0x0], $0xffff;
	_ =	sdelay $0x1  }
0x600: {  	s31 =	sor.u32 $0xC00, s5;
	v4 =	vld.idx.msk [tilespmem:v4+s13+$0x0], $0xffff  }
0x601: {  	s1 =	sor.u32 $0xC00, s3;
	[tilespmem:s31+$0x17400] =	vst v0  }
0x602: {  	s6 =	sor.u32 $0xC00, s4;
	[tilespmem:s1+$0x17400] =	vst v2  }
0x603: {  	[tilespmem:s6+$0x17400] =	vst v3  }
0x604: {  	s7 =	sor.u32 $0xC00, s2;
	v50 =	vld [tilespmem:$0x1FFA0]  }
0x605: {  	v2 =	vld [tilespmem:$0x1F910];
	[tilespmem:s7+$0x17400] =	vst v4  }
0x606: {  	v3 =	vld [tilespmem:$0x1F950]  }
0x607: {  	v53 =	vadd.s32 s23, v48;
	v4 =	vld [tilespmem:$0x1F940];
	_ =	sdelay $0x4  }
0x608: {  	v0 =	vld.idx.msk [tilespmem:v53+s13+$0x0], $0xffff  }
0x609: {  	v2 =	vld.idx.msk [tilespmem:v2+s13+$0x0], $0xffff  }
0x60a: {  	v3 =	vld.idx.msk [tilespmem:v3+s13+$0x0], $0xffff  }
0x60b: {  	v4 =	vld.idx.msk [tilespmem:v4+s13+$0x0], $0xffff  }
0x60c: {  	s8 =	sor.u32 $0xC10, s5  }
0x60d: {  	s9 =	sor.u32 $0xC10, s3;
	[tilespmem:s8+$0x17400] =	vst v0  }
0x60e: {  	s10 =	sor.u32 $0xC10, s4;
	[tilespmem:s9+$0x17400] =	vst v2  }
0x60f: {  	s17 =	sor.u32 $0xC10, s2;
	[tilespmem:s10+$0x17400] =	vst v3  }
0x610: {  	v51 =	vld [tilespmem:$0x1FFB0];
	[tilespmem:s17+$0x17400] =	vst v4  }
0x611: {  	v3 =	vld [tilespmem:$0x1F960]  }
0x612: {  	v55 =	vadd.s32 s23, v50;
	_ =	sdelay $0x4  }
0x613: {  	v0 =	vld.idx.msk [tilespmem:v55+s13+$0x0], $0xffff  }
0x614: {  	v2 =	vld.idx.msk [tilespmem:v45+s13+$0x0], $0xffff  }
0x615: {  	v3 =	vld.idx.msk [tilespmem:v3+s13+$0x0], $0xffff  }
0x616: {  	v4 =	vld.idx.msk [tilespmem:v54+s13+$0x0], $0xffff  }
0x617: {  	s18 =	sor.u32 $0xC20, s5  }
0x618: {  	s20 =	sor.u32 $0xC20, s3;
	[tilespmem:s18+$0x17400] =	vst v0  }
0x619: {  	s21 =	sor.u32 $0xC20, s4;
	[tilespmem:s20+$0x17400] =	vst v2  }
0x61a: {  	s22 =	sor.u32 $0xC20, s2;
	[tilespmem:s21+$0x17400] =	vst v3  }
0x61b: {  	v52 =	vld [tilespmem:$0x1FFC0];
	[tilespmem:s22+$0x17400] =	vst v4  }
0x61c: {  	v3 =	vld [tilespmem:$0x1F970]  }
0x61d: {  	v10 =	vadd.s32 s23, v51;
	_ =	sdelay $0x2  }
0x61e: {  	v4 =	vld [tilespmem:$0x1F980];
	_ =	sdelay $0x1  }
0x61f: {  	v0 =	vld.idx.msk [tilespmem:v10+s13+$0x0], $0xffff  }
0x620: {  	v2 =	vld.idx.msk [tilespmem:v26+s13+$0x0], $0xffff  }
0x621: {  	v17 =	vadd.s32 s23, v52;
	v3 =	vld.idx.msk [tilespmem:v3+s13+$0x0], $0xffff;
	_ =	sdelay $0x1  }
0x622: {  	s24 =	sor.u32 $0xC30, s5  }
0x623: {  	s25 =	sor.u32 $0xC30, s3;
	[tilespmem:s24+$0x17400] =	vst v0  }
0x624: {  	s28 =	sor.u32 $0xC30, s4;
	[tilespmem:s25+$0x17400] =	vst v2;
	v4 =	vld.idx.msk [tilespmem:v4+s13+$0x0], $0xffff  }
0x625: {  	v0 =	vld.idx.msk [tilespmem:v17+s13+$0x0], $0xffff;
	[tilespmem:s28+$0x17400] =	vst v3  }
0x626: {  	v53 =	vld [tilespmem:$0x1FFD0]  }
0x627: {  	v2 =	vld.idx.msk [tilespmem:v15+s13+$0x0], $0xffff  }
0x628: {  	s29 =	sor.u32 $0xC30, s2;
	v3 =	vld.idx.msk [tilespmem:v25+s13+$0x0], $0xffff  }
0x629: {  	[tilespmem:s29+$0x17400] =	vst v4  }
0x62a: {  	s30 =	sor.u32 $0xC40, s5;
	[tilespmem:s16+$0x17400] =	vst v20  }
0x62b: {  	s31 =	sor.u32 $0xC40, s3;
	[tilespmem:s30+$0x17400] =	vst v0;
	v4 =	vld.idx.msk [tilespmem:v44+s13+$0x0], $0xffff;
	v18 =	vadd.s32 s23, v53  }
0x62c: {  	s1 =	sor.u32 $0xC40, s4;
	[tilespmem:s31+$0x17400] =	vst v2  }
0x62d: {  	v2 =	vld.idx.msk [tilespmem:v12+s13+$0x0], $0xffff;
	[tilespmem:s1+$0x17400] =	vst v3  }
0x62e: {  	v6 =	vld [tilespmem:$0x1FFE0]  }
0x62f: {  	s6 =	sor.u32 $0xC40, s2;
	v3 =	vld.idx.msk [tilespmem:v22+s13+$0x0], $0xffff  }
0x630: {  	[tilespmem:s6+$0x17400] =	vst v4;
	v0 =	vld.idx.msk [tilespmem:v18+s13+$0x0], $0xffff  }
0x631: {  	[tilespmem:s26+$0x17400] =	vst v19  }
0x632: {  	s8 =	sor.u32 $0xC50, s3;
	v5 =	vld.idx.msk [tilespmem:v61+s13+$0x0], $0xffff;
	[tilespmem:s19+$0x17400] =	vst v21  }
0x633: {  	s9 =	sor.u32 $0xC50, s4;
	[tilespmem:s8+$0x17400] =	vst v2;
	v4 =	vld.idx.msk [tilespmem:v23+s13+$0x0], $0xffff  }
0x634: {  	s7 =	sor.u32 $0xC50, s5;
	v38 =	vld.idx.msk [tilespmem:v60+s13+$0x0], $0xffff;
	[tilespmem:s9+$0x17400] =	vst v3  }
0x635: {  	v54 =	vld.idx.msk [tilespmem:v9+s13+$0x0], $0xffff;
	v35 =	vadd.s32 s23, v6;
	[tilespmem:s7+$0x17400] =	vst v0  }
0x636: {  	v55 =	vld [tilespmem:$0x1FFF0]  }
0x637: {  	s10 =	sor.u32 $0xC50, s2;
	v44 =	vld.idx.msk [tilespmem:v8+s13+$0x0], $0xffff  }
0x638: {  	v45 =	vld.idx.msk [tilespmem:v7+s13+$0x0], $0xffff;
	[tilespmem:s10+$0x17400] =	vst v4  }
0x639: {  	[tilespmem:s12+$0x17400] =	vst v5;
	v49 =	vld.idx.msk [tilespmem:v16+s13+$0x0], $0xffff  }
0x63a: {  	v1 =	vld.idx.msk [tilespmem:v35+s13+$0x0], $0xffff;
	[tilespmem:s15+$0x17400] =	vst v38  }
0x63b: {  	s15 =	sor.u32 $0xC60, s3;
	[tilespmem:s14+$0x17400] =	vst v54;
	v60 =	vld.idx.msk [tilespmem:v56+s13+$0x0], $0xffff;
	v42 =	vadd.s32 s23, v55  }
0x63c: {  	s16 =	sor.u32 $0xC60, s4;
	[tilespmem:s15+$0x17400] =	vst v44  }
0x63d: {  	s17 =	sor.u32 $0xC60, s2;
	[tilespmem:s16+$0x17400] =	vst v45;
	v3 =	vld.idx.msk [tilespmem:v13+s13+$0x0], $0xffff  }
0x63e: {  	s12 =	sor.u32 $0xC60, s5;
	v4 =	vld.idx.msk [tilespmem:v11+s13+$0x0], $0xffff;
	[tilespmem:s17+$0x17400] =	vst v49  }
0x63f: {  	[tilespmem:s12+$0x17400] =	vst v1;
	v61 =	vld.idx.msk [tilespmem:v29+s13+$0x0], $0xffff  }
0x640: {  	[tilespmem:s11+$0x17400] =	vst v60;
	v2 =	vld.idx.msk [tilespmem:v42+s13+$0x0], $0xffff  }
0x641: {  	s20 =	sor.u32 $0xC70, s3;
	s1 =	sld [smem:$0x7FA]  }
0x642: {  	s21 =	sor.u32 $0xC70, s4;
	s19 =	sld [smem:$0x7EB];
	[tilespmem:s20+$0x17400] =	vst v3  }
0x643: {  	s23 =	sor.u32 $0xC70, s2;
	[tilespmem:s21+$0x17400] =	vst v4  }
0x644: {  	s18 =	sor.u32 $0xC70, s5;
	[tilespmem:s23+$0x17400] =	vst v61  }
0x645: {  	[tilespmem:s18+$0x17400] =	vst v2  }
0x646: {  	s31 =	sld [smem:$0x7F8];
	_ =	sdelay $0x2  }
0x647: {  	s4 =	sadd.s32 $0x1, s31  }
0x648: {  	s1 =	sadd.s32 s19, s1;
	p0 =	sne.s32 s4, $0x19  }
.Ltmp6:
0x649: {  	s1 =	sadd.s32 $0x200, s1;
	(pc) =	sbr.rel @p0 .LBB2_2-.Ltmp6, $4  }
0x64a: {  	s25 =	rddreg [dreg:$0x2];
	s22 =	sshll.u32 s1, $0x2;
	s1 =	sand.u32 $0x3E00, s1  }
0x64b: {  	s28 =	simm.s32 $0x1000;
	s24 =	sand.u32 $0xFFF0000, s22;
	s1 =	sadd.s32 s25, s1  }
0x64c: {  	s29 =	simm.s32 $0x20000;
	s30 =	simm.s32 $0x17400;
	s26 =	sadd.s32 s24, s1  }
0x64d: {  	v45 =	vmov v48;
	v48 =	vmov v50;
	v29 =	vmov v6;
	[hbm4b:s26+s28] =	stream.strided.scatter [tilespmem:s30], [sflag:$0x5], $0x4000, s29, s28, $0x38;
	v13 =	vld [tilespmem:$0x1FF60]  }
0x64e: {  	s0 =	simm.s32 $0x4  }
0x64f: {  	_ =	swait.ge [sflag:s0], $0x4000  }
0x650: {  	[sflag:s0] =	ssyncset.done $0x0  }
0x651: {  	s1 =	simm.s32 $0x5;
	[sflag:s0] =	ssyncadd.s32 $0xFFFFC000  }
0x652: {  	_ =	swait.ge [sflag:s1], $0x4000  }
0x653: {  	s2 =	sld [smem:$0x7F9]  }
0x654: {  	s31 =	sld [smem:$0x7FD];
	_ =	sdelay $0x1  }
0x655: {  	s2 =	sadd.s32 $0x1, s2  }
0x656: {  	p0 =	sne.s32 s2, s31  }
.Ltmp7:
0x657: {  	_ = 	snop;
	(pc) =	sbr.rel @p0 .LBB2_1-.Ltmp7, $3  }
0x658: {  	_ =	sdelay $0x1  }
0x659: {  	[sflag:s1] =	ssyncset.done $0x0  }
0x65a: {  	[sflag:s1] =	ssyncadd.s32 $0xFFFFC000  }
0x65b: {  	_ =	sfence.sel $0x180000  }
0x65c: {  	[bflag:$0x0] =	sbarrier.arrive $0xFFFF  }
0x65d: {  	_ =	strace $0x90000047  }
0x65e: {  	s0 =	stileid.u32;
	[bflag:$0x2] =	sbarrier.arrive $0xFFFF  }
0x65f: {  	p0 =	sne.s32 s0, $0x0;
	s0 =	rddreg [dreg:$0x3]  }
0x660: {  	s0 =	sadd.s32 @!p0 $0x100000, s0  }
0x661: {  	[sflag:s0] =	ssyncadd.tile.s32 @!p0 $0x1;
	_ =	shalt  }
.Lfunc_end2:
_tile_overlayer_lowered:
.L_overlay_start_2:
0x662: {  	(tag) =	ssettag $0x2  }
0x663: {  	s0 =	rddreg [dreg:$0x0];
	s2 =	stileid.u32  }
0x664: {  	s1 =	rddreg [dreg:$0x1];
	p0 =	sne.s32 s2, $0x0  }
0x665: {  	s3 =	rddreg [dreg:$0x2];
	[bflag:$0x3] =	sbarrier.arrive $0xFFFF;
	s2 =	simm.s32 @!p0 $0x1C06  }
0x666: {  	[timem:s3], [sflag:s2] =	dma.local @!p0 [hbm:s0], s1  }
0x667: {  	s0 =	simm.s32 @!p0 $0x6  }
0x668: {  	_ =	swait.ge @!p0 [sflag:s0], s1  }
0x669: {  	s1 =	ssub.s32 @!p0 $0x0, s1;
	[sflag:s0] =	ssyncset.done @!p0 $0x0  }
0x66a: {  	[sflag:s0] =	ssyncadd.s32 @!p0 s1  }
0x66b: {  	[bflag:$0x3] =	sbarrier.arrive $0xFFFF  }
0x66c: {  	_ =	shalt  }

</sc_bundles>
